<compile_context>
chip_gen: v7x
topology: tpu7x:2x2x1
jax: 0.10.2.dev20260603
libtpu: 0.0.44.dev20260713+nightly
codegen_flags: <defaults>
</compile_context>

<pallas_src>
import functools

import jax
import jax.numpy as jnp
from jax import lax
from jax.experimental import pallas as pl
from jax.experimental.pallas import tpu as pltpu
from jax.experimental.pallas import tpu_sc as plsc

_N = 10000
_NP = 10240
_E = 320000
_B = 16
_EB = 125
_ROWS = _E // _EB
_NPT = _NP // 16


def _make_sc_agg(width, table_rows, chunk, src_off, dst_off, gather=True,
                 two_tables=False):
    mesh = plsc.VectorSubcoreMesh(core_axis_name="c", subcore_axis_name="s")

    ib = min(chunk, 40)
    assert chunk % ib == 0 and ib % 8 == 0 and ib % 2 == 0

    @functools.partial(
        pl.kernel,
        out_type=jax.ShapeDtypeStruct((2 * _NP, width), jnp.float32),
        mesh=mesh,
        scratch_types=[
            pltpu.VMEM((ib, _EB), jnp.int32),
            pltpu.VMEM((ib, _EB), jnp.int32),
            pltpu.VMEM((_EB, width), jnp.float32),
            pltpu.VMEM((_EB, width), jnp.float32),
            pltpu.VMEM_SHARED((_NP, width), jnp.float32),
            pltpu.SemaphoreType.DMA,
            pltpu.SemaphoreType.DMA,
            pltpu.SemaphoreType.DMA,
            pltpu.SemaphoreType.DMA,
        ],
    )
    def agg(src_hbm, dst_hbm, table_hbm, table1_hbm, zeros_hbm, out_hbm,
            srcv, dstv, rowv0, rowv1, shared, sem0, sem1, ssem0, ssem1):
        c = lax.axis_index("c")
        s = lax.axis_index("s")
        nsl = pl.ds(s * _NPT, _NPT)
        pltpu.sync_copy(zeros_hbm.at[nsl], shared.at[nsl])
        if not gather:
            ones_v = jnp.full((16,), 1.0, jnp.float32)

            def fill(i, carry):
                rowv0[i // 8, pl.ds((i % 8) * 16, 16)] = ones_v
                return carry

            lax.fori_loop(0, _EB * width // 16, fill, 0)
        plsc.subcore_barrier()

        def issue_s(j, buf, sem):
            pltpu.async_copy(buf, shared.at[dstv.at[j]], sem, add=True)

        def wait_s(buf, sem):
            pltpu.make_async_copy(buf, shared.at[dstv.at[0]], sem).wait()

        if not gather:
            def body(jj, carry):
                for k in range(8):
                    issue_s(jj * 8 + k, rowv0, ssem0)
                for k in range(8):
                    wait_s(rowv0, ssem0)
                return carry

            for seg in range(chunk // ib):
                pltpu.sync_copy(dst_hbm.at[pl.ds(dst_off(c, s) + seg * ib, ib)],
                                dstv)
                lax.fori_loop(0, ib // 8, body, 0)
        else:
            def run_ring(tab):
                def issue_g(j, buf, sem):
                    pltpu.async_copy(tab.at[srcv.at[j]], buf, sem)

                def wait_g(j, buf, sem):
                    pltpu.make_async_copy(tab.at[srcv.at[j]], buf, sem).wait()

                def pair(jj, carry):
                    j = 2 * jj
                    issue_g(j + 1, rowv1, sem1)
                    wait_g(j, rowv0, sem0)
                    pltpu.sync_copy(rowv0, shared.at[dstv.at[j]], add=True)

                    @pl.when(jj + 1 < ib // 2)
                    def _():
                        issue_g(j + 2, rowv0, sem0)

                    wait_g(j + 1, rowv1, sem1)
                    pltpu.sync_copy(rowv1, shared.at[dstv.at[j + 1]], add=True)
                    return carry

                for seg in range(chunk // ib):
                    pltpu.sync_copy(
                        src_hbm.at[pl.ds(src_off(c, s) + seg * ib, ib)], srcv)
                    pltpu.sync_copy(
                        dst_hbm.at[pl.ds(dst_off(c, s) + seg * ib, ib)], dstv)
                    issue_g(0, rowv0, sem0)
                    lax.fori_loop(0, ib // 2, pair, 0)

            if two_tables:
                @pl.when(c == 0)
                def _():
                    run_ring(table_hbm)

                @pl.when(c == 1)
                def _():
                    run_ring(table1_hbm)
            else:
                run_ring(table_hbm)
        plsc.subcore_barrier()
        pltpu.sync_copy(shared.at[nsl], out_hbm.at[pl.ds(c * _NP + s * _NPT, _NPT)])

    return agg


_sc_deg = _make_sc_agg(
    128, _NP, _ROWS // 32,
    lambda c, s: (c * 16 + s) * (_ROWS // 32),
    lambda c, s: (c * 16 + s) * (_ROWS // 32), gather=False)
_sc_pass1 = _make_sc_agg(
    128, _NP, _ROWS // 32,
    lambda c, s: (c * 16 + s) * (_ROWS // 32),
    lambda c, s: (c * 16 + s) * (_ROWS // 32))
_sc_pass2 = _make_sc_agg(
    128, _NP, _ROWS // 16,
    lambda c, s: s * (_ROWS // 16),
    lambda c, s: s * (_ROWS // 16), two_tables=True)


_RB = 400


def _prep_body(d0, d1, x, dinv_o, y0_o):
    deg = d0[:, 0:1] + d1[:, 0:1] + 1.0
    dv = jnp.broadcast_to(lax.rsqrt(deg), (_RB, 128))
    dinv_o[...] = dv
    y0_o[...] = dv * x[...]


def _tc_prep(d0, d1, x):
    return pl.pallas_call(
        _prep_body,
        grid=(_N // _RB,),
        in_specs=[
            pl.BlockSpec((_RB, 128), lambda i: (i, 0)),
            pl.BlockSpec((_RB, 128), lambda i: (i, 0)),
            pl.BlockSpec((_RB, 128), lambda i: (i, 0)),
        ],
        out_specs=[
            pl.BlockSpec((_RB, 128), lambda i: (i, 0)),
            pl.BlockSpec((_RB, 128), lambda i: (i, 0)),
        ],
        out_shape=[
            jax.ShapeDtypeStruct((_NP, 128), jnp.float32),
            jax.ShapeDtypeStruct((_NP, 128), jnp.float32),
        ],
    )(d0, d1, x)


def _mid_body(sa, sb, y0, dinv, gw1, gb1, tw1, tb1, gw2, tw2, o0, o1):
    dv = dinv[...]
    aggx = dv * (sa[...] + sb[...] + y0[...])
    hg = jnp.maximum(jnp.dot(aggx, gw1[...], preferred_element_type=jnp.float32)
                     + gb1[...], 0.0)
    ht = jnp.maximum(jnp.dot(aggx, tw1[...], preferred_element_type=jnp.float32)
                     + tb1[...], 0.0)
    o0[...] = dv * jnp.dot(hg, gw2[...], preferred_element_type=jnp.float32)
    o1[...] = dv * jnp.dot(ht, tw2[...], preferred_element_type=jnp.float32)


def _tc_mid(sa, sb, y0, dinv, gw1, gb1, tw1, tb1, gw2, tw2):
    blk = lambda r, k: pl.BlockSpec((r, k), lambda i: (i, 0))
    full = lambda a, b: pl.BlockSpec((a, b), lambda i: (0, 0))
    return pl.pallas_call(
        _mid_body,
        grid=(_N // _RB,),
        in_specs=[
            blk(_RB, 128), blk(_RB, 128), blk(_RB, 128), blk(_RB, 128),
            full(128, 256), full(1, 256), full(128, 256), full(1, 256),
            full(256, 128), full(256, 128),
        ],
        out_specs=[blk(_RB, 128), blk(_RB, 128)],
        out_shape=[
            jax.ShapeDtypeStruct((_NP, 128), jnp.float32),
            jax.ShapeDtypeStruct((_NP, 128), jnp.float32),
        ],
    )(sa, sb, y0, dinv, gw1, gb1, tw1, tb1, gw2, tw2)


def _segmax_update(acc, vals, b):
    rows = []
    for g in range(_B):
        m = b == g
        rows.append(jnp.maximum(
            acc[g], jnp.max(jnp.where(m, vals, -jnp.inf), axis=0)))
    return jnp.stack(rows)


def _dompool_body(s0, s1, y10, y11, dinv, gb2, tb2, bt, lp, o, od):
    @pl.when(pl.program_id(0) == 0)
    def _():
        o[...] = jnp.full((2, _B, 128), -jnp.inf, jnp.float32)

    dv = dinv[...]
    og = dv * (s0[...] + y10[...]) + gb2[...]
    ot = dv * (s1[...] + y11[...]) + tb2[...]
    b = bt[...]
    o[0] = _segmax_update(o[0], og, b)
    o[1] = _segmax_update(o[1], ot, b)

    @pl.when(pl.program_id(0) == _N // _RB - 1)
    def _():
        dd = o[1] - o[0] + 1e-6
        ld = lp[1] - lp[0] + 1e-6
        od[...] = (jnp.sqrt(jnp.sum(dd * dd, axis=1))
                   + jnp.sqrt(jnp.sum(ld * ld, axis=1)))[None, :]


def _tc_dompool(s0, s1, y10, y11, dinv, gb2, tb2, bt, lp):
    blk = lambda r, k: pl.BlockSpec((r, k), lambda i: (i, 0))
    return pl.pallas_call(
        _dompool_body,
        grid=(_N // _RB,),
        in_specs=[
            blk(_RB, 128), blk(_RB, 128), blk(_RB, 128), blk(_RB, 128),
            blk(_RB, 128),
            pl.BlockSpec((1, 128), lambda i: (0, 0)),
            pl.BlockSpec((1, 128), lambda i: (0, 0)),
            pl.BlockSpec((_RB, 1), lambda i: (i, 0)),
            pl.BlockSpec((2, _B, 128), lambda i: (0, 0, 0)),
        ],
        out_specs=[
            pl.BlockSpec((2, _B, 128), lambda i: (0, 0, 0)),
            pl.BlockSpec((1, _B), lambda i: (0, 0)),
        ],
        out_shape=[
            jax.ShapeDtypeStruct((2, _B, 128), jnp.float32),
            jax.ShapeDtypeStruct((1, _B), jnp.float32),
        ],
    )(s0, s1, y10, y11, dinv, gb2, tb2, bt, lp)


_MB = 512


def _logs_body(x, w1, b1, w2, b2, bt, o):
    @pl.when(pl.program_id(1) == 0)
    def _():
        o[...] = jnp.full((1, _B, 128), -jnp.inf, jnp.float32)

    h = jnp.maximum(
        jnp.dot(x[...], w1[0], preferred_element_type=jnp.float32) + b1[0, 0:1, :],
        0.0)
    h2 = jnp.dot(h, w2[0], preferred_element_type=jnp.float32) + b2[0, 0:1, :]
    o[0] = _segmax_update(o[0], h2, bt[...])


def _tc_logs(x, w1s, b1s, w2s, b2s, bt):
    return pl.pallas_call(
        _logs_body,
        grid=(2, 8192 // _MB),
        in_specs=[
            pl.BlockSpec((_MB, 1536), lambda s, i: (i, 0)),
            pl.BlockSpec((1, 1536, 768), lambda s, i: (s, 0, 0)),
            pl.BlockSpec((1, 8, 768), lambda s, i: (s, 0, 0)),
            pl.BlockSpec((1, 768, 128), lambda s, i: (s, 0, 0)),
            pl.BlockSpec((1, 8, 128), lambda s, i: (s, 0, 0)),
            pl.BlockSpec((_MB, 1), lambda s, i: (i, 0)),
        ],
        out_specs=pl.BlockSpec((1, _B, 128), lambda s, i: (s, 0, 0)),
        out_shape=jax.ShapeDtypeStruct((2, _B, 128), jnp.float32),
    )(x, w1s, b1s, w2s, b2s, bt)


def kernel(dom_x, dom_edge_index, dom_batch, logs_x, logs_batch,
           g_W1, g_b1, g_W2, g_b2, t_W1, t_b1, t_W2, t_b2,
           lg_W1, lg_b1, lg_W2, lg_b2, lt_W1, lt_b1, lt_W2, lt_b2):
    src = dom_edge_index[0].reshape(_ROWS, _EB)
    dst = dom_edge_index[1].reshape(_ROWS, _EB)

    zeros128 = jnp.zeros((_NP, 128), jnp.float32)

    w1s = jnp.stack([lg_W1, lt_W1])
    b1s = jnp.broadcast_to(jnp.stack([lg_b1, lt_b1])[:, None, :], (2, 8, 768))
    w2s = jnp.stack([lg_W2, lt_W2])
    b2s = jnp.broadcast_to(jnp.stack([lg_b2, lt_b2])[:, None, :], (2, 8, 128))
    logsp = _tc_logs(logs_x, w1s, b1s, w2s, b2s,
                     logs_batch.reshape(-1, 1))

    degp = _sc_deg(dst, dst, zeros128, zeros128, zeros128)
    dinv, y0 = _tc_prep(degp[:_N], degp[_NP:_NP + _N], dom_x)
    s1 = _sc_pass1(src, dst, y0, y0, zeros128)
    y1_0, y1_1 = _tc_mid(
        s1[:_N], s1[_NP:_NP + _N], y0, dinv,
        g_W1, g_b1.reshape(1, -1), t_W1, t_b1.reshape(1, -1), g_W2, t_W2)
    s2 = _sc_pass2(src, dst, y1_0, y1_1, zeros128)
    _, out = _tc_dompool(s2[:_N], s2[_NP:_NP + _N], y1_0, y1_1, dinv,
                         g_b2.reshape(1, -1), t_b2.reshape(1, -1),
                         dom_batch.reshape(-1, 1), logsp)

    return out.reshape(_B)

# --- scband reference (transcript-rebuilt; emitter-appended) ---
"""Pipeline reference for scband-rdnscorer-74835510165819 (READ-ONLY COPY).

The authoritative reference and input builder live on the scoring server;
editing this copy changes nothing except your own understanding.
"""

import jax, jax.numpy as jnp
import numpy as np

N = 10000
E = 320000
IN = 128
OUT = 128
HID = 2 * OUT
TE = 768
B = 16
M = 8192


def _glorot(key, shape):
    fan_in, fan_out = shape[0], shape[1]
    limit = (6.0 / (fan_in + fan_out)) ** 0.5
    return jax.random.uniform(key, shape, dtype=jnp.float32, minval=-limit, maxval=limit)


def setup_inputs(seed: int = 0):
    key = jax.random.key(seed)
    ks = jax.random.split(key, 24)
    inp = {}
    inp['dom_x'] = jax.random.normal(ks[0], (N, IN), dtype=jnp.float32)
    inp['dom_edge_index'] = jax.random.randint(ks[1], (2, E), 0, N, dtype=jnp.int32)
    inp['dom_batch'] = jnp.sort(jax.random.randint(ks[2], (N,), 0, B, dtype=jnp.int32))
    inp['logs_x'] = jax.random.normal(ks[3], (M, 2 * TE), dtype=jnp.float32)
    inp['logs_batch'] = jnp.sort(jax.random.randint(ks[4], (M,), 0, B, dtype=jnp.int32))
    inp['g_W1'] = _glorot(ks[5], (IN, HID))
    inp['g_b1'] = jnp.zeros((HID,), jnp.float32)
    inp['g_W2'] = _glorot(ks[6], (HID, OUT))
    inp['g_b2'] = jnp.zeros((OUT,), jnp.float32)
    inp['t_W1'] = _glorot(ks[7], (IN, HID))
    inp['t_b1'] = jnp.zeros((HID,), jnp.float32)
    inp['t_W2'] = _glorot(ks[8], (HID, OUT))
    inp['t_b2'] = jnp.zeros((OUT,), jnp.float32)
    inp['lg_W1'] = _glorot(ks[9], (2 * TE, TE))
    inp['lg_b1'] = jnp.zeros((TE,), jnp.float32)
    inp['lg_W2'] = _glorot(ks[10], (TE, OUT))
    inp['lg_b2'] = jnp.zeros((OUT,), jnp.float32)
    inp['lt_W1'] = _glorot(ks[11], (2 * TE, TE))
    inp['lt_b1'] = jnp.zeros((TE,), jnp.float32)
    inp['lt_W2'] = _glorot(ks[12], (TE, OUT))
    inp['lt_b2'] = jnp.zeros((OUT,), jnp.float32)
    return inp


def _gcn_conv(x, src, dst, W, b, num_nodes):
    loop = jnp.arange(num_nodes, dtype=src.dtype)
    s = jnp.concatenate([src, loop])
    d = jnp.concatenate([dst, loop])
    deg = jax.ops.segment_sum(jnp.ones(s.shape[0], dtype=x.dtype), d, num_segments=num_nodes)
    dinv = jnp.where(deg > 0, deg ** -0.5, 0.0)
    xw = x @ W
    coef = (dinv[s] * dinv[d])[:, None]
    out = jax.ops.segment_sum(xw[s] * coef, d, num_segments=num_nodes)
    return out + b


def _encoder(x, src, dst, W1, b1, W2, b2, num_nodes):
    h = jax.nn.relu(_gcn_conv(x, src, dst, W1, b1, num_nodes))
    return _gcn_conv(h, src, dst, W2, b2, num_nodes)


def _mlp(x, W1, b1, W2, b2):
    return jax.nn.relu(x @ W1 + b1) @ W2 + b2


def _global_max_pool(x, batch, num_graphs):
    return jax.ops.segment_max(x, batch, num_segments=num_graphs)


def _pairwise_distance(a, b, eps=1e-6):
    return jnp.sqrt(jnp.sum((a - b + eps) ** 2, axis=-1))


def reference(dom_x, dom_edge_index, dom_batch, logs_x, logs_batch, g_W1, g_b1, g_W2, g_b2, t_W1, t_b1, t_W2, t_b2, lg_W1, lg_b1, lg_W2, lg_b2, lt_W1, lt_b1, lt_W2, lt_b2):
    num_nodes = dom_x.shape[0]
    src, dst = dom_edge_index[0], dom_edge_index[1]
    guess_dom = _global_max_pool(_encoder(dom_x, src, dst, g_W1, g_b1, g_W2, g_b2, num_nodes), dom_batch, B)
    actual_dom = jax.lax.stop_gradient(_global_max_pool(_encoder(dom_x, src, dst, t_W1, t_b1, t_W2, t_b2, num_nodes), dom_batch, B))
    guess_logs = _global_max_pool(_mlp(logs_x, lg_W1, lg_b1, lg_W2, lg_b2), logs_batch, B)
    actual_logs = jax.lax.stop_gradient(_global_max_pool(_mlp(logs_x, lt_W1, lt_b1, lt_W2, lt_b2), logs_batch, B))
    return _pairwise_distance(actual_dom, guess_dom) + _pairwise_distance(actual_logs, guess_logs)

if __name__ == "__main__":
    import jax
    _d = setup_inputs()
    print(jax.jit(kernel)(*tuple(_d.values())))

</pallas_src>

<mosaic_0001>
#map = affine_map<(d0, d1) -> (0, 0)>
module attributes {stable_mosaic.version = 14 : i64} {
  func.func @agg(%arg0: i32, %arg1: i32, %arg2: memref<2560x125xi32, #tpu.memory_space<hbm>>, %arg3: memref<2560x125xi32, #tpu.memory_space<hbm>>, %arg4: memref<10240x128xf32, #tpu.memory_space<hbm>>, %arg5: memref<10240x128xf32, #tpu.memory_space<hbm>>, %arg6: memref<10240x128xf32, #tpu.memory_space<hbm>>, %arg7: memref<20480x128xf32, #tpu.memory_space<hbm>>, %arg8: memref<40x125xi32, #tpu.memory_space<vmem>>, %arg9: memref<40x125xi32, #tpu.memory_space<vmem>>, %arg10: memref<125x128xf32, #tpu.memory_space<vmem>>, %arg11: memref<125x128xf32, #tpu.memory_space<vmem>>, %arg12: memref<10240x128xf32, #tpu.memory_space<vmem_shared>>, %arg13: memref<!tpu.dma_semaphore, #tpu.memory_space<semaphore_mem>>, %arg14: memref<!tpu.dma_semaphore, #tpu.memory_space<semaphore_mem>>, %arg15: memref<!tpu.dma_semaphore, #tpu.memory_space<semaphore_mem>>, %arg16: memref<!tpu.dma_semaphore, #tpu.memory_space<semaphore_mem>>) attributes {dimension_semantics = [#tpu.dimension_semantics<core_parallel>, #tpu.dimension_semantics<subcore_parallel>], iteration_bounds = array<i64: 2, 16>, scalar_prefetch = 0 : i64, scratch_operands = 9 : i64, tpu.core_type = #tpu.core_type<sc_vector_subcore>, window_params = [{transform_indices = #map}, {transform_indices = #map}, {transform_indices = #map}, {transform_indices = #map}, {transform_indices = #map}, {transform_indices = #map}]} {
    %mul3A = arith.constant 640 : i32
    %mul3A_0 = arith.muli %arg1, %mul3A : i32
    "tpu.region"() ({
      %run_scoped3A = tpu.sem_alloc : memref<!tpu.dma_semaphore, #tpu.memory_space<semaphore_mem>>
      %dma_start3A_58 = arith.constant 0 : i32
      %dma_start3A_59 = tpu.memref_slice %arg12[%mul3A_0, %dma_start3A_58] : memref<10240x128xf32, #tpu.memory_space<vmem_shared>> -> memref<640x128xf32, #tpu.memory_space<vmem_shared>>
      %dma_start3A_60 = arith.constant 0 : i32
      %dma_start3A_61 = tpu.memref_slice %arg6[%mul3A_0, %dma_start3A_60] : memref<10240x128xf32, #tpu.memory_space<hbm>> -> memref<640x128xf32, #tpu.memory_space<hbm>>
      tpu.enqueue_dma source(%dma_start3A_61 : memref<640x128xf32, #tpu.memory_space<hbm>>) target(%dma_start3A_59 : memref<640x128xf32, #tpu.memory_space<vmem_shared>>) target_semaphore(%run_scoped3A : memref<!tpu.dma_semaphore, #tpu.memory_space<semaphore_mem>>)
      %dma_wait3A = arith.constant 0 : i32
      %dma_wait3A_62 = tpu.memref_slice %arg12[%mul3A_0, %dma_wait3A] : memref<10240x128xf32, #tpu.memory_space<vmem_shared>> -> memref<640x128xf32, #tpu.memory_space<vmem_shared>>
      %dma_wait3A_63 = arith.constant 0 : i32
      %dma_wait3A_64 = tpu.memref_slice %arg6[%mul3A_0, %dma_wait3A_63] : memref<10240x128xf32, #tpu.memory_space<hbm>> -> memref<640x128xf32, #tpu.memory_space<hbm>>
      tpu.wait_dma2 semaphore(%run_scoped3A : memref<!tpu.dma_semaphore, #tpu.memory_space<semaphore_mem>>) src(%dma_wait3A_64 : memref<640x128xf32, #tpu.memory_space<hbm>>) dst(%dma_wait3A_62 : memref<640x128xf32, #tpu.memory_space<vmem_shared>>)
      tpu.yield
    }) : () -> ()
    %barrier3A = arith.constant 0 : index
    tpu.barrier barrier_id(%barrier3A)
    %mul3A_1 = arith.constant 16 : i32
    %mul3A_2 = arith.muli %arg0, %mul3A_1 : i32
    %add3A = arith.addi %mul3A_2, %arg1 : i32
    %mul3A_3 = arith.constant 80 : i32
    %mul3A_4 = arith.muli %add3A, %mul3A_3 : i32
    %add3A_5 = arith.constant 0 : i32
    %add3A_6 = arith.addi %mul3A_4, %add3A_5 : i32
    "tpu.region"() ({
      %run_scoped3A = tpu.sem_alloc : memref<!tpu.dma_semaphore, #tpu.memory_space<semaphore_mem>>
      %dma_start3A_58 = arith.constant 0 : i32
      %dma_start3A_59 = tpu.memref_slice %arg2[%add3A_6, %dma_start3A_58] : memref<2560x125xi32, #tpu.memory_space<hbm>> -> memref<40x125xi32, #tpu.memory_space<hbm>>
      %dma_start3A_60 = arith.constant 0 : i32
      %dma_start3A_61 = tpu.memref_slice %arg2[%add3A_6, %dma_start3A_60] : memref<2560x125xi32, #tpu.memory_space<hbm>> -> memref<40x125xi32, #tpu.memory_space<hbm>>
      tpu.enqueue_dma source(%dma_start3A_61 : memref<40x125xi32, #tpu.memory_space<hbm>>) target(%arg8 : memref<40x125xi32, #tpu.memory_space<vmem>>) target_semaphore(%run_scoped3A : memref<!tpu.dma_semaphore, #tpu.memory_space<semaphore_mem>>)
      %dma_wait3A = arith.constant 0 : i32
      %dma_wait3A_62 = tpu.memref_slice %arg2[%add3A_6, %dma_wait3A] : memref<2560x125xi32, #tpu.memory_space<hbm>> -> memref<40x125xi32, #tpu.memory_space<hbm>>
      %dma_wait3A_63 = arith.constant 0 : i32
      %dma_wait3A_64 = tpu.memref_slice %arg2[%add3A_6, %dma_wait3A_63] : memref<2560x125xi32, #tpu.memory_space<hbm>> -> memref<40x125xi32, #tpu.memory_space<hbm>>
      tpu.wait_dma2 semaphore(%run_scoped3A : memref<!tpu.dma_semaphore, #tpu.memory_space<semaphore_mem>>) src(%dma_wait3A_64 : memref<40x125xi32, #tpu.memory_space<hbm>>) dst(%arg8 : memref<40x125xi32, #tpu.memory_space<vmem>>)
      tpu.yield
    }) : () -> ()
    %mul3A_7 = arith.constant 16 : i32
    %mul3A_8 = arith.muli %arg0, %mul3A_7 : i32
    %add3A_9 = arith.addi %mul3A_8, %arg1 : i32
    %mul3A_10 = arith.constant 80 : i32
    %mul3A_11 = arith.muli %add3A_9, %mul3A_10 : i32
    %add3A_12 = arith.constant 0 : i32
    %add3A_13 = arith.addi %mul3A_11, %add3A_12 : i32
    "tpu.region"() ({
      %run_scoped3A = tpu.sem_alloc : memref<!tpu.dma_semaphore, #tpu.memory_space<semaphore_mem>>
      %dma_start3A_58 = arith.constant 0 : i32
      %dma_start3A_59 = tpu.memref_slice %arg3[%add3A_13, %dma_start3A_58] : memref<2560x125xi32, #tpu.memory_space<hbm>> -> memref<40x125xi32, #tpu.memory_space<hbm>>
      %dma_start3A_60 = arith.constant 0 : i32
      %dma_start3A_61 = tpu.memref_slice %arg3[%add3A_13, %dma_start3A_60] : memref<2560x125xi32, #tpu.memory_space<hbm>> -> memref<40x125xi32, #tpu.memory_space<hbm>>
      tpu.enqueue_dma source(%dma_start3A_61 : memref<40x125xi32, #tpu.memory_space<hbm>>) target(%arg9 : memref<40x125xi32, #tpu.memory_space<vmem>>) target_semaphore(%run_scoped3A : memref<!tpu.dma_semaphore, #tpu.memory_space<semaphore_mem>>)
      %dma_wait3A = arith.constant 0 : i32
      %dma_wait3A_62 = tpu.memref_slice %arg3[%add3A_13, %dma_wait3A] : memref<2560x125xi32, #tpu.memory_space<hbm>> -> memref<40x125xi32, #tpu.memory_space<hbm>>
      %dma_wait3A_63 = arith.constant 0 : i32
      %dma_wait3A_64 = tpu.memref_slice %arg3[%add3A_13, %dma_wait3A_63] : memref<2560x125xi32, #tpu.memory_space<hbm>> -> memref<40x125xi32, #tpu.memory_space<hbm>>
      tpu.wait_dma2 semaphore(%run_scoped3A : memref<!tpu.dma_semaphore, #tpu.memory_space<semaphore_mem>>) src(%dma_wait3A_64 : memref<40x125xi32, #tpu.memory_space<hbm>>) dst(%arg9 : memref<40x125xi32, #tpu.memory_space<vmem>>)
      tpu.yield
    }) : () -> ()
    %dma_start3A = arith.constant 0 : i32
    %dma_start3A_14 = arith.constant 0 : i32
    %dma_start3A_15 = tpu.memref_slice %arg8[%dma_start3A, %dma_start3A_14] : memref<40x125xi32, #tpu.memory_space<vmem>> -> memref<1x125xi32, #tpu.memory_space<vmem>>
    %dma_start3A_16 = tpu.memref_squeeze %dma_start3A_15 : memref<1x125xi32, #tpu.memory_space<vmem>> -> memref<125xi32, #tpu.memory_space<vmem>>
    %dma_start3A_17 = arith.constant 0 : i32
    %dma_start3A_18 = arith.constant 0 : i32
    %dma_start3A_19 = tpu.memref_slice %arg4[%dma_start3A_17, %dma_start3A_18] : memref<10240x128xf32, #tpu.memory_space<hbm>> -> memref<10240x128xf32, #tpu.memory_space<hbm>>
    tpu.enqueue_indirect_dma source(%dma_start3A_19 : memref<10240x128xf32, #tpu.memory_space<hbm>>) target(%arg10 : memref<125x128xf32, #tpu.memory_space<vmem>>) offsets(%dma_start3A_16 : memref<125xi32, #tpu.memory_space<vmem>>) semaphore(%arg13 : memref<!tpu.dma_semaphore, #tpu.memory_space<semaphore_mem>>)
    %scan3A = arith.constant 0 : i32
    %scan3A_20 = arith.constant 0 : i32
    %scan3A_21 = arith.constant 20 : i32
    %scan3A_22 = arith.addi %scan3A_20, %scan3A_21 : i32
    %scan3A_23 = arith.constant 1 : i32
    scf.for %scan3A_58 = %scan3A_20 to %scan3A_22 step %scan3A_23  : i32 {
      %mul3A_59 = arith.constant 2 : i32
      %mul3A_60 = arith.muli %mul3A_59, %scan3A_58 : i32
      %add3A_61 = arith.constant 1 : i32
      %add3A_62 = arith.addi %mul3A_60, %add3A_61 : i32
      %dma_start3A_63 = arith.constant 0 : i32
      %dma_start3A_64 = tpu.memref_slice %arg8[%add3A_62, %dma_start3A_63] : memref<40x125xi32, #tpu.memory_space<vmem>> -> memref<1x125xi32, #tpu.memory_space<vmem>>
      %dma_start3A_65 = tpu.memref_squeeze %dma_start3A_64 : memref<1x125xi32, #tpu.memory_space<vmem>> -> memref<125xi32, #tpu.memory_space<vmem>>
      %dma_start3A_66 = arith.constant 0 : i32
      %dma_start3A_67 = arith.constant 0 : i32
      %dma_start3A_68 = tpu.memref_slice %arg4[%dma_start3A_66, %dma_start3A_67] : memref<10240x128xf32, #tpu.memory_space<hbm>> -> memref<10240x128xf32, #tpu.memory_space<hbm>>
      tpu.enqueue_indirect_dma source(%dma_start3A_68 : memref<10240x128xf32, #tpu.memory_space<hbm>>) target(%arg11 : memref<125x128xf32, #tpu.memory_space<vmem>>) offsets(%dma_start3A_65 : memref<125xi32, #tpu.memory_space<vmem>>) semaphore(%arg14 : memref<!tpu.dma_semaphore, #tpu.memory_space<semaphore_mem>>)
      %dma_wait3A = arith.constant 0 : i32
      %dma_wait3A_69 = tpu.memref_slice %arg8[%mul3A_60, %dma_wait3A] : memref<40x125xi32, #tpu.memory_space<vmem>> -> memref<1x125xi32, #tpu.memory_space<vmem>>
      %dma_wait3A_70 = tpu.memref_squeeze %dma_wait3A_69 : memref<1x125xi32, #tpu.memory_space<vmem>> -> memref<125xi32, #tpu.memory_space<vmem>>
      %dma_wait3A_71 = arith.constant 0 : i32
      %dma_wait3A_72 = arith.constant 0 : i32
      %dma_wait3A_73 = tpu.memref_slice %arg4[%dma_wait3A_71, %dma_wait3A_72] : memref<10240x128xf32, #tpu.memory_space<hbm>> -> memref<10240x128xf32, #tpu.memory_space<hbm>>
      tpu.wait_indirect_dma semaphore(%arg13 : memref<!tpu.dma_semaphore, #tpu.memory_space<semaphore_mem>>) src(%dma_wait3A_73 : memref<10240x128xf32, #tpu.memory_space<hbm>>) dst(%arg10 : memref<125x128xf32, #tpu.memory_space<vmem>>)
      "tpu.region"() ({
        %run_scoped3A = tpu.sem_alloc : memref<!tpu.dma_semaphore, #tpu.memory_space<semaphore_mem>>
        %dma_start3A_88 = arith.constant 0 : i32
        %dma_start3A_89 = tpu.memref_slice %arg9[%mul3A_60, %dma_start3A_88] : memref<40x125xi32, #tpu.memory_space<vmem>> -> memref<1x125xi32, #tpu.memory_space<vmem>>
        %dma_start3A_90 = tpu.memref_squeeze %dma_start3A_89 : memref<1x125xi32, #tpu.memory_space<vmem>> -> memref<125xi32, #tpu.memory_space<vmem>>
        %dma_start3A_91 = arith.constant 0 : i32
        %dma_start3A_92 = arith.constant 0 : i32
        %dma_start3A_93 = tpu.memref_slice %arg12[%dma_start3A_91, %dma_start3A_92] : memref<10240x128xf32, #tpu.memory_space<vmem_shared>> -> memref<10240x128xf32, #tpu.memory_space<vmem_shared>>
        tpu.enqueue_indirect_dma source(%arg10 : memref<125x128xf32, #tpu.memory_space<vmem>>) target(%dma_start3A_93 : memref<10240x128xf32, #tpu.memory_space<vmem_shared>>) offsets(%dma_start3A_90 : memref<125xi32, #tpu.memory_space<vmem>>) semaphore(%run_scoped3A : memref<!tpu.dma_semaphore, #tpu.memory_space<semaphore_mem>>) {add = true}
        %dma_wait3A_94 = arith.constant 0 : i32
        %dma_wait3A_95 = tpu.memref_slice %arg9[%mul3A_60, %dma_wait3A_94] : memref<40x125xi32, #tpu.memory_space<vmem>> -> memref<1x125xi32, #tpu.memory_space<vmem>>
        %dma_wait3A_96 = tpu.memref_squeeze %dma_wait3A_95 : memref<1x125xi32, #tpu.memory_space<vmem>> -> memref<125xi32, #tpu.memory_space<vmem>>
        %dma_wait3A_97 = arith.constant 0 : i32
        %dma_wait3A_98 = arith.constant 0 : i32
        %dma_wait3A_99 = tpu.memref_slice %arg12[%dma_wait3A_97, %dma_wait3A_98] : memref<10240x128xf32, #tpu.memory_space<vmem_shared>> -> memref<10240x128xf32, #tpu.memory_space<vmem_shared>>
        tpu.wait_indirect_dma semaphore(%run_scoped3A : memref<!tpu.dma_semaphore, #tpu.memory_space<semaphore_mem>>) src(%arg10 : memref<125x128xf32, #tpu.memory_space<vmem>>) dst(%dma_wait3A_99 : memref<10240x128xf32, #tpu.memory_space<vmem_shared>>)
        tpu.yield
      }) : () -> ()
      %add3A_74 = arith.constant 1 : i32
      %add3A_75 = arith.addi %scan3A_58, %add3A_74 : i32
      %lt3A = arith.constant 20 : i32
      %lt3A_76 = arith.cmpi slt, %add3A_75, %lt3A : i32
      %convert_element_type3A = arith.extui %lt3A_76 : i1 to i32
      %cond3A = arith.constant 0 : i32
      %cond3A_77 = arith.cmpi ne, %convert_element_type3A, %cond3A : i32
      scf.if %cond3A_77 {
        %add3A_88 = arith.constant 2 : i32
        %add3A_89 = arith.addi %mul3A_60, %add3A_88 : i32
        %dma_start3A_90 = arith.constant 0 : i32
        %dma_start3A_91 = tpu.memref_slice %arg8[%add3A_89, %dma_start3A_90] : memref<40x125xi32, #tpu.memory_space<vmem>> -> memref<1x125xi32, #tpu.memory_space<vmem>>
        %dma_start3A_92 = tpu.memref_squeeze %dma_start3A_91 : memref<1x125xi32, #tpu.memory_space<vmem>> -> memref<125xi32, #tpu.memory_space<vmem>>
        %dma_start3A_93 = arith.constant 0 : i32
        %dma_start3A_94 = arith.constant 0 : i32
        %dma_start3A_95 = tpu.memref_slice %arg4[%dma_start3A_93, %dma_start3A_94] : memref<10240x128xf32, #tpu.memory_space<hbm>> -> memref<10240x128xf32, #tpu.memory_space<hbm>>
        tpu.enqueue_indirect_dma source(%dma_start3A_95 : memref<10240x128xf32, #tpu.memory_space<hbm>>) target(%arg10 : memref<125x128xf32, #tpu.memory_space<vmem>>) offsets(%dma_start3A_92 : memref<125xi32, #tpu.memory_space<vmem>>) semaphore(%arg13 : memref<!tpu.dma_semaphore, #tpu.memory_space<semaphore_mem>>)
      } else {
      }
      %add3A_78 = arith.constant 1 : i32
      %add3A_79 = arith.addi %mul3A_60, %add3A_78 : i32
      %dma_wait3A_80 = arith.constant 0 : i32
      %dma_wait3A_81 = tpu.memref_slice %arg8[%add3A_79, %dma_wait3A_80] : memref<40x125xi32, #tpu.memory_space<vmem>> -> memref<1x125xi32, #tpu.memory_space<vmem>>
      %dma_wait3A_82 = tpu.memref_squeeze %dma_wait3A_81 : memref<1x125xi32, #tpu.memory_space<vmem>> -> memref<125xi32, #tpu.memory_space<vmem>>
      %dma_wait3A_83 = arith.constant 0 : i32
      %dma_wait3A_84 = arith.constant 0 : i32
      %dma_wait3A_85 = tpu.memref_slice %arg4[%dma_wait3A_83, %dma_wait3A_84] : memref<10240x128xf32, #tpu.memory_space<hbm>> -> memref<10240x128xf32, #tpu.memory_space<hbm>>
      tpu.wait_indirect_dma semaphore(%arg14 : memref<!tpu.dma_semaphore, #tpu.memory_space<semaphore_mem>>) src(%dma_wait3A_85 : memref<10240x128xf32, #tpu.memory_space<hbm>>) dst(%arg11 : memref<125x128xf32, #tpu.memory_space<vmem>>)
      %add3A_86 = arith.constant 1 : i32
      %add3A_87 = arith.addi %mul3A_60, %add3A_86 : i32
      "tpu.region"() ({
        %run_scoped3A = tpu.sem_alloc : memref<!tpu.dma_semaphore, #tpu.memory_space<semaphore_mem>>
        %dma_start3A_88 = arith.constant 0 : i32
        %dma_start3A_89 = tpu.memref_slice %arg9[%add3A_87, %dma_start3A_88] : memref<40x125xi32, #tpu.memory_space<vmem>> -> memref<1x125xi32, #tpu.memory_space<vmem>>
        %dma_start3A_90 = tpu.memref_squeeze %dma_start3A_89 : memref<1x125xi32, #tpu.memory_space<vmem>> -> memref<125xi32, #tpu.memory_space<vmem>>
        %dma_start3A_91 = arith.constant 0 : i32
        %dma_start3A_92 = arith.constant 0 : i32
        %dma_start3A_93 = tpu.memref_slice %arg12[%dma_start3A_91, %dma_start3A_92] : memref<10240x128xf32, #tpu.memory_space<vmem_shared>> -> memref<10240x128xf32, #tpu.memory_space<vmem_shared>>
        tpu.enqueue_indirect_dma source(%arg11 : memref<125x128xf32, #tpu.memory_space<vmem>>) target(%dma_start3A_93 : memref<10240x128xf32, #tpu.memory_space<vmem_shared>>) offsets(%dma_start3A_90 : memref<125xi32, #tpu.memory_space<vmem>>) semaphore(%run_scoped3A : memref<!tpu.dma_semaphore, #tpu.memory_space<semaphore_mem>>) {add = true}
        %dma_wait3A_94 = arith.constant 0 : i32
        %dma_wait3A_95 = tpu.memref_slice %arg9[%add3A_87, %dma_wait3A_94] : memref<40x125xi32, #tpu.memory_space<vmem>> -> memref<1x125xi32, #tpu.memory_space<vmem>>
        %dma_wait3A_96 = tpu.memref_squeeze %dma_wait3A_95 : memref<1x125xi32, #tpu.memory_space<vmem>> -> memref<125xi32, #tpu.memory_space<vmem>>
        %dma_wait3A_97 = arith.constant 0 : i32
        %dma_wait3A_98 = arith.constant 0 : i32
        %dma_wait3A_99 = tpu.memref_slice %arg12[%dma_wait3A_97, %dma_wait3A_98] : memref<10240x128xf32, #tpu.memory_space<vmem_shared>> -> memref<10240x128xf32, #tpu.memory_space<vmem_shared>>
        tpu.wait_indirect_dma semaphore(%run_scoped3A : memref<!tpu.dma_semaphore, #tpu.memory_space<semaphore_mem>>) src(%arg11 : memref<125x128xf32, #tpu.memory_space<vmem>>) dst(%dma_wait3A_99 : memref<10240x128xf32, #tpu.memory_space<vmem_shared>>)
        tpu.yield
      }) : () -> ()
    }
    %scan3A_24 = arith.constant 20 : i32
    %mul3A_25 = arith.constant 16 : i32
    %mul3A_26 = arith.muli %arg0, %mul3A_25 : i32
    %add3A_27 = arith.addi %mul3A_26, %arg1 : i32
    %mul3A_28 = arith.constant 80 : i32
    %mul3A_29 = arith.muli %add3A_27, %mul3A_28 : i32
    %add3A_30 = arith.constant 40 : i32
    %add3A_31 = arith.addi %mul3A_29, %add3A_30 : i32
    "tpu.region"() ({
      %run_scoped3A = tpu.sem_alloc : memref<!tpu.dma_semaphore, #tpu.memory_space<semaphore_mem>>
      %dma_start3A_58 = arith.constant 0 : i32
      %dma_start3A_59 = tpu.memref_slice %arg2[%add3A_31, %dma_start3A_58] : memref<2560x125xi32, #tpu.memory_space<hbm>> -> memref<40x125xi32, #tpu.memory_space<hbm>>
      %dma_start3A_60 = arith.constant 0 : i32
      %dma_start3A_61 = tpu.memref_slice %arg2[%add3A_31, %dma_start3A_60] : memref<2560x125xi32, #tpu.memory_space<hbm>> -> memref<40x125xi32, #tpu.memory_space<hbm>>
      tpu.enqueue_dma source(%dma_start3A_61 : memref<40x125xi32, #tpu.memory_space<hbm>>) target(%arg8 : memref<40x125xi32, #tpu.memory_space<vmem>>) target_semaphore(%run_scoped3A : memref<!tpu.dma_semaphore, #tpu.memory_space<semaphore_mem>>)
      %dma_wait3A = arith.constant 0 : i32
      %dma_wait3A_62 = tpu.memref_slice %arg2[%add3A_31, %dma_wait3A] : memref<2560x125xi32, #tpu.memory_space<hbm>> -> memref<40x125xi32, #tpu.memory_space<hbm>>
      %dma_wait3A_63 = arith.constant 0 : i32
      %dma_wait3A_64 = tpu.memref_slice %arg2[%add3A_31, %dma_wait3A_63] : memref<2560x125xi32, #tpu.memory_space<hbm>> -> memref<40x125xi32, #tpu.memory_space<hbm>>
      tpu.wait_dma2 semaphore(%run_scoped3A : memref<!tpu.dma_semaphore, #tpu.memory_space<semaphore_mem>>) src(%dma_wait3A_64 : memref<40x125xi32, #tpu.memory_space<hbm>>) dst(%arg8 : memref<40x125xi32, #tpu.memory_space<vmem>>)
      tpu.yield
    }) : () -> ()
    %mul3A_32 = arith.constant 16 : i32
    %mul3A_33 = arith.muli %arg0, %mul3A_32 : i32
    %add3A_34 = arith.addi %mul3A_33, %arg1 : i32
    %mul3A_35 = arith.constant 80 : i32
    %mul3A_36 = arith.muli %add3A_34, %mul3A_35 : i32
    %add3A_37 = arith.constant 40 : i32
    %add3A_38 = arith.addi %mul3A_36, %add3A_37 : i32
    "tpu.region"() ({
      %run_scoped3A = tpu.sem_alloc : memref<!tpu.dma_semaphore, #tpu.memory_space<semaphore_mem>>
      %dma_start3A_58 = arith.constant 0 : i32
      %dma_start3A_59 = tpu.memref_slice %arg3[%add3A_38, %dma_start3A_58] : memref<2560x125xi32, #tpu.memory_space<hbm>> -> memref<40x125xi32, #tpu.memory_space<hbm>>
      %dma_start3A_60 = arith.constant 0 : i32
      %dma_start3A_61 = tpu.memref_slice %arg3[%add3A_38, %dma_start3A_60] : memref<2560x125xi32, #tpu.memory_space<hbm>> -> memref<40x125xi32, #tpu.memory_space<hbm>>
      tpu.enqueue_dma source(%dma_start3A_61 : memref<40x125xi32, #tpu.memory_space<hbm>>) target(%arg9 : memref<40x125xi32, #tpu.memory_space<vmem>>) target_semaphore(%run_scoped3A : memref<!tpu.dma_semaphore, #tpu.memory_space<semaphore_mem>>)
      %dma_wait3A = arith.constant 0 : i32
      %dma_wait3A_62 = tpu.memref_slice %arg3[%add3A_38, %dma_wait3A] : memref<2560x125xi32, #tpu.memory_space<hbm>> -> memref<40x125xi32, #tpu.memory_space<hbm>>
      %dma_wait3A_63 = arith.constant 0 : i32
      %dma_wait3A_64 = tpu.memref_slice %arg3[%add3A_38, %dma_wait3A_63] : memref<2560x125xi32, #tpu.memory_space<hbm>> -> memref<40x125xi32, #tpu.memory_space<hbm>>
      tpu.wait_dma2 semaphore(%run_scoped3A : memref<!tpu.dma_semaphore, #tpu.memory_space<semaphore_mem>>) src(%dma_wait3A_64 : memref<40x125xi32, #tpu.memory_space<hbm>>) dst(%arg9 : memref<40x125xi32, #tpu.memory_space<vmem>>)
      tpu.yield
    }) : () -> ()
    %dma_start3A_39 = arith.constant 0 : i32
    %dma_start3A_40 = arith.constant 0 : i32
    %dma_start3A_41 = tpu.memref_slice %arg8[%dma_start3A_39, %dma_start3A_40] : memref<40x125xi32, #tpu.memory_space<vmem>> -> memref<1x125xi32, #tpu.memory_space<vmem>>
    %dma_start3A_42 = tpu.memref_squeeze %dma_start3A_41 : memref<1x125xi32, #tpu.memory_space<vmem>> -> memref<125xi32, #tpu.memory_space<vmem>>
    %dma_start3A_43 = arith.constant 0 : i32
    %dma_start3A_44 = arith.constant 0 : i32
    %dma_start3A_45 = tpu.memref_slice %arg4[%dma_start3A_43, %dma_start3A_44] : memref<10240x128xf32, #tpu.memory_space<hbm>> -> memref<10240x128xf32, #tpu.memory_space<hbm>>
    tpu.enqueue_indirect_dma source(%dma_start3A_45 : memref<10240x128xf32, #tpu.memory_space<hbm>>) target(%arg10 : memref<125x128xf32, #tpu.memory_space<vmem>>) offsets(%dma_start3A_42 : memref<125xi32, #tpu.memory_space<vmem>>) semaphore(%arg13 : memref<!tpu.dma_semaphore, #tpu.memory_space<semaphore_mem>>)
    %scan3A_46 = arith.constant 0 : i32
    %scan3A_47 = arith.constant 0 : i32
    %scan3A_48 = arith.constant 20 : i32
    %scan3A_49 = arith.addi %scan3A_47, %scan3A_48 : i32
    %scan3A_50 = arith.constant 1 : i32
    scf.for %scan3A_58 = %scan3A_47 to %scan3A_49 step %scan3A_50  : i32 {
      %mul3A_59 = arith.constant 2 : i32
      %mul3A_60 = arith.muli %mul3A_59, %scan3A_58 : i32
      %add3A_61 = arith.constant 1 : i32
      %add3A_62 = arith.addi %mul3A_60, %add3A_61 : i32
      %dma_start3A_63 = arith.constant 0 : i32
      %dma_start3A_64 = tpu.memref_slice %arg8[%add3A_62, %dma_start3A_63] : memref<40x125xi32, #tpu.memory_space<vmem>> -> memref<1x125xi32, #tpu.memory_space<vmem>>
      %dma_start3A_65 = tpu.memref_squeeze %dma_start3A_64 : memref<1x125xi32, #tpu.memory_space<vmem>> -> memref<125xi32, #tpu.memory_space<vmem>>
      %dma_start3A_66 = arith.constant 0 : i32
      %dma_start3A_67 = arith.constant 0 : i32
      %dma_start3A_68 = tpu.memref_slice %arg4[%dma_start3A_66, %dma_start3A_67] : memref<10240x128xf32, #tpu.memory_space<hbm>> -> memref<10240x128xf32, #tpu.memory_space<hbm>>
      tpu.enqueue_indirect_dma source(%dma_start3A_68 : memref<10240x128xf32, #tpu.memory_space<hbm>>) target(%arg11 : memref<125x128xf32, #tpu.memory_space<vmem>>) offsets(%dma_start3A_65 : memref<125xi32, #tpu.memory_space<vmem>>) semaphore(%arg14 : memref<!tpu.dma_semaphore, #tpu.memory_space<semaphore_mem>>)
      %dma_wait3A = arith.constant 0 : i32
      %dma_wait3A_69 = tpu.memref_slice %arg8[%mul3A_60, %dma_wait3A] : memref<40x125xi32, #tpu.memory_space<vmem>> -> memref<1x125xi32, #tpu.memory_space<vmem>>
      %dma_wait3A_70 = tpu.memref_squeeze %dma_wait3A_69 : memref<1x125xi32, #tpu.memory_space<vmem>> -> memref<125xi32, #tpu.memory_space<vmem>>
      %dma_wait3A_71 = arith.constant 0 : i32
      %dma_wait3A_72 = arith.constant 0 : i32
      %dma_wait3A_73 = tpu.memref_slice %arg4[%dma_wait3A_71, %dma_wait3A_72] : memref<10240x128xf32, #tpu.memory_space<hbm>> -> memref<10240x128xf32, #tpu.memory_space<hbm>>
      tpu.wait_indirect_dma semaphore(%arg13 : memref<!tpu.dma_semaphore, #tpu.memory_space<semaphore_mem>>) src(%dma_wait3A_73 : memref<10240x128xf32, #tpu.memory_space<hbm>>) dst(%arg10 : memref<125x128xf32, #tpu.memory_space<vmem>>)
      "tpu.region"() ({
        %run_scoped3A = tpu.sem_alloc : memref<!tpu.dma_semaphore, #tpu.memory_space<semaphore_mem>>
        %dma_start3A_88 = arith.constant 0 : i32
        %dma_start3A_89 = tpu.memref_slice %arg9[%mul3A_60, %dma_start3A_88] : memref<40x125xi32, #tpu.memory_space<vmem>> -> memref<1x125xi32, #tpu.memory_space<vmem>>
        %dma_start3A_90 = tpu.memref_squeeze %dma_start3A_89 : memref<1x125xi32, #tpu.memory_space<vmem>> -> memref<125xi32, #tpu.memory_space<vmem>>
        %dma_start3A_91 = arith.constant 0 : i32
        %dma_start3A_92 = arith.constant 0 : i32
        %dma_start3A_93 = tpu.memref_slice %arg12[%dma_start3A_91, %dma_start3A_92] : memref<10240x128xf32, #tpu.memory_space<vmem_shared>> -> memref<10240x128xf32, #tpu.memory_space<vmem_shared>>
        tpu.enqueue_indirect_dma source(%arg10 : memref<125x128xf32, #tpu.memory_space<vmem>>) target(%dma_start3A_93 : memref<10240x128xf32, #tpu.memory_space<vmem_shared>>) offsets(%dma_start3A_90 : memref<125xi32, #tpu.memory_space<vmem>>) semaphore(%run_scoped3A : memref<!tpu.dma_semaphore, #tpu.memory_space<semaphore_mem>>) {add = true}
        %dma_wait3A_94 = arith.constant 0 : i32
        %dma_wait3A_95 = tpu.memref_slice %arg9[%mul3A_60, %dma_wait3A_94] : memref<40x125xi32, #tpu.memory_space<vmem>> -> memref<1x125xi32, #tpu.memory_space<vmem>>
        %dma_wait3A_96 = tpu.memref_squeeze %dma_wait3A_95 : memref<1x125xi32, #tpu.memory_space<vmem>> -> memref<125xi32, #tpu.memory_space<vmem>>
        %dma_wait3A_97 = arith.constant 0 : i32
        %dma_wait3A_98 = arith.constant 0 : i32
        %dma_wait3A_99 = tpu.memref_slice %arg12[%dma_wait3A_97, %dma_wait3A_98] : memref<10240x128xf32, #tpu.memory_space<vmem_shared>> -> memref<10240x128xf32, #tpu.memory_space<vmem_shared>>
        tpu.wait_indirect_dma semaphore(%run_scoped3A : memref<!tpu.dma_semaphore, #tpu.memory_space<semaphore_mem>>) src(%arg10 : memref<125x128xf32, #tpu.memory_space<vmem>>) dst(%dma_wait3A_99 : memref<10240x128xf32, #tpu.memory_space<vmem_shared>>)
        tpu.yield
      }) : () -> ()
      %add3A_74 = arith.constant 1 : i32
      %add3A_75 = arith.addi %scan3A_58, %add3A_74 : i32
      %lt3A = arith.constant 20 : i32
      %lt3A_76 = arith.cmpi slt, %add3A_75, %lt3A : i32
      %convert_element_type3A = arith.extui %lt3A_76 : i1 to i32
      %cond3A = arith.constant 0 : i32
      %cond3A_77 = arith.cmpi ne, %convert_element_type3A, %cond3A : i32
      scf.if %cond3A_77 {
        %add3A_88 = arith.constant 2 : i32
        %add3A_89 = arith.addi %mul3A_60, %add3A_88 : i32
        %dma_start3A_90 = arith.constant 0 : i32
        %dma_start3A_91 = tpu.memref_slice %arg8[%add3A_89, %dma_start3A_90] : memref<40x125xi32, #tpu.memory_space<vmem>> -> memref<1x125xi32, #tpu.memory_space<vmem>>
        %dma_start3A_92 = tpu.memref_squeeze %dma_start3A_91 : memref<1x125xi32, #tpu.memory_space<vmem>> -> memref<125xi32, #tpu.memory_space<vmem>>
        %dma_start3A_93 = arith.constant 0 : i32
        %dma_start3A_94 = arith.constant 0 : i32
        %dma_start3A_95 = tpu.memref_slice %arg4[%dma_start3A_93, %dma_start3A_94] : memref<10240x128xf32, #tpu.memory_space<hbm>> -> memref<10240x128xf32, #tpu.memory_space<hbm>>
        tpu.enqueue_indirect_dma source(%dma_start3A_95 : memref<10240x128xf32, #tpu.memory_space<hbm>>) target(%arg10 : memref<125x128xf32, #tpu.memory_space<vmem>>) offsets(%dma_start3A_92 : memref<125xi32, #tpu.memory_space<vmem>>) semaphore(%arg13 : memref<!tpu.dma_semaphore, #tpu.memory_space<semaphore_mem>>)
      } else {
      }
      %add3A_78 = arith.constant 1 : i32
      %add3A_79 = arith.addi %mul3A_60, %add3A_78 : i32
      %dma_wait3A_80 = arith.constant 0 : i32
      %dma_wait3A_81 = tpu.memref_slice %arg8[%add3A_79, %dma_wait3A_80] : memref<40x125xi32, #tpu.memory_space<vmem>> -> memref<1x125xi32, #tpu.memory_space<vmem>>
      %dma_wait3A_82 = tpu.memref_squeeze %dma_wait3A_81 : memref<1x125xi32, #tpu.memory_space<vmem>> -> memref<125xi32, #tpu.memory_space<vmem>>
      %dma_wait3A_83 = arith.constant 0 : i32
      %dma_wait3A_84 = arith.constant 0 : i32
      %dma_wait3A_85 = tpu.memref_slice %arg4[%dma_wait3A_83, %dma_wait3A_84] : memref<10240x128xf32, #tpu.memory_space<hbm>> -> memref<10240x128xf32, #tpu.memory_space<hbm>>
      tpu.wait_indirect_dma semaphore(%arg14 : memref<!tpu.dma_semaphore, #tpu.memory_space<semaphore_mem>>) src(%dma_wait3A_85 : memref<10240x128xf32, #tpu.memory_space<hbm>>) dst(%arg11 : memref<125x128xf32, #tpu.memory_space<vmem>>)
      %add3A_86 = arith.constant 1 : i32
      %add3A_87 = arith.addi %mul3A_60, %add3A_86 : i32
      "tpu.region"() ({
        %run_scoped3A = tpu.sem_alloc : memref<!tpu.dma_semaphore, #tpu.memory_space<semaphore_mem>>
        %dma_start3A_88 = arith.constant 0 : i32
        %dma_start3A_89 = tpu.memref_slice %arg9[%add3A_87, %dma_start3A_88] : memref<40x125xi32, #tpu.memory_space<vmem>> -> memref<1x125xi32, #tpu.memory_space<vmem>>
        %dma_start3A_90 = tpu.memref_squeeze %dma_start3A_89 : memref<1x125xi32, #tpu.memory_space<vmem>> -> memref<125xi32, #tpu.memory_space<vmem>>
        %dma_start3A_91 = arith.constant 0 : i32
        %dma_start3A_92 = arith.constant 0 : i32
        %dma_start3A_93 = tpu.memref_slice %arg12[%dma_start3A_91, %dma_start3A_92] : memref<10240x128xf32, #tpu.memory_space<vmem_shared>> -> memref<10240x128xf32, #tpu.memory_space<vmem_shared>>
        tpu.enqueue_indirect_dma source(%arg11 : memref<125x128xf32, #tpu.memory_space<vmem>>) target(%dma_start3A_93 : memref<10240x128xf32, #tpu.memory_space<vmem_shared>>) offsets(%dma_start3A_90 : memref<125xi32, #tpu.memory_space<vmem>>) semaphore(%run_scoped3A : memref<!tpu.dma_semaphore, #tpu.memory_space<semaphore_mem>>) {add = true}
        %dma_wait3A_94 = arith.constant 0 : i32
        %dma_wait3A_95 = tpu.memref_slice %arg9[%add3A_87, %dma_wait3A_94] : memref<40x125xi32, #tpu.memory_space<vmem>> -> memref<1x125xi32, #tpu.memory_space<vmem>>
        %dma_wait3A_96 = tpu.memref_squeeze %dma_wait3A_95 : memref<1x125xi32, #tpu.memory_space<vmem>> -> memref<125xi32, #tpu.memory_space<vmem>>
        %dma_wait3A_97 = arith.constant 0 : i32
        %dma_wait3A_98 = arith.constant 0 : i32
        %dma_wait3A_99 = tpu.memref_slice %arg12[%dma_wait3A_97, %dma_wait3A_98] : memref<10240x128xf32, #tpu.memory_space<vmem_shared>> -> memref<10240x128xf32, #tpu.memory_space<vmem_shared>>
        tpu.wait_indirect_dma semaphore(%run_scoped3A : memref<!tpu.dma_semaphore, #tpu.memory_space<semaphore_mem>>) src(%arg11 : memref<125x128xf32, #tpu.memory_space<vmem>>) dst(%dma_wait3A_99 : memref<10240x128xf32, #tpu.memory_space<vmem_shared>>)
        tpu.yield
      }) : () -> ()
    }
    %scan3A_51 = arith.constant 20 : i32
    %barrier3A_52 = arith.constant 0 : index
    tpu.barrier barrier_id(%barrier3A_52)
    %mul3A_53 = arith.constant 10240 : i32
    %mul3A_54 = arith.muli %arg0, %mul3A_53 : i32
    %mul3A_55 = arith.constant 640 : i32
    %mul3A_56 = arith.muli %arg1, %mul3A_55 : i32
    %add3A_57 = arith.addi %mul3A_54, %mul3A_56 : i32
    "tpu.region"() ({
      %run_scoped3A = tpu.sem_alloc : memref<!tpu.dma_semaphore, #tpu.memory_space<semaphore_mem>>
      %dma_start3A_58 = arith.constant 0 : i32
      %dma_start3A_59 = tpu.memref_slice %arg7[%add3A_57, %dma_start3A_58] : memref<20480x128xf32, #tpu.memory_space<hbm>> -> memref<640x128xf32, #tpu.memory_space<hbm>>
      %dma_start3A_60 = arith.constant 0 : i32
      %dma_start3A_61 = tpu.memref_slice %arg12[%mul3A_0, %dma_start3A_60] : memref<10240x128xf32, #tpu.memory_space<vmem_shared>> -> memref<640x128xf32, #tpu.memory_space<vmem_shared>>
      tpu.enqueue_dma source(%dma_start3A_61 : memref<640x128xf32, #tpu.memory_space<vmem_shared>>) target(%dma_start3A_59 : memref<640x128xf32, #tpu.memory_space<hbm>>) target_semaphore(%run_scoped3A : memref<!tpu.dma_semaphore, #tpu.memory_space<semaphore_mem>>)
      %dma_wait3A = arith.constant 0 : i32
      %dma_wait3A_62 = tpu.memref_slice %arg7[%add3A_57, %dma_wait3A] : memref<20480x128xf32, #tpu.memory_space<hbm>> -> memref<640x128xf32, #tpu.memory_space<hbm>>
      %dma_wait3A_63 = arith.constant 0 : i32
      %dma_wait3A_64 = tpu.memref_slice %arg12[%mul3A_0, %dma_wait3A_63] : memref<10240x128xf32, #tpu.memory_space<vmem_shared>> -> memref<640x128xf32, #tpu.memory_space<vmem_shared>>
      tpu.wait_dma2 semaphore(%run_scoped3A : memref<!tpu.dma_semaphore, #tpu.memory_space<semaphore_mem>>) src(%dma_wait3A_64 : memref<640x128xf32, #tpu.memory_space<vmem_shared>>) dst(%dma_wait3A_62 : memref<640x128xf32, #tpu.memory_space<hbm>>)
      tpu.yield
    }) : () -> ()
    return
  }
}

#map = affine_map<(d0, d1) -> (0, 0)>
module attributes {stable_mosaic.version = 14 : i64} {
  func.func @agg(%arg0: i32, %arg1: i32, %arg2: memref<2560x125xi32, #tpu.memory_space<hbm>>, %arg3: memref<2560x125xi32, #tpu.memory_space<hbm>>, %arg4: memref<10240x128xf32, #tpu.memory_space<hbm>>, %arg5: memref<10240x128xf32, #tpu.memory_space<hbm>>, %arg6: memref<10240x128xf32, #tpu.memory_space<hbm>>, %arg7: memref<20480x128xf32, #tpu.memory_space<hbm>>, %arg8: memref<40x125xi32, #tpu.memory_space<vmem>>, %arg9: memref<40x125xi32, #tpu.memory_space<vmem>>, %arg10: memref<125x128xf32, #tpu.memory_space<vmem>>, %arg11: memref<125x128xf32, #tpu.memory_space<vmem>>, %arg12: memref<10240x128xf32, #tpu.memory_space<vmem_shared>>, %arg13: memref<!tpu.dma_semaphore, #tpu.memory_space<semaphore_mem>>, %arg14: memref<!tpu.dma_semaphore, #tpu.memory_space<semaphore_mem>>, %arg15: memref<!tpu.dma_semaphore, #tpu.memory_space<semaphore_mem>>, %arg16: memref<!tpu.dma_semaphore, #tpu.memory_space<semaphore_mem>>) attributes {dimension_semantics = [#tpu.dimension_semantics<core_parallel>, #tpu.dimension_semantics<subcore_parallel>], iteration_bounds = array<i64: 2, 16>, scalar_prefetch = 0 : i64, scratch_operands = 9 : i64, tpu.core_type = #tpu.core_type<sc_vector_subcore>, window_params = [{transform_indices = #map}, {transform_indices = #map}, {transform_indices = #map}, {transform_indices = #map}, {transform_indices = #map}, {transform_indices = #map}]} {
    %mul3A = arith.constant 640 : i32
    %mul3A_0 = arith.muli %arg1, %mul3A : i32
    "tpu.region"() ({
      %run_scoped3A = tpu.sem_alloc : memref<!tpu.dma_semaphore, #tpu.memory_space<semaphore_mem>>
      %dma_start3A = arith.constant 0 : i32
      %dma_start3A_38 = tpu.memref_slice %arg12[%mul3A_0, %dma_start3A] : memref<10240x128xf32, #tpu.memory_space<vmem_shared>> -> memref<640x128xf32, #tpu.memory_space<vmem_shared>>
      %dma_start3A_39 = arith.constant 0 : i32
      %dma_start3A_40 = tpu.memref_slice %arg6[%mul3A_0, %dma_start3A_39] : memref<10240x128xf32, #tpu.memory_space<hbm>> -> memref<640x128xf32, #tpu.memory_space<hbm>>
      tpu.enqueue_dma source(%dma_start3A_40 : memref<640x128xf32, #tpu.memory_space<hbm>>) target(%dma_start3A_38 : memref<640x128xf32, #tpu.memory_space<vmem_shared>>) target_semaphore(%run_scoped3A : memref<!tpu.dma_semaphore, #tpu.memory_space<semaphore_mem>>)
      %dma_wait3A = arith.constant 0 : i32
      %dma_wait3A_41 = tpu.memref_slice %arg12[%mul3A_0, %dma_wait3A] : memref<10240x128xf32, #tpu.memory_space<vmem_shared>> -> memref<640x128xf32, #tpu.memory_space<vmem_shared>>
      %dma_wait3A_42 = arith.constant 0 : i32
      %dma_wait3A_43 = tpu.memref_slice %arg6[%mul3A_0, %dma_wait3A_42] : memref<10240x128xf32, #tpu.memory_space<hbm>> -> memref<640x128xf32, #tpu.memory_space<hbm>>
      tpu.wait_dma2 semaphore(%run_scoped3A : memref<!tpu.dma_semaphore, #tpu.memory_space<semaphore_mem>>) src(%dma_wait3A_43 : memref<640x128xf32, #tpu.memory_space<hbm>>) dst(%dma_wait3A_41 : memref<640x128xf32, #tpu.memory_space<vmem_shared>>)
      tpu.yield
    }) : () -> ()
    %broadcast_in_dim3A = arith.constant 1.000000e+00 : f32
    %broadcast_in_dim3A_1 = vector.broadcast %broadcast_in_dim3A : f32 to vector<16xf32>
    %scan3A = arith.constant 0 : i32
    %scan3A_2 = arith.constant 0 : i32
    %scan3A_3 = arith.constant 1000 : i32
    %scan3A_4 = arith.addi %scan3A_2, %scan3A_3 : i32
    %scan3A_5 = arith.constant 1 : i32
    scf.for %scan3A_38 = %scan3A_2 to %scan3A_4 step %scan3A_5  : i32 {
      %jit3A = arith.constant 8 : i32
      %div3A = arith.divsi %scan3A_38, %jit3A : i32
      %sign3A = arith.constant 0 : i32
      %sign3A_39 = arith.cmpi sgt, %scan3A_38, %sign3A : i32
      %sign3A_40 = arith.extui %sign3A_39 : i1 to i32
      %sign3A_41 = arith.constant 0 : i32
      %sign3A_42 = arith.cmpi slt, %scan3A_38, %sign3A_41 : i32
      %sign3A_43 = arith.extui %sign3A_42 : i1 to i32
      %sign3A_44 = arith.subi %sign3A_40, %sign3A_43 : i32
      %sign3A_45 = arith.constant 0 : i32
      %sign3A_46 = arith.cmpi sgt, %jit3A, %sign3A_45 : i32
      %sign3A_47 = arith.extui %sign3A_46 : i1 to i32
      %sign3A_48 = arith.constant 0 : i32
      %sign3A_49 = arith.cmpi slt, %jit3A, %sign3A_48 : i32
      %sign3A_50 = arith.extui %sign3A_49 : i1 to i32
      %sign3A_51 = arith.subi %sign3A_47, %sign3A_50 : i32
      %ne3A = arith.cmpi ne, %sign3A_44, %sign3A_51 : i32
      %rem3A = arith.remsi %scan3A_38, %jit3A : i32
      %ne3A_52 = arith.constant 0 : i32
      %ne3A_53 = arith.cmpi ne, %rem3A, %ne3A_52 : i32
      %and3A = arith.andi %ne3A, %ne3A_53 : i1
      %sub3A = arith.constant 1 : i32
      %sub3A_54 = arith.subi %div3A, %sub3A : i32
      %select_n3A = arith.select %and3A, %sub3A_54, %div3A : i32
      %jit3A_55 = arith.constant 8 : i32
      %eq3A = arith.constant 0 : i32
      %eq3A_56 = arith.cmpi eq, %jit3A_55, %eq3A : i32
      %jit3A_57 = arith.constant 1 : i32
      %select_n3A_58 = arith.select %eq3A_56, %jit3A_57, %jit3A_55 : i32
      %rem3A_59 = arith.remsi %scan3A_38, %select_n3A_58 : i32
      %ne3A_60 = arith.constant 0 : i32
      %ne3A_61 = arith.cmpi ne, %rem3A_59, %ne3A_60 : i32
      %lt3A = arith.constant 0 : i32
      %lt3A_62 = arith.cmpi slt, %rem3A_59, %lt3A : i32
      %lt3A_63 = arith.constant 0 : i32
      %lt3A_64 = arith.cmpi slt, %select_n3A_58, %lt3A_63 : i32
      %ne3A_65 = arith.xori %lt3A_62, %lt3A_64 : i1
      %and3A_66 = arith.andi %ne3A_65, %ne3A_61 : i1
      %add3A_67 = arith.addi %rem3A_59, %select_n3A_58 : i32
      %select_n3A_68 = arith.select %and3A_66, %add3A_67, %rem3A_59 : i32
      %mul3A_69 = arith.constant 16 : i32
      %mul3A_70 = arith.muli %select_n3A_68, %mul3A_69 : i32
      %swap3A = arith.index_cast %select_n3A : i32 to index
      %swap3A_71 = arith.index_cast %mul3A_70 : i32 to index
      %swap3A_72 = tpu.vector_load %arg10[%swap3A, %swap3A_71] {strides = array<i32>} : memref<125x128xf32, #tpu.memory_space<vmem>>, vector<1x16xf32>,
      %swap3A_73 = vector.shape_cast %swap3A_72 : vector<1x16xf32> to vector<16xf32>
      %swap3A_74 = vector.shape_cast %broadcast_in_dim3A_1 : vector<16xf32> to vector<1x16xf32>
      tpu.vector_store %arg10[%swap3A, %swap3A_71], %swap3A_74 {strides = array<i32>} : memref<125x128xf32, #tpu.memory_space<vmem>>, vector<1x16xf32>,
    }
    %scan3A_6 = arith.constant 1000 : i32
    %barrier3A = arith.constant 0 : index
    tpu.barrier barrier_id(%barrier3A)
    %mul3A_7 = arith.constant 16 : i32
    %mul3A_8 = arith.muli %arg0, %mul3A_7 : i32
    %add3A = arith.addi %mul3A_8, %arg1 : i32
    %mul3A_9 = arith.constant 80 : i32
    %mul3A_10 = arith.muli %add3A, %mul3A_9 : i32
    %add3A_11 = arith.constant 0 : i32
    %add3A_12 = arith.addi %mul3A_10, %add3A_11 : i32
    "tpu.region"() ({
      %run_scoped3A = tpu.sem_alloc : memref<!tpu.dma_semaphore, #tpu.memory_space<semaphore_mem>>
      %dma_start3A = arith.constant 0 : i32
      %dma_start3A_38 = tpu.memref_slice %arg3[%add3A_12, %dma_start3A] : memref<2560x125xi32, #tpu.memory_space<hbm>> -> memref<40x125xi32, #tpu.memory_space<hbm>>
      %dma_start3A_39 = arith.constant 0 : i32
      %dma_start3A_40 = tpu.memref_slice %arg3[%add3A_12, %dma_start3A_39] : memref<2560x125xi32, #tpu.memory_space<hbm>> -> memref<40x125xi32, #tpu.memory_space<hbm>>
      tpu.enqueue_dma source(%dma_start3A_40 : memref<40x125xi32, #tpu.memory_space<hbm>>) target(%arg9 : memref<40x125xi32, #tpu.memory_space<vmem>>) target_semaphore(%run_scoped3A : memref<!tpu.dma_semaphore, #tpu.memory_space<semaphore_mem>>)
      %dma_wait3A = arith.constant 0 : i32
      %dma_wait3A_41 = tpu.memref_slice %arg3[%add3A_12, %dma_wait3A] : memref<2560x125xi32, #tpu.memory_space<hbm>> -> memref<40x125xi32, #tpu.memory_space<hbm>>
      %dma_wait3A_42 = arith.constant 0 : i32
      %dma_wait3A_43 = tpu.memref_slice %arg3[%add3A_12, %dma_wait3A_42] : memref<2560x125xi32, #tpu.memory_space<hbm>> -> memref<40x125xi32, #tpu.memory_space<hbm>>
      tpu.wait_dma2 semaphore(%run_scoped3A : memref<!tpu.dma_semaphore, #tpu.memory_space<semaphore_mem>>) src(%dma_wait3A_43 : memref<40x125xi32, #tpu.memory_space<hbm>>) dst(%arg9 : memref<40x125xi32, #tpu.memory_space<vmem>>)
      tpu.yield
    }) : () -> ()
    %scan3A_13 = arith.constant 0 : i32
    %scan3A_14 = arith.constant 0 : i32
    %scan3A_15 = arith.constant 5 : i32
    %scan3A_16 = arith.addi %scan3A_14, %scan3A_15 : i32
    %scan3A_17 = arith.constant 1 : i32
    scf.for %scan3A_38 = %scan3A_14 to %scan3A_16 step %scan3A_17  : i32 {
      %mul3A_39 = arith.constant 8 : i32
      %mul3A_40 = arith.muli %scan3A_38, %mul3A_39 : i32
      %add3A_41 = arith.constant 0 : i32
      %add3A_42 = arith.addi %mul3A_40, %add3A_41 : i32
      %dma_start3A = arith.constant 0 : i32
      %dma_start3A_43 = tpu.memref_slice %arg9[%add3A_42, %dma_start3A] : memref<40x125xi32, #tpu.memory_space<vmem>> -> memref<1x125xi32, #tpu.memory_space<vmem>>
      %dma_start3A_44 = tpu.memref_squeeze %dma_start3A_43 : memref<1x125xi32, #tpu.memory_space<vmem>> -> memref<125xi32, #tpu.memory_space<vmem>>
      %dma_start3A_45 = arith.constant 0 : i32
      %dma_start3A_46 = arith.constant 0 : i32
      %dma_start3A_47 = tpu.memref_slice %arg12[%dma_start3A_45, %dma_start3A_46] : memref<10240x128xf32, #tpu.memory_space<vmem_shared>> -> memref<10240x128xf32, #tpu.memory_space<vmem_shared>>
      tpu.enqueue_indirect_dma source(%arg10 : memref<125x128xf32, #tpu.memory_space<vmem>>) target(%dma_start3A_47 : memref<10240x128xf32, #tpu.memory_space<vmem_shared>>) offsets(%dma_start3A_44 : memref<125xi32, #tpu.memory_space<vmem>>) semaphore(%arg15 : memref<!tpu.dma_semaphore, #tpu.memory_space<semaphore_mem>>) {add = true}
      %mul3A_48 = arith.constant 8 : i32
      %mul3A_49 = arith.muli %scan3A_38, %mul3A_48 : i32
      %add3A_50 = arith.constant 1 : i32
      %add3A_51 = arith.addi %mul3A_49, %add3A_50 : i32
      %dma_start3A_52 = arith.constant 0 : i32
      %dma_start3A_53 = tpu.memref_slice %arg9[%add3A_51, %dma_start3A_52] : memref<40x125xi32, #tpu.memory_space<vmem>> -> memref<1x125xi32, #tpu.memory_space<vmem>>
      %dma_start3A_54 = tpu.memref_squeeze %dma_start3A_53 : memref<1x125xi32, #tpu.memory_space<vmem>> -> memref<125xi32, #tpu.memory_space<vmem>>
      %dma_start3A_55 = arith.constant 0 : i32
      %dma_start3A_56 = arith.constant 0 : i32
      %dma_start3A_57 = tpu.memref_slice %arg12[%dma_start3A_55, %dma_start3A_56] : memref<10240x128xf32, #tpu.memory_space<vmem_shared>> -> memref<10240x128xf32, #tpu.memory_space<vmem_shared>>
      tpu.enqueue_indirect_dma source(%arg10 : memref<125x128xf32, #tpu.memory_space<vmem>>) target(%dma_start3A_57 : memref<10240x128xf32, #tpu.memory_space<vmem_shared>>) offsets(%dma_start3A_54 : memref<125xi32, #tpu.memory_space<vmem>>) semaphore(%arg15 : memref<!tpu.dma_semaphore, #tpu.memory_space<semaphore_mem>>) {add = true}
      %mul3A_58 = arith.constant 8 : i32
      %mul3A_59 = arith.muli %scan3A_38, %mul3A_58 : i32
      %add3A_60 = arith.constant 2 : i32
      %add3A_61 = arith.addi %mul3A_59, %add3A_60 : i32
      %dma_start3A_62 = arith.constant 0 : i32
      %dma_start3A_63 = tpu.memref_slice %arg9[%add3A_61, %dma_start3A_62] : memref<40x125xi32, #tpu.memory_space<vmem>> -> memref<1x125xi32, #tpu.memory_space<vmem>>
      %dma_start3A_64 = tpu.memref_squeeze %dma_start3A_63 : memref<1x125xi32, #tpu.memory_space<vmem>> -> memref<125xi32, #tpu.memory_space<vmem>>
      %dma_start3A_65 = arith.constant 0 : i32
      %dma_start3A_66 = arith.constant 0 : i32
      %dma_start3A_67 = tpu.memref_slice %arg12[%dma_start3A_65, %dma_start3A_66] : memref<10240x128xf32, #tpu.memory_space<vmem_shared>> -> memref<10240x128xf32, #tpu.memory_space<vmem_shared>>
      tpu.enqueue_indirect_dma source(%arg10 : memref<125x128xf32, #tpu.memory_space<vmem>>) target(%dma_start3A_67 : memref<10240x128xf32, #tpu.memory_space<vmem_shared>>) offsets(%dma_start3A_64 : memref<125xi32, #tpu.memory_space<vmem>>) semaphore(%arg15 : memref<!tpu.dma_semaphore, #tpu.memory_space<semaphore_mem>>) {add = true}
      %mul3A_68 = arith.constant 8 : i32
      %mul3A_69 = arith.muli %scan3A_38, %mul3A_68 : i32
      %add3A_70 = arith.constant 3 : i32
      %add3A_71 = arith.addi %mul3A_69, %add3A_70 : i32
      %dma_start3A_72 = arith.constant 0 : i32
      %dma_start3A_73 = tpu.memref_slice %arg9[%add3A_71, %dma_start3A_72] : memref<40x125xi32, #tpu.memory_space<vmem>> -> memref<1x125xi32, #tpu.memory_space<vmem>>
      %dma_start3A_74 = tpu.memref_squeeze %dma_start3A_73 : memref<1x125xi32, #tpu.memory_space<vmem>> -> memref<125xi32, #tpu.memory_space<vmem>>
      %dma_start3A_75 = arith.constant 0 : i32
      %dma_start3A_76 = arith.constant 0 : i32
      %dma_start3A_77 = tpu.memref_slice %arg12[%dma_start3A_75, %dma_start3A_76] : memref<10240x128xf32, #tpu.memory_space<vmem_shared>> -> memref<10240x128xf32, #tpu.memory_space<vmem_shared>>
      tpu.enqueue_indirect_dma source(%arg10 : memref<125x128xf32, #tpu.memory_space<vmem>>) target(%dma_start3A_77 : memref<10240x128xf32, #tpu.memory_space<vmem_shared>>) offsets(%dma_start3A_74 : memref<125xi32, #tpu.memory_space<vmem>>) semaphore(%arg15 : memref<!tpu.dma_semaphore, #tpu.memory_space<semaphore_mem>>) {add = true}
      %mul3A_78 = arith.constant 8 : i32
      %mul3A_79 = arith.muli %scan3A_38, %mul3A_78 : i32
      %add3A_80 = arith.constant 4 : i32
      %add3A_81 = arith.addi %mul3A_79, %add3A_80 : i32
      %dma_start3A_82 = arith.constant 0 : i32
      %dma_start3A_83 = tpu.memref_slice %arg9[%add3A_81, %dma_start3A_82] : memref<40x125xi32, #tpu.memory_space<vmem>> -> memref<1x125xi32, #tpu.memory_space<vmem>>
      %dma_start3A_84 = tpu.memref_squeeze %dma_start3A_83 : memref<1x125xi32, #tpu.memory_space<vmem>> -> memref<125xi32, #tpu.memory_space<vmem>>
      %dma_start3A_85 = arith.constant 0 : i32
      %dma_start3A_86 = arith.constant 0 : i32
      %dma_start3A_87 = tpu.memref_slice %arg12[%dma_start3A_85, %dma_start3A_86] : memref<10240x128xf32, #tpu.memory_space<vmem_shared>> -> memref<10240x128xf32, #tpu.memory_space<vmem_shared>>
      tpu.enqueue_indirect_dma source(%arg10 : memref<125x128xf32, #tpu.memory_space<vmem>>) target(%dma_start3A_87 : memref<10240x128xf32, #tpu.memory_space<vmem_shared>>) offsets(%dma_start3A_84 : memref<125xi32, #tpu.memory_space<vmem>>) semaphore(%arg15 : memref<!tpu.dma_semaphore, #tpu.memory_space<semaphore_mem>>) {add = true}
      %mul3A_88 = arith.constant 8 : i32
      %mul3A_89 = arith.muli %scan3A_38, %mul3A_88 : i32
      %add3A_90 = arith.constant 5 : i32
      %add3A_91 = arith.addi %mul3A_89, %add3A_90 : i32
      %dma_start3A_92 = arith.constant 0 : i32
      %dma_start3A_93 = tpu.memref_slice %arg9[%add3A_91, %dma_start3A_92] : memref<40x125xi32, #tpu.memory_space<vmem>> -> memref<1x125xi32, #tpu.memory_space<vmem>>
      %dma_start3A_94 = tpu.memref_squeeze %dma_start3A_93 : memref<1x125xi32, #tpu.memory_space<vmem>> -> memref<125xi32, #tpu.memory_space<vmem>>
      %dma_start3A_95 = arith.constant 0 : i32
      %dma_start3A_96 = arith.constant 0 : i32
      %dma_start3A_97 = tpu.memref_slice %arg12[%dma_start3A_95, %dma_start3A_96] : memref<10240x128xf32, #tpu.memory_space<vmem_shared>> -> memref<10240x128xf32, #tpu.memory_space<vmem_shared>>
      tpu.enqueue_indirect_dma source(%arg10 : memref<125x128xf32, #tpu.memory_space<vmem>>) target(%dma_start3A_97 : memref<10240x128xf32, #tpu.memory_space<vmem_shared>>) offsets(%dma_start3A_94 : memref<125xi32, #tpu.memory_space<vmem>>) semaphore(%arg15 : memref<!tpu.dma_semaphore, #tpu.memory_space<semaphore_mem>>) {add = true}
      %mul3A_98 = arith.constant 8 : i32
      %mul3A_99 = arith.muli %scan3A_38, %mul3A_98 : i32
      %add3A_100 = arith.constant 6 : i32
      %add3A_101 = arith.addi %mul3A_99, %add3A_100 : i32
      %dma_start3A_102 = arith.constant 0 : i32
      %dma_start3A_103 = tpu.memref_slice %arg9[%add3A_101, %dma_start3A_102] : memref<40x125xi32, #tpu.memory_space<vmem>> -> memref<1x125xi32, #tpu.memory_space<vmem>>
      %dma_start3A_104 = tpu.memref_squeeze %dma_start3A_103 : memref<1x125xi32, #tpu.memory_space<vmem>> -> memref<125xi32, #tpu.memory_space<vmem>>
      %dma_start3A_105 = arith.constant 0 : i32
      %dma_start3A_106 = arith.constant 0 : i32
      %dma_start3A_107 = tpu.memref_slice %arg12[%dma_start3A_105, %dma_start3A_106] : memref<10240x128xf32, #tpu.memory_space<vmem_shared>> -> memref<10240x128xf32, #tpu.memory_space<vmem_shared>>
      tpu.enqueue_indirect_dma source(%arg10 : memref<125x128xf32, #tpu.memory_space<vmem>>) target(%dma_start3A_107 : memref<10240x128xf32, #tpu.memory_space<vmem_shared>>) offsets(%dma_start3A_104 : memref<125xi32, #tpu.memory_space<vmem>>) semaphore(%arg15 : memref<!tpu.dma_semaphore, #tpu.memory_space<semaphore_mem>>) {add = true}
      %mul3A_108 = arith.constant 8 : i32
      %mul3A_109 = arith.muli %scan3A_38, %mul3A_108 : i32
      %add3A_110 = arith.constant 7 : i32
      %add3A_111 = arith.addi %mul3A_109, %add3A_110 : i32
      %dma_start3A_112 = arith.constant 0 : i32
      %dma_start3A_113 = tpu.memref_slice %arg9[%add3A_111, %dma_start3A_112] : memref<40x125xi32, #tpu.memory_space<vmem>> -> memref<1x125xi32, #tpu.memory_space<vmem>>
      %dma_start3A_114 = tpu.memref_squeeze %dma_start3A_113 : memref<1x125xi32, #tpu.memory_space<vmem>> -> memref<125xi32, #tpu.memory_space<vmem>>
      %dma_start3A_115 = arith.constant 0 : i32
      %dma_start3A_116 = arith.constant 0 : i32
      %dma_start3A_117 = tpu.memref_slice %arg12[%dma_start3A_115, %dma_start3A_116] : memref<10240x128xf32, #tpu.memory_space<vmem_shared>> -> memref<10240x128xf32, #tpu.memory_space<vmem_shared>>
      tpu.enqueue_indirect_dma source(%arg10 : memref<125x128xf32, #tpu.memory_space<vmem>>) target(%dma_start3A_117 : memref<10240x128xf32, #tpu.memory_space<vmem_shared>>) offsets(%dma_start3A_114 : memref<125xi32, #tpu.memory_space<vmem>>) semaphore(%arg15 : memref<!tpu.dma_semaphore, #tpu.memory_space<semaphore_mem>>) {add = true}
      %dma_wait3A = arith.constant 0 : i32
      %dma_wait3A_118 = arith.constant 0 : i32
      %dma_wait3A_119 = tpu.memref_slice %arg9[%dma_wait3A, %dma_wait3A_118] : memref<40x125xi32, #tpu.memory_space<vmem>> -> memref<1x125xi32, #tpu.memory_space<vmem>>
      %dma_wait3A_120 = tpu.memref_squeeze %dma_wait3A_119 : memref<1x125xi32, #tpu.memory_space<vmem>> -> memref<125xi32, #tpu.memory_space<vmem>>
      %dma_wait3A_121 = arith.constant 0 : i32
      %dma_wait3A_122 = arith.constant 0 : i32
      %dma_wait3A_123 = tpu.memref_slice %arg12[%dma_wait3A_121, %dma_wait3A_122] : memref<10240x128xf32, #tpu.memory_space<vmem_shared>> -> memref<10240x128xf32, #tpu.memory_space<vmem_shared>>
      tpu.wait_indirect_dma semaphore(%arg15 : memref<!tpu.dma_semaphore, #tpu.memory_space<semaphore_mem>>) src(%arg10 : memref<125x128xf32, #tpu.memory_space<vmem>>) dst(%dma_wait3A_123 : memref<10240x128xf32, #tpu.memory_space<vmem_shared>>)
      %dma_wait3A_124 = arith.constant 0 : i32
      %dma_wait3A_125 = arith.constant 0 : i32
      %dma_wait3A_126 = tpu.memref_slice %arg9[%dma_wait3A_124, %dma_wait3A_125] : memref<40x125xi32, #tpu.memory_space<vmem>> -> memref<1x125xi32, #tpu.memory_space<vmem>>
      %dma_wait3A_127 = tpu.memref_squeeze %dma_wait3A_126 : memref<1x125xi32, #tpu.memory_space<vmem>> -> memref<125xi32, #tpu.memory_space<vmem>>
      %dma_wait3A_128 = arith.constant 0 : i32
      %dma_wait3A_129 = arith.constant 0 : i32
      %dma_wait3A_130 = tpu.memref_slice %arg12[%dma_wait3A_128, %dma_wait3A_129] : memref<10240x128xf32, #tpu.memory_space<vmem_shared>> -> memref<10240x128xf32, #tpu.memory_space<vmem_shared>>
      tpu.wait_indirect_dma semaphore(%arg15 : memref<!tpu.dma_semaphore, #tpu.memory_space<semaphore_mem>>) src(%arg10 : memref<125x128xf32, #tpu.memory_space<vmem>>) dst(%dma_wait3A_130 : memref<10240x128xf32, #tpu.memory_space<vmem_shared>>)
      %dma_wait3A_131 = arith.constant 0 : i32
      %dma_wait3A_132 = arith.constant 0 : i32
      %dma_wait3A_133 = tpu.memref_slice %arg9[%dma_wait3A_131, %dma_wait3A_132] : memref<40x125xi32, #tpu.memory_space<vmem>> -> memref<1x125xi32, #tpu.memory_space<vmem>>
      %dma_wait3A_134 = tpu.memref_squeeze %dma_wait3A_133 : memref<1x125xi32, #tpu.memory_space<vmem>> -> memref<125xi32, #tpu.memory_space<vmem>>
      %dma_wait3A_135 = arith.constant 0 : i32
      %dma_wait3A_136 = arith.constant 0 : i32
      %dma_wait3A_137 = tpu.memref_slice %arg12[%dma_wait3A_135, %dma_wait3A_136] : memref<10240x128xf32, #tpu.memory_space<vmem_shared>> -> memref<10240x128xf32, #tpu.memory_space<vmem_shared>>
      tpu.wait_indirect_dma semaphore(%arg15 : memref<!tpu.dma_semaphore, #tpu.memory_space<semaphore_mem>>) src(%arg10 : memref<125x128xf32, #tpu.memory_space<vmem>>) dst(%dma_wait3A_137 : memref<10240x128xf32, #tpu.memory_space<vmem_shared>>)
      %dma_wait3A_138 = arith.constant 0 : i32
      %dma_wait3A_139 = arith.constant 0 : i32
      %dma_wait3A_140 = tpu.memref_slice %arg9[%dma_wait3A_138, %dma_wait3A_139] : memref<40x125xi32, #tpu.memory_space<vmem>> -> memref<1x125xi32, #tpu.memory_space<vmem>>
      %dma_wait3A_141 = tpu.memref_squeeze %dma_wait3A_140 : memref<1x125xi32, #tpu.memory_space<vmem>> -> memref<125xi32, #tpu.memory_space<vmem>>
      %dma_wait3A_142 = arith.constant 0 : i32
      %dma_wait3A_143 = arith.constant 0 : i32
      %dma_wait3A_144 = tpu.memref_slice %arg12[%dma_wait3A_142, %dma_wait3A_143] : memref<10240x128xf32, #tpu.memory_space<vmem_shared>> -> memref<10240x128xf32, #tpu.memory_space<vmem_shared>>
      tpu.wait_indirect_dma semaphore(%arg15 : memref<!tpu.dma_semaphore, #tpu.memory_space<semaphore_mem>>) src(%arg10 : memref<125x128xf32, #tpu.memory_space<vmem>>) dst(%dma_wait3A_144 : memref<10240x128xf32, #tpu.memory_space<vmem_shared>>)
      %dma_wait3A_145 = arith.constant 0 : i32
      %dma_wait3A_146 = arith.constant 0 : i32
      %dma_wait3A_147 = tpu.memref_slice %arg9[%dma_wait3A_145, %dma_wait3A_146] : memref<40x125xi32, #tpu.memory_space<vmem>> -> memref<1x125xi32, #tpu.memory_space<vmem>>
      %dma_wait3A_148 = tpu.memref_squeeze %dma_wait3A_147 : memref<1x125xi32, #tpu.memory_space<vmem>> -> memref<125xi32, #tpu.memory_space<vmem>>
      %dma_wait3A_149 = arith.constant 0 : i32
      %dma_wait3A_150 = arith.constant 0 : i32
      %dma_wait3A_151 = tpu.memref_slice %arg12[%dma_wait3A_149, %dma_wait3A_150] : memref<10240x128xf32, #tpu.memory_space<vmem_shared>> -> memref<10240x128xf32, #tpu.memory_space<vmem_shared>>
      tpu.wait_indirect_dma semaphore(%arg15 : memref<!tpu.dma_semaphore, #tpu.memory_space<semaphore_mem>>) src(%arg10 : memref<125x128xf32, #tpu.memory_space<vmem>>) dst(%dma_wait3A_151 : memref<10240x128xf32, #tpu.memory_space<vmem_shared>>)
      %dma_wait3A_152 = arith.constant 0 : i32
      %dma_wait3A_153 = arith.constant 0 : i32
      %dma_wait3A_154 = tpu.memref_slice %arg9[%dma_wait3A_152, %dma_wait3A_153] : memref<40x125xi32, #tpu.memory_space<vmem>> -> memref<1x125xi32, #tpu.memory_space<vmem>>
      %dma_wait3A_155 = tpu.memref_squeeze %dma_wait3A_154 : memref<1x125xi32, #tpu.memory_space<vmem>> -> memref<125xi32, #tpu.memory_space<vmem>>
      %dma_wait3A_156 = arith.constant 0 : i32
      %dma_wait3A_157 = arith.constant 0 : i32
      %dma_wait3A_158 = tpu.memref_slice %arg12[%dma_wait3A_156, %dma_wait3A_157] : memref<10240x128xf32, #tpu.memory_space<vmem_shared>> -> memref<10240x128xf32, #tpu.memory_space<vmem_shared>>
      tpu.wait_indirect_dma semaphore(%arg15 : memref<!tpu.dma_semaphore, #tpu.memory_space<semaphore_mem>>) src(%arg10 : memref<125x128xf32, #tpu.memory_space<vmem>>) dst(%dma_wait3A_158 : memref<10240x128xf32, #tpu.memory_space<vmem_shared>>)
      %dma_wait3A_159 = arith.constant 0 : i32
      %dma_wait3A_160 = arith.constant 0 : i32
      %dma_wait3A_161 = tpu.memref_slice %arg9[%dma_wait3A_159, %dma_wait3A_160] : memref<40x125xi32, #tpu.memory_space<vmem>> -> memref<1x125xi32, #tpu.memory_space<vmem>>
      %dma_wait3A_162 = tpu.memref_squeeze %dma_wait3A_161 : memref<1x125xi32, #tpu.memory_space<vmem>> -> memref<125xi32, #tpu.memory_space<vmem>>
      %dma_wait3A_163 = arith.constant 0 : i32
      %dma_wait3A_164 = arith.constant 0 : i32
      %dma_wait3A_165 = tpu.memref_slice %arg12[%dma_wait3A_163, %dma_wait3A_164] : memref<10240x128xf32, #tpu.memory_space<vmem_shared>> -> memref<10240x128xf32, #tpu.memory_space<vmem_shared>>
      tpu.wait_indirect_dma semaphore(%arg15 : memref<!tpu.dma_semaphore, #tpu.memory_space<semaphore_mem>>) src(%arg10 : memref<125x128xf32, #tpu.memory_space<vmem>>) dst(%dma_wait3A_165 : memref<10240x128xf32, #tpu.memory_space<vmem_shared>>)
      %dma_wait3A_166 = arith.constant 0 : i32
      %dma_wait3A_167 = arith.constant 0 : i32
      %dma_wait3A_168 = tpu.memref_slice %arg9[%dma_wait3A_166, %dma_wait3A_167] : memref<40x125xi32, #tpu.memory_space<vmem>> -> memref<1x125xi32, #tpu.memory_space<vmem>>
      %dma_wait3A_169 = tpu.memref_squeeze %dma_wait3A_168 : memref<1x125xi32, #tpu.memory_space<vmem>> -> memref<125xi32, #tpu.memory_space<vmem>>
      %dma_wait3A_170 = arith.constant 0 : i32
      %dma_wait3A_171 = arith.constant 0 : i32
      %dma_wait3A_172 = tpu.memref_slice %arg12[%dma_wait3A_170, %dma_wait3A_171] : memref<10240x128xf32, #tpu.memory_space<vmem_shared>> -> memref<10240x128xf32, #tpu.memory_space<vmem_shared>>
      tpu.wait_indirect_dma semaphore(%arg15 : memref<!tpu.dma_semaphore, #tpu.memory_space<semaphore_mem>>) src(%arg10 : memref<125x128xf32, #tpu.memory_space<vmem>>) dst(%dma_wait3A_172 : memref<10240x128xf32, #tpu.memory_space<vmem_shared>>)
    }
    %scan3A_18 = arith.constant 5 : i32
    %mul3A_19 = arith.constant 16 : i32
    %mul3A_20 = arith.muli %arg0, %mul3A_19 : i32
    %add3A_21 = arith.addi %mul3A_20, %arg1 : i32
    %mul3A_22 = arith.constant 80 : i32
    %mul3A_23 = arith.muli %add3A_21, %mul3A_22 : i32
    %add3A_24 = arith.constant 40 : i32
    %add3A_25 = arith.addi %mul3A_23, %add3A_24 : i32
    "tpu.region"() ({
      %run_scoped3A = tpu.sem_alloc : memref<!tpu.dma_semaphore, #tpu.memory_space<semaphore_mem>>
      %dma_start3A = arith.constant 0 : i32
      %dma_start3A_38 = tpu.memref_slice %arg3[%add3A_25, %dma_start3A] : memref<2560x125xi32, #tpu.memory_space<hbm>> -> memref<40x125xi32, #tpu.memory_space<hbm>>
      %dma_start3A_39 = arith.constant 0 : i32
      %dma_start3A_40 = tpu.memref_slice %arg3[%add3A_25, %dma_start3A_39] : memref<2560x125xi32, #tpu.memory_space<hbm>> -> memref<40x125xi32, #tpu.memory_space<hbm>>
      tpu.enqueue_dma source(%dma_start3A_40 : memref<40x125xi32, #tpu.memory_space<hbm>>) target(%arg9 : memref<40x125xi32, #tpu.memory_space<vmem>>) target_semaphore(%run_scoped3A : memref<!tpu.dma_semaphore, #tpu.memory_space<semaphore_mem>>)
      %dma_wait3A = arith.constant 0 : i32
      %dma_wait3A_41 = tpu.memref_slice %arg3[%add3A_25, %dma_wait3A] : memref<2560x125xi32, #tpu.memory_space<hbm>> -> memref<40x125xi32, #tpu.memory_space<hbm>>
      %dma_wait3A_42 = arith.constant 0 : i32
      %dma_wait3A_43 = tpu.memref_slice %arg3[%add3A_25, %dma_wait3A_42] : memref<2560x125xi32, #tpu.memory_space<hbm>> -> memref<40x125xi32, #tpu.memory_space<hbm>>
      tpu.wait_dma2 semaphore(%run_scoped3A : memref<!tpu.dma_semaphore, #tpu.memory_space<semaphore_mem>>) src(%dma_wait3A_43 : memref<40x125xi32, #tpu.memory_space<hbm>>) dst(%arg9 : memref<40x125xi32, #tpu.memory_space<vmem>>)
      tpu.yield
    }) : () -> ()
    %scan3A_26 = arith.constant 0 : i32
    %scan3A_27 = arith.constant 0 : i32
    %scan3A_28 = arith.constant 5 : i32
    %scan3A_29 = arith.addi %scan3A_27, %scan3A_28 : i32
    %scan3A_30 = arith.constant 1 : i32
    scf.for %scan3A_38 = %scan3A_27 to %scan3A_29 step %scan3A_30  : i32 {
      %mul3A_39 = arith.constant 8 : i32
      %mul3A_40 = arith.muli %scan3A_38, %mul3A_39 : i32
      %add3A_41 = arith.constant 0 : i32
      %add3A_42 = arith.addi %mul3A_40, %add3A_41 : i32
      %dma_start3A = arith.constant 0 : i32
      %dma_start3A_43 = tpu.memref_slice %arg9[%add3A_42, %dma_start3A] : memref<40x125xi32, #tpu.memory_space<vmem>> -> memref<1x125xi32, #tpu.memory_space<vmem>>
      %dma_start3A_44 = tpu.memref_squeeze %dma_start3A_43 : memref<1x125xi32, #tpu.memory_space<vmem>> -> memref<125xi32, #tpu.memory_space<vmem>>
      %dma_start3A_45 = arith.constant 0 : i32
      %dma_start3A_46 = arith.constant 0 : i32
      %dma_start3A_47 = tpu.memref_slice %arg12[%dma_start3A_45, %dma_start3A_46] : memref<10240x128xf32, #tpu.memory_space<vmem_shared>> -> memref<10240x128xf32, #tpu.memory_space<vmem_shared>>
      tpu.enqueue_indirect_dma source(%arg10 : memref<125x128xf32, #tpu.memory_space<vmem>>) target(%dma_start3A_47 : memref<10240x128xf32, #tpu.memory_space<vmem_shared>>) offsets(%dma_start3A_44 : memref<125xi32, #tpu.memory_space<vmem>>) semaphore(%arg15 : memref<!tpu.dma_semaphore, #tpu.memory_space<semaphore_mem>>) {add = true}
      %mul3A_48 = arith.constant 8 : i32
      %mul3A_49 = arith.muli %scan3A_38, %mul3A_48 : i32
      %add3A_50 = arith.constant 1 : i32
      %add3A_51 = arith.addi %mul3A_49, %add3A_50 : i32
      %dma_start3A_52 = arith.constant 0 : i32
      %dma_start3A_53 = tpu.memref_slice %arg9[%add3A_51, %dma_start3A_52] : memref<40x125xi32, #tpu.memory_space<vmem>> -> memref<1x125xi32, #tpu.memory_space<vmem>>
      %dma_start3A_54 = tpu.memref_squeeze %dma_start3A_53 : memref<1x125xi32, #tpu.memory_space<vmem>> -> memref<125xi32, #tpu.memory_space<vmem>>
      %dma_start3A_55 = arith.constant 0 : i32
      %dma_start3A_56 = arith.constant 0 : i32
      %dma_start3A_57 = tpu.memref_slice %arg12[%dma_start3A_55, %dma_start3A_56] : memref<10240x128xf32, #tpu.memory_space<vmem_shared>> -> memref<10240x128xf32, #tpu.memory_space<vmem_shared>>
      tpu.enqueue_indirect_dma source(%arg10 : memref<125x128xf32, #tpu.memory_space<vmem>>) target(%dma_start3A_57 : memref<10240x128xf32, #tpu.memory_space<vmem_shared>>) offsets(%dma_start3A_54 : memref<125xi32, #tpu.memory_space<vmem>>) semaphore(%arg15 : memref<!tpu.dma_semaphore, #tpu.memory_space<semaphore_mem>>) {add = true}
      %mul3A_58 = arith.constant 8 : i32
      %mul3A_59 = arith.muli %scan3A_38, %mul3A_58 : i32
      %add3A_60 = arith.constant 2 : i32
      %add3A_61 = arith.addi %mul3A_59, %add3A_60 : i32
      %dma_start3A_62 = arith.constant 0 : i32
      %dma_start3A_63 = tpu.memref_slice %arg9[%add3A_61, %dma_start3A_62] : memref<40x125xi32, #tpu.memory_space<vmem>> -> memref<1x125xi32, #tpu.memory_space<vmem>>
      %dma_start3A_64 = tpu.memref_squeeze %dma_start3A_63 : memref<1x125xi32, #tpu.memory_space<vmem>> -> memref<125xi32, #tpu.memory_space<vmem>>
      %dma_start3A_65 = arith.constant 0 : i32
      %dma_start3A_66 = arith.constant 0 : i32
      %dma_start3A_67 = tpu.memref_slice %arg12[%dma_start3A_65, %dma_start3A_66] : memref<10240x128xf32, #tpu.memory_space<vmem_shared>> -> memref<10240x128xf32, #tpu.memory_space<vmem_shared>>
      tpu.enqueue_indirect_dma source(%arg10 : memref<125x128xf32, #tpu.memory_space<vmem>>) target(%dma_start3A_67 : memref<10240x128xf32, #tpu.memory_space<vmem_shared>>) offsets(%dma_start3A_64 : memref<125xi32, #tpu.memory_space<vmem>>) semaphore(%arg15 : memref<!tpu.dma_semaphore, #tpu.memory_space<semaphore_mem>>) {add = true}
      %mul3A_68 = arith.constant 8 : i32
      %mul3A_69 = arith.muli %scan3A_38, %mul3A_68 : i32
      %add3A_70 = arith.constant 3 : i32
      %add3A_71 = arith.addi %mul3A_69, %add3A_70 : i32
      %dma_start3A_72 = arith.constant 0 : i32
      %dma_start3A_73 = tpu.memref_slice %arg9[%add3A_71, %dma_start3A_72] : memref<40x125xi32, #tpu.memory_space<vmem>> -> memref<1x125xi32, #tpu.memory_space<vmem>>
      %dma_start3A_74 = tpu.memref_squeeze %dma_start3A_73 : memref<1x125xi32, #tpu.memory_space<vmem>> -> memref<125xi32, #tpu.memory_space<vmem>>
      %dma_start3A_75 = arith.constant 0 : i32
      %dma_start3A_76 = arith.constant 0 : i32
      %dma_start3A_77 = tpu.memref_slice %arg12[%dma_start3A_75, %dma_start3A_76] : memref<10240x128xf32, #tpu.memory_space<vmem_shared>> -> memref<10240x128xf32, #tpu.memory_space<vmem_shared>>
      tpu.enqueue_indirect_dma source(%arg10 : memref<125x128xf32, #tpu.memory_space<vmem>>) target(%dma_start3A_77 : memref<10240x128xf32, #tpu.memory_space<vmem_shared>>) offsets(%dma_start3A_74 : memref<125xi32, #tpu.memory_space<vmem>>) semaphore(%arg15 : memref<!tpu.dma_semaphore, #tpu.memory_space<semaphore_mem>>) {add = true}
      %mul3A_78 = arith.constant 8 : i32
      %mul3A_79 = arith.muli %scan3A_38, %mul3A_78 : i32
      %add3A_80 = arith.constant 4 : i32
      %add3A_81 = arith.addi %mul3A_79, %add3A_80 : i32
      %dma_start3A_82 = arith.constant 0 : i32
      %dma_start3A_83 = tpu.memref_slice %arg9[%add3A_81, %dma_start3A_82] : memref<40x125xi32, #tpu.memory_space<vmem>> -> memref<1x125xi32, #tpu.memory_space<vmem>>
      %dma_start3A_84 = tpu.memref_squeeze %dma_start3A_83 : memref<1x125xi32, #tpu.memory_space<vmem>> -> memref<125xi32, #tpu.memory_space<vmem>>
      %dma_start3A_85 = arith.constant 0 : i32
      %dma_start3A_86 = arith.constant 0 : i32
      %dma_start3A_87 = tpu.memref_slice %arg12[%dma_start3A_85, %dma_start3A_86] : memref<10240x128xf32, #tpu.memory_space<vmem_shared>> -> memref<10240x128xf32, #tpu.memory_space<vmem_shared>>
      tpu.enqueue_indirect_dma source(%arg10 : memref<125x128xf32, #tpu.memory_space<vmem>>) target(%dma_start3A_87 : memref<10240x128xf32, #tpu.memory_space<vmem_shared>>) offsets(%dma_start3A_84 : memref<125xi32, #tpu.memory_space<vmem>>) semaphore(%arg15 : memref<!tpu.dma_semaphore, #tpu.memory_space<semaphore_mem>>) {add = true}
      %mul3A_88 = arith.constant 8 : i32
      %mul3A_89 = arith.muli %scan3A_38, %mul3A_88 : i32
      %add3A_90 = arith.constant 5 : i32
      %add3A_91 = arith.addi %mul3A_89, %add3A_90 : i32
      %dma_start3A_92 = arith.constant 0 : i32
      %dma_start3A_93 = tpu.memref_slice %arg9[%add3A_91, %dma_start3A_92] : memref<40x125xi32, #tpu.memory_space<vmem>> -> memref<1x125xi32, #tpu.memory_space<vmem>>
      %dma_start3A_94 = tpu.memref_squeeze %dma_start3A_93 : memref<1x125xi32, #tpu.memory_space<vmem>> -> memref<125xi32, #tpu.memory_space<vmem>>
      %dma_start3A_95 = arith.constant 0 : i32
      %dma_start3A_96 = arith.constant 0 : i32
      %dma_start3A_97 = tpu.memref_slice %arg12[%dma_start3A_95, %dma_start3A_96] : memref<10240x128xf32, #tpu.memory_space<vmem_shared>> -> memref<10240x128xf32, #tpu.memory_space<vmem_shared>>
      tpu.enqueue_indirect_dma source(%arg10 : memref<125x128xf32, #tpu.memory_space<vmem>>) target(%dma_start3A_97 : memref<10240x128xf32, #tpu.memory_space<vmem_shared>>) offsets(%dma_start3A_94 : memref<125xi32, #tpu.memory_space<vmem>>) semaphore(%arg15 : memref<!tpu.dma_semaphore, #tpu.memory_space<semaphore_mem>>) {add = true}
      %mul3A_98 = arith.constant 8 : i32
      %mul3A_99 = arith.muli %scan3A_38, %mul3A_98 : i32
      %add3A_100 = arith.constant 6 : i32
      %add3A_101 = arith.addi %mul3A_99, %add3A_100 : i32
      %dma_start3A_102 = arith.constant 0 : i32
      %dma_start3A_103 = tpu.memref_slice %arg9[%add3A_101, %dma_start3A_102] : memref<40x125xi32, #tpu.memory_space<vmem>> -> memref<1x125xi32, #tpu.memory_space<vmem>>
      %dma_start3A_104 = tpu.memref_squeeze %dma_start3A_103 : memref<1x125xi32, #tpu.memory_space<vmem>> -> memref<125xi32, #tpu.memory_space<vmem>>
      %dma_start3A_105 = arith.constant 0 : i32
      %dma_start3A_106 = arith.constant 0 : i32
      %dma_start3A_107 = tpu.memref_slice %arg12[%dma_start3A_105, %dma_start3A_106] : memref<10240x128xf32, #tpu.memory_space<vmem_shared>> -> memref<10240x128xf32, #tpu.memory_space<vmem_shared>>
      tpu.enqueue_indirect_dma source(%arg10 : memref<125x128xf32, #tpu.memory_space<vmem>>) target(%dma_start3A_107 : memref<10240x128xf32, #tpu.memory_space<vmem_shared>>) offsets(%dma_start3A_104 : memref<125xi32, #tpu.memory_space<vmem>>) semaphore(%arg15 : memref<!tpu.dma_semaphore, #tpu.memory_space<semaphore_mem>>) {add = true}
      %mul3A_108 = arith.constant 8 : i32
      %mul3A_109 = arith.muli %scan3A_38, %mul3A_108 : i32
      %add3A_110 = arith.constant 7 : i32
      %add3A_111 = arith.addi %mul3A_109, %add3A_110 : i32
      %dma_start3A_112 = arith.constant 0 : i32
      %dma_start3A_113 = tpu.memref_slice %arg9[%add3A_111, %dma_start3A_112] : memref<40x125xi32, #tpu.memory_space<vmem>> -> memref<1x125xi32, #tpu.memory_space<vmem>>
      %dma_start3A_114 = tpu.memref_squeeze %dma_start3A_113 : memref<1x125xi32, #tpu.memory_space<vmem>> -> memref<125xi32, #tpu.memory_space<vmem>>
      %dma_start3A_115 = arith.constant 0 : i32
      %dma_start3A_116 = arith.constant 0 : i32
      %dma_start3A_117 = tpu.memref_slice %arg12[%dma_start3A_115, %dma_start3A_116] : memref<10240x128xf32, #tpu.memory_space<vmem_shared>> -> memref<10240x128xf32, #tpu.memory_space<vmem_shared>>
      tpu.enqueue_indirect_dma source(%arg10 : memref<125x128xf32, #tpu.memory_space<vmem>>) target(%dma_start3A_117 : memref<10240x128xf32, #tpu.memory_space<vmem_shared>>) offsets(%dma_start3A_114 : memref<125xi32, #tpu.memory_space<vmem>>) semaphore(%arg15 : memref<!tpu.dma_semaphore, #tpu.memory_space<semaphore_mem>>) {add = true}
      %dma_wait3A = arith.constant 0 : i32
      %dma_wait3A_118 = arith.constant 0 : i32
      %dma_wait3A_119 = tpu.memref_slice %arg9[%dma_wait3A, %dma_wait3A_118] : memref<40x125xi32, #tpu.memory_space<vmem>> -> memref<1x125xi32, #tpu.memory_space<vmem>>
      %dma_wait3A_120 = tpu.memref_squeeze %dma_wait3A_119 : memref<1x125xi32, #tpu.memory_space<vmem>> -> memref<125xi32, #tpu.memory_space<vmem>>
      %dma_wait3A_121 = arith.constant 0 : i32
      %dma_wait3A_122 = arith.constant 0 : i32
      %dma_wait3A_123 = tpu.memref_slice %arg12[%dma_wait3A_121, %dma_wait3A_122] : memref<10240x128xf32, #tpu.memory_space<vmem_shared>> -> memref<10240x128xf32, #tpu.memory_space<vmem_shared>>
      tpu.wait_indirect_dma semaphore(%arg15 : memref<!tpu.dma_semaphore, #tpu.memory_space<semaphore_mem>>) src(%arg10 : memref<125x128xf32, #tpu.memory_space<vmem>>) dst(%dma_wait3A_123 : memref<10240x128xf32, #tpu.memory_space<vmem_shared>>)
      %dma_wait3A_124 = arith.constant 0 : i32
      %dma_wait3A_125 = arith.constant 0 : i32
      %dma_wait3A_126 = tpu.memref_slice %arg9[%dma_wait3A_124, %dma_wait3A_125] : memref<40x125xi32, #tpu.memory_space<vmem>> -> memref<1x125xi32, #tpu.memory_space<vmem>>
      %dma_wait3A_127 = tpu.memref_squeeze %dma_wait3A_126 : memref<1x125xi32, #tpu.memory_space<vmem>> -> memref<125xi32, #tpu.memory_space<vmem>>
      %dma_wait3A_128 = arith.constant 0 : i32
      %dma_wait3A_129 = arith.constant 0 : i32
      %dma_wait3A_130 = tpu.memref_slice %arg12[%dma_wait3A_128, %dma_wait3A_129] : memref<10240x128xf32, #tpu.memory_space<vmem_shared>> -> memref<10240x128xf32, #tpu.memory_space<vmem_shared>>
      tpu.wait_indirect_dma semaphore(%arg15 : memref<!tpu.dma_semaphore, #tpu.memory_space<semaphore_mem>>) src(%arg10 : memref<125x128xf32, #tpu.memory_space<vmem>>) dst(%dma_wait3A_130 : memref<10240x128xf32, #tpu.memory_space<vmem_shared>>)
      %dma_wait3A_131 = arith.constant 0 : i32
      %dma_wait3A_132 = arith.constant 0 : i32
      %dma_wait3A_133 = tpu.memref_slice %arg9[%dma_wait3A_131, %dma_wait3A_132] : memref<40x125xi32, #tpu.memory_space<vmem>> -> memref<1x125xi32, #tpu.memory_space<vmem>>
      %dma_wait3A_134 = tpu.memref_squeeze %dma_wait3A_133 : memref<1x125xi32, #tpu.memory_space<vmem>> -> memref<125xi32, #tpu.memory_space<vmem>>
      %dma_wait3A_135 = arith.constant 0 : i32
      %dma_wait3A_136 = arith.constant 0 : i32
      %dma_wait3A_137 = tpu.memref_slice %arg12[%dma_wait3A_135, %dma_wait3A_136] : memref<10240x128xf32, #tpu.memory_space<vmem_shared>> -> memref<10240x128xf32, #tpu.memory_space<vmem_shared>>
      tpu.wait_indirect_dma semaphore(%arg15 : memref<!tpu.dma_semaphore, #tpu.memory_space<semaphore_mem>>) src(%arg10 : memref<125x128xf32, #tpu.memory_space<vmem>>) dst(%dma_wait3A_137 : memref<10240x128xf32, #tpu.memory_space<vmem_shared>>)
      %dma_wait3A_138 = arith.constant 0 : i32
      %dma_wait3A_139 = arith.constant 0 : i32
      %dma_wait3A_140 = tpu.memref_slice %arg9[%dma_wait3A_138, %dma_wait3A_139] : memref<40x125xi32, #tpu.memory_space<vmem>> -> memref<1x125xi32, #tpu.memory_space<vmem>>
      %dma_wait3A_141 = tpu.memref_squeeze %dma_wait3A_140 : memref<1x125xi32, #tpu.memory_space<vmem>> -> memref<125xi32, #tpu.memory_space<vmem>>
      %dma_wait3A_142 = arith.constant 0 : i32
      %dma_wait3A_143 = arith.constant 0 : i32
      %dma_wait3A_144 = tpu.memref_slice %arg12[%dma_wait3A_142, %dma_wait3A_143] : memref<10240x128xf32, #tpu.memory_space<vmem_shared>> -> memref<10240x128xf32, #tpu.memory_space<vmem_shared>>
      tpu.wait_indirect_dma semaphore(%arg15 : memref<!tpu.dma_semaphore, #tpu.memory_space<semaphore_mem>>) src(%arg10 : memref<125x128xf32, #tpu.memory_space<vmem>>) dst(%dma_wait3A_144 : memref<10240x128xf32, #tpu.memory_space<vmem_shared>>)
      %dma_wait3A_145 = arith.constant 0 : i32
      %dma_wait3A_146 = arith.constant 0 : i32
      %dma_wait3A_147 = tpu.memref_slice %arg9[%dma_wait3A_145, %dma_wait3A_146] : memref<40x125xi32, #tpu.memory_space<vmem>> -> memref<1x125xi32, #tpu.memory_space<vmem>>
      %dma_wait3A_148 = tpu.memref_squeeze %dma_wait3A_147 : memref<1x125xi32, #tpu.memory_space<vmem>> -> memref<125xi32, #tpu.memory_space<vmem>>
      %dma_wait3A_149 = arith.constant 0 : i32
      %dma_wait3A_150 = arith.constant 0 : i32
      %dma_wait3A_151 = tpu.memref_slice %arg12[%dma_wait3A_149, %dma_wait3A_150] : memref<10240x128xf32, #tpu.memory_space<vmem_shared>> -> memref<10240x128xf32, #tpu.memory_space<vmem_shared>>
      tpu.wait_indirect_dma semaphore(%arg15 : memref<!tpu.dma_semaphore, #tpu.memory_space<semaphore_mem>>) src(%arg10 : memref<125x128xf32, #tpu.memory_space<vmem>>) dst(%dma_wait3A_151 : memref<10240x128xf32, #tpu.memory_space<vmem_shared>>)
      %dma_wait3A_152 = arith.constant 0 : i32
      %dma_wait3A_153 = arith.constant 0 : i32
      %dma_wait3A_154 = tpu.memref_slice %arg9[%dma_wait3A_152, %dma_wait3A_153] : memref<40x125xi32, #tpu.memory_space<vmem>> -> memref<1x125xi32, #tpu.memory_space<vmem>>
      %dma_wait3A_155 = tpu.memref_squeeze %dma_wait3A_154 : memref<1x125xi32, #tpu.memory_space<vmem>> -> memref<125xi32, #tpu.memory_space<vmem>>
      %dma_wait3A_156 = arith.constant 0 : i32
      %dma_wait3A_157 = arith.constant 0 : i32
      %dma_wait3A_158 = tpu.memref_slice %arg12[%dma_wait3A_156, %dma_wait3A_157] : memref<10240x128xf32, #tpu.memory_space<vmem_shared>> -> memref<10240x128xf32, #tpu.memory_space<vmem_shared>>
      tpu.wait_indirect_dma semaphore(%arg15 : memref<!tpu.dma_semaphore, #tpu.memory_space<semaphore_mem>>) src(%arg10 : memref<125x128xf32, #tpu.memory_space<vmem>>) dst(%dma_wait3A_158 : memref<10240x128xf32, #tpu.memory_space<vmem_shared>>)
      %dma_wait3A_159 = arith.constant 0 : i32
      %dma_wait3A_160 = arith.constant 0 : i32
      %dma_wait3A_161 = tpu.memref_slice %arg9[%dma_wait3A_159, %dma_wait3A_160] : memref<40x125xi32, #tpu.memory_space<vmem>> -> memref<1x125xi32, #tpu.memory_space<vmem>>
      %dma_wait3A_162 = tpu.memref_squeeze %dma_wait3A_161 : memref<1x125xi32, #tpu.memory_space<vmem>> -> memref<125xi32, #tpu.memory_space<vmem>>
      %dma_wait3A_163 = arith.constant 0 : i32
      %dma_wait3A_164 = arith.constant 0 : i32
      %dma_wait3A_165 = tpu.memref_slice %arg12[%dma_wait3A_163, %dma_wait3A_164] : memref<10240x128xf32, #tpu.memory_space<vmem_shared>> -> memref<10240x128xf32, #tpu.memory_space<vmem_shared>>
      tpu.wait_indirect_dma semaphore(%arg15 : memref<!tpu.dma_semaphore, #tpu.memory_space<semaphore_mem>>) src(%arg10 : memref<125x128xf32, #tpu.memory_space<vmem>>) dst(%dma_wait3A_165 : memref<10240x128xf32, #tpu.memory_space<vmem_shared>>)
      %dma_wait3A_166 = arith.constant 0 : i32
      %dma_wait3A_167 = arith.constant 0 : i32
      %dma_wait3A_168 = tpu.memref_slice %arg9[%dma_wait3A_166, %dma_wait3A_167] : memref<40x125xi32, #tpu.memory_space<vmem>> -> memref<1x125xi32, #tpu.memory_space<vmem>>
      %dma_wait3A_169 = tpu.memref_squeeze %dma_wait3A_168 : memref<1x125xi32, #tpu.memory_space<vmem>> -> memref<125xi32, #tpu.memory_space<vmem>>
      %dma_wait3A_170 = arith.constant 0 : i32
      %dma_wait3A_171 = arith.constant 0 : i32
      %dma_wait3A_172 = tpu.memref_slice %arg12[%dma_wait3A_170, %dma_wait3A_171] : memref<10240x128xf32, #tpu.memory_space<vmem_shared>> -> memref<10240x128xf32, #tpu.memory_space<vmem_shared>>
      tpu.wait_indirect_dma semaphore(%arg15 : memref<!tpu.dma_semaphore, #tpu.memory_space<semaphore_mem>>) src(%arg10 : memref<125x128xf32, #tpu.memory_space<vmem>>) dst(%dma_wait3A_172 : memref<10240x128xf32, #tpu.memory_space<vmem_shared>>)
    }
    %scan3A_31 = arith.constant 5 : i32
    %barrier3A_32 = arith.constant 0 : index
    tpu.barrier barrier_id(%barrier3A_32)
    %mul3A_33 = arith.constant 10240 : i32
    %mul3A_34 = arith.muli %arg0, %mul3A_33 : i32
    %mul3A_35 = arith.constant 640 : i32
    %mul3A_36 = arith.muli %arg1, %mul3A_35 : i32
    %add3A_37 = arith.addi %mul3A_34, %mul3A_36 : i32
    "tpu.region"() ({
      %run_scoped3A = tpu.sem_alloc : memref<!tpu.dma_semaphore, #tpu.memory_space<semaphore_mem>>
      %dma_start3A = arith.constant 0 : i32
      %dma_start3A_38 = tpu.memref_slice %arg7[%add3A_37, %dma_start3A] : memref<20480x128xf32, #tpu.memory_space<hbm>> -> memref<640x128xf32, #tpu.memory_space<hbm>>
      %dma_start3A_39 = arith.constant 0 : i32
      %dma_start3A_40 = tpu.memref_slice %arg12[%mul3A_0, %dma_start3A_39] : memref<10240x128xf32, #tpu.memory_space<vmem_shared>> -> memref<640x128xf32, #tpu.memory_space<vmem_shared>>
      tpu.enqueue_dma source(%dma_start3A_40 : memref<640x128xf32, #tpu.memory_space<vmem_shared>>) target(%dma_start3A_38 : memref<640x128xf32, #tpu.memory_space<hbm>>) target_semaphore(%run_scoped3A : memref<!tpu.dma_semaphore, #tpu.memory_space<semaphore_mem>>)
      %dma_wait3A = arith.constant 0 : i32
      %dma_wait3A_41 = tpu.memref_slice %arg7[%add3A_37, %dma_wait3A] : memref<20480x128xf32, #tpu.memory_space<hbm>> -> memref<640x128xf32, #tpu.memory_space<hbm>>
      %dma_wait3A_42 = arith.constant 0 : i32
      %dma_wait3A_43 = tpu.memref_slice %arg12[%mul3A_0, %dma_wait3A_42] : memref<10240x128xf32, #tpu.memory_space<vmem_shared>> -> memref<640x128xf32, #tpu.memory_space<vmem_shared>>
      tpu.wait_dma2 semaphore(%run_scoped3A : memref<!tpu.dma_semaphore, #tpu.memory_space<semaphore_mem>>) src(%dma_wait3A_43 : memref<640x128xf32, #tpu.memory_space<vmem_shared>>) dst(%dma_wait3A_41 : memref<640x128xf32, #tpu.memory_space<hbm>>)
      tpu.yield
    }) : () -> ()
    return
  }
}

#map = affine_map<(d0, d1) -> (0, 0)>
module attributes {stable_mosaic.version = 14 : i64} {
  func.func @agg(%arg0: i32, %arg1: i32, %arg2: memref<2560x125xi32, #tpu.memory_space<hbm>>, %arg3: memref<2560x125xi32, #tpu.memory_space<hbm>>, %arg4: memref<10240x128xf32, #tpu.memory_space<hbm>>, %arg5: memref<10240x128xf32, #tpu.memory_space<hbm>>, %arg6: memref<10240x128xf32, #tpu.memory_space<hbm>>, %arg7: memref<20480x128xf32, #tpu.memory_space<hbm>>, %arg8: memref<40x125xi32, #tpu.memory_space<vmem>>, %arg9: memref<40x125xi32, #tpu.memory_space<vmem>>, %arg10: memref<125x128xf32, #tpu.memory_space<vmem>>, %arg11: memref<125x128xf32, #tpu.memory_space<vmem>>, %arg12: memref<10240x128xf32, #tpu.memory_space<vmem_shared>>, %arg13: memref<!tpu.dma_semaphore, #tpu.memory_space<semaphore_mem>>, %arg14: memref<!tpu.dma_semaphore, #tpu.memory_space<semaphore_mem>>, %arg15: memref<!tpu.dma_semaphore, #tpu.memory_space<semaphore_mem>>, %arg16: memref<!tpu.dma_semaphore, #tpu.memory_space<semaphore_mem>>) attributes {dimension_semantics = [#tpu.dimension_semantics<core_parallel>, #tpu.dimension_semantics<subcore_parallel>], iteration_bounds = array<i64: 2, 16>, scalar_prefetch = 0 : i64, scratch_operands = 9 : i64, tpu.core_type = #tpu.core_type<sc_vector_subcore>, window_params = [{transform_indices = #map}, {transform_indices = #map}, {transform_indices = #map}, {transform_indices = #map}, {transform_indices = #map}, {transform_indices = #map}]} {
    %mul3A = arith.constant 640 : i32
    %mul3A_0 = arith.muli %arg1, %mul3A : i32
    "tpu.region"() ({
      %run_scoped3A = tpu.sem_alloc : memref<!tpu.dma_semaphore, #tpu.memory_space<semaphore_mem>>
      %dma_start3A = arith.constant 0 : i32
      %dma_start3A_13 = tpu.memref_slice %arg12[%mul3A_0, %dma_start3A] : memref<10240x128xf32, #tpu.memory_space<vmem_shared>> -> memref<640x128xf32, #tpu.memory_space<vmem_shared>>
      %dma_start3A_14 = arith.constant 0 : i32
      %dma_start3A_15 = tpu.memref_slice %arg6[%mul3A_0, %dma_start3A_14] : memref<10240x128xf32, #tpu.memory_space<hbm>> -> memref<640x128xf32, #tpu.memory_space<hbm>>
      tpu.enqueue_dma source(%dma_start3A_15 : memref<640x128xf32, #tpu.memory_space<hbm>>) target(%dma_start3A_13 : memref<640x128xf32, #tpu.memory_space<vmem_shared>>) target_semaphore(%run_scoped3A : memref<!tpu.dma_semaphore, #tpu.memory_space<semaphore_mem>>)
      %dma_wait3A = arith.constant 0 : i32
      %dma_wait3A_16 = tpu.memref_slice %arg12[%mul3A_0, %dma_wait3A] : memref<10240x128xf32, #tpu.memory_space<vmem_shared>> -> memref<640x128xf32, #tpu.memory_space<vmem_shared>>
      %dma_wait3A_17 = arith.constant 0 : i32
      %dma_wait3A_18 = tpu.memref_slice %arg6[%mul3A_0, %dma_wait3A_17] : memref<10240x128xf32, #tpu.memory_space<hbm>> -> memref<640x128xf32, #tpu.memory_space<hbm>>
      tpu.wait_dma2 semaphore(%run_scoped3A : memref<!tpu.dma_semaphore, #tpu.memory_space<semaphore_mem>>) src(%dma_wait3A_18 : memref<640x128xf32, #tpu.memory_space<hbm>>) dst(%dma_wait3A_16 : memref<640x128xf32, #tpu.memory_space<vmem_shared>>)
      tpu.yield
    }) : () -> ()
    %barrier3A = arith.constant 0 : index
    tpu.barrier barrier_id(%barrier3A)
    %eq3A = arith.constant 0 : i32
    %eq3A_1 = arith.cmpi eq, %arg0, %eq3A : i32
    %convert_element_type3A = arith.extui %eq3A_1 : i1 to i32
    %cond3A = arith.constant 0 : i32
    %cond3A_2 = arith.cmpi ne, %convert_element_type3A, %cond3A : i32
    scf.if %cond3A_2 {
      %mul3A_13 = arith.constant 160 : i32
      %mul3A_14 = arith.muli %arg1, %mul3A_13 : i32
      %add3A_15 = arith.constant 0 : i32
      %add3A_16 = arith.addi %mul3A_14, %add3A_15 : i32
      "tpu.region"() ({
        %run_scoped3A = tpu.sem_alloc : memref<!tpu.dma_semaphore, #tpu.memory_space<semaphore_mem>>
        %dma_start3A_95 = arith.constant 0 : i32
        %dma_start3A_96 = tpu.memref_slice %arg2[%add3A_16, %dma_start3A_95] : memref<2560x125xi32, #tpu.memory_space<hbm>> -> memref<40x125xi32, #tpu.memory_space<hbm>>
        %dma_start3A_97 = arith.constant 0 : i32
        %dma_start3A_98 = tpu.memref_slice %arg2[%add3A_16, %dma_start3A_97] : memref<2560x125xi32, #tpu.memory_space<hbm>> -> memref<40x125xi32, #tpu.memory_space<hbm>>
        tpu.enqueue_dma source(%dma_start3A_98 : memref<40x125xi32, #tpu.memory_space<hbm>>) target(%arg8 : memref<40x125xi32, #tpu.memory_space<vmem>>) target_semaphore(%run_scoped3A : memref<!tpu.dma_semaphore, #tpu.memory_space<semaphore_mem>>)
        %dma_wait3A = arith.constant 0 : i32
        %dma_wait3A_99 = tpu.memref_slice %arg2[%add3A_16, %dma_wait3A] : memref<2560x125xi32, #tpu.memory_space<hbm>> -> memref<40x125xi32, #tpu.memory_space<hbm>>
        %dma_wait3A_100 = arith.constant 0 : i32
        %dma_wait3A_101 = tpu.memref_slice %arg2[%add3A_16, %dma_wait3A_100] : memref<2560x125xi32, #tpu.memory_space<hbm>> -> memref<40x125xi32, #tpu.memory_space<hbm>>
        tpu.wait_dma2 semaphore(%run_scoped3A : memref<!tpu.dma_semaphore, #tpu.memory_space<semaphore_mem>>) src(%dma_wait3A_101 : memref<40x125xi32, #tpu.memory_space<hbm>>) dst(%arg8 : memref<40x125xi32, #tpu.memory_space<vmem>>)
        tpu.yield
      }) : () -> ()
      %mul3A_17 = arith.constant 160 : i32
      %mul3A_18 = arith.muli %arg1, %mul3A_17 : i32
      %add3A_19 = arith.constant 0 : i32
      %add3A_20 = arith.addi %mul3A_18, %add3A_19 : i32
      "tpu.region"() ({
        %run_scoped3A = tpu.sem_alloc : memref<!tpu.dma_semaphore, #tpu.memory_space<semaphore_mem>>
        %dma_start3A_95 = arith.constant 0 : i32
        %dma_start3A_96 = tpu.memref_slice %arg3[%add3A_20, %dma_start3A_95] : memref<2560x125xi32, #tpu.memory_space<hbm>> -> memref<40x125xi32, #tpu.memory_space<hbm>>
        %dma_start3A_97 = arith.constant 0 : i32
        %dma_start3A_98 = tpu.memref_slice %arg3[%add3A_20, %dma_start3A_97] : memref<2560x125xi32, #tpu.memory_space<hbm>> -> memref<40x125xi32, #tpu.memory_space<hbm>>
        tpu.enqueue_dma source(%dma_start3A_98 : memref<40x125xi32, #tpu.memory_space<hbm>>) target(%arg9 : memref<40x125xi32, #tpu.memory_space<vmem>>) target_semaphore(%run_scoped3A : memref<!tpu.dma_semaphore, #tpu.memory_space<semaphore_mem>>)
        %dma_wait3A = arith.constant 0 : i32
        %dma_wait3A_99 = tpu.memref_slice %arg3[%add3A_20, %dma_wait3A] : memref<2560x125xi32, #tpu.memory_space<hbm>> -> memref<40x125xi32, #tpu.memory_space<hbm>>
        %dma_wait3A_100 = arith.constant 0 : i32
        %dma_wait3A_101 = tpu.memref_slice %arg3[%add3A_20, %dma_wait3A_100] : memref<2560x125xi32, #tpu.memory_space<hbm>> -> memref<40x125xi32, #tpu.memory_space<hbm>>
        tpu.wait_dma2 semaphore(%run_scoped3A : memref<!tpu.dma_semaphore, #tpu.memory_space<semaphore_mem>>) src(%dma_wait3A_101 : memref<40x125xi32, #tpu.memory_space<hbm>>) dst(%arg9 : memref<40x125xi32, #tpu.memory_space<vmem>>)
        tpu.yield
      }) : () -> ()
      %dma_start3A = arith.constant 0 : i32
      %dma_start3A_21 = arith.constant 0 : i32
      %dma_start3A_22 = tpu.memref_slice %arg8[%dma_start3A, %dma_start3A_21] : memref<40x125xi32, #tpu.memory_space<vmem>> -> memref<1x125xi32, #tpu.memory_space<vmem>>
      %dma_start3A_23 = tpu.memref_squeeze %dma_start3A_22 : memref<1x125xi32, #tpu.memory_space<vmem>> -> memref<125xi32, #tpu.memory_space<vmem>>
      %dma_start3A_24 = arith.constant 0 : i32
      %dma_start3A_25 = arith.constant 0 : i32
      %dma_start3A_26 = tpu.memref_slice %arg4[%dma_start3A_24, %dma_start3A_25] : memref<10240x128xf32, #tpu.memory_space<hbm>> -> memref<10240x128xf32, #tpu.memory_space<hbm>>
      tpu.enqueue_indirect_dma source(%dma_start3A_26 : memref<10240x128xf32, #tpu.memory_space<hbm>>) target(%arg10 : memref<125x128xf32, #tpu.memory_space<vmem>>) offsets(%dma_start3A_23 : memref<125xi32, #tpu.memory_space<vmem>>) semaphore(%arg13 : memref<!tpu.dma_semaphore, #tpu.memory_space<semaphore_mem>>)
      %scan3A = arith.constant 0 : i32
      %scan3A_27 = arith.constant 0 : i32
      %scan3A_28 = arith.constant 20 : i32
      %scan3A_29 = arith.addi %scan3A_27, %scan3A_28 : i32
      %scan3A_30 = arith.constant 1 : i32
      scf.for %scan3A_95 = %scan3A_27 to %scan3A_29 step %scan3A_30  : i32 {
        %mul3A_96 = arith.constant 2 : i32
        %mul3A_97 = arith.muli %mul3A_96, %scan3A_95 : i32
        %add3A_98 = arith.constant 1 : i32
        %add3A_99 = arith.addi %mul3A_97, %add3A_98 : i32
        %dma_start3A_100 = arith.constant 0 : i32
        %dma_start3A_101 = tpu.memref_slice %arg8[%add3A_99, %dma_start3A_100] : memref<40x125xi32, #tpu.memory_space<vmem>> -> memref<1x125xi32, #tpu.memory_space<vmem>>
        %dma_start3A_102 = tpu.memref_squeeze %dma_start3A_101 : memref<1x125xi32, #tpu.memory_space<vmem>> -> memref<125xi32, #tpu.memory_space<vmem>>
        %dma_start3A_103 = arith.constant 0 : i32
        %dma_start3A_104 = arith.constant 0 : i32
        %dma_start3A_105 = tpu.memref_slice %arg4[%dma_start3A_103, %dma_start3A_104] : memref<10240x128xf32, #tpu.memory_space<hbm>> -> memref<10240x128xf32, #tpu.memory_space<hbm>>
        tpu.enqueue_indirect_dma source(%dma_start3A_105 : memref<10240x128xf32, #tpu.memory_space<hbm>>) target(%arg11 : memref<125x128xf32, #tpu.memory_space<vmem>>) offsets(%dma_start3A_102 : memref<125xi32, #tpu.memory_space<vmem>>) semaphore(%arg14 : memref<!tpu.dma_semaphore, #tpu.memory_space<semaphore_mem>>)
        %dma_wait3A = arith.constant 0 : i32
        %dma_wait3A_106 = tpu.memref_slice %arg8[%mul3A_97, %dma_wait3A] : memref<40x125xi32, #tpu.memory_space<vmem>> -> memref<1x125xi32, #tpu.memory_space<vmem>>
        %dma_wait3A_107 = tpu.memref_squeeze %dma_wait3A_106 : memref<1x125xi32, #tpu.memory_space<vmem>> -> memref<125xi32, #tpu.memory_space<vmem>>
        %dma_wait3A_108 = arith.constant 0 : i32
        %dma_wait3A_109 = arith.constant 0 : i32
        %dma_wait3A_110 = tpu.memref_slice %arg4[%dma_wait3A_108, %dma_wait3A_109] : memref<10240x128xf32, #tpu.memory_space<hbm>> -> memref<10240x128xf32, #tpu.memory_space<hbm>>
        tpu.wait_indirect_dma semaphore(%arg13 : memref<!tpu.dma_semaphore, #tpu.memory_space<semaphore_mem>>) src(%dma_wait3A_110 : memref<10240x128xf32, #tpu.memory_space<hbm>>) dst(%arg10 : memref<125x128xf32, #tpu.memory_space<vmem>>)
        "tpu.region"() ({
          %run_scoped3A = tpu.sem_alloc : memref<!tpu.dma_semaphore, #tpu.memory_space<semaphore_mem>>
          %dma_start3A_127 = arith.constant 0 : i32
          %dma_start3A_128 = tpu.memref_slice %arg9[%mul3A_97, %dma_start3A_127] : memref<40x125xi32, #tpu.memory_space<vmem>> -> memref<1x125xi32, #tpu.memory_space<vmem>>
          %dma_start3A_129 = tpu.memref_squeeze %dma_start3A_128 : memref<1x125xi32, #tpu.memory_space<vmem>> -> memref<125xi32, #tpu.memory_space<vmem>>
          %dma_start3A_130 = arith.constant 0 : i32
          %dma_start3A_131 = arith.constant 0 : i32
          %dma_start3A_132 = tpu.memref_slice %arg12[%dma_start3A_130, %dma_start3A_131] : memref<10240x128xf32, #tpu.memory_space<vmem_shared>> -> memref<10240x128xf32, #tpu.memory_space<vmem_shared>>
          tpu.enqueue_indirect_dma source(%arg10 : memref<125x128xf32, #tpu.memory_space<vmem>>) target(%dma_start3A_132 : memref<10240x128xf32, #tpu.memory_space<vmem_shared>>) offsets(%dma_start3A_129 : memref<125xi32, #tpu.memory_space<vmem>>) semaphore(%run_scoped3A : memref<!tpu.dma_semaphore, #tpu.memory_space<semaphore_mem>>) {add = true}
          %dma_wait3A_133 = arith.constant 0 : i32
          %dma_wait3A_134 = tpu.memref_slice %arg9[%mul3A_97, %dma_wait3A_133] : memref<40x125xi32, #tpu.memory_space<vmem>> -> memref<1x125xi32, #tpu.memory_space<vmem>>
          %dma_wait3A_135 = tpu.memref_squeeze %dma_wait3A_134 : memref<1x125xi32, #tpu.memory_space<vmem>> -> memref<125xi32, #tpu.memory_space<vmem>>
          %dma_wait3A_136 = arith.constant 0 : i32
          %dma_wait3A_137 = arith.constant 0 : i32
          %dma_wait3A_138 = tpu.memref_slice %arg12[%dma_wait3A_136, %dma_wait3A_137] : memref<10240x128xf32, #tpu.memory_space<vmem_shared>> -> memref<10240x128xf32, #tpu.memory_space<vmem_shared>>
          tpu.wait_indirect_dma semaphore(%run_scoped3A : memref<!tpu.dma_semaphore, #tpu.memory_space<semaphore_mem>>) src(%arg10 : memref<125x128xf32, #tpu.memory_space<vmem>>) dst(%dma_wait3A_138 : memref<10240x128xf32, #tpu.memory_space<vmem_shared>>)
          tpu.yield
        }) : () -> ()
        %add3A_111 = arith.constant 1 : i32
        %add3A_112 = arith.addi %scan3A_95, %add3A_111 : i32
        %lt3A = arith.constant 20 : i32
        %lt3A_113 = arith.cmpi slt, %add3A_112, %lt3A : i32
        %convert_element_type3A_114 = arith.extui %lt3A_113 : i1 to i32
        %cond3A_115 = arith.constant 0 : i32
        %cond3A_116 = arith.cmpi ne, %convert_element_type3A_114, %cond3A_115 : i32
        scf.if %cond3A_116 {
          %add3A_127 = arith.constant 2 : i32
          %add3A_128 = arith.addi %mul3A_97, %add3A_127 : i32
          %dma_start3A_129 = arith.constant 0 : i32
          %dma_start3A_130 = tpu.memref_slice %arg8[%add3A_128, %dma_start3A_129] : memref<40x125xi32, #tpu.memory_space<vmem>> -> memref<1x125xi32, #tpu.memory_space<vmem>>
          %dma_start3A_131 = tpu.memref_squeeze %dma_start3A_130 : memref<1x125xi32, #tpu.memory_space<vmem>> -> memref<125xi32, #tpu.memory_space<vmem>>
          %dma_start3A_132 = arith.constant 0 : i32
          %dma_start3A_133 = arith.constant 0 : i32
          %dma_start3A_134 = tpu.memref_slice %arg4[%dma_start3A_132, %dma_start3A_133] : memref<10240x128xf32, #tpu.memory_space<hbm>> -> memref<10240x128xf32, #tpu.memory_space<hbm>>
          tpu.enqueue_indirect_dma source(%dma_start3A_134 : memref<10240x128xf32, #tpu.memory_space<hbm>>) target(%arg10 : memref<125x128xf32, #tpu.memory_space<vmem>>) offsets(%dma_start3A_131 : memref<125xi32, #tpu.memory_space<vmem>>) semaphore(%arg13 : memref<!tpu.dma_semaphore, #tpu.memory_space<semaphore_mem>>)
        } else {
        }
        %add3A_117 = arith.constant 1 : i32
        %add3A_118 = arith.addi %mul3A_97, %add3A_117 : i32
        %dma_wait3A_119 = arith.constant 0 : i32
        %dma_wait3A_120 = tpu.memref_slice %arg8[%add3A_118, %dma_wait3A_119] : memref<40x125xi32, #tpu.memory_space<vmem>> -> memref<1x125xi32, #tpu.memory_space<vmem>>
        %dma_wait3A_121 = tpu.memref_squeeze %dma_wait3A_120 : memref<1x125xi32, #tpu.memory_space<vmem>> -> memref<125xi32, #tpu.memory_space<vmem>>
        %dma_wait3A_122 = arith.constant 0 : i32
        %dma_wait3A_123 = arith.constant 0 : i32
        %dma_wait3A_124 = tpu.memref_slice %arg4[%dma_wait3A_122, %dma_wait3A_123] : memref<10240x128xf32, #tpu.memory_space<hbm>> -> memref<10240x128xf32, #tpu.memory_space<hbm>>
        tpu.wait_indirect_dma semaphore(%arg14 : memref<!tpu.dma_semaphore, #tpu.memory_space<semaphore_mem>>) src(%dma_wait3A_124 : memref<10240x128xf32, #tpu.memory_space<hbm>>) dst(%arg11 : memref<125x128xf32, #tpu.memory_space<vmem>>)
        %add3A_125 = arith.constant 1 : i32
        %add3A_126 = arith.addi %mul3A_97, %add3A_125 : i32
        "tpu.region"() ({
          %run_scoped3A = tpu.sem_alloc : memref<!tpu.dma_semaphore, #tpu.memory_space<semaphore_mem>>
          %dma_start3A_127 = arith.constant 0 : i32
          %dma_start3A_128 = tpu.memref_slice %arg9[%add3A_126, %dma_start3A_127] : memref<40x125xi32, #tpu.memory_space<vmem>> -> memref<1x125xi32, #tpu.memory_space<vmem>>
          %dma_start3A_129 = tpu.memref_squeeze %dma_start3A_128 : memref<1x125xi32, #tpu.memory_space<vmem>> -> memref<125xi32, #tpu.memory_space<vmem>>
          %dma_start3A_130 = arith.constant 0 : i32
          %dma_start3A_131 = arith.constant 0 : i32
          %dma_start3A_132 = tpu.memref_slice %arg12[%dma_start3A_130, %dma_start3A_131] : memref<10240x128xf32, #tpu.memory_space<vmem_shared>> -> memref<10240x128xf32, #tpu.memory_space<vmem_shared>>
          tpu.enqueue_indirect_dma source(%arg11 : memref<125x128xf32, #tpu.memory_space<vmem>>) target(%dma_start3A_132 : memref<10240x128xf32, #tpu.memory_space<vmem_shared>>) offsets(%dma_start3A_129 : memref<125xi32, #tpu.memory_space<vmem>>) semaphore(%run_scoped3A : memref<!tpu.dma_semaphore, #tpu.memory_space<semaphore_mem>>) {add = true}
          %dma_wait3A_133 = arith.constant 0 : i32
          %dma_wait3A_134 = tpu.memref_slice %arg9[%add3A_126, %dma_wait3A_133] : memref<40x125xi32, #tpu.memory_space<vmem>> -> memref<1x125xi32, #tpu.memory_space<vmem>>
          %dma_wait3A_135 = tpu.memref_squeeze %dma_wait3A_134 : memref<1x125xi32, #tpu.memory_space<vmem>> -> memref<125xi32, #tpu.memory_space<vmem>>
          %dma_wait3A_136 = arith.constant 0 : i32
          %dma_wait3A_137 = arith.constant 0 : i32
          %dma_wait3A_138 = tpu.memref_slice %arg12[%dma_wait3A_136, %dma_wait3A_137] : memref<10240x128xf32, #tpu.memory_space<vmem_shared>> -> memref<10240x128xf32, #tpu.memory_space<vmem_shared>>
          tpu.wait_indirect_dma semaphore(%run_scoped3A : memref<!tpu.dma_semaphore, #tpu.memory_space<semaphore_mem>>) src(%arg11 : memref<125x128xf32, #tpu.memory_space<vmem>>) dst(%dma_wait3A_138 : memref<10240x128xf32, #tpu.memory_space<vmem_shared>>)
          tpu.yield
        }) : () -> ()
      }
      %scan3A_31 = arith.constant 20 : i32
      %mul3A_32 = arith.constant 160 : i32
      %mul3A_33 = arith.muli %arg1, %mul3A_32 : i32
      %add3A_34 = arith.constant 40 : i32
      %add3A_35 = arith.addi %mul3A_33, %add3A_34 : i32
      "tpu.region"() ({
        %run_scoped3A = tpu.sem_alloc : memref<!tpu.dma_semaphore, #tpu.memory_space<semaphore_mem>>
        %dma_start3A_95 = arith.constant 0 : i32
        %dma_start3A_96 = tpu.memref_slice %arg2[%add3A_35, %dma_start3A_95] : memref<2560x125xi32, #tpu.memory_space<hbm>> -> memref<40x125xi32, #tpu.memory_space<hbm>>
        %dma_start3A_97 = arith.constant 0 : i32
        %dma_start3A_98 = tpu.memref_slice %arg2[%add3A_35, %dma_start3A_97] : memref<2560x125xi32, #tpu.memory_space<hbm>> -> memref<40x125xi32, #tpu.memory_space<hbm>>
        tpu.enqueue_dma source(%dma_start3A_98 : memref<40x125xi32, #tpu.memory_space<hbm>>) target(%arg8 : memref<40x125xi32, #tpu.memory_space<vmem>>) target_semaphore(%run_scoped3A : memref<!tpu.dma_semaphore, #tpu.memory_space<semaphore_mem>>)
        %dma_wait3A = arith.constant 0 : i32
        %dma_wait3A_99 = tpu.memref_slice %arg2[%add3A_35, %dma_wait3A] : memref<2560x125xi32, #tpu.memory_space<hbm>> -> memref<40x125xi32, #tpu.memory_space<hbm>>
        %dma_wait3A_100 = arith.constant 0 : i32
        %dma_wait3A_101 = tpu.memref_slice %arg2[%add3A_35, %dma_wait3A_100] : memref<2560x125xi32, #tpu.memory_space<hbm>> -> memref<40x125xi32, #tpu.memory_space<hbm>>
        tpu.wait_dma2 semaphore(%run_scoped3A : memref<!tpu.dma_semaphore, #tpu.memory_space<semaphore_mem>>) src(%dma_wait3A_101 : memref<40x125xi32, #tpu.memory_space<hbm>>) dst(%arg8 : memref<40x125xi32, #tpu.memory_space<vmem>>)
        tpu.yield
      }) : () -> ()
      %mul3A_36 = arith.constant 160 : i32
      %mul3A_37 = arith.muli %arg1, %mul3A_36 : i32
      %add3A_38 = arith.constant 40 : i32
      %add3A_39 = arith.addi %mul3A_37, %add3A_38 : i32
      "tpu.region"() ({
        %run_scoped3A = tpu.sem_alloc : memref<!tpu.dma_semaphore, #tpu.memory_space<semaphore_mem>>
        %dma_start3A_95 = arith.constant 0 : i32
        %dma_start3A_96 = tpu.memref_slice %arg3[%add3A_39, %dma_start3A_95] : memref<2560x125xi32, #tpu.memory_space<hbm>> -> memref<40x125xi32, #tpu.memory_space<hbm>>
        %dma_start3A_97 = arith.constant 0 : i32
        %dma_start3A_98 = tpu.memref_slice %arg3[%add3A_39, %dma_start3A_97] : memref<2560x125xi32, #tpu.memory_space<hbm>> -> memref<40x125xi32, #tpu.memory_space<hbm>>
        tpu.enqueue_dma source(%dma_start3A_98 : memref<40x125xi32, #tpu.memory_space<hbm>>) target(%arg9 : memref<40x125xi32, #tpu.memory_space<vmem>>) target_semaphore(%run_scoped3A : memref<!tpu.dma_semaphore, #tpu.memory_space<semaphore_mem>>)
        %dma_wait3A = arith.constant 0 : i32
        %dma_wait3A_99 = tpu.memref_slice %arg3[%add3A_39, %dma_wait3A] : memref<2560x125xi32, #tpu.memory_space<hbm>> -> memref<40x125xi32, #tpu.memory_space<hbm>>
        %dma_wait3A_100 = arith.constant 0 : i32
        %dma_wait3A_101 = tpu.memref_slice %arg3[%add3A_39, %dma_wait3A_100] : memref<2560x125xi32, #tpu.memory_space<hbm>> -> memref<40x125xi32, #tpu.memory_space<hbm>>
        tpu.wait_dma2 semaphore(%run_scoped3A : memref<!tpu.dma_semaphore, #tpu.memory_space<semaphore_mem>>) src(%dma_wait3A_101 : memref<40x125xi32, #tpu.memory_space<hbm>>) dst(%arg9 : memref<40x125xi32, #tpu.memory_space<vmem>>)
        tpu.yield
      }) : () -> ()
      %dma_start3A_40 = arith.constant 0 : i32
      %dma_start3A_41 = arith.constant 0 : i32
      %dma_start3A_42 = tpu.memref_slice %arg8[%dma_start3A_40, %dma_start3A_41] : memref<40x125xi32, #tpu.memory_space<vmem>> -> memref<1x125xi32, #tpu.memory_space<vmem>>
      %dma_start3A_43 = tpu.memref_squeeze %dma_start3A_42 : memref<1x125xi32, #tpu.memory_space<vmem>> -> memref<125xi32, #tpu.memory_space<vmem>>
      %dma_start3A_44 = arith.constant 0 : i32
      %dma_start3A_45 = arith.constant 0 : i32
      %dma_start3A_46 = tpu.memref_slice %arg4[%dma_start3A_44, %dma_start3A_45] : memref<10240x128xf32, #tpu.memory_space<hbm>> -> memref<10240x128xf32, #tpu.memory_space<hbm>>
      tpu.enqueue_indirect_dma source(%dma_start3A_46 : memref<10240x128xf32, #tpu.memory_space<hbm>>) target(%arg10 : memref<125x128xf32, #tpu.memory_space<vmem>>) offsets(%dma_start3A_43 : memref<125xi32, #tpu.memory_space<vmem>>) semaphore(%arg13 : memref<!tpu.dma_semaphore, #tpu.memory_space<semaphore_mem>>)
      %scan3A_47 = arith.constant 0 : i32
      %scan3A_48 = arith.constant 0 : i32
      %scan3A_49 = arith.constant 20 : i32
      %scan3A_50 = arith.addi %scan3A_48, %scan3A_49 : i32
      %scan3A_51 = arith.constant 1 : i32
      scf.for %scan3A_95 = %scan3A_48 to %scan3A_50 step %scan3A_51  : i32 {
        %mul3A_96 = arith.constant 2 : i32
        %mul3A_97 = arith.muli %mul3A_96, %scan3A_95 : i32
        %add3A_98 = arith.constant 1 : i32
        %add3A_99 = arith.addi %mul3A_97, %add3A_98 : i32
        %dma_start3A_100 = arith.constant 0 : i32
        %dma_start3A_101 = tpu.memref_slice %arg8[%add3A_99, %dma_start3A_100] : memref<40x125xi32, #tpu.memory_space<vmem>> -> memref<1x125xi32, #tpu.memory_space<vmem>>
        %dma_start3A_102 = tpu.memref_squeeze %dma_start3A_101 : memref<1x125xi32, #tpu.memory_space<vmem>> -> memref<125xi32, #tpu.memory_space<vmem>>
        %dma_start3A_103 = arith.constant 0 : i32
        %dma_start3A_104 = arith.constant 0 : i32
        %dma_start3A_105 = tpu.memref_slice %arg4[%dma_start3A_103, %dma_start3A_104] : memref<10240x128xf32, #tpu.memory_space<hbm>> -> memref<10240x128xf32, #tpu.memory_space<hbm>>
        tpu.enqueue_indirect_dma source(%dma_start3A_105 : memref<10240x128xf32, #tpu.memory_space<hbm>>) target(%arg11 : memref<125x128xf32, #tpu.memory_space<vmem>>) offsets(%dma_start3A_102 : memref<125xi32, #tpu.memory_space<vmem>>) semaphore(%arg14 : memref<!tpu.dma_semaphore, #tpu.memory_space<semaphore_mem>>)
        %dma_wait3A = arith.constant 0 : i32
        %dma_wait3A_106 = tpu.memref_slice %arg8[%mul3A_97, %dma_wait3A] : memref<40x125xi32, #tpu.memory_space<vmem>> -> memref<1x125xi32, #tpu.memory_space<vmem>>
        %dma_wait3A_107 = tpu.memref_squeeze %dma_wait3A_106 : memref<1x125xi32, #tpu.memory_space<vmem>> -> memref<125xi32, #tpu.memory_space<vmem>>
        %dma_wait3A_108 = arith.constant 0 : i32
        %dma_wait3A_109 = arith.constant 0 : i32
        %dma_wait3A_110 = tpu.memref_slice %arg4[%dma_wait3A_108, %dma_wait3A_109] : memref<10240x128xf32, #tpu.memory_space<hbm>> -> memref<10240x128xf32, #tpu.memory_space<hbm>>
        tpu.wait_indirect_dma semaphore(%arg13 : memref<!tpu.dma_semaphore, #tpu.memory_space<semaphore_mem>>) src(%dma_wait3A_110 : memref<10240x128xf32, #tpu.memory_space<hbm>>) dst(%arg10 : memref<125x128xf32, #tpu.memory_space<vmem>>)
        "tpu.region"() ({
          %run_scoped3A = tpu.sem_alloc : memref<!tpu.dma_semaphore, #tpu.memory_space<semaphore_mem>>
          %dma_start3A_127 = arith.constant 0 : i32
          %dma_start3A_128 = tpu.memref_slice %arg9[%mul3A_97, %dma_start3A_127] : memref<40x125xi32, #tpu.memory_space<vmem>> -> memref<1x125xi32, #tpu.memory_space<vmem>>
          %dma_start3A_129 = tpu.memref_squeeze %dma_start3A_128 : memref<1x125xi32, #tpu.memory_space<vmem>> -> memref<125xi32, #tpu.memory_space<vmem>>
          %dma_start3A_130 = arith.constant 0 : i32
          %dma_start3A_131 = arith.constant 0 : i32
          %dma_start3A_132 = tpu.memref_slice %arg12[%dma_start3A_130, %dma_start3A_131] : memref<10240x128xf32, #tpu.memory_space<vmem_shared>> -> memref<10240x128xf32, #tpu.memory_space<vmem_shared>>
          tpu.enqueue_indirect_dma source(%arg10 : memref<125x128xf32, #tpu.memory_space<vmem>>) target(%dma_start3A_132 : memref<10240x128xf32, #tpu.memory_space<vmem_shared>>) offsets(%dma_start3A_129 : memref<125xi32, #tpu.memory_space<vmem>>) semaphore(%run_scoped3A : memref<!tpu.dma_semaphore, #tpu.memory_space<semaphore_mem>>) {add = true}
          %dma_wait3A_133 = arith.constant 0 : i32
          %dma_wait3A_134 = tpu.memref_slice %arg9[%mul3A_97, %dma_wait3A_133] : memref<40x125xi32, #tpu.memory_space<vmem>> -> memref<1x125xi32, #tpu.memory_space<vmem>>
          %dma_wait3A_135 = tpu.memref_squeeze %dma_wait3A_134 : memref<1x125xi32, #tpu.memory_space<vmem>> -> memref<125xi32, #tpu.memory_space<vmem>>
          %dma_wait3A_136 = arith.constant 0 : i32
          %dma_wait3A_137 = arith.constant 0 : i32
          %dma_wait3A_138 = tpu.memref_slice %arg12[%dma_wait3A_136, %dma_wait3A_137] : memref<10240x128xf32, #tpu.memory_space<vmem_shared>> -> memref<10240x128xf32, #tpu.memory_space<vmem_shared>>
          tpu.wait_indirect_dma semaphore(%run_scoped3A : memref<!tpu.dma_semaphore, #tpu.memory_space<semaphore_mem>>) src(%arg10 : memref<125x128xf32, #tpu.memory_space<vmem>>) dst(%dma_wait3A_138 : memref<10240x128xf32, #tpu.memory_space<vmem_shared>>)
          tpu.yield
        }) : () -> ()
        %add3A_111 = arith.constant 1 : i32
        %add3A_112 = arith.addi %scan3A_95, %add3A_111 : i32
        %lt3A = arith.constant 20 : i32
        %lt3A_113 = arith.cmpi slt, %add3A_112, %lt3A : i32
        %convert_element_type3A_114 = arith.extui %lt3A_113 : i1 to i32
        %cond3A_115 = arith.constant 0 : i32
        %cond3A_116 = arith.cmpi ne, %convert_element_type3A_114, %cond3A_115 : i32
        scf.if %cond3A_116 {
          %add3A_127 = arith.constant 2 : i32
          %add3A_128 = arith.addi %mul3A_97, %add3A_127 : i32
          %dma_start3A_129 = arith.constant 0 : i32
          %dma_start3A_130 = tpu.memref_slice %arg8[%add3A_128, %dma_start3A_129] : memref<40x125xi32, #tpu.memory_space<vmem>> -> memref<1x125xi32, #tpu.memory_space<vmem>>
          %dma_start3A_131 = tpu.memref_squeeze %dma_start3A_130 : memref<1x125xi32, #tpu.memory_space<vmem>> -> memref<125xi32, #tpu.memory_space<vmem>>
          %dma_start3A_132 = arith.constant 0 : i32
          %dma_start3A_133 = arith.constant 0 : i32
          %dma_start3A_134 = tpu.memref_slice %arg4[%dma_start3A_132, %dma_start3A_133] : memref<10240x128xf32, #tpu.memory_space<hbm>> -> memref<10240x128xf32, #tpu.memory_space<hbm>>
          tpu.enqueue_indirect_dma source(%dma_start3A_134 : memref<10240x128xf32, #tpu.memory_space<hbm>>) target(%arg10 : memref<125x128xf32, #tpu.memory_space<vmem>>) offsets(%dma_start3A_131 : memref<125xi32, #tpu.memory_space<vmem>>) semaphore(%arg13 : memref<!tpu.dma_semaphore, #tpu.memory_space<semaphore_mem>>)
        } else {
        }
        %add3A_117 = arith.constant 1 : i32
        %add3A_118 = arith.addi %mul3A_97, %add3A_117 : i32
        %dma_wait3A_119 = arith.constant 0 : i32
        %dma_wait3A_120 = tpu.memref_slice %arg8[%add3A_118, %dma_wait3A_119] : memref<40x125xi32, #tpu.memory_space<vmem>> -> memref<1x125xi32, #tpu.memory_space<vmem>>
        %dma_wait3A_121 = tpu.memref_squeeze %dma_wait3A_120 : memref<1x125xi32, #tpu.memory_space<vmem>> -> memref<125xi32, #tpu.memory_space<vmem>>
        %dma_wait3A_122 = arith.constant 0 : i32
        %dma_wait3A_123 = arith.constant 0 : i32
        %dma_wait3A_124 = tpu.memref_slice %arg4[%dma_wait3A_122, %dma_wait3A_123] : memref<10240x128xf32, #tpu.memory_space<hbm>> -> memref<10240x128xf32, #tpu.memory_space<hbm>>
        tpu.wait_indirect_dma semaphore(%arg14 : memref<!tpu.dma_semaphore, #tpu.memory_space<semaphore_mem>>) src(%dma_wait3A_124 : memref<10240x128xf32, #tpu.memory_space<hbm>>) dst(%arg11 : memref<125x128xf32, #tpu.memory_space<vmem>>)
        %add3A_125 = arith.constant 1 : i32
        %add3A_126 = arith.addi %mul3A_97, %add3A_125 : i32
        "tpu.region"() ({
          %run_scoped3A = tpu.sem_alloc : memref<!tpu.dma_semaphore, #tpu.memory_space<semaphore_mem>>
          %dma_start3A_127 = arith.constant 0 : i32
          %dma_start3A_128 = tpu.memref_slice %arg9[%add3A_126, %dma_start3A_127] : memref<40x125xi32, #tpu.memory_space<vmem>> -> memref<1x125xi32, #tpu.memory_space<vmem>>
          %dma_start3A_129 = tpu.memref_squeeze %dma_start3A_128 : memref<1x125xi32, #tpu.memory_space<vmem>> -> memref<125xi32, #tpu.memory_space<vmem>>
          %dma_start3A_130 = arith.constant 0 : i32
          %dma_start3A_131 = arith.constant 0 : i32
          %dma_start3A_132 = tpu.memref_slice %arg12[%dma_start3A_130, %dma_start3A_131] : memref<10240x128xf32, #tpu.memory_space<vmem_shared>> -> memref<10240x128xf32, #tpu.memory_space<vmem_shared>>
          tpu.enqueue_indirect_dma source(%arg11 : memref<125x128xf32, #tpu.memory_space<vmem>>) target(%dma_start3A_132 : memref<10240x128xf32, #tpu.memory_space<vmem_shared>>) offsets(%dma_start3A_129 : memref<125xi32, #tpu.memory_space<vmem>>) semaphore(%run_scoped3A : memref<!tpu.dma_semaphore, #tpu.memory_space<semaphore_mem>>) {add = true}
          %dma_wait3A_133 = arith.constant 0 : i32
          %dma_wait3A_134 = tpu.memref_slice %arg9[%add3A_126, %dma_wait3A_133] : memref<40x125xi32, #tpu.memory_space<vmem>> -> memref<1x125xi32, #tpu.memory_space<vmem>>
          %dma_wait3A_135 = tpu.memref_squeeze %dma_wait3A_134 : memref<1x125xi32, #tpu.memory_space<vmem>> -> memref<125xi32, #tpu.memory_space<vmem>>
          %dma_wait3A_136 = arith.constant 0 : i32
          %dma_wait3A_137 = arith.constant 0 : i32
          %dma_wait3A_138 = tpu.memref_slice %arg12[%dma_wait3A_136, %dma_wait3A_137] : memref<10240x128xf32, #tpu.memory_space<vmem_shared>> -> memref<10240x128xf32, #tpu.memory_space<vmem_shared>>
          tpu.wait_indirect_dma semaphore(%run_scoped3A : memref<!tpu.dma_semaphore, #tpu.memory_space<semaphore_mem>>) src(%arg11 : memref<125x128xf32, #tpu.memory_space<vmem>>) dst(%dma_wait3A_138 : memref<10240x128xf32, #tpu.memory_space<vmem_shared>>)
          tpu.yield
        }) : () -> ()
      }
      %scan3A_52 = arith.constant 20 : i32
      %mul3A_53 = arith.constant 160 : i32
      %mul3A_54 = arith.muli %arg1, %mul3A_53 : i32
      %add3A_55 = arith.constant 80 : i32
      %add3A_56 = arith.addi %mul3A_54, %add3A_55 : i32
      "tpu.region"() ({
        %run_scoped3A = tpu.sem_alloc : memref<!tpu.dma_semaphore, #tpu.memory_space<semaphore_mem>>
        %dma_start3A_95 = arith.constant 0 : i32
        %dma_start3A_96 = tpu.memref_slice %arg2[%add3A_56, %dma_start3A_95] : memref<2560x125xi32, #tpu.memory_space<hbm>> -> memref<40x125xi32, #tpu.memory_space<hbm>>
        %dma_start3A_97 = arith.constant 0 : i32
        %dma_start3A_98 = tpu.memref_slice %arg2[%add3A_56, %dma_start3A_97] : memref<2560x125xi32, #tpu.memory_space<hbm>> -> memref<40x125xi32, #tpu.memory_space<hbm>>
        tpu.enqueue_dma source(%dma_start3A_98 : memref<40x125xi32, #tpu.memory_space<hbm>>) target(%arg8 : memref<40x125xi32, #tpu.memory_space<vmem>>) target_semaphore(%run_scoped3A : memref<!tpu.dma_semaphore, #tpu.memory_space<semaphore_mem>>)
        %dma_wait3A = arith.constant 0 : i32
        %dma_wait3A_99 = tpu.memref_slice %arg2[%add3A_56, %dma_wait3A] : memref<2560x125xi32, #tpu.memory_space<hbm>> -> memref<40x125xi32, #tpu.memory_space<hbm>>
        %dma_wait3A_100 = arith.constant 0 : i32
        %dma_wait3A_101 = tpu.memref_slice %arg2[%add3A_56, %dma_wait3A_100] : memref<2560x125xi32, #tpu.memory_space<hbm>> -> memref<40x125xi32, #tpu.memory_space<hbm>>
        tpu.wait_dma2 semaphore(%run_scoped3A : memref<!tpu.dma_semaphore, #tpu.memory_space<semaphore_mem>>) src(%dma_wait3A_101 : memref<40x125xi32, #tpu.memory_space<hbm>>) dst(%arg8 : memref<40x125xi32, #tpu.memory_space<vmem>>)
        tpu.yield
      }) : () -> ()
      %mul3A_57 = arith.constant 160 : i32
      %mul3A_58 = arith.muli %arg1, %mul3A_57 : i32
      %add3A_59 = arith.constant 80 : i32
      %add3A_60 = arith.addi %mul3A_58, %add3A_59 : i32
      "tpu.region"() ({
        %run_scoped3A = tpu.sem_alloc : memref<!tpu.dma_semaphore, #tpu.memory_space<semaphore_mem>>
        %dma_start3A_95 = arith.constant 0 : i32
        %dma_start3A_96 = tpu.memref_slice %arg3[%add3A_60, %dma_start3A_95] : memref<2560x125xi32, #tpu.memory_space<hbm>> -> memref<40x125xi32, #tpu.memory_space<hbm>>
        %dma_start3A_97 = arith.constant 0 : i32
        %dma_start3A_98 = tpu.memref_slice %arg3[%add3A_60, %dma_start3A_97] : memref<2560x125xi32, #tpu.memory_space<hbm>> -> memref<40x125xi32, #tpu.memory_space<hbm>>
        tpu.enqueue_dma source(%dma_start3A_98 : memref<40x125xi32, #tpu.memory_space<hbm>>) target(%arg9 : memref<40x125xi32, #tpu.memory_space<vmem>>) target_semaphore(%run_scoped3A : memref<!tpu.dma_semaphore, #tpu.memory_space<semaphore_mem>>)
        %dma_wait3A = arith.constant 0 : i32
        %dma_wait3A_99 = tpu.memref_slice %arg3[%add3A_60, %dma_wait3A] : memref<2560x125xi32, #tpu.memory_space<hbm>> -> memref<40x125xi32, #tpu.memory_space<hbm>>
        %dma_wait3A_100 = arith.constant 0 : i32
        %dma_wait3A_101 = tpu.memref_slice %arg3[%add3A_60, %dma_wait3A_100] : memref<2560x125xi32, #tpu.memory_space<hbm>> -> memref<40x125xi32, #tpu.memory_space<hbm>>
        tpu.wait_dma2 semaphore(%run_scoped3A : memref<!tpu.dma_semaphore, #tpu.memory_space<semaphore_mem>>) src(%dma_wait3A_101 : memref<40x125xi32, #tpu.memory_space<hbm>>) dst(%arg9 : memref<40x125xi32, #tpu.memory_space<vmem>>)
        tpu.yield
      }) : () -> ()
      %dma_start3A_61 = arith.constant 0 : i32
      %dma_start3A_62 = arith.constant 0 : i32
      %dma_start3A_63 = tpu.memref_slice %arg8[%dma_start3A_61, %dma_start3A_62] : memref<40x125xi32, #tpu.memory_space<vmem>> -> memref<1x125xi32, #tpu.memory_space<vmem>>
      %dma_start3A_64 = tpu.memref_squeeze %dma_start3A_63 : memref<1x125xi32, #tpu.memory_space<vmem>> -> memref<125xi32, #tpu.memory_space<vmem>>
      %dma_start3A_65 = arith.constant 0 : i32
      %dma_start3A_66 = arith.constant 0 : i32
      %dma_start3A_67 = tpu.memref_slice %arg4[%dma_start3A_65, %dma_start3A_66] : memref<10240x128xf32, #tpu.memory_space<hbm>> -> memref<10240x128xf32, #tpu.memory_space<hbm>>
      tpu.enqueue_indirect_dma source(%dma_start3A_67 : memref<10240x128xf32, #tpu.memory_space<hbm>>) target(%arg10 : memref<125x128xf32, #tpu.memory_space<vmem>>) offsets(%dma_start3A_64 : memref<125xi32, #tpu.memory_space<vmem>>) semaphore(%arg13 : memref<!tpu.dma_semaphore, #tpu.memory_space<semaphore_mem>>)
      %scan3A_68 = arith.constant 0 : i32
      %scan3A_69 = arith.constant 0 : i32
      %scan3A_70 = arith.constant 20 : i32
      %scan3A_71 = arith.addi %scan3A_69, %scan3A_70 : i32
      %scan3A_72 = arith.constant 1 : i32
      scf.for %scan3A_95 = %scan3A_69 to %scan3A_71 step %scan3A_72  : i32 {
        %mul3A_96 = arith.constant 2 : i32
        %mul3A_97 = arith.muli %mul3A_96, %scan3A_95 : i32
        %add3A_98 = arith.constant 1 : i32
        %add3A_99 = arith.addi %mul3A_97, %add3A_98 : i32
        %dma_start3A_100 = arith.constant 0 : i32
        %dma_start3A_101 = tpu.memref_slice %arg8[%add3A_99, %dma_start3A_100] : memref<40x125xi32, #tpu.memory_space<vmem>> -> memref<1x125xi32, #tpu.memory_space<vmem>>
        %dma_start3A_102 = tpu.memref_squeeze %dma_start3A_101 : memref<1x125xi32, #tpu.memory_space<vmem>> -> memref<125xi32, #tpu.memory_space<vmem>>
        %dma_start3A_103 = arith.constant 0 : i32
        %dma_start3A_104 = arith.constant 0 : i32
        %dma_start3A_105 = tpu.memref_slice %arg4[%dma_start3A_103, %dma_start3A_104] : memref<10240x128xf32, #tpu.memory_space<hbm>> -> memref<10240x128xf32, #tpu.memory_space<hbm>>
        tpu.enqueue_indirect_dma source(%dma_start3A_105 : memref<10240x128xf32, #tpu.memory_space<hbm>>) target(%arg11 : memref<125x128xf32, #tpu.memory_space<vmem>>) offsets(%dma_start3A_102 : memref<125xi32, #tpu.memory_space<vmem>>) semaphore(%arg14 : memref<!tpu.dma_semaphore, #tpu.memory_space<semaphore_mem>>)
        %dma_wait3A = arith.constant 0 : i32
        %dma_wait3A_106 = tpu.memref_slice %arg8[%mul3A_97, %dma_wait3A] : memref<40x125xi32, #tpu.memory_space<vmem>> -> memref<1x125xi32, #tpu.memory_space<vmem>>
        %dma_wait3A_107 = tpu.memref_squeeze %dma_wait3A_106 : memref<1x125xi32, #tpu.memory_space<vmem>> -> memref<125xi32, #tpu.memory_space<vmem>>
        %dma_wait3A_108 = arith.constant 0 : i32
        %dma_wait3A_109 = arith.constant 0 : i32
        %dma_wait3A_110 = tpu.memref_slice %arg4[%dma_wait3A_108, %dma_wait3A_109] : memref<10240x128xf32, #tpu.memory_space<hbm>> -> memref<10240x128xf32, #tpu.memory_space<hbm>>
        tpu.wait_indirect_dma semaphore(%arg13 : memref<!tpu.dma_semaphore, #tpu.memory_space<semaphore_mem>>) src(%dma_wait3A_110 : memref<10240x128xf32, #tpu.memory_space<hbm>>) dst(%arg10 : memref<125x128xf32, #tpu.memory_space<vmem>>)
        "tpu.region"() ({
          %run_scoped3A = tpu.sem_alloc : memref<!tpu.dma_semaphore, #tpu.memory_space<semaphore_mem>>
          %dma_start3A_127 = arith.constant 0 : i32
          %dma_start3A_128 = tpu.memref_slice %arg9[%mul3A_97, %dma_start3A_127] : memref<40x125xi32, #tpu.memory_space<vmem>> -> memref<1x125xi32, #tpu.memory_space<vmem>>
          %dma_start3A_129 = tpu.memref_squeeze %dma_start3A_128 : memref<1x125xi32, #tpu.memory_space<vmem>> -> memref<125xi32, #tpu.memory_space<vmem>>
          %dma_start3A_130 = arith.constant 0 : i32
          %dma_start3A_131 = arith.constant 0 : i32
          %dma_start3A_132 = tpu.memref_slice %arg12[%dma_start3A_130, %dma_start3A_131] : memref<10240x128xf32, #tpu.memory_space<vmem_shared>> -> memref<10240x128xf32, #tpu.memory_space<vmem_shared>>
          tpu.enqueue_indirect_dma source(%arg10 : memref<125x128xf32, #tpu.memory_space<vmem>>) target(%dma_start3A_132 : memref<10240x128xf32, #tpu.memory_space<vmem_shared>>) offsets(%dma_start3A_129 : memref<125xi32, #tpu.memory_space<vmem>>) semaphore(%run_scoped3A : memref<!tpu.dma_semaphore, #tpu.memory_space<semaphore_mem>>) {add = true}
          %dma_wait3A_133 = arith.constant 0 : i32
          %dma_wait3A_134 = tpu.memref_slice %arg9[%mul3A_97, %dma_wait3A_133] : memref<40x125xi32, #tpu.memory_space<vmem>> -> memref<1x125xi32, #tpu.memory_space<vmem>>
          %dma_wait3A_135 = tpu.memref_squeeze %dma_wait3A_134 : memref<1x125xi32, #tpu.memory_space<vmem>> -> memref<125xi32, #tpu.memory_space<vmem>>
          %dma_wait3A_136 = arith.constant 0 : i32
          %dma_wait3A_137 = arith.constant 0 : i32
          %dma_wait3A_138 = tpu.memref_slice %arg12[%dma_wait3A_136, %dma_wait3A_137] : memref<10240x128xf32, #tpu.memory_space<vmem_shared>> -> memref<10240x128xf32, #tpu.memory_space<vmem_shared>>
          tpu.wait_indirect_dma semaphore(%run_scoped3A : memref<!tpu.dma_semaphore, #tpu.memory_space<semaphore_mem>>) src(%arg10 : memref<125x128xf32, #tpu.memory_space<vmem>>) dst(%dma_wait3A_138 : memref<10240x128xf32, #tpu.memory_space<vmem_shared>>)
          tpu.yield
        }) : () -> ()
        %add3A_111 = arith.constant 1 : i32
        %add3A_112 = arith.addi %scan3A_95, %add3A_111 : i32
        %lt3A = arith.constant 20 : i32
        %lt3A_113 = arith.cmpi slt, %add3A_112, %lt3A : i32
        %convert_element_type3A_114 = arith.extui %lt3A_113 : i1 to i32
        %cond3A_115 = arith.constant 0 : i32
        %cond3A_116 = arith.cmpi ne, %convert_element_type3A_114, %cond3A_115 : i32
        scf.if %cond3A_116 {
          %add3A_127 = arith.constant 2 : i32
          %add3A_128 = arith.addi %mul3A_97, %add3A_127 : i32
          %dma_start3A_129 = arith.constant 0 : i32
          %dma_start3A_130 = tpu.memref_slice %arg8[%add3A_128, %dma_start3A_129] : memref<40x125xi32, #tpu.memory_space<vmem>> -> memref<1x125xi32, #tpu.memory_space<vmem>>
          %dma_start3A_131 = tpu.memref_squeeze %dma_start3A_130 : memref<1x125xi32, #tpu.memory_space<vmem>> -> memref<125xi32, #tpu.memory_space<vmem>>
          %dma_start3A_132 = arith.constant 0 : i32
          %dma_start3A_133 = arith.constant 0 : i32
          %dma_start3A_134 = tpu.memref_slice %arg4[%dma_start3A_132, %dma_start3A_133] : memref<10240x128xf32, #tpu.memory_space<hbm>> -> memref<10240x128xf32, #tpu.memory_space<hbm>>
          tpu.enqueue_indirect_dma source(%dma_start3A_134 : memref<10240x128xf32, #tpu.memory_space<hbm>>) target(%arg10 : memref<125x128xf32, #tpu.memory_space<vmem>>) offsets(%dma_start3A_131 : memref<125xi32, #tpu.memory_space<vmem>>) semaphore(%arg13 : memref<!tpu.dma_semaphore, #tpu.memory_space<semaphore_mem>>)
        } else {
        }
        %add3A_117 = arith.constant 1 : i32
        %add3A_118 = arith.addi %mul3A_97, %add3A_117 : i32
        %dma_wait3A_119 = arith.constant 0 : i32
        %dma_wait3A_120 = tpu.memref_slice %arg8[%add3A_118, %dma_wait3A_119] : memref<40x125xi32, #tpu.memory_space<vmem>> -> memref<1x125xi32, #tpu.memory_space<vmem>>
        %dma_wait3A_121 = tpu.memref_squeeze %dma_wait3A_120 : memref<1x125xi32, #tpu.memory_space<vmem>> -> memref<125xi32, #tpu.memory_space<vmem>>
        %dma_wait3A_122 = arith.constant 0 : i32
        %dma_wait3A_123 = arith.constant 0 : i32
        %dma_wait3A_124 = tpu.memref_slice %arg4[%dma_wait3A_122, %dma_wait3A_123] : memref<10240x128xf32, #tpu.memory_space<hbm>> -> memref<10240x128xf32, #tpu.memory_space<hbm>>
        tpu.wait_indirect_dma semaphore(%arg14 : memref<!tpu.dma_semaphore, #tpu.memory_space<semaphore_mem>>) src(%dma_wait3A_124 : memref<10240x128xf32, #tpu.memory_space<hbm>>) dst(%arg11 : memref<125x128xf32, #tpu.memory_space<vmem>>)
        %add3A_125 = arith.constant 1 : i32
        %add3A_126 = arith.addi %mul3A_97, %add3A_125 : i32
        "tpu.region"() ({
          %run_scoped3A = tpu.sem_alloc : memref<!tpu.dma_semaphore, #tpu.memory_space<semaphore_mem>>
          %dma_start3A_127 = arith.constant 0 : i32
          %dma_start3A_128 = tpu.memref_slice %arg9[%add3A_126, %dma_start3A_127] : memref<40x125xi32, #tpu.memory_space<vmem>> -> memref<1x125xi32, #tpu.memory_space<vmem>>
          %dma_start3A_129 = tpu.memref_squeeze %dma_start3A_128 : memref<1x125xi32, #tpu.memory_space<vmem>> -> memref<125xi32, #tpu.memory_space<vmem>>
          %dma_start3A_130 = arith.constant 0 : i32
          %dma_start3A_131 = arith.constant 0 : i32
          %dma_start3A_132 = tpu.memref_slice %arg12[%dma_start3A_130, %dma_start3A_131] : memref<10240x128xf32, #tpu.memory_space<vmem_shared>> -> memref<10240x128xf32, #tpu.memory_space<vmem_shared>>
          tpu.enqueue_indirect_dma source(%arg11 : memref<125x128xf32, #tpu.memory_space<vmem>>) target(%dma_start3A_132 : memref<10240x128xf32, #tpu.memory_space<vmem_shared>>) offsets(%dma_start3A_129 : memref<125xi32, #tpu.memory_space<vmem>>) semaphore(%run_scoped3A : memref<!tpu.dma_semaphore, #tpu.memory_space<semaphore_mem>>) {add = true}
          %dma_wait3A_133 = arith.constant 0 : i32
          %dma_wait3A_134 = tpu.memref_slice %arg9[%add3A_126, %dma_wait3A_133] : memref<40x125xi32, #tpu.memory_space<vmem>> -> memref<1x125xi32, #tpu.memory_space<vmem>>
          %dma_wait3A_135 = tpu.memref_squeeze %dma_wait3A_134 : memref<1x125xi32, #tpu.memory_space<vmem>> -> memref<125xi32, #tpu.memory_space<vmem>>
          %dma_wait3A_136 = arith.constant 0 : i32
          %dma_wait3A_137 = arith.constant 0 : i32
          %dma_wait3A_138 = tpu.memref_slice %arg12[%dma_wait3A_136, %dma_wait3A_137] : memref<10240x128xf32, #tpu.memory_space<vmem_shared>> -> memref<10240x128xf32, #tpu.memory_space<vmem_shared>>
          tpu.wait_indirect_dma semaphore(%run_scoped3A : memref<!tpu.dma_semaphore, #tpu.memory_space<semaphore_mem>>) src(%arg11 : memref<125x128xf32, #tpu.memory_space<vmem>>) dst(%dma_wait3A_138 : memref<10240x128xf32, #tpu.memory_space<vmem_shared>>)
          tpu.yield
        }) : () -> ()
      }
      %scan3A_73 = arith.constant 20 : i32
      %mul3A_74 = arith.constant 160 : i32
      %mul3A_75 = arith.muli %arg1, %mul3A_74 : i32
      %add3A_76 = arith.constant 120 : i32
      %add3A_77 = arith.addi %mul3A_75, %add3A_76 : i32
      "tpu.region"() ({
        %run_scoped3A = tpu.sem_alloc : memref<!tpu.dma_semaphore, #tpu.memory_space<semaphore_mem>>
        %dma_start3A_95 = arith.constant 0 : i32
        %dma_start3A_96 = tpu.memref_slice %arg2[%add3A_77, %dma_start3A_95] : memref<2560x125xi32, #tpu.memory_space<hbm>> -> memref<40x125xi32, #tpu.memory_space<hbm>>
        %dma_start3A_97 = arith.constant 0 : i32
        %dma_start3A_98 = tpu.memref_slice %arg2[%add3A_77, %dma_start3A_97] : memref<2560x125xi32, #tpu.memory_space<hbm>> -> memref<40x125xi32, #tpu.memory_space<hbm>>
        tpu.enqueue_dma source(%dma_start3A_98 : memref<40x125xi32, #tpu.memory_space<hbm>>) target(%arg8 : memref<40x125xi32, #tpu.memory_space<vmem>>) target_semaphore(%run_scoped3A : memref<!tpu.dma_semaphore, #tpu.memory_space<semaphore_mem>>)
        %dma_wait3A = arith.constant 0 : i32
        %dma_wait3A_99 = tpu.memref_slice %arg2[%add3A_77, %dma_wait3A] : memref<2560x125xi32, #tpu.memory_space<hbm>> -> memref<40x125xi32, #tpu.memory_space<hbm>>
        %dma_wait3A_100 = arith.constant 0 : i32
        %dma_wait3A_101 = tpu.memref_slice %arg2[%add3A_77, %dma_wait3A_100] : memref<2560x125xi32, #tpu.memory_space<hbm>> -> memref<40x125xi32, #tpu.memory_space<hbm>>
        tpu.wait_dma2 semaphore(%run_scoped3A : memref<!tpu.dma_semaphore, #tpu.memory_space<semaphore_mem>>) src(%dma_wait3A_101 : memref<40x125xi32, #tpu.memory_space<hbm>>) dst(%arg8 : memref<40x125xi32, #tpu.memory_space<vmem>>)
        tpu.yield
      }) : () -> ()
      %mul3A_78 = arith.constant 160 : i32
      %mul3A_79 = arith.muli %arg1, %mul3A_78 : i32
      %add3A_80 = arith.constant 120 : i32
      %add3A_81 = arith.addi %mul3A_79, %add3A_80 : i32
      "tpu.region"() ({
        %run_scoped3A = tpu.sem_alloc : memref<!tpu.dma_semaphore, #tpu.memory_space<semaphore_mem>>
        %dma_start3A_95 = arith.constant 0 : i32
        %dma_start3A_96 = tpu.memref_slice %arg3[%add3A_81, %dma_start3A_95] : memref<2560x125xi32, #tpu.memory_space<hbm>> -> memref<40x125xi32, #tpu.memory_space<hbm>>
        %dma_start3A_97 = arith.constant 0 : i32
        %dma_start3A_98 = tpu.memref_slice %arg3[%add3A_81, %dma_start3A_97] : memref<2560x125xi32, #tpu.memory_space<hbm>> -> memref<40x125xi32, #tpu.memory_space<hbm>>
        tpu.enqueue_dma source(%dma_start3A_98 : memref<40x125xi32, #tpu.memory_space<hbm>>) target(%arg9 : memref<40x125xi32, #tpu.memory_space<vmem>>) target_semaphore(%run_scoped3A : memref<!tpu.dma_semaphore, #tpu.memory_space<semaphore_mem>>)
        %dma_wait3A = arith.constant 0 : i32
        %dma_wait3A_99 = tpu.memref_slice %arg3[%add3A_81, %dma_wait3A] : memref<2560x125xi32, #tpu.memory_space<hbm>> -> memref<40x125xi32, #tpu.memory_space<hbm>>
        %dma_wait3A_100 = arith.constant 0 : i32
        %dma_wait3A_101 = tpu.memref_slice %arg3[%add3A_81, %dma_wait3A_100] : memref<2560x125xi32, #tpu.memory_space<hbm>> -> memref<40x125xi32, #tpu.memory_space<hbm>>
        tpu.wait_dma2 semaphore(%run_scoped3A : memref<!tpu.dma_semaphore, #tpu.memory_space<semaphore_mem>>) src(%dma_wait3A_101 : memref<40x125xi32, #tpu.memory_space<hbm>>) dst(%arg9 : memref<40x125xi32, #tpu.memory_space<vmem>>)
        tpu.yield
      }) : () -> ()
      %dma_start3A_82 = arith.constant 0 : i32
      %dma_start3A_83 = arith.constant 0 : i32
      %dma_start3A_84 = tpu.memref_slice %arg8[%dma_start3A_82, %dma_start3A_83] : memref<40x125xi32, #tpu.memory_space<vmem>> -> memref<1x125xi32, #tpu.memory_space<vmem>>
      %dma_start3A_85 = tpu.memref_squeeze %dma_start3A_84 : memref<1x125xi32, #tpu.memory_space<vmem>> -> memref<125xi32, #tpu.memory_space<vmem>>
      %dma_start3A_86 = arith.constant 0 : i32
      %dma_start3A_87 = arith.constant 0 : i32
      %dma_start3A_88 = tpu.memref_slice %arg4[%dma_start3A_86, %dma_start3A_87] : memref<10240x128xf32, #tpu.memory_space<hbm>> -> memref<10240x128xf32, #tpu.memory_space<hbm>>
      tpu.enqueue_indirect_dma source(%dma_start3A_88 : memref<10240x128xf32, #tpu.memory_space<hbm>>) target(%arg10 : memref<125x128xf32, #tpu.memory_space<vmem>>) offsets(%dma_start3A_85 : memref<125xi32, #tpu.memory_space<vmem>>) semaphore(%arg13 : memref<!tpu.dma_semaphore, #tpu.memory_space<semaphore_mem>>)
      %scan3A_89 = arith.constant 0 : i32
      %scan3A_90 = arith.constant 0 : i32
      %scan3A_91 = arith.constant 20 : i32
      %scan3A_92 = arith.addi %scan3A_90, %scan3A_91 : i32
      %scan3A_93 = arith.constant 1 : i32
      scf.for %scan3A_95 = %scan3A_90 to %scan3A_92 step %scan3A_93  : i32 {
        %mul3A_96 = arith.constant 2 : i32
        %mul3A_97 = arith.muli %mul3A_96, %scan3A_95 : i32
        %add3A_98 = arith.constant 1 : i32
        %add3A_99 = arith.addi %mul3A_97, %add3A_98 : i32
        %dma_start3A_100 = arith.constant 0 : i32
        %dma_start3A_101 = tpu.memref_slice %arg8[%add3A_99, %dma_start3A_100] : memref<40x125xi32, #tpu.memory_space<vmem>> -> memref<1x125xi32, #tpu.memory_space<vmem>>
        %dma_start3A_102 = tpu.memref_squeeze %dma_start3A_101 : memref<1x125xi32, #tpu.memory_space<vmem>> -> memref<125xi32, #tpu.memory_space<vmem>>
        %dma_start3A_103 = arith.constant 0 : i32
        %dma_start3A_104 = arith.constant 0 : i32
        %dma_start3A_105 = tpu.memref_slice %arg4[%dma_start3A_103, %dma_start3A_104] : memref<10240x128xf32, #tpu.memory_space<hbm>> -> memref<10240x128xf32, #tpu.memory_space<hbm>>
        tpu.enqueue_indirect_dma source(%dma_start3A_105 : memref<10240x128xf32, #tpu.memory_space<hbm>>) target(%arg11 : memref<125x128xf32, #tpu.memory_space<vmem>>) offsets(%dma_start3A_102 : memref<125xi32, #tpu.memory_space<vmem>>) semaphore(%arg14 : memref<!tpu.dma_semaphore, #tpu.memory_space<semaphore_mem>>)
        %dma_wait3A = arith.constant 0 : i32
        %dma_wait3A_106 = tpu.memref_slice %arg8[%mul3A_97, %dma_wait3A] : memref<40x125xi32, #tpu.memory_space<vmem>> -> memref<1x125xi32, #tpu.memory_space<vmem>>
        %dma_wait3A_107 = tpu.memref_squeeze %dma_wait3A_106 : memref<1x125xi32, #tpu.memory_space<vmem>> -> memref<125xi32, #tpu.memory_space<vmem>>
        %dma_wait3A_108 = arith.constant 0 : i32
        %dma_wait3A_109 = arith.constant 0 : i32
        %dma_wait3A_110 = tpu.memref_slice %arg4[%dma_wait3A_108, %dma_wait3A_109] : memref<10240x128xf32, #tpu.memory_space<hbm>> -> memref<10240x128xf32, #tpu.memory_space<hbm>>
        tpu.wait_indirect_dma semaphore(%arg13 : memref<!tpu.dma_semaphore, #tpu.memory_space<semaphore_mem>>) src(%dma_wait3A_110 : memref<10240x128xf32, #tpu.memory_space<hbm>>) dst(%arg10 : memref<125x128xf32, #tpu.memory_space<vmem>>)
        "tpu.region"() ({
          %run_scoped3A = tpu.sem_alloc : memref<!tpu.dma_semaphore, #tpu.memory_space<semaphore_mem>>
          %dma_start3A_127 = arith.constant 0 : i32
          %dma_start3A_128 = tpu.memref_slice %arg9[%mul3A_97, %dma_start3A_127] : memref<40x125xi32, #tpu.memory_space<vmem>> -> memref<1x125xi32, #tpu.memory_space<vmem>>
          %dma_start3A_129 = tpu.memref_squeeze %dma_start3A_128 : memref<1x125xi32, #tpu.memory_space<vmem>> -> memref<125xi32, #tpu.memory_space<vmem>>
          %dma_start3A_130 = arith.constant 0 : i32
          %dma_start3A_131 = arith.constant 0 : i32
          %dma_start3A_132 = tpu.memref_slice %arg12[%dma_start3A_130, %dma_start3A_131] : memref<10240x128xf32, #tpu.memory_space<vmem_shared>> -> memref<10240x128xf32, #tpu.memory_space<vmem_shared>>
          tpu.enqueue_indirect_dma source(%arg10 : memref<125x128xf32, #tpu.memory_space<vmem>>) target(%dma_start3A_132 : memref<10240x128xf32, #tpu.memory_space<vmem_shared>>) offsets(%dma_start3A_129 : memref<125xi32, #tpu.memory_space<vmem>>) semaphore(%run_scoped3A : memref<!tpu.dma_semaphore, #tpu.memory_space<semaphore_mem>>) {add = true}
          %dma_wait3A_133 = arith.constant 0 : i32
          %dma_wait3A_134 = tpu.memref_slice %arg9[%mul3A_97, %dma_wait3A_133] : memref<40x125xi32, #tpu.memory_space<vmem>> -> memref<1x125xi32, #tpu.memory_space<vmem>>
          %dma_wait3A_135 = tpu.memref_squeeze %dma_wait3A_134 : memref<1x125xi32, #tpu.memory_space<vmem>> -> memref<125xi32, #tpu.memory_space<vmem>>
          %dma_wait3A_136 = arith.constant 0 : i32
          %dma_wait3A_137 = arith.constant 0 : i32
          %dma_wait3A_138 = tpu.memref_slice %arg12[%dma_wait3A_136, %dma_wait3A_137] : memref<10240x128xf32, #tpu.memory_space<vmem_shared>> -> memref<10240x128xf32, #tpu.memory_space<vmem_shared>>
          tpu.wait_indirect_dma semaphore(%run_scoped3A : memref<!tpu.dma_semaphore, #tpu.memory_space<semaphore_mem>>) src(%arg10 : memref<125x128xf32, #tpu.memory_space<vmem>>) dst(%dma_wait3A_138 : memref<10240x128xf32, #tpu.memory_space<vmem_shared>>)
          tpu.yield
        }) : () -> ()
        %add3A_111 = arith.constant 1 : i32
        %add3A_112 = arith.addi %scan3A_95, %add3A_111 : i32
        %lt3A = arith.constant 20 : i32
        %lt3A_113 = arith.cmpi slt, %add3A_112, %lt3A : i32
        %convert_element_type3A_114 = arith.extui %lt3A_113 : i1 to i32
        %cond3A_115 = arith.constant 0 : i32
        %cond3A_116 = arith.cmpi ne, %convert_element_type3A_114, %cond3A_115 : i32
        scf.if %cond3A_116 {
          %add3A_127 = arith.constant 2 : i32
          %add3A_128 = arith.addi %mul3A_97, %add3A_127 : i32
          %dma_start3A_129 = arith.constant 0 : i32
          %dma_start3A_130 = tpu.memref_slice %arg8[%add3A_128, %dma_start3A_129] : memref<40x125xi32, #tpu.memory_space<vmem>> -> memref<1x125xi32, #tpu.memory_space<vmem>>
          %dma_start3A_131 = tpu.memref_squeeze %dma_start3A_130 : memref<1x125xi32, #tpu.memory_space<vmem>> -> memref<125xi32, #tpu.memory_space<vmem>>
          %dma_start3A_132 = arith.constant 0 : i32
          %dma_start3A_133 = arith.constant 0 : i32
          %dma_start3A_134 = tpu.memref_slice %arg4[%dma_start3A_132, %dma_start3A_133] : memref<10240x128xf32, #tpu.memory_space<hbm>> -> memref<10240x128xf32, #tpu.memory_space<hbm>>
          tpu.enqueue_indirect_dma source(%dma_start3A_134 : memref<10240x128xf32, #tpu.memory_space<hbm>>) target(%arg10 : memref<125x128xf32, #tpu.memory_space<vmem>>) offsets(%dma_start3A_131 : memref<125xi32, #tpu.memory_space<vmem>>) semaphore(%arg13 : memref<!tpu.dma_semaphore, #tpu.memory_space<semaphore_mem>>)
        } else {
        }
        %add3A_117 = arith.constant 1 : i32
        %add3A_118 = arith.addi %mul3A_97, %add3A_117 : i32
        %dma_wait3A_119 = arith.constant 0 : i32
        %dma_wait3A_120 = tpu.memref_slice %arg8[%add3A_118, %dma_wait3A_119] : memref<40x125xi32, #tpu.memory_space<vmem>> -> memref<1x125xi32, #tpu.memory_space<vmem>>
        %dma_wait3A_121 = tpu.memref_squeeze %dma_wait3A_120 : memref<1x125xi32, #tpu.memory_space<vmem>> -> memref<125xi32, #tpu.memory_space<vmem>>
        %dma_wait3A_122 = arith.constant 0 : i32
        %dma_wait3A_123 = arith.constant 0 : i32
        %dma_wait3A_124 = tpu.memref_slice %arg4[%dma_wait3A_122, %dma_wait3A_123] : memref<10240x128xf32, #tpu.memory_space<hbm>> -> memref<10240x128xf32, #tpu.memory_space<hbm>>
        tpu.wait_indirect_dma semaphore(%arg14 : memref<!tpu.dma_semaphore, #tpu.memory_space<semaphore_mem>>) src(%dma_wait3A_124 : memref<10240x128xf32, #tpu.memory_space<hbm>>) dst(%arg11 : memref<125x128xf32, #tpu.memory_space<vmem>>)
        %add3A_125 = arith.constant 1 : i32
        %add3A_126 = arith.addi %mul3A_97, %add3A_125 : i32
        "tpu.region"() ({
          %run_scoped3A = tpu.sem_alloc : memref<!tpu.dma_semaphore, #tpu.memory_space<semaphore_mem>>
          %dma_start3A_127 = arith.constant 0 : i32
          %dma_start3A_128 = tpu.memref_slice %arg9[%add3A_126, %dma_start3A_127] : memref<40x125xi32, #tpu.memory_space<vmem>> -> memref<1x125xi32, #tpu.memory_space<vmem>>
          %dma_start3A_129 = tpu.memref_squeeze %dma_start3A_128 : memref<1x125xi32, #tpu.memory_space<vmem>> -> memref<125xi32, #tpu.memory_space<vmem>>
          %dma_start3A_130 = arith.constant 0 : i32
          %dma_start3A_131 = arith.constant 0 : i32
          %dma_start3A_132 = tpu.memref_slice %arg12[%dma_start3A_130, %dma_start3A_131] : memref<10240x128xf32, #tpu.memory_space<vmem_shared>> -> memref<10240x128xf32, #tpu.memory_space<vmem_shared>>
          tpu.enqueue_indirect_dma source(%arg11 : memref<125x128xf32, #tpu.memory_space<vmem>>) target(%dma_start3A_132 : memref<10240x128xf32, #tpu.memory_space<vmem_shared>>) offsets(%dma_start3A_129 : memref<125xi32, #tpu.memory_space<vmem>>) semaphore(%run_scoped3A : memref<!tpu.dma_semaphore, #tpu.memory_space<semaphore_mem>>) {add = true}
          %dma_wait3A_133 = arith.constant 0 : i32
          %dma_wait3A_134 = tpu.memref_slice %arg9[%add3A_126, %dma_wait3A_133] : memref<40x125xi32, #tpu.memory_space<vmem>> -> memref<1x125xi32, #tpu.memory_space<vmem>>
          %dma_wait3A_135 = tpu.memref_squeeze %dma_wait3A_134 : memref<1x125xi32, #tpu.memory_space<vmem>> -> memref<125xi32, #tpu.memory_space<vmem>>
          %dma_wait3A_136 = arith.constant 0 : i32
          %dma_wait3A_137 = arith.constant 0 : i32
          %dma_wait3A_138 = tpu.memref_slice %arg12[%dma_wait3A_136, %dma_wait3A_137] : memref<10240x128xf32, #tpu.memory_space<vmem_shared>> -> memref<10240x128xf32, #tpu.memory_space<vmem_shared>>
          tpu.wait_indirect_dma semaphore(%run_scoped3A : memref<!tpu.dma_semaphore, #tpu.memory_space<semaphore_mem>>) src(%arg11 : memref<125x128xf32, #tpu.memory_space<vmem>>) dst(%dma_wait3A_138 : memref<10240x128xf32, #tpu.memory_space<vmem_shared>>)
          tpu.yield
        }) : () -> ()
      }
      %scan3A_94 = arith.constant 20 : i32
    } else {
    }
    %eq3A_3 = arith.constant 1 : i32
    %eq3A_4 = arith.cmpi eq, %arg0, %eq3A_3 : i32
    %convert_element_type3A_5 = arith.extui %eq3A_4 : i1 to i32
    %cond3A_6 = arith.constant 0 : i32
    %cond3A_7 = arith.cmpi ne, %convert_element_type3A_5, %cond3A_6 : i32
    scf.if %cond3A_7 {
      %mul3A_13 = arith.constant 160 : i32
      %mul3A_14 = arith.muli %arg1, %mul3A_13 : i32
      %add3A_15 = arith.constant 0 : i32
      %add3A_16 = arith.addi %mul3A_14, %add3A_15 : i32
      "tpu.region"() ({
        %run_scoped3A = tpu.sem_alloc : memref<!tpu.dma_semaphore, #tpu.memory_space<semaphore_mem>>
        %dma_start3A_95 = arith.constant 0 : i32
        %dma_start3A_96 = tpu.memref_slice %arg2[%add3A_16, %dma_start3A_95] : memref<2560x125xi32, #tpu.memory_space<hbm>> -> memref<40x125xi32, #tpu.memory_space<hbm>>
        %dma_start3A_97 = arith.constant 0 : i32
        %dma_start3A_98 = tpu.memref_slice %arg2[%add3A_16, %dma_start3A_97] : memref<2560x125xi32, #tpu.memory_space<hbm>> -> memref<40x125xi32, #tpu.memory_space<hbm>>
        tpu.enqueue_dma source(%dma_start3A_98 : memref<40x125xi32, #tpu.memory_space<hbm>>) target(%arg8 : memref<40x125xi32, #tpu.memory_space<vmem>>) target_semaphore(%run_scoped3A : memref<!tpu.dma_semaphore, #tpu.memory_space<semaphore_mem>>)
        %dma_wait3A = arith.constant 0 : i32
        %dma_wait3A_99 = tpu.memref_slice %arg2[%add3A_16, %dma_wait3A] : memref<2560x125xi32, #tpu.memory_space<hbm>> -> memref<40x125xi32, #tpu.memory_space<hbm>>
        %dma_wait3A_100 = arith.constant 0 : i32
        %dma_wait3A_101 = tpu.memref_slice %arg2[%add3A_16, %dma_wait3A_100] : memref<2560x125xi32, #tpu.memory_space<hbm>> -> memref<40x125xi32, #tpu.memory_space<hbm>>
        tpu.wait_dma2 semaphore(%run_scoped3A : memref<!tpu.dma_semaphore, #tpu.memory_space<semaphore_mem>>) src(%dma_wait3A_101 : memref<40x125xi32, #tpu.memory_space<hbm>>) dst(%arg8 : memref<40x125xi32, #tpu.memory_space<vmem>>)
        tpu.yield
      }) : () -> ()
      %mul3A_17 = arith.constant 160 : i32
      %mul3A_18 = arith.muli %arg1, %mul3A_17 : i32
      %add3A_19 = arith.constant 0 : i32
      %add3A_20 = arith.addi %mul3A_18, %add3A_19 : i32
      "tpu.region"() ({
        %run_scoped3A = tpu.sem_alloc : memref<!tpu.dma_semaphore, #tpu.memory_space<semaphore_mem>>
        %dma_start3A_95 = arith.constant 0 : i32
        %dma_start3A_96 = tpu.memref_slice %arg3[%add3A_20, %dma_start3A_95] : memref<2560x125xi32, #tpu.memory_space<hbm>> -> memref<40x125xi32, #tpu.memory_space<hbm>>
        %dma_start3A_97 = arith.constant 0 : i32
        %dma_start3A_98 = tpu.memref_slice %arg3[%add3A_20, %dma_start3A_97] : memref<2560x125xi32, #tpu.memory_space<hbm>> -> memref<40x125xi32, #tpu.memory_space<hbm>>
        tpu.enqueue_dma source(%dma_start3A_98 : memref<40x125xi32, #tpu.memory_space<hbm>>) target(%arg9 : memref<40x125xi32, #tpu.memory_space<vmem>>) target_semaphore(%run_scoped3A : memref<!tpu.dma_semaphore, #tpu.memory_space<semaphore_mem>>)
        %dma_wait3A = arith.constant 0 : i32
        %dma_wait3A_99 = tpu.memref_slice %arg3[%add3A_20, %dma_wait3A] : memref<2560x125xi32, #tpu.memory_space<hbm>> -> memref<40x125xi32, #tpu.memory_space<hbm>>
        %dma_wait3A_100 = arith.constant 0 : i32
        %dma_wait3A_101 = tpu.memref_slice %arg3[%add3A_20, %dma_wait3A_100] : memref<2560x125xi32, #tpu.memory_space<hbm>> -> memref<40x125xi32, #tpu.memory_space<hbm>>
        tpu.wait_dma2 semaphore(%run_scoped3A : memref<!tpu.dma_semaphore, #tpu.memory_space<semaphore_mem>>) src(%dma_wait3A_101 : memref<40x125xi32, #tpu.memory_space<hbm>>) dst(%arg9 : memref<40x125xi32, #tpu.memory_space<vmem>>)
        tpu.yield
      }) : () -> ()
      %dma_start3A = arith.constant 0 : i32
      %dma_start3A_21 = arith.constant 0 : i32
      %dma_start3A_22 = tpu.memref_slice %arg8[%dma_start3A, %dma_start3A_21] : memref<40x125xi32, #tpu.memory_space<vmem>> -> memref<1x125xi32, #tpu.memory_space<vmem>>
      %dma_start3A_23 = tpu.memref_squeeze %dma_start3A_22 : memref<1x125xi32, #tpu.memory_space<vmem>> -> memref<125xi32, #tpu.memory_space<vmem>>
      %dma_start3A_24 = arith.constant 0 : i32
      %dma_start3A_25 = arith.constant 0 : i32
      %dma_start3A_26 = tpu.memref_slice %arg5[%dma_start3A_24, %dma_start3A_25] : memref<10240x128xf32, #tpu.memory_space<hbm>> -> memref<10240x128xf32, #tpu.memory_space<hbm>>
      tpu.enqueue_indirect_dma source(%dma_start3A_26 : memref<10240x128xf32, #tpu.memory_space<hbm>>) target(%arg10 : memref<125x128xf32, #tpu.memory_space<vmem>>) offsets(%dma_start3A_23 : memref<125xi32, #tpu.memory_space<vmem>>) semaphore(%arg13 : memref<!tpu.dma_semaphore, #tpu.memory_space<semaphore_mem>>)
      %scan3A = arith.constant 0 : i32
      %scan3A_27 = arith.constant 0 : i32
      %scan3A_28 = arith.constant 20 : i32
      %scan3A_29 = arith.addi %scan3A_27, %scan3A_28 : i32
      %scan3A_30 = arith.constant 1 : i32
      scf.for %scan3A_95 = %scan3A_27 to %scan3A_29 step %scan3A_30  : i32 {
        %mul3A_96 = arith.constant 2 : i32
        %mul3A_97 = arith.muli %mul3A_96, %scan3A_95 : i32
        %add3A_98 = arith.constant 1 : i32
        %add3A_99 = arith.addi %mul3A_97, %add3A_98 : i32
        %dma_start3A_100 = arith.constant 0 : i32
        %dma_start3A_101 = tpu.memref_slice %arg8[%add3A_99, %dma_start3A_100] : memref<40x125xi32, #tpu.memory_space<vmem>> -> memref<1x125xi32, #tpu.memory_space<vmem>>
        %dma_start3A_102 = tpu.memref_squeeze %dma_start3A_101 : memref<1x125xi32, #tpu.memory_space<vmem>> -> memref<125xi32, #tpu.memory_space<vmem>>
        %dma_start3A_103 = arith.constant 0 : i32
        %dma_start3A_104 = arith.constant 0 : i32
        %dma_start3A_105 = tpu.memref_slice %arg5[%dma_start3A_103, %dma_start3A_104] : memref<10240x128xf32, #tpu.memory_space<hbm>> -> memref<10240x128xf32, #tpu.memory_space<hbm>>
        tpu.enqueue_indirect_dma source(%dma_start3A_105 : memref<10240x128xf32, #tpu.memory_space<hbm>>) target(%arg11 : memref<125x128xf32, #tpu.memory_space<vmem>>) offsets(%dma_start3A_102 : memref<125xi32, #tpu.memory_space<vmem>>) semaphore(%arg14 : memref<!tpu.dma_semaphore, #tpu.memory_space<semaphore_mem>>)
        %dma_wait3A = arith.constant 0 : i32
        %dma_wait3A_106 = tpu.memref_slice %arg8[%mul3A_97, %dma_wait3A] : memref<40x125xi32, #tpu.memory_space<vmem>> -> memref<1x125xi32, #tpu.memory_space<vmem>>
        %dma_wait3A_107 = tpu.memref_squeeze %dma_wait3A_106 : memref<1x125xi32, #tpu.memory_space<vmem>> -> memref<125xi32, #tpu.memory_space<vmem>>
        %dma_wait3A_108 = arith.constant 0 : i32
        %dma_wait3A_109 = arith.constant 0 : i32
        %dma_wait3A_110 = tpu.memref_slice %arg5[%dma_wait3A_108, %dma_wait3A_109] : memref<10240x128xf32, #tpu.memory_space<hbm>> -> memref<10240x128xf32, #tpu.memory_space<hbm>>
        tpu.wait_indirect_dma semaphore(%arg13 : memref<!tpu.dma_semaphore, #tpu.memory_space<semaphore_mem>>) src(%dma_wait3A_110 : memref<10240x128xf32, #tpu.memory_space<hbm>>) dst(%arg10 : memref<125x128xf32, #tpu.memory_space<vmem>>)
        "tpu.region"() ({
          %run_scoped3A = tpu.sem_alloc : memref<!tpu.dma_semaphore, #tpu.memory_space<semaphore_mem>>
          %dma_start3A_127 = arith.constant 0 : i32
          %dma_start3A_128 = tpu.memref_slice %arg9[%mul3A_97, %dma_start3A_127] : memref<40x125xi32, #tpu.memory_space<vmem>> -> memref<1x125xi32, #tpu.memory_space<vmem>>
          %dma_start3A_129 = tpu.memref_squeeze %dma_start3A_128 : memref<1x125xi32, #tpu.memory_space<vmem>> -> memref<125xi32, #tpu.memory_space<vmem>>
          %dma_start3A_130 = arith.constant 0 : i32
          %dma_start3A_131 = arith.constant 0 : i32
          %dma_start3A_132 = tpu.memref_slice %arg12[%dma_start3A_130, %dma_start3A_131] : memref<10240x128xf32, #tpu.memory_space<vmem_shared>> -> memref<10240x128xf32, #tpu.memory_space<vmem_shared>>
          tpu.enqueue_indirect_dma source(%arg10 : memref<125x128xf32, #tpu.memory_space<vmem>>) target(%dma_start3A_132 : memref<10240x128xf32, #tpu.memory_space<vmem_shared>>) offsets(%dma_start3A_129 : memref<125xi32, #tpu.memory_space<vmem>>) semaphore(%run_scoped3A : memref<!tpu.dma_semaphore, #tpu.memory_space<semaphore_mem>>) {add = true}
          %dma_wait3A_133 = arith.constant 0 : i32
          %dma_wait3A_134 = tpu.memref_slice %arg9[%mul3A_97, %dma_wait3A_133] : memref<40x125xi32, #tpu.memory_space<vmem>> -> memref<1x125xi32, #tpu.memory_space<vmem>>
          %dma_wait3A_135 = tpu.memref_squeeze %dma_wait3A_134 : memref<1x125xi32, #tpu.memory_space<vmem>> -> memref<125xi32, #tpu.memory_space<vmem>>
          %dma_wait3A_136 = arith.constant 0 : i32
          %dma_wait3A_137 = arith.constant 0 : i32
          %dma_wait3A_138 = tpu.memref_slice %arg12[%dma_wait3A_136, %dma_wait3A_137] : memref<10240x128xf32, #tpu.memory_space<vmem_shared>> -> memref<10240x128xf32, #tpu.memory_space<vmem_shared>>
          tpu.wait_indirect_dma semaphore(%run_scoped3A : memref<!tpu.dma_semaphore, #tpu.memory_space<semaphore_mem>>) src(%arg10 : memref<125x128xf32, #tpu.memory_space<vmem>>) dst(%dma_wait3A_138 : memref<10240x128xf32, #tpu.memory_space<vmem_shared>>)
          tpu.yield
        }) : () -> ()
        %add3A_111 = arith.constant 1 : i32
        %add3A_112 = arith.addi %scan3A_95, %add3A_111 : i32
        %lt3A = arith.constant 20 : i32
        %lt3A_113 = arith.cmpi slt, %add3A_112, %lt3A : i32
        %convert_element_type3A_114 = arith.extui %lt3A_113 : i1 to i32
        %cond3A_115 = arith.constant 0 : i32
        %cond3A_116 = arith.cmpi ne, %convert_element_type3A_114, %cond3A_115 : i32
        scf.if %cond3A_116 {
          %add3A_127 = arith.constant 2 : i32
          %add3A_128 = arith.addi %mul3A_97, %add3A_127 : i32
          %dma_start3A_129 = arith.constant 0 : i32
          %dma_start3A_130 = tpu.memref_slice %arg8[%add3A_128, %dma_start3A_129] : memref<40x125xi32, #tpu.memory_space<vmem>> -> memref<1x125xi32, #tpu.memory_space<vmem>>
          %dma_start3A_131 = tpu.memref_squeeze %dma_start3A_130 : memref<1x125xi32, #tpu.memory_space<vmem>> -> memref<125xi32, #tpu.memory_space<vmem>>
          %dma_start3A_132 = arith.constant 0 : i32
          %dma_start3A_133 = arith.constant 0 : i32
          %dma_start3A_134 = tpu.memref_slice %arg5[%dma_start3A_132, %dma_start3A_133] : memref<10240x128xf32, #tpu.memory_space<hbm>> -> memref<10240x128xf32, #tpu.memory_space<hbm>>
          tpu.enqueue_indirect_dma source(%dma_start3A_134 : memref<10240x128xf32, #tpu.memory_space<hbm>>) target(%arg10 : memref<125x128xf32, #tpu.memory_space<vmem>>) offsets(%dma_start3A_131 : memref<125xi32, #tpu.memory_space<vmem>>) semaphore(%arg13 : memref<!tpu.dma_semaphore, #tpu.memory_space<semaphore_mem>>)
        } else {
        }
        %add3A_117 = arith.constant 1 : i32
        %add3A_118 = arith.addi %mul3A_97, %add3A_117 : i32
        %dma_wait3A_119 = arith.constant 0 : i32
        %dma_wait3A_120 = tpu.memref_slice %arg8[%add3A_118, %dma_wait3A_119] : memref<40x125xi32, #tpu.memory_space<vmem>> -> memref<1x125xi32, #tpu.memory_space<vmem>>
        %dma_wait3A_121 = tpu.memref_squeeze %dma_wait3A_120 : memref<1x125xi32, #tpu.memory_space<vmem>> -> memref<125xi32, #tpu.memory_space<vmem>>
        %dma_wait3A_122 = arith.constant 0 : i32
        %dma_wait3A_123 = arith.constant 0 : i32
        %dma_wait3A_124 = tpu.memref_slice %arg5[%dma_wait3A_122, %dma_wait3A_123] : memref<10240x128xf32, #tpu.memory_space<hbm>> -> memref<10240x128xf32, #tpu.memory_space<hbm>>
        tpu.wait_indirect_dma semaphore(%arg14 : memref<!tpu.dma_semaphore, #tpu.memory_space<semaphore_mem>>) src(%dma_wait3A_124 : memref<10240x128xf32, #tpu.memory_space<hbm>>) dst(%arg11 : memref<125x128xf32, #tpu.memory_space<vmem>>)
        %add3A_125 = arith.constant 1 : i32
        %add3A_126 = arith.addi %mul3A_97, %add3A_125 : i32
        "tpu.region"() ({
          %run_scoped3A = tpu.sem_alloc : memref<!tpu.dma_semaphore, #tpu.memory_space<semaphore_mem>>
          %dma_start3A_127 = arith.constant 0 : i32
          %dma_start3A_128 = tpu.memref_slice %arg9[%add3A_126, %dma_start3A_127] : memref<40x125xi32, #tpu.memory_space<vmem>> -> memref<1x125xi32, #tpu.memory_space<vmem>>
          %dma_start3A_129 = tpu.memref_squeeze %dma_start3A_128 : memref<1x125xi32, #tpu.memory_space<vmem>> -> memref<125xi32, #tpu.memory_space<vmem>>
          %dma_start3A_130 = arith.constant 0 : i32
          %dma_start3A_131 = arith.constant 0 : i32
          %dma_start3A_132 = tpu.memref_slice %arg12[%dma_start3A_130, %dma_start3A_131] : memref<10240x128xf32, #tpu.memory_space<vmem_shared>> -> memref<10240x128xf32, #tpu.memory_space<vmem_shared>>
          tpu.enqueue_indirect_dma source(%arg11 : memref<125x128xf32, #tpu.memory_space<vmem>>) target(%dma_start3A_132 : memref<10240x128xf32, #tpu.memory_space<vmem_shared>>) offsets(%dma_start3A_129 : memref<125xi32, #tpu.memory_space<vmem>>) semaphore(%run_scoped3A : memref<!tpu.dma_semaphore, #tpu.memory_space<semaphore_mem>>) {add = true}
          %dma_wait3A_133 = arith.constant 0 : i32
          %dma_wait3A_134 = tpu.memref_slice %arg9[%add3A_126, %dma_wait3A_133] : memref<40x125xi32, #tpu.memory_space<vmem>> -> memref<1x125xi32, #tpu.memory_space<vmem>>
          %dma_wait3A_135 = tpu.memref_squeeze %dma_wait3A_134 : memref<1x125xi32, #tpu.memory_space<vmem>> -> memref<125xi32, #tpu.memory_space<vmem>>
          %dma_wait3A_136 = arith.constant 0 : i32
          %dma_wait3A_137 = arith.constant 0 : i32
          %dma_wait3A_138 = tpu.memref_slice %arg12[%dma_wait3A_136, %dma_wait3A_137] : memref<10240x128xf32, #tpu.memory_space<vmem_shared>> -> memref<10240x128xf32, #tpu.memory_space<vmem_shared>>
          tpu.wait_indirect_dma semaphore(%run_scoped3A : memref<!tpu.dma_semaphore, #tpu.memory_space<semaphore_mem>>) src(%arg11 : memref<125x128xf32, #tpu.memory_space<vmem>>) dst(%dma_wait3A_138 : memref<10240x128xf32, #tpu.memory_space<vmem_shared>>)
          tpu.yield
        }) : () -> ()
      }
      %scan3A_31 = arith.constant 20 : i32
      %mul3A_32 = arith.constant 160 : i32
      %mul3A_33 = arith.muli %arg1, %mul3A_32 : i32
      %add3A_34 = arith.constant 40 : i32
      %add3A_35 = arith.addi %mul3A_33, %add3A_34 : i32
      "tpu.region"() ({
        %run_scoped3A = tpu.sem_alloc : memref<!tpu.dma_semaphore, #tpu.memory_space<semaphore_mem>>
        %dma_start3A_95 = arith.constant 0 : i32
        %dma_start3A_96 = tpu.memref_slice %arg2[%add3A_35, %dma_start3A_95] : memref<2560x125xi32, #tpu.memory_space<hbm>> -> memref<40x125xi32, #tpu.memory_space<hbm>>
        %dma_start3A_97 = arith.constant 0 : i32
        %dma_start3A_98 = tpu.memref_slice %arg2[%add3A_35, %dma_start3A_97] : memref<2560x125xi32, #tpu.memory_space<hbm>> -> memref<40x125xi32, #tpu.memory_space<hbm>>
        tpu.enqueue_dma source(%dma_start3A_98 : memref<40x125xi32, #tpu.memory_space<hbm>>) target(%arg8 : memref<40x125xi32, #tpu.memory_space<vmem>>) target_semaphore(%run_scoped3A : memref<!tpu.dma_semaphore, #tpu.memory_space<semaphore_mem>>)
        %dma_wait3A = arith.constant 0 : i32
        %dma_wait3A_99 = tpu.memref_slice %arg2[%add3A_35, %dma_wait3A] : memref<2560x125xi32, #tpu.memory_space<hbm>> -> memref<40x125xi32, #tpu.memory_space<hbm>>
        %dma_wait3A_100 = arith.constant 0 : i32
        %dma_wait3A_101 = tpu.memref_slice %arg2[%add3A_35, %dma_wait3A_100] : memref<2560x125xi32, #tpu.memory_space<hbm>> -> memref<40x125xi32, #tpu.memory_space<hbm>>
        tpu.wait_dma2 semaphore(%run_scoped3A : memref<!tpu.dma_semaphore, #tpu.memory_space<semaphore_mem>>) src(%dma_wait3A_101 : memref<40x125xi32, #tpu.memory_space<hbm>>) dst(%arg8 : memref<40x125xi32, #tpu.memory_space<vmem>>)
        tpu.yield
      }) : () -> ()
      %mul3A_36 = arith.constant 160 : i32
      %mul3A_37 = arith.muli %arg1, %mul3A_36 : i32
      %add3A_38 = arith.constant 40 : i32
      %add3A_39 = arith.addi %mul3A_37, %add3A_38 : i32
      "tpu.region"() ({
        %run_scoped3A = tpu.sem_alloc : memref<!tpu.dma_semaphore, #tpu.memory_space<semaphore_mem>>
        %dma_start3A_95 = arith.constant 0 : i32
        %dma_start3A_96 = tpu.memref_slice %arg3[%add3A_39, %dma_start3A_95] : memref<2560x125xi32, #tpu.memory_space<hbm>> -> memref<40x125xi32, #tpu.memory_space<hbm>>
        %dma_start3A_97 = arith.constant 0 : i32
        %dma_start3A_98 = tpu.memref_slice %arg3[%add3A_39, %dma_start3A_97] : memref<2560x125xi32, #tpu.memory_space<hbm>> -> memref<40x125xi32, #tpu.memory_space<hbm>>
        tpu.enqueue_dma source(%dma_start3A_98 : memref<40x125xi32, #tpu.memory_space<hbm>>) target(%arg9 : memref<40x125xi32, #tpu.memory_space<vmem>>) target_semaphore(%run_scoped3A : memref<!tpu.dma_semaphore, #tpu.memory_space<semaphore_mem>>)
        %dma_wait3A = arith.constant 0 : i32
        %dma_wait3A_99 = tpu.memref_slice %arg3[%add3A_39, %dma_wait3A] : memref<2560x125xi32, #tpu.memory_space<hbm>> -> memref<40x125xi32, #tpu.memory_space<hbm>>
        %dma_wait3A_100 = arith.constant 0 : i32
        %dma_wait3A_101 = tpu.memref_slice %arg3[%add3A_39, %dma_wait3A_100] : memref<2560x125xi32, #tpu.memory_space<hbm>> -> memref<40x125xi32, #tpu.memory_space<hbm>>
        tpu.wait_dma2 semaphore(%run_scoped3A : memref<!tpu.dma_semaphore, #tpu.memory_space<semaphore_mem>>) src(%dma_wait3A_101 : memref<40x125xi32, #tpu.memory_space<hbm>>) dst(%arg9 : memref<40x125xi32, #tpu.memory_space<vmem>>)
        tpu.yield
      }) : () -> ()
      %dma_start3A_40 = arith.constant 0 : i32
      %dma_start3A_41 = arith.constant 0 : i32
      %dma_start3A_42 = tpu.memref_slice %arg8[%dma_start3A_40, %dma_start3A_41] : memref<40x125xi32, #tpu.memory_space<vmem>> -> memref<1x125xi32, #tpu.memory_space<vmem>>
      %dma_start3A_43 = tpu.memref_squeeze %dma_start3A_42 : memref<1x125xi32, #tpu.memory_space<vmem>> -> memref<125xi32, #tpu.memory_space<vmem>>
      %dma_start3A_44 = arith.constant 0 : i32
      %dma_start3A_45 = arith.constant 0 : i32
      %dma_start3A_46 = tpu.memref_slice %arg5[%dma_start3A_44, %dma_start3A_45] : memref<10240x128xf32, #tpu.memory_space<hbm>> -> memref<10240x128xf32, #tpu.memory_space<hbm>>
      tpu.enqueue_indirect_dma source(%dma_start3A_46 : memref<10240x128xf32, #tpu.memory_space<hbm>>) target(%arg10 : memref<125x128xf32, #tpu.memory_space<vmem>>) offsets(%dma_start3A_43 : memref<125xi32, #tpu.memory_space<vmem>>) semaphore(%arg13 : memref<!tpu.dma_semaphore, #tpu.memory_space<semaphore_mem>>)
      %scan3A_47 = arith.constant 0 : i32
      %scan3A_48 = arith.constant 0 : i32
      %scan3A_49 = arith.constant 20 : i32
      %scan3A_50 = arith.addi %scan3A_48, %scan3A_49 : i32
      %scan3A_51 = arith.constant 1 : i32
      scf.for %scan3A_95 = %scan3A_48 to %scan3A_50 step %scan3A_51  : i32 {
        %mul3A_96 = arith.constant 2 : i32
        %mul3A_97 = arith.muli %mul3A_96, %scan3A_95 : i32
        %add3A_98 = arith.constant 1 : i32
        %add3A_99 = arith.addi %mul3A_97, %add3A_98 : i32
        %dma_start3A_100 = arith.constant 0 : i32
        %dma_start3A_101 = tpu.memref_slice %arg8[%add3A_99, %dma_start3A_100] : memref<40x125xi32, #tpu.memory_space<vmem>> -> memref<1x125xi32, #tpu.memory_space<vmem>>
        %dma_start3A_102 = tpu.memref_squeeze %dma_start3A_101 : memref<1x125xi32, #tpu.memory_space<vmem>> -> memref<125xi32, #tpu.memory_space<vmem>>
        %dma_start3A_103 = arith.constant 0 : i32
        %dma_start3A_104 = arith.constant 0 : i32
        %dma_start3A_105 = tpu.memref_slice %arg5[%dma_start3A_103, %dma_start3A_104] : memref<10240x128xf32, #tpu.memory_space<hbm>> -> memref<10240x128xf32, #tpu.memory_space<hbm>>
        tpu.enqueue_indirect_dma source(%dma_start3A_105 : memref<10240x128xf32, #tpu.memory_space<hbm>>) target(%arg11 : memref<125x128xf32, #tpu.memory_space<vmem>>) offsets(%dma_start3A_102 : memref<125xi32, #tpu.memory_space<vmem>>) semaphore(%arg14 : memref<!tpu.dma_semaphore, #tpu.memory_space<semaphore_mem>>)
        %dma_wait3A = arith.constant 0 : i32
        %dma_wait3A_106 = tpu.memref_slice %arg8[%mul3A_97, %dma_wait3A] : memref<40x125xi32, #tpu.memory_space<vmem>> -> memref<1x125xi32, #tpu.memory_space<vmem>>
        %dma_wait3A_107 = tpu.memref_squeeze %dma_wait3A_106 : memref<1x125xi32, #tpu.memory_space<vmem>> -> memref<125xi32, #tpu.memory_space<vmem>>
        %dma_wait3A_108 = arith.constant 0 : i32
        %dma_wait3A_109 = arith.constant 0 : i32
        %dma_wait3A_110 = tpu.memref_slice %arg5[%dma_wait3A_108, %dma_wait3A_109] : memref<10240x128xf32, #tpu.memory_space<hbm>> -> memref<10240x128xf32, #tpu.memory_space<hbm>>
        tpu.wait_indirect_dma semaphore(%arg13 : memref<!tpu.dma_semaphore, #tpu.memory_space<semaphore_mem>>) src(%dma_wait3A_110 : memref<10240x128xf32, #tpu.memory_space<hbm>>) dst(%arg10 : memref<125x128xf32, #tpu.memory_space<vmem>>)
        "tpu.region"() ({
          %run_scoped3A = tpu.sem_alloc : memref<!tpu.dma_semaphore, #tpu.memory_space<semaphore_mem>>
          %dma_start3A_127 = arith.constant 0 : i32
          %dma_start3A_128 = tpu.memref_slice %arg9[%mul3A_97, %dma_start3A_127] : memref<40x125xi32, #tpu.memory_space<vmem>> -> memref<1x125xi32, #tpu.memory_space<vmem>>
          %dma_start3A_129 = tpu.memref_squeeze %dma_start3A_128 : memref<1x125xi32, #tpu.memory_space<vmem>> -> memref<125xi32, #tpu.memory_space<vmem>>
          %dma_start3A_130 = arith.constant 0 : i32
          %dma_start3A_131 = arith.constant 0 : i32
          %dma_start3A_132 = tpu.memref_slice %arg12[%dma_start3A_130, %dma_start3A_131] : memref<10240x128xf32, #tpu.memory_space<vmem_shared>> -> memref<10240x128xf32, #tpu.memory_space<vmem_shared>>
          tpu.enqueue_indirect_dma source(%arg10 : memref<125x128xf32, #tpu.memory_space<vmem>>) target(%dma_start3A_132 : memref<10240x128xf32, #tpu.memory_space<vmem_shared>>) offsets(%dma_start3A_129 : memref<125xi32, #tpu.memory_space<vmem>>) semaphore(%run_scoped3A : memref<!tpu.dma_semaphore, #tpu.memory_space<semaphore_mem>>) {add = true}
          %dma_wait3A_133 = arith.constant 0 : i32
          %dma_wait3A_134 = tpu.memref_slice %arg9[%mul3A_97, %dma_wait3A_133] : memref<40x125xi32, #tpu.memory_space<vmem>> -> memref<1x125xi32, #tpu.memory_space<vmem>>
          %dma_wait3A_135 = tpu.memref_squeeze %dma_wait3A_134 : memref<1x125xi32, #tpu.memory_space<vmem>> -> memref<125xi32, #tpu.memory_space<vmem>>
          %dma_wait3A_136 = arith.constant 0 : i32
          %dma_wait3A_137 = arith.constant 0 : i32
          %dma_wait3A_138 = tpu.memref_slice %arg12[%dma_wait3A_136, %dma_wait3A_137] : memref<10240x128xf32, #tpu.memory_space<vmem_shared>> -> memref<10240x128xf32, #tpu.memory_space<vmem_shared>>
          tpu.wait_indirect_dma semaphore(%run_scoped3A : memref<!tpu.dma_semaphore, #tpu.memory_space<semaphore_mem>>) src(%arg10 : memref<125x128xf32, #tpu.memory_space<vmem>>) dst(%dma_wait3A_138 : memref<10240x128xf32, #tpu.memory_space<vmem_shared>>)
          tpu.yield
        }) : () -> ()
        %add3A_111 = arith.constant 1 : i32
        %add3A_112 = arith.addi %scan3A_95, %add3A_111 : i32
        %lt3A = arith.constant 20 : i32
        %lt3A_113 = arith.cmpi slt, %add3A_112, %lt3A : i32
        %convert_element_type3A_114 = arith.extui %lt3A_113 : i1 to i32
        %cond3A_115 = arith.constant 0 : i32
        %cond3A_116 = arith.cmpi ne, %convert_element_type3A_114, %cond3A_115 : i32
        scf.if %cond3A_116 {
          %add3A_127 = arith.constant 2 : i32
          %add3A_128 = arith.addi %mul3A_97, %add3A_127 : i32
          %dma_start3A_129 = arith.constant 0 : i32
          %dma_start3A_130 = tpu.memref_slice %arg8[%add3A_128, %dma_start3A_129] : memref<40x125xi32, #tpu.memory_space<vmem>> -> memref<1x125xi32, #tpu.memory_space<vmem>>
          %dma_start3A_131 = tpu.memref_squeeze %dma_start3A_130 : memref<1x125xi32, #tpu.memory_space<vmem>> -> memref<125xi32, #tpu.memory_space<vmem>>
          %dma_start3A_132 = arith.constant 0 : i32
          %dma_start3A_133 = arith.constant 0 : i32
          %dma_start3A_134 = tpu.memref_slice %arg5[%dma_start3A_132, %dma_start3A_133] : memref<10240x128xf32, #tpu.memory_space<hbm>> -> memref<10240x128xf32, #tpu.memory_space<hbm>>
          tpu.enqueue_indirect_dma source(%dma_start3A_134 : memref<10240x128xf32, #tpu.memory_space<hbm>>) target(%arg10 : memref<125x128xf32, #tpu.memory_space<vmem>>) offsets(%dma_start3A_131 : memref<125xi32, #tpu.memory_space<vmem>>) semaphore(%arg13 : memref<!tpu.dma_semaphore, #tpu.memory_space<semaphore_mem>>)
        } else {
        }
        %add3A_117 = arith.constant 1 : i32
        %add3A_118 = arith.addi %mul3A_97, %add3A_117 : i32
        %dma_wait3A_119 = arith.constant 0 : i32
        %dma_wait3A_120 = tpu.memref_slice %arg8[%add3A_118, %dma_wait3A_119] : memref<40x125xi32, #tpu.memory_space<vmem>> -> memref<1x125xi32, #tpu.memory_space<vmem>>
        %dma_wait3A_121 = tpu.memref_squeeze %dma_wait3A_120 : memref<1x125xi32, #tpu.memory_space<vmem>> -> memref<125xi32, #tpu.memory_space<vmem>>
        %dma_wait3A_122 = arith.constant 0 : i32
        %dma_wait3A_123 = arith.constant 0 : i32
        %dma_wait3A_124 = tpu.memref_slice %arg5[%dma_wait3A_122, %dma_wait3A_123] : memref<10240x128xf32, #tpu.memory_space<hbm>> -> memref<10240x128xf32, #tpu.memory_space<hbm>>
        tpu.wait_indirect_dma semaphore(%arg14 : memref<!tpu.dma_semaphore, #tpu.memory_space<semaphore_mem>>) src(%dma_wait3A_124 : memref<10240x128xf32, #tpu.memory_space<hbm>>) dst(%arg11 : memref<125x128xf32, #tpu.memory_space<vmem>>)
        %add3A_125 = arith.constant 1 : i32
        %add3A_126 = arith.addi %mul3A_97, %add3A_125 : i32
        "tpu.region"() ({
          %run_scoped3A = tpu.sem_alloc : memref<!tpu.dma_semaphore, #tpu.memory_space<semaphore_mem>>
          %dma_start3A_127 = arith.constant 0 : i32
          %dma_start3A_128 = tpu.memref_slice %arg9[%add3A_126, %dma_start3A_127] : memref<40x125xi32, #tpu.memory_space<vmem>> -> memref<1x125xi32, #tpu.memory_space<vmem>>
          %dma_start3A_129 = tpu.memref_squeeze %dma_start3A_128 : memref<1x125xi32, #tpu.memory_space<vmem>> -> memref<125xi32, #tpu.memory_space<vmem>>
          %dma_start3A_130 = arith.constant 0 : i32
          %dma_start3A_131 = arith.constant 0 : i32
          %dma_start3A_132 = tpu.memref_slice %arg12[%dma_start3A_130, %dma_start3A_131] : memref<10240x128xf32, #tpu.memory_space<vmem_shared>> -> memref<10240x128xf32, #tpu.memory_space<vmem_shared>>
          tpu.enqueue_indirect_dma source(%arg11 : memref<125x128xf32, #tpu.memory_space<vmem>>) target(%dma_start3A_132 : memref<10240x128xf32, #tpu.memory_space<vmem_shared>>) offsets(%dma_start3A_129 : memref<125xi32, #tpu.memory_space<vmem>>) semaphore(%run_scoped3A : memref<!tpu.dma_semaphore, #tpu.memory_space<semaphore_mem>>) {add = true}
          %dma_wait3A_133 = arith.constant 0 : i32
          %dma_wait3A_134 = tpu.memref_slice %arg9[%add3A_126, %dma_wait3A_133] : memref<40x125xi32, #tpu.memory_space<vmem>> -> memref<1x125xi32, #tpu.memory_space<vmem>>
          %dma_wait3A_135 = tpu.memref_squeeze %dma_wait3A_134 : memref<1x125xi32, #tpu.memory_space<vmem>> -> memref<125xi32, #tpu.memory_space<vmem>>
          %dma_wait3A_136 = arith.constant 0 : i32
          %dma_wait3A_137 = arith.constant 0 : i32
          %dma_wait3A_138 = tpu.memref_slice %arg12[%dma_wait3A_136, %dma_wait3A_137] : memref<10240x128xf32, #tpu.memory_space<vmem_shared>> -> memref<10240x128xf32, #tpu.memory_space<vmem_shared>>
          tpu.wait_indirect_dma semaphore(%run_scoped3A : memref<!tpu.dma_semaphore, #tpu.memory_space<semaphore_mem>>) src(%arg11 : memref<125x128xf32, #tpu.memory_space<vmem>>) dst(%dma_wait3A_138 : memref<10240x128xf32, #tpu.memory_space<vmem_shared>>)
          tpu.yield
        }) : () -> ()
      }
      %scan3A_52 = arith.constant 20 : i32
      %mul3A_53 = arith.constant 160 : i32
      %mul3A_54 = arith.muli %arg1, %mul3A_53 : i32
      %add3A_55 = arith.constant 80 : i32
      %add3A_56 = arith.addi %mul3A_54, %add3A_55 : i32
      "tpu.region"() ({
        %run_scoped3A = tpu.sem_alloc : memref<!tpu.dma_semaphore, #tpu.memory_space<semaphore_mem>>
        %dma_start3A_95 = arith.constant 0 : i32
        %dma_start3A_96 = tpu.memref_slice %arg2[%add3A_56, %dma_start3A_95] : memref<2560x125xi32, #tpu.memory_space<hbm>> -> memref<40x125xi32, #tpu.memory_space<hbm>>
        %dma_start3A_97 = arith.constant 0 : i32
        %dma_start3A_98 = tpu.memref_slice %arg2[%add3A_56, %dma_start3A_97] : memref<2560x125xi32, #tpu.memory_space<hbm>> -> memref<40x125xi32, #tpu.memory_space<hbm>>
        tpu.enqueue_dma source(%dma_start3A_98 : memref<40x125xi32, #tpu.memory_space<hbm>>) target(%arg8 : memref<40x125xi32, #tpu.memory_space<vmem>>) target_semaphore(%run_scoped3A : memref<!tpu.dma_semaphore, #tpu.memory_space<semaphore_mem>>)
        %dma_wait3A = arith.constant 0 : i32
        %dma_wait3A_99 = tpu.memref_slice %arg2[%add3A_56, %dma_wait3A] : memref<2560x125xi32, #tpu.memory_space<hbm>> -> memref<40x125xi32, #tpu.memory_space<hbm>>
        %dma_wait3A_100 = arith.constant 0 : i32
        %dma_wait3A_101 = tpu.memref_slice %arg2[%add3A_56, %dma_wait3A_100] : memref<2560x125xi32, #tpu.memory_space<hbm>> -> memref<40x125xi32, #tpu.memory_space<hbm>>
        tpu.wait_dma2 semaphore(%run_scoped3A : memref<!tpu.dma_semaphore, #tpu.memory_space<semaphore_mem>>) src(%dma_wait3A_101 : memref<40x125xi32, #tpu.memory_space<hbm>>) dst(%arg8 : memref<40x125xi32, #tpu.memory_space<vmem>>)
        tpu.yield
      }) : () -> ()
      %mul3A_57 = arith.constant 160 : i32
      %mul3A_58 = arith.muli %arg1, %mul3A_57 : i32
      %add3A_59 = arith.constant 80 : i32
      %add3A_60 = arith.addi %mul3A_58, %add3A_59 : i32
      "tpu.region"() ({
        %run_scoped3A = tpu.sem_alloc : memref<!tpu.dma_semaphore, #tpu.memory_space<semaphore_mem>>
        %dma_start3A_95 = arith.constant 0 : i32
        %dma_start3A_96 = tpu.memref_slice %arg3[%add3A_60, %dma_start3A_95] : memref<2560x125xi32, #tpu.memory_space<hbm>> -> memref<40x125xi32, #tpu.memory_space<hbm>>
        %dma_start3A_97 = arith.constant 0 : i32
        %dma_start3A_98 = tpu.memref_slice %arg3[%add3A_60, %dma_start3A_97] : memref<2560x125xi32, #tpu.memory_space<hbm>> -> memref<40x125xi32, #tpu.memory_space<hbm>>
        tpu.enqueue_dma source(%dma_start3A_98 : memref<40x125xi32, #tpu.memory_space<hbm>>) target(%arg9 : memref<40x125xi32, #tpu.memory_space<vmem>>) target_semaphore(%run_scoped3A : memref<!tpu.dma_semaphore, #tpu.memory_space<semaphore_mem>>)
        %dma_wait3A = arith.constant 0 : i32
        %dma_wait3A_99 = tpu.memref_slice %arg3[%add3A_60, %dma_wait3A] : memref<2560x125xi32, #tpu.memory_space<hbm>> -> memref<40x125xi32, #tpu.memory_space<hbm>>
        %dma_wait3A_100 = arith.constant 0 : i32
        %dma_wait3A_101 = tpu.memref_slice %arg3[%add3A_60, %dma_wait3A_100] : memref<2560x125xi32, #tpu.memory_space<hbm>> -> memref<40x125xi32, #tpu.memory_space<hbm>>
        tpu.wait_dma2 semaphore(%run_scoped3A : memref<!tpu.dma_semaphore, #tpu.memory_space<semaphore_mem>>) src(%dma_wait3A_101 : memref<40x125xi32, #tpu.memory_space<hbm>>) dst(%arg9 : memref<40x125xi32, #tpu.memory_space<vmem>>)
        tpu.yield
      }) : () -> ()
      %dma_start3A_61 = arith.constant 0 : i32
      %dma_start3A_62 = arith.constant 0 : i32
      %dma_start3A_63 = tpu.memref_slice %arg8[%dma_start3A_61, %dma_start3A_62] : memref<40x125xi32, #tpu.memory_space<vmem>> -> memref<1x125xi32, #tpu.memory_space<vmem>>
      %dma_start3A_64 = tpu.memref_squeeze %dma_start3A_63 : memref<1x125xi32, #tpu.memory_space<vmem>> -> memref<125xi32, #tpu.memory_space<vmem>>
      %dma_start3A_65 = arith.constant 0 : i32
      %dma_start3A_66 = arith.constant 0 : i32
      %dma_start3A_67 = tpu.memref_slice %arg5[%dma_start3A_65, %dma_start3A_66] : memref<10240x128xf32, #tpu.memory_space<hbm>> -> memref<10240x128xf32, #tpu.memory_space<hbm>>
      tpu.enqueue_indirect_dma source(%dma_start3A_67 : memref<10240x128xf32, #tpu.memory_space<hbm>>) target(%arg10 : memref<125x128xf32, #tpu.memory_space<vmem>>) offsets(%dma_start3A_64 : memref<125xi32, #tpu.memory_space<vmem>>) semaphore(%arg13 : memref<!tpu.dma_semaphore, #tpu.memory_space<semaphore_mem>>)
      %scan3A_68 = arith.constant 0 : i32
      %scan3A_69 = arith.constant 0 : i32
      %scan3A_70 = arith.constant 20 : i32
      %scan3A_71 = arith.addi %scan3A_69, %scan3A_70 : i32
      %scan3A_72 = arith.constant 1 : i32
      scf.for %scan3A_95 = %scan3A_69 to %scan3A_71 step %scan3A_72  : i32 {
        %mul3A_96 = arith.constant 2 : i32
        %mul3A_97 = arith.muli %mul3A_96, %scan3A_95 : i32
        %add3A_98 = arith.constant 1 : i32
        %add3A_99 = arith.addi %mul3A_97, %add3A_98 : i32
        %dma_start3A_100 = arith.constant 0 : i32
        %dma_start3A_101 = tpu.memref_slice %arg8[%add3A_99, %dma_start3A_100] : memref<40x125xi32, #tpu.memory_space<vmem>> -> memref<1x125xi32, #tpu.memory_space<vmem>>
        %dma_start3A_102 = tpu.memref_squeeze %dma_start3A_101 : memref<1x125xi32, #tpu.memory_space<vmem>> -> memref<125xi32, #tpu.memory_space<vmem>>
        %dma_start3A_103 = arith.constant 0 : i32
        %dma_start3A_104 = arith.constant 0 : i32
        %dma_start3A_105 = tpu.memref_slice %arg5[%dma_start3A_103, %dma_start3A_104] : memref<10240x128xf32, #tpu.memory_space<hbm>> -> memref<10240x128xf32, #tpu.memory_space<hbm>>
        tpu.enqueue_indirect_dma source(%dma_start3A_105 : memref<10240x128xf32, #tpu.memory_space<hbm>>) target(%arg11 : memref<125x128xf32, #tpu.memory_space<vmem>>) offsets(%dma_start3A_102 : memref<125xi32, #tpu.memory_space<vmem>>) semaphore(%arg14 : memref<!tpu.dma_semaphore, #tpu.memory_space<semaphore_mem>>)
        %dma_wait3A = arith.constant 0 : i32
        %dma_wait3A_106 = tpu.memref_slice %arg8[%mul3A_97, %dma_wait3A] : memref<40x125xi32, #tpu.memory_space<vmem>> -> memref<1x125xi32, #tpu.memory_space<vmem>>
        %dma_wait3A_107 = tpu.memref_squeeze %dma_wait3A_106 : memref<1x125xi32, #tpu.memory_space<vmem>> -> memref<125xi32, #tpu.memory_space<vmem>>
        %dma_wait3A_108 = arith.constant 0 : i32
        %dma_wait3A_109 = arith.constant 0 : i32
        %dma_wait3A_110 = tpu.memref_slice %arg5[%dma_wait3A_108, %dma_wait3A_109] : memref<10240x128xf32, #tpu.memory_space<hbm>> -> memref<10240x128xf32, #tpu.memory_space<hbm>>
        tpu.wait_indirect_dma semaphore(%arg13 : memref<!tpu.dma_semaphore, #tpu.memory_space<semaphore_mem>>) src(%dma_wait3A_110 : memref<10240x128xf32, #tpu.memory_space<hbm>>) dst(%arg10 : memref<125x128xf32, #tpu.memory_space<vmem>>)
        "tpu.region"() ({
          %run_scoped3A = tpu.sem_alloc : memref<!tpu.dma_semaphore, #tpu.memory_space<semaphore_mem>>
          %dma_start3A_127 = arith.constant 0 : i32
          %dma_start3A_128 = tpu.memref_slice %arg9[%mul3A_97, %dma_start3A_127] : memref<40x125xi32, #tpu.memory_space<vmem>> -> memref<1x125xi32, #tpu.memory_space<vmem>>
          %dma_start3A_129 = tpu.memref_squeeze %dma_start3A_128 : memref<1x125xi32, #tpu.memory_space<vmem>> -> memref<125xi32, #tpu.memory_space<vmem>>
          %dma_start3A_130 = arith.constant 0 : i32
          %dma_start3A_131 = arith.constant 0 : i32
          %dma_start3A_132 = tpu.memref_slice %arg12[%dma_start3A_130, %dma_start3A_131] : memref<10240x128xf32, #tpu.memory_space<vmem_shared>> -> memref<10240x128xf32, #tpu.memory_space<vmem_shared>>
          tpu.enqueue_indirect_dma source(%arg10 : memref<125x128xf32, #tpu.memory_space<vmem>>) target(%dma_start3A_132 : memref<10240x128xf32, #tpu.memory_space<vmem_shared>>) offsets(%dma_start3A_129 : memref<125xi32, #tpu.memory_space<vmem>>) semaphore(%run_scoped3A : memref<!tpu.dma_semaphore, #tpu.memory_space<semaphore_mem>>) {add = true}
          %dma_wait3A_133 = arith.constant 0 : i32
          %dma_wait3A_134 = tpu.memref_slice %arg9[%mul3A_97, %dma_wait3A_133] : memref<40x125xi32, #tpu.memory_space<vmem>> -> memref<1x125xi32, #tpu.memory_space<vmem>>
          %dma_wait3A_135 = tpu.memref_squeeze %dma_wait3A_134 : memref<1x125xi32, #tpu.memory_space<vmem>> -> memref<125xi32, #tpu.memory_space<vmem>>
          %dma_wait3A_136 = arith.constant 0 : i32
          %dma_wait3A_137 = arith.constant 0 : i32
          %dma_wait3A_138 = tpu.memref_slice %arg12[%dma_wait3A_136, %dma_wait3A_137] : memref<10240x128xf32, #tpu.memory_space<vmem_shared>> -> memref<10240x128xf32, #tpu.memory_space<vmem_shared>>
          tpu.wait_indirect_dma semaphore(%run_scoped3A : memref<!tpu.dma_semaphore, #tpu.memory_space<semaphore_mem>>) src(%arg10 : memref<125x128xf32, #tpu.memory_space<vmem>>) dst(%dma_wait3A_138 : memref<10240x128xf32, #tpu.memory_space<vmem_shared>>)
          tpu.yield
        }) : () -> ()
        %add3A_111 = arith.constant 1 : i32
        %add3A_112 = arith.addi %scan3A_95, %add3A_111 : i32
        %lt3A = arith.constant 20 : i32
        %lt3A_113 = arith.cmpi slt, %add3A_112, %lt3A : i32
        %convert_element_type3A_114 = arith.extui %lt3A_113 : i1 to i32
        %cond3A_115 = arith.constant 0 : i32
        %cond3A_116 = arith.cmpi ne, %convert_element_type3A_114, %cond3A_115 : i32
        scf.if %cond3A_116 {
          %add3A_127 = arith.constant 2 : i32
          %add3A_128 = arith.addi %mul3A_97, %add3A_127 : i32
          %dma_start3A_129 = arith.constant 0 : i32
          %dma_start3A_130 = tpu.memref_slice %arg8[%add3A_128, %dma_start3A_129] : memref<40x125xi32, #tpu.memory_space<vmem>> -> memref<1x125xi32, #tpu.memory_space<vmem>>
          %dma_start3A_131 = tpu.memref_squeeze %dma_start3A_130 : memref<1x125xi32, #tpu.memory_space<vmem>> -> memref<125xi32, #tpu.memory_space<vmem>>
          %dma_start3A_132 = arith.constant 0 : i32
          %dma_start3A_133 = arith.constant 0 : i32
          %dma_start3A_134 = tpu.memref_slice %arg5[%dma_start3A_132, %dma_start3A_133] : memref<10240x128xf32, #tpu.memory_space<hbm>> -> memref<10240x128xf32, #tpu.memory_space<hbm>>
          tpu.enqueue_indirect_dma source(%dma_start3A_134 : memref<10240x128xf32, #tpu.memory_space<hbm>>) target(%arg10 : memref<125x128xf32, #tpu.memory_space<vmem>>) offsets(%dma_start3A_131 : memref<125xi32, #tpu.memory_space<vmem>>) semaphore(%arg13 : memref<!tpu.dma_semaphore, #tpu.memory_space<semaphore_mem>>)
        } else {
        }
        %add3A_117 = arith.constant 1 : i32
        %add3A_118 = arith.addi %mul3A_97, %add3A_117 : i32
        %dma_wait3A_119 = arith.constant 0 : i32
        %dma_wait3A_120 = tpu.memref_slice %arg8[%add3A_118, %dma_wait3A_119] : memref<40x125xi32, #tpu.memory_space<vmem>> -> memref<1x125xi32, #tpu.memory_space<vmem>>
        %dma_wait3A_121 = tpu.memref_squeeze %dma_wait3A_120 : memref<1x125xi32, #tpu.memory_space<vmem>> -> memref<125xi32, #tpu.memory_space<vmem>>
        %dma_wait3A_122 = arith.constant 0 : i32
        %dma_wait3A_123 = arith.constant 0 : i32
        %dma_wait3A_124 = tpu.memref_slice %arg5[%dma_wait3A_122, %dma_wait3A_123] : memref<10240x128xf32, #tpu.memory_space<hbm>> -> memref<10240x128xf32, #tpu.memory_space<hbm>>
        tpu.wait_indirect_dma semaphore(%arg14 : memref<!tpu.dma_semaphore, #tpu.memory_space<semaphore_mem>>) src(%dma_wait3A_124 : memref<10240x128xf32, #tpu.memory_space<hbm>>) dst(%arg11 : memref<125x128xf32, #tpu.memory_space<vmem>>)
        %add3A_125 = arith.constant 1 : i32
        %add3A_126 = arith.addi %mul3A_97, %add3A_125 : i32
        "tpu.region"() ({
          %run_scoped3A = tpu.sem_alloc : memref<!tpu.dma_semaphore, #tpu.memory_space<semaphore_mem>>
          %dma_start3A_127 = arith.constant 0 : i32
          %dma_start3A_128 = tpu.memref_slice %arg9[%add3A_126, %dma_start3A_127] : memref<40x125xi32, #tpu.memory_space<vmem>> -> memref<1x125xi32, #tpu.memory_space<vmem>>
          %dma_start3A_129 = tpu.memref_squeeze %dma_start3A_128 : memref<1x125xi32, #tpu.memory_space<vmem>> -> memref<125xi32, #tpu.memory_space<vmem>>
          %dma_start3A_130 = arith.constant 0 : i32
          %dma_start3A_131 = arith.constant 0 : i32
          %dma_start3A_132 = tpu.memref_slice %arg12[%dma_start3A_130, %dma_start3A_131] : memref<10240x128xf32, #tpu.memory_space<vmem_shared>> -> memref<10240x128xf32, #tpu.memory_space<vmem_shared>>
          tpu.enqueue_indirect_dma source(%arg11 : memref<125x128xf32, #tpu.memory_space<vmem>>) target(%dma_start3A_132 : memref<10240x128xf32, #tpu.memory_space<vmem_shared>>) offsets(%dma_start3A_129 : memref<125xi32, #tpu.memory_space<vmem>>) semaphore(%run_scoped3A : memref<!tpu.dma_semaphore, #tpu.memory_space<semaphore_mem>>) {add = true}
          %dma_wait3A_133 = arith.constant 0 : i32
          %dma_wait3A_134 = tpu.memref_slice %arg9[%add3A_126, %dma_wait3A_133] : memref<40x125xi32, #tpu.memory_space<vmem>> -> memref<1x125xi32, #tpu.memory_space<vmem>>
          %dma_wait3A_135 = tpu.memref_squeeze %dma_wait3A_134 : memref<1x125xi32, #tpu.memory_space<vmem>> -> memref<125xi32, #tpu.memory_space<vmem>>
          %dma_wait3A_136 = arith.constant 0 : i32
          %dma_wait3A_137 = arith.constant 0 : i32
          %dma_wait3A_138 = tpu.memref_slice %arg12[%dma_wait3A_136, %dma_wait3A_137] : memref<10240x128xf32, #tpu.memory_space<vmem_shared>> -> memref<10240x128xf32, #tpu.memory_space<vmem_shared>>
          tpu.wait_indirect_dma semaphore(%run_scoped3A : memref<!tpu.dma_semaphore, #tpu.memory_space<semaphore_mem>>) src(%arg11 : memref<125x128xf32, #tpu.memory_space<vmem>>) dst(%dma_wait3A_138 : memref<10240x128xf32, #tpu.memory_space<vmem_shared>>)
          tpu.yield
        }) : () -> ()
      }
      %scan3A_73 = arith.constant 20 : i32
      %mul3A_74 = arith.constant 160 : i32
      %mul3A_75 = arith.muli %arg1, %mul3A_74 : i32
      %add3A_76 = arith.constant 120 : i32
      %add3A_77 = arith.addi %mul3A_75, %add3A_76 : i32
      "tpu.region"() ({
        %run_scoped3A = tpu.sem_alloc : memref<!tpu.dma_semaphore, #tpu.memory_space<semaphore_mem>>
        %dma_start3A_95 = arith.constant 0 : i32
        %dma_start3A_96 = tpu.memref_slice %arg2[%add3A_77, %dma_start3A_95] : memref<2560x125xi32, #tpu.memory_space<hbm>> -> memref<40x125xi32, #tpu.memory_space<hbm>>
        %dma_start3A_97 = arith.constant 0 : i32
        %dma_start3A_98 = tpu.memref_slice %arg2[%add3A_77, %dma_start3A_97] : memref<2560x125xi32, #tpu.memory_space<hbm>> -> memref<40x125xi32, #tpu.memory_space<hbm>>
        tpu.enqueue_dma source(%dma_start3A_98 : memref<40x125xi32, #tpu.memory_space<hbm>>) target(%arg8 : memref<40x125xi32, #tpu.memory_space<vmem>>) target_semaphore(%run_scoped3A : memref<!tpu.dma_semaphore, #tpu.memory_space<semaphore_mem>>)
        %dma_wait3A = arith.constant 0 : i32
        %dma_wait3A_99 = tpu.memref_slice %arg2[%add3A_77, %dma_wait3A] : memref<2560x125xi32, #tpu.memory_space<hbm>> -> memref<40x125xi32, #tpu.memory_space<hbm>>
        %dma_wait3A_100 = arith.constant 0 : i32
        %dma_wait3A_101 = tpu.memref_slice %arg2[%add3A_77, %dma_wait3A_100] : memref<2560x125xi32, #tpu.memory_space<hbm>> -> memref<40x125xi32, #tpu.memory_space<hbm>>
        tpu.wait_dma2 semaphore(%run_scoped3A : memref<!tpu.dma_semaphore, #tpu.memory_space<semaphore_mem>>) src(%dma_wait3A_101 : memref<40x125xi32, #tpu.memory_space<hbm>>) dst(%arg8 : memref<40x125xi32, #tpu.memory_space<vmem>>)
        tpu.yield
      }) : () -> ()
      %mul3A_78 = arith.constant 160 : i32
      %mul3A_79 = arith.muli %arg1, %mul3A_78 : i32
      %add3A_80 = arith.constant 120 : i32
      %add3A_81 = arith.addi %mul3A_79, %add3A_80 : i32
      "tpu.region"() ({
        %run_scoped3A = tpu.sem_alloc : memref<!tpu.dma_semaphore, #tpu.memory_space<semaphore_mem>>
        %dma_start3A_95 = arith.constant 0 : i32
        %dma_start3A_96 = tpu.memref_slice %arg3[%add3A_81, %dma_start3A_95] : memref<2560x125xi32, #tpu.memory_space<hbm>> -> memref<40x125xi32, #tpu.memory_space<hbm>>
        %dma_start3A_97 = arith.constant 0 : i32
        %dma_start3A_98 = tpu.memref_slice %arg3[%add3A_81, %dma_start3A_97] : memref<2560x125xi32, #tpu.memory_space<hbm>> -> memref<40x125xi32, #tpu.memory_space<hbm>>
        tpu.enqueue_dma source(%dma_start3A_98 : memref<40x125xi32, #tpu.memory_space<hbm>>) target(%arg9 : memref<40x125xi32, #tpu.memory_space<vmem>>) target_semaphore(%run_scoped3A : memref<!tpu.dma_semaphore, #tpu.memory_space<semaphore_mem>>)
        %dma_wait3A = arith.constant 0 : i32
        %dma_wait3A_99 = tpu.memref_slice %arg3[%add3A_81, %dma_wait3A] : memref<2560x125xi32, #tpu.memory_space<hbm>> -> memref<40x125xi32, #tpu.memory_space<hbm>>
        %dma_wait3A_100 = arith.constant 0 : i32
        %dma_wait3A_101 = tpu.memref_slice %arg3[%add3A_81, %dma_wait3A_100] : memref<2560x125xi32, #tpu.memory_space<hbm>> -> memref<40x125xi32, #tpu.memory_space<hbm>>
        tpu.wait_dma2 semaphore(%run_scoped3A : memref<!tpu.dma_semaphore, #tpu.memory_space<semaphore_mem>>) src(%dma_wait3A_101 : memref<40x125xi32, #tpu.memory_space<hbm>>) dst(%arg9 : memref<40x125xi32, #tpu.memory_space<vmem>>)
        tpu.yield
      }) : () -> ()
      %dma_start3A_82 = arith.constant 0 : i32
      %dma_start3A_83 = arith.constant 0 : i32
      %dma_start3A_84 = tpu.memref_slice %arg8[%dma_start3A_82, %dma_start3A_83] : memref<40x125xi32, #tpu.memory_space<vmem>> -> memref<1x125xi32, #tpu.memory_space<vmem>>
      %dma_start3A_85 = tpu.memref_squeeze %dma_start3A_84 : memref<1x125xi32, #tpu.memory_space<vmem>> -> memref<125xi32, #tpu.memory_space<vmem>>
      %dma_start3A_86 = arith.constant 0 : i32
      %dma_start3A_87 = arith.constant 0 : i32
      %dma_start3A_88 = tpu.memref_slice %arg5[%dma_start3A_86, %dma_start3A_87] : memref<10240x128xf32, #tpu.memory_space<hbm>> -> memref<10240x128xf32, #tpu.memory_space<hbm>>
      tpu.enqueue_indirect_dma source(%dma_start3A_88 : memref<10240x128xf32, #tpu.memory_space<hbm>>) target(%arg10 : memref<125x128xf32, #tpu.memory_space<vmem>>) offsets(%dma_start3A_85 : memref<125xi32, #tpu.memory_space<vmem>>) semaphore(%arg13 : memref<!tpu.dma_semaphore, #tpu.memory_space<semaphore_mem>>)
      %scan3A_89 = arith.constant 0 : i32
      %scan3A_90 = arith.constant 0 : i32
      %scan3A_91 = arith.constant 20 : i32
      %scan3A_92 = arith.addi %scan3A_90, %scan3A_91 : i32
      %scan3A_93 = arith.constant 1 : i32
      scf.for %scan3A_95 = %scan3A_90 to %scan3A_92 step %scan3A_93  : i32 {
        %mul3A_96 = arith.constant 2 : i32
        %mul3A_97 = arith.muli %mul3A_96, %scan3A_95 : i32
        %add3A_98 = arith.constant 1 : i32
        %add3A_99 = arith.addi %mul3A_97, %add3A_98 : i32
        %dma_start3A_100 = arith.constant 0 : i32
        %dma_start3A_101 = tpu.memref_slice %arg8[%add3A_99, %dma_start3A_100] : memref<40x125xi32, #tpu.memory_space<vmem>> -> memref<1x125xi32, #tpu.memory_space<vmem>>
        %dma_start3A_102 = tpu.memref_squeeze %dma_start3A_101 : memref<1x125xi32, #tpu.memory_space<vmem>> -> memref<125xi32, #tpu.memory_space<vmem>>
        %dma_start3A_103 = arith.constant 0 : i32
        %dma_start3A_104 = arith.constant 0 : i32
        %dma_start3A_105 = tpu.memref_slice %arg5[%dma_start3A_103, %dma_start3A_104] : memref<10240x128xf32, #tpu.memory_space<hbm>> -> memref<10240x128xf32, #tpu.memory_space<hbm>>
        tpu.enqueue_indirect_dma source(%dma_start3A_105 : memref<10240x128xf32, #tpu.memory_space<hbm>>) target(%arg11 : memref<125x128xf32, #tpu.memory_space<vmem>>) offsets(%dma_start3A_102 : memref<125xi32, #tpu.memory_space<vmem>>) semaphore(%arg14 : memref<!tpu.dma_semaphore, #tpu.memory_space<semaphore_mem>>)
        %dma_wait3A = arith.constant 0 : i32
        %dma_wait3A_106 = tpu.memref_slice %arg8[%mul3A_97, %dma_wait3A] : memref<40x125xi32, #tpu.memory_space<vmem>> -> memref<1x125xi32, #tpu.memory_space<vmem>>
        %dma_wait3A_107 = tpu.memref_squeeze %dma_wait3A_106 : memref<1x125xi32, #tpu.memory_space<vmem>> -> memref<125xi32, #tpu.memory_space<vmem>>
        %dma_wait3A_108 = arith.constant 0 : i32
        %dma_wait3A_109 = arith.constant 0 : i32
        %dma_wait3A_110 = tpu.memref_slice %arg5[%dma_wait3A_108, %dma_wait3A_109] : memref<10240x128xf32, #tpu.memory_space<hbm>> -> memref<10240x128xf32, #tpu.memory_space<hbm>>
        tpu.wait_indirect_dma semaphore(%arg13 : memref<!tpu.dma_semaphore, #tpu.memory_space<semaphore_mem>>) src(%dma_wait3A_110 : memref<10240x128xf32, #tpu.memory_space<hbm>>) dst(%arg10 : memref<125x128xf32, #tpu.memory_space<vmem>>)
        "tpu.region"() ({
          %run_scoped3A = tpu.sem_alloc : memref<!tpu.dma_semaphore, #tpu.memory_space<semaphore_mem>>
          %dma_start3A_127 = arith.constant 0 : i32
          %dma_start3A_128 = tpu.memref_slice %arg9[%mul3A_97, %dma_start3A_127] : memref<40x125xi32, #tpu.memory_space<vmem>> -> memref<1x125xi32, #tpu.memory_space<vmem>>
          %dma_start3A_129 = tpu.memref_squeeze %dma_start3A_128 : memref<1x125xi32, #tpu.memory_space<vmem>> -> memref<125xi32, #tpu.memory_space<vmem>>
          %dma_start3A_130 = arith.constant 0 : i32
          %dma_start3A_131 = arith.constant 0 : i32
          %dma_start3A_132 = tpu.memref_slice %arg12[%dma_start3A_130, %dma_start3A_131] : memref<10240x128xf32, #tpu.memory_space<vmem_shared>> -> memref<10240x128xf32, #tpu.memory_space<vmem_shared>>
          tpu.enqueue_indirect_dma source(%arg10 : memref<125x128xf32, #tpu.memory_space<vmem>>) target(%dma_start3A_132 : memref<10240x128xf32, #tpu.memory_space<vmem_shared>>) offsets(%dma_start3A_129 : memref<125xi32, #tpu.memory_space<vmem>>) semaphore(%run_scoped3A : memref<!tpu.dma_semaphore, #tpu.memory_space<semaphore_mem>>) {add = true}
          %dma_wait3A_133 = arith.constant 0 : i32
          %dma_wait3A_134 = tpu.memref_slice %arg9[%mul3A_97, %dma_wait3A_133] : memref<40x125xi32, #tpu.memory_space<vmem>> -> memref<1x125xi32, #tpu.memory_space<vmem>>
          %dma_wait3A_135 = tpu.memref_squeeze %dma_wait3A_134 : memref<1x125xi32, #tpu.memory_space<vmem>> -> memref<125xi32, #tpu.memory_space<vmem>>
          %dma_wait3A_136 = arith.constant 0 : i32
          %dma_wait3A_137 = arith.constant 0 : i32
          %dma_wait3A_138 = tpu.memref_slice %arg12[%dma_wait3A_136, %dma_wait3A_137] : memref<10240x128xf32, #tpu.memory_space<vmem_shared>> -> memref<10240x128xf32, #tpu.memory_space<vmem_shared>>
          tpu.wait_indirect_dma semaphore(%run_scoped3A : memref<!tpu.dma_semaphore, #tpu.memory_space<semaphore_mem>>) src(%arg10 : memref<125x128xf32, #tpu.memory_space<vmem>>) dst(%dma_wait3A_138 : memref<10240x128xf32, #tpu.memory_space<vmem_shared>>)
          tpu.yield
        }) : () -> ()
        %add3A_111 = arith.constant 1 : i32
        %add3A_112 = arith.addi %scan3A_95, %add3A_111 : i32
        %lt3A = arith.constant 20 : i32
        %lt3A_113 = arith.cmpi slt, %add3A_112, %lt3A : i32
        %convert_element_type3A_114 = arith.extui %lt3A_113 : i1 to i32
        %cond3A_115 = arith.constant 0 : i32
        %cond3A_116 = arith.cmpi ne, %convert_element_type3A_114, %cond3A_115 : i32
        scf.if %cond3A_116 {
          %add3A_127 = arith.constant 2 : i32
          %add3A_128 = arith.addi %mul3A_97, %add3A_127 : i32
          %dma_start3A_129 = arith.constant 0 : i32
          %dma_start3A_130 = tpu.memref_slice %arg8[%add3A_128, %dma_start3A_129] : memref<40x125xi32, #tpu.memory_space<vmem>> -> memref<1x125xi32, #tpu.memory_space<vmem>>
          %dma_start3A_131 = tpu.memref_squeeze %dma_start3A_130 : memref<1x125xi32, #tpu.memory_space<vmem>> -> memref<125xi32, #tpu.memory_space<vmem>>
          %dma_start3A_132 = arith.constant 0 : i32
          %dma_start3A_133 = arith.constant 0 : i32
          %dma_start3A_134 = tpu.memref_slice %arg5[%dma_start3A_132, %dma_start3A_133] : memref<10240x128xf32, #tpu.memory_space<hbm>> -> memref<10240x128xf32, #tpu.memory_space<hbm>>
          tpu.enqueue_indirect_dma source(%dma_start3A_134 : memref<10240x128xf32, #tpu.memory_space<hbm>>) target(%arg10 : memref<125x128xf32, #tpu.memory_space<vmem>>) offsets(%dma_start3A_131 : memref<125xi32, #tpu.memory_space<vmem>>) semaphore(%arg13 : memref<!tpu.dma_semaphore, #tpu.memory_space<semaphore_mem>>)
        } else {
        }
        %add3A_117 = arith.constant 1 : i32
        %add3A_118 = arith.addi %mul3A_97, %add3A_117 : i32
        %dma_wait3A_119 = arith.constant 0 : i32
        %dma_wait3A_120 = tpu.memref_slice %arg8[%add3A_118, %dma_wait3A_119] : memref<40x125xi32, #tpu.memory_space<vmem>> -> memref<1x125xi32, #tpu.memory_space<vmem>>
        %dma_wait3A_121 = tpu.memref_squeeze %dma_wait3A_120 : memref<1x125xi32, #tpu.memory_space<vmem>> -> memref<125xi32, #tpu.memory_space<vmem>>
        %dma_wait3A_122 = arith.constant 0 : i32
        %dma_wait3A_123 = arith.constant 0 : i32
        %dma_wait3A_124 = tpu.memref_slice %arg5[%dma_wait3A_122, %dma_wait3A_123] : memref<10240x128xf32, #tpu.memory_space<hbm>> -> memref<10240x128xf32, #tpu.memory_space<hbm>>
        tpu.wait_indirect_dma semaphore(%arg14 : memref<!tpu.dma_semaphore, #tpu.memory_space<semaphore_mem>>) src(%dma_wait3A_124 : memref<10240x128xf32, #tpu.memory_space<hbm>>) dst(%arg11 : memref<125x128xf32, #tpu.memory_space<vmem>>)
        %add3A_125 = arith.constant 1 : i32
        %add3A_126 = arith.addi %mul3A_97, %add3A_125 : i32
        "tpu.region"() ({
          %run_scoped3A = tpu.sem_alloc : memref<!tpu.dma_semaphore, #tpu.memory_space<semaphore_mem>>
          %dma_start3A_127 = arith.constant 0 : i32
          %dma_start3A_128 = tpu.memref_slice %arg9[%add3A_126, %dma_start3A_127] : memref<40x125xi32, #tpu.memory_space<vmem>> -> memref<1x125xi32, #tpu.memory_space<vmem>>
          %dma_start3A_129 = tpu.memref_squeeze %dma_start3A_128 : memref<1x125xi32, #tpu.memory_space<vmem>> -> memref<125xi32, #tpu.memory_space<vmem>>
          %dma_start3A_130 = arith.constant 0 : i32
          %dma_start3A_131 = arith.constant 0 : i32
          %dma_start3A_132 = tpu.memref_slice %arg12[%dma_start3A_130, %dma_start3A_131] : memref<10240x128xf32, #tpu.memory_space<vmem_shared>> -> memref<10240x128xf32, #tpu.memory_space<vmem_shared>>
          tpu.enqueue_indirect_dma source(%arg11 : memref<125x128xf32, #tpu.memory_space<vmem>>) target(%dma_start3A_132 : memref<10240x128xf32, #tpu.memory_space<vmem_shared>>) offsets(%dma_start3A_129 : memref<125xi32, #tpu.memory_space<vmem>>) semaphore(%run_scoped3A : memref<!tpu.dma_semaphore, #tpu.memory_space<semaphore_mem>>) {add = true}
          %dma_wait3A_133 = arith.constant 0 : i32
          %dma_wait3A_134 = tpu.memref_slice %arg9[%add3A_126, %dma_wait3A_133] : memref<40x125xi32, #tpu.memory_space<vmem>> -> memref<1x125xi32, #tpu.memory_space<vmem>>
          %dma_wait3A_135 = tpu.memref_squeeze %dma_wait3A_134 : memref<1x125xi32, #tpu.memory_space<vmem>> -> memref<125xi32, #tpu.memory_space<vmem>>
          %dma_wait3A_136 = arith.constant 0 : i32
          %dma_wait3A_137 = arith.constant 0 : i32
          %dma_wait3A_138 = tpu.memref_slice %arg12[%dma_wait3A_136, %dma_wait3A_137] : memref<10240x128xf32, #tpu.memory_space<vmem_shared>> -> memref<10240x128xf32, #tpu.memory_space<vmem_shared>>
          tpu.wait_indirect_dma semaphore(%run_scoped3A : memref<!tpu.dma_semaphore, #tpu.memory_space<semaphore_mem>>) src(%arg11 : memref<125x128xf32, #tpu.memory_space<vmem>>) dst(%dma_wait3A_138 : memref<10240x128xf32, #tpu.memory_space<vmem_shared>>)
          tpu.yield
        }) : () -> ()
      }
      %scan3A_94 = arith.constant 20 : i32
    } else {
    }
    %barrier3A_8 = arith.constant 0 : index
    tpu.barrier barrier_id(%barrier3A_8)
    %mul3A_9 = arith.constant 10240 : i32
    %mul3A_10 = arith.muli %arg0, %mul3A_9 : i32
    %mul3A_11 = arith.constant 640 : i32
    %mul3A_12 = arith.muli %arg1, %mul3A_11 : i32
    %add3A = arith.addi %mul3A_10, %mul3A_12 : i32
    "tpu.region"() ({
      %run_scoped3A = tpu.sem_alloc : memref<!tpu.dma_semaphore, #tpu.memory_space<semaphore_mem>>
      %dma_start3A = arith.constant 0 : i32
      %dma_start3A_13 = tpu.memref_slice %arg7[%add3A, %dma_start3A] : memref<20480x128xf32, #tpu.memory_space<hbm>> -> memref<640x128xf32, #tpu.memory_space<hbm>>
      %dma_start3A_14 = arith.constant 0 : i32
      %dma_start3A_15 = tpu.memref_slice %arg12[%mul3A_0, %dma_start3A_14] : memref<10240x128xf32, #tpu.memory_space<vmem_shared>> -> memref<640x128xf32, #tpu.memory_space<vmem_shared>>
      tpu.enqueue_dma source(%dma_start3A_15 : memref<640x128xf32, #tpu.memory_space<vmem_shared>>) target(%dma_start3A_13 : memref<640x128xf32, #tpu.memory_space<hbm>>) target_semaphore(%run_scoped3A : memref<!tpu.dma_semaphore, #tpu.memory_space<semaphore_mem>>)
      %dma_wait3A = arith.constant 0 : i32
      %dma_wait3A_16 = tpu.memref_slice %arg7[%add3A, %dma_wait3A] : memref<20480x128xf32, #tpu.memory_space<hbm>> -> memref<640x128xf32, #tpu.memory_space<hbm>>
      %dma_wait3A_17 = arith.constant 0 : i32
      %dma_wait3A_18 = tpu.memref_slice %arg12[%mul3A_0, %dma_wait3A_17] : memref<10240x128xf32, #tpu.memory_space<vmem_shared>> -> memref<640x128xf32, #tpu.memory_space<vmem_shared>>
      tpu.wait_dma2 semaphore(%run_scoped3A : memref<!tpu.dma_semaphore, #tpu.memory_space<semaphore_mem>>) src(%dma_wait3A_18 : memref<640x128xf32, #tpu.memory_space<vmem_shared>>) dst(%dma_wait3A_16 : memref<640x128xf32, #tpu.memory_space<hbm>>)
      tpu.yield
    }) : () -> ()
    return
  }
}

module attributes {stable_mosaic.version = 14 : i64} {
  func.func @_prep_body(%arg0: i32, %arg1: memref<400x128xf32, #tpu.memory_space<vmem>>, %arg2: memref<400x128xf32, #tpu.memory_space<vmem>>, %arg3: memref<400x128xf32, #tpu.memory_space<vmem>>, %arg4: memref<400x128xf32, #tpu.memory_space<vmem>>, %arg5: memref<400x128xf32, #tpu.memory_space<vmem>>) attributes {dimension_semantics = [#tpu.dimension_semantics<arbitrary>], iteration_bounds = array<i64: 25>, scalar_prefetch = 0 : i64, scratch_operands = 0 : i64, tpu.core_type = #tpu.core_type<tc>, window_params = [{transform_indices = @transform_0, window_bounds = array<i64: 400, 128>}, {transform_indices = @transform_1, window_bounds = array<i64: 400, 128>}, {transform_indices = @transform_2, window_bounds = array<i64: 400, 128>}, {transform_indices = @transform_3, window_bounds = array<i64: 400, 128>}, {transform_indices = @transform_4, window_bounds = array<i64: 400, 128>}]} {
    %get3A = arith.constant 0 : index
    %get3A_0 = arith.constant 0 : index
    %get3A_1 = vector.load %arg1[%get3A, %get3A_0] : memref<400x128xf32, #tpu.memory_space<vmem>>, vector<400x1xf32>
    %get3A_2 = arith.constant 0 : index
    %get3A_3 = arith.constant 0 : index
    %get3A_4 = vector.load %arg2[%get3A_2, %get3A_3] : memref<400x128xf32, #tpu.memory_space<vmem>>, vector<400x1xf32>
    %add3A = arith.addf %get3A_1, %get3A_4 : vector<400x1xf32>
    %add3A_5 = arith.constant 1.000000e+00 : f32
    %add3A_6 = vector.broadcast %add3A_5 : f32 to vector<400x1xf32>
    %add3A_7 = arith.addf %add3A, %add3A_6 : vector<400x1xf32>
    %rsqrt3A = math.rsqrt %add3A_7 : vector<400x1xf32>
    %broadcast_in_dim3A = vector.shape_cast %rsqrt3A : vector<400x1xf32> to vector<400x1xf32>
    %broadcast_in_dim3A_8 = vector.broadcast %broadcast_in_dim3A : vector<400x1xf32> to vector<400x128xf32>
    %swap3A = arith.constant 0 : index
    %swap3A_9 = arith.constant 0 : index
    %swap3A_10 = vector.load %arg4[%swap3A, %swap3A_9] : memref<400x128xf32, #tpu.memory_space<vmem>>, vector<400x128xf32>
    tpu.vector_store %arg4[%swap3A, %swap3A_9], %broadcast_in_dim3A_8 {strides = array<i32>} : memref<400x128xf32, #tpu.memory_space<vmem>>, vector<400x128xf32>,
    %get3A_11 = arith.constant 0 : index
    %get3A_12 = arith.constant 0 : index
    %get3A_13 = vector.load %arg3[%get3A_11, %get3A_12] : memref<400x128xf32, #tpu.memory_space<vmem>>, vector<400x128xf32>
    %mul3A = arith.mulf %broadcast_in_dim3A_8, %get3A_13 : vector<400x128xf32>
    %swap3A_14 = arith.constant 0 : index
    %swap3A_15 = arith.constant 0 : index
    %swap3A_16 = vector.load %arg5[%swap3A_14, %swap3A_15] : memref<400x128xf32, #tpu.memory_space<vmem>>, vector<400x128xf32>
    tpu.vector_store %arg5[%swap3A_14, %swap3A_15], %mul3A {strides = array<i32>} : memref<400x128xf32, #tpu.memory_space<vmem>>, vector<400x128xf32>,
    return
  }
  func.func @transform_0(%arg0: i32) -> (i32, i32) {
    %c0_i32 = arith.constant 0 : i32
    %c0_i32_0 = arith.constant 0 : i32
    return %arg0, %c0_i32 : i32, i32
  }
  func.func @transform_1(%arg0: i32) -> (i32, i32) {
    %c0_i32 = arith.constant 0 : i32
    %c0_i32_0 = arith.constant 0 : i32
    return %arg0, %c0_i32 : i32, i32
  }
  func.func @transform_2(%arg0: i32) -> (i32, i32) {
    %c0_i32 = arith.constant 0 : i32
    %c0_i32_0 = arith.constant 0 : i32
    return %arg0, %c0_i32 : i32, i32
  }
  func.func @transform_3(%arg0: i32) -> (i32, i32) {
    %c0_i32 = arith.constant 0 : i32
    %c0_i32_0 = arith.constant 0 : i32
    return %arg0, %c0_i32 : i32, i32
  }
  func.func @transform_4(%arg0: i32) -> (i32, i32) {
    %c0_i32 = arith.constant 0 : i32
    %c0_i32_0 = arith.constant 0 : i32
    return %arg0, %c0_i32 : i32, i32
  }
}

module attributes {stable_mosaic.version = 14 : i64} {
  func.func @_mid_body(%arg0: i32, %arg1: memref<400x128xf32, #tpu.memory_space<vmem>>, %arg2: memref<400x128xf32, #tpu.memory_space<vmem>>, %arg3: memref<400x128xf32, #tpu.memory_space<vmem>>, %arg4: memref<400x128xf32, #tpu.memory_space<vmem>>, %arg5: memref<128x256xf32, #tpu.memory_space<vmem>>, %arg6: memref<1x256xf32, #tpu.memory_space<vmem>>, %arg7: memref<128x256xf32, #tpu.memory_space<vmem>>, %arg8: memref<1x256xf32, #tpu.memory_space<vmem>>, %arg9: memref<256x128xf32, #tpu.memory_space<vmem>>, %arg10: memref<256x128xf32, #tpu.memory_space<vmem>>, %arg11: memref<400x128xf32, #tpu.memory_space<vmem>>, %arg12: memref<400x128xf32, #tpu.memory_space<vmem>>) attributes {dimension_semantics = [#tpu.dimension_semantics<arbitrary>], iteration_bounds = array<i64: 25>, scalar_prefetch = 0 : i64, scratch_operands = 0 : i64, tpu.core_type = #tpu.core_type<tc>, window_params = [{transform_indices = @transform_0, window_bounds = array<i64: 400, 128>}, {transform_indices = @transform_1, window_bounds = array<i64: 400, 128>}, {transform_indices = @transform_2, window_bounds = array<i64: 400, 128>}, {transform_indices = @transform_3, window_bounds = array<i64: 400, 128>}, {pipeline_mode = #tpu.pipeline_mode<synchronous>, transform_indices = @transform_4, window_bounds = array<i64: 128, 256>}, {pipeline_mode = #tpu.pipeline_mode<synchronous>, transform_indices = @transform_5, window_bounds = array<i64: 1, 256>}, {pipeline_mode = #tpu.pipeline_mode<synchronous>, transform_indices = @transform_6, window_bounds = array<i64: 128, 256>}, {pipeline_mode = #tpu.pipeline_mode<synchronous>, transform_indices = @transform_7, window_bounds = array<i64: 1, 256>}, {pipeline_mode = #tpu.pipeline_mode<synchronous>, transform_indices = @transform_8, window_bounds = array<i64: 256, 128>}, {pipeline_mode = #tpu.pipeline_mode<synchronous>, transform_indices = @transform_9, window_bounds = array<i64: 256, 128>}, {transform_indices = @transform_10, window_bounds = array<i64: 400, 128>}, {transform_indices = @transform_11, window_bounds = array<i64: 400, 128>}]} {
    %get3A = arith.constant 0 : index
    %get3A_0 = arith.constant 0 : index
    %get3A_1 = vector.load %arg4[%get3A, %get3A_0] : memref<400x128xf32, #tpu.memory_space<vmem>>, vector<400x128xf32>
    %get3A_2 = arith.constant 0 : index
    %get3A_3 = arith.constant 0 : index
    %get3A_4 = vector.load %arg1[%get3A_2, %get3A_3] : memref<400x128xf32, #tpu.memory_space<vmem>>, vector<400x128xf32>
    %get3A_5 = arith.constant 0 : index
    %get3A_6 = arith.constant 0 : index
    %get3A_7 = vector.load %arg2[%get3A_5, %get3A_6] : memref<400x128xf32, #tpu.memory_space<vmem>>, vector<400x128xf32>
    %add3A = arith.addf %get3A_4, %get3A_7 : vector<400x128xf32>
    %get3A_8 = arith.constant 0 : index
    %get3A_9 = arith.constant 0 : index
    %get3A_10 = vector.load %arg3[%get3A_8, %get3A_9] : memref<400x128xf32, #tpu.memory_space<vmem>>, vector<400x128xf32>
    %add3A_11 = arith.addf %add3A, %get3A_10 : vector<400x128xf32>
    %mul3A = arith.mulf %get3A_1, %add3A_11 : vector<400x128xf32>
    %get3A_12 = arith.constant 0 : index
    %get3A_13 = arith.constant 0 : index
    %get3A_14 = vector.load %arg5[%get3A_12, %get3A_13] : memref<128x256xf32, #tpu.memory_space<vmem>>, vector<128x256xf32>
    %dot_general3A = arith.constant dense<0.000000e+00> : vector<400x256xf32>
    %dot_general3A_15 = tpu.matmul %mul3A, %get3A_14, %dot_general3A {dimension_numbers = #tpu.dot_dimension_numbers<[1], [0], [0], [1], [0, 0, 1, 1], [], []>, transpose_lhs_hint = false} : vector<400x128xf32>, vector<128x256xf32>, vector<400x256xf32> -> vector<400x256xf32>
    %get3A_16 = arith.constant 0 : index
    %get3A_17 = arith.constant 0 : index
    %get3A_18 = vector.load %arg6[%get3A_16, %get3A_17] : memref<1x256xf32, #tpu.memory_space<vmem>>, vector<1x256xf32>
    %add3A_19 = vector.broadcast %get3A_18 : vector<1x256xf32> to vector<400x256xf32>
    %add3A_20 = arith.addf %dot_general3A_15, %add3A_19 : vector<400x256xf32>
    %max3A = arith.constant 0.000000e+00 : f32
    %max3A_21 = vector.broadcast %max3A : f32 to vector<400x256xf32>
    %max3A_22 = arith.maximumf %add3A_20, %max3A_21 : vector<400x256xf32>
    %get3A_23 = arith.constant 0 : index
    %get3A_24 = arith.constant 0 : index
    %get3A_25 = vector.load %arg7[%get3A_23, %get3A_24] : memref<128x256xf32, #tpu.memory_space<vmem>>, vector<128x256xf32>
    %dot_general3A_26 = arith.constant dense<0.000000e+00> : vector<400x256xf32>
    %dot_general3A_27 = tpu.matmul %mul3A, %get3A_25, %dot_general3A_26 {dimension_numbers = #tpu.dot_dimension_numbers<[1], [0], [0], [1], [0, 0, 1, 1], [], []>, transpose_lhs_hint = false} : vector<400x128xf32>, vector<128x256xf32>, vector<400x256xf32> -> vector<400x256xf32>
    %get3A_28 = arith.constant 0 : index
    %get3A_29 = arith.constant 0 : index
    %get3A_30 = vector.load %arg8[%get3A_28, %get3A_29] : memref<1x256xf32, #tpu.memory_space<vmem>>, vector<1x256xf32>
    %add3A_31 = vector.broadcast %get3A_30 : vector<1x256xf32> to vector<400x256xf32>
    %add3A_32 = arith.addf %dot_general3A_27, %add3A_31 : vector<400x256xf32>
    %max3A_33 = arith.constant 0.000000e+00 : f32
    %max3A_34 = vector.broadcast %max3A_33 : f32 to vector<400x256xf32>
    %max3A_35 = arith.maximumf %add3A_32, %max3A_34 : vector<400x256xf32>
    %get3A_36 = arith.constant 0 : index
    %get3A_37 = arith.constant 0 : index
    %get3A_38 = vector.load %arg9[%get3A_36, %get3A_37] : memref<256x128xf32, #tpu.memory_space<vmem>>, vector<256x128xf32>
    %dot_general3A_39 = arith.constant dense<0.000000e+00> : vector<400x128xf32>
    %dot_general3A_40 = tpu.matmul %max3A_22, %get3A_38, %dot_general3A_39 {dimension_numbers = #tpu.dot_dimension_numbers<[1], [0], [0], [1], [0, 0, 1, 1], [], []>, transpose_lhs_hint = false} : vector<400x256xf32>, vector<256x128xf32>, vector<400x128xf32> -> vector<400x128xf32>
    %mul3A_41 = arith.mulf %get3A_1, %dot_general3A_40 : vector<400x128xf32>
    %swap3A = arith.constant 0 : index
    %swap3A_42 = arith.constant 0 : index
    %swap3A_43 = vector.load %arg11[%swap3A, %swap3A_42] : memref<400x128xf32, #tpu.memory_space<vmem>>, vector<400x128xf32>
    tpu.vector_store %arg11[%swap3A, %swap3A_42], %mul3A_41 {strides = array<i32>} : memref<400x128xf32, #tpu.memory_space<vmem>>, vector<400x128xf32>,
    %get3A_44 = arith.constant 0 : index
    %get3A_45 = arith.constant 0 : index
    %get3A_46 = vector.load %arg10[%get3A_44, %get3A_45] : memref<256x128xf32, #tpu.memory_space<vmem>>, vector<256x128xf32>
    %dot_general3A_47 = arith.constant dense<0.000000e+00> : vector<400x128xf32>
    %dot_general3A_48 = tpu.matmul %max3A_35, %get3A_46, %dot_general3A_47 {dimension_numbers = #tpu.dot_dimension_numbers<[1], [0], [0], [1], [0, 0, 1, 1], [], []>, transpose_lhs_hint = false} : vector<400x256xf32>, vector<256x128xf32>, vector<400x128xf32> -> vector<400x128xf32>
    %mul3A_49 = arith.mulf %get3A_1, %dot_general3A_48 : vector<400x128xf32>
    %swap3A_50 = arith.constant 0 : index
    %swap3A_51 = arith.constant 0 : index
    %swap3A_52 = vector.load %arg12[%swap3A_50, %swap3A_51] : memref<400x128xf32, #tpu.memory_space<vmem>>, vector<400x128xf32>
    tpu.vector_store %arg12[%swap3A_50, %swap3A_51], %mul3A_49 {strides = array<i32>} : memref<400x128xf32, #tpu.memory_space<vmem>>, vector<400x128xf32>,
    return
  }
  func.func @transform_0(%arg0: i32) -> (i32, i32) {
    %c0_i32 = arith.constant 0 : i32
    %c0_i32_0 = arith.constant 0 : i32
    return %arg0, %c0_i32 : i32, i32
  }
  func.func @transform_1(%arg0: i32) -> (i32, i32) {
    %c0_i32 = arith.constant 0 : i32
    %c0_i32_0 = arith.constant 0 : i32
    return %arg0, %c0_i32 : i32, i32
  }
  func.func @transform_2(%arg0: i32) -> (i32, i32) {
    %c0_i32 = arith.constant 0 : i32
    %c0_i32_0 = arith.constant 0 : i32
    return %arg0, %c0_i32 : i32, i32
  }
  func.func @transform_3(%arg0: i32) -> (i32, i32) {
    %c0_i32 = arith.constant 0 : i32
    %c0_i32_0 = arith.constant 0 : i32
    return %arg0, %c0_i32 : i32, i32
  }
  func.func @transform_4(%arg0: i32) -> (i32, i32) {
    %c0_i32 = arith.constant 0 : i32
    %c0_i32_0 = arith.constant 0 : i32
    %c0_i32_1 = arith.constant 0 : i32
    return %c0_i32, %c0_i32_0 : i32, i32
  }
  func.func @transform_5(%arg0: i32) -> (i32, i32) {
    %c0_i32 = arith.constant 0 : i32
    %c0_i32_0 = arith.constant 0 : i32
    %c0_i32_1 = arith.constant 0 : i32
    return %c0_i32, %c0_i32_0 : i32, i32
  }
  func.func @transform_6(%arg0: i32) -> (i32, i32) {
    %c0_i32 = arith.constant 0 : i32
    %c0_i32_0 = arith.constant 0 : i32
    %c0_i32_1 = arith.constant 0 : i32
    return %c0_i32, %c0_i32_0 : i32, i32
  }
  func.func @transform_7(%arg0: i32) -> (i32, i32) {
    %c0_i32 = arith.constant 0 : i32
    %c0_i32_0 = arith.constant 0 : i32
    %c0_i32_1 = arith.constant 0 : i32
    return %c0_i32, %c0_i32_0 : i32, i32
  }
  func.func @transform_8(%arg0: i32) -> (i32, i32) {
    %c0_i32 = arith.constant 0 : i32
    %c0_i32_0 = arith.constant 0 : i32
    %c0_i32_1 = arith.constant 0 : i32
    return %c0_i32, %c0_i32_0 : i32, i32
  }
  func.func @transform_9(%arg0: i32) -> (i32, i32) {
    %c0_i32 = arith.constant 0 : i32
    %c0_i32_0 = arith.constant 0 : i32
    %c0_i32_1 = arith.constant 0 : i32
    return %c0_i32, %c0_i32_0 : i32, i32
  }
  func.func @transform_10(%arg0: i32) -> (i32, i32) {
    %c0_i32 = arith.constant 0 : i32
    %c0_i32_0 = arith.constant 0 : i32
    return %arg0, %c0_i32 : i32, i32
  }
  func.func @transform_11(%arg0: i32) -> (i32, i32) {
    %c0_i32 = arith.constant 0 : i32
    %c0_i32_0 = arith.constant 0 : i32
    return %arg0, %c0_i32 : i32, i32
  }
}

module attributes {stable_mosaic.version = 14 : i64} {
  func.func @_logs_body(%arg0: i32, %arg1: i32, %arg2: memref<512x1536xf32, #tpu.memory_space<vmem>>, %arg3: memref<1x1536x768xf32, #tpu.memory_space<vmem>>, %arg4: memref<1x8x768xf32, #tpu.memory_space<vmem>>, %arg5: memref<1x768x128xf32, #tpu.memory_space<vmem>>, %arg6: memref<1x8x128xf32, #tpu.memory_space<vmem>>, %arg7: memref<512x1xi32, #tpu.memory_space<vmem>>, %arg8: memref<1x16x128xf32, #tpu.memory_space<vmem>>) attributes {dimension_semantics = [#tpu.dimension_semantics<arbitrary>, #tpu.dimension_semantics<arbitrary>], iteration_bounds = array<i64: 2, 16>, scalar_prefetch = 0 : i64, scratch_operands = 0 : i64, tpu.core_type = #tpu.core_type<tc>, window_params = [{transform_indices = @transform_0, window_bounds = array<i64: 512, 1536>}, {transform_indices = @transform_1, window_bounds = array<i64: 1, 1536, 768>}, {transform_indices = @transform_2, window_bounds = array<i64: 1, 8, 768>}, {transform_indices = @transform_3, window_bounds = array<i64: 1, 768, 128>}, {transform_indices = @transform_4, window_bounds = array<i64: 1, 8, 128>}, {transform_indices = @transform_5, window_bounds = array<i64: 512, 1>}, {transform_indices = @transform_6, window_bounds = array<i64: 1, 16, 128>}]} {
    %eq3A = arith.constant 0 : i32
    %eq3A_0 = arith.cmpi eq, %arg1, %eq3A : i32
    %convert_element_type3A = arith.extui %eq3A_0 : i1 to i32
    %cond3A = arith.constant 0 : i32
    %cond3A_1 = arith.cmpi ne, %convert_element_type3A, %cond3A : i32
    scf.if %cond3A_1 {
      %broadcast_in_dim3A_263 = arith.constant 0xFF800000 : f32
      %broadcast_in_dim3A_264 = vector.broadcast %broadcast_in_dim3A_263 : f32 to vector<1x16x128xf32>
      %swap3A_265 = arith.constant 0 : index
      %swap3A_266 = arith.constant 0 : index
      %swap3A_267 = arith.constant 0 : index
      %swap3A_268 = vector.load %arg8[%swap3A_265, %swap3A_266, %swap3A_267] : memref<1x16x128xf32, #tpu.memory_space<vmem>>, vector<1x16x128xf32>
      tpu.vector_store %arg8[%swap3A_265, %swap3A_266, %swap3A_267], %broadcast_in_dim3A_264 {strides = array<i32>} : memref<1x16x128xf32, #tpu.memory_space<vmem>>, vector<1x16x128xf32>,
    } else {
    }
    %get3A = arith.constant 0 : index
    %get3A_2 = arith.constant 0 : index
    %get3A_3 = vector.load %arg2[%get3A, %get3A_2] : memref<512x1536xf32, #tpu.memory_space<vmem>>, vector<512x1536xf32>
    %get3A_4 = arith.constant 0 : index
    %get3A_5 = arith.constant 0 : index
    %get3A_6 = arith.constant 0 : index
    %get3A_7 = vector.load %arg3[%get3A_4, %get3A_5, %get3A_6] : memref<1x1536x768xf32, #tpu.memory_space<vmem>>, vector<1x1536x768xf32>
    %get3A_8 = vector.shape_cast %get3A_7 : vector<1x1536x768xf32> to vector<1536x768xf32>
    %dot_general3A = arith.constant dense<0.000000e+00> : vector<512x768xf32>
    %dot_general3A_9 = tpu.matmul %get3A_3, %get3A_8, %dot_general3A {dimension_numbers = #tpu.dot_dimension_numbers<[1], [0], [0], [1], [0, 0, 1, 1], [], []>, transpose_lhs_hint = false} : vector<512x1536xf32>, vector<1536x768xf32>, vector<512x768xf32> -> vector<512x768xf32>
    %get3A_10 = arith.constant 0 : index
    %get3A_11 = arith.constant 0 : index
    %get3A_12 = arith.constant 0 : index
    %get3A_13 = vector.load %arg4[%get3A_10, %get3A_11, %get3A_12] : memref<1x8x768xf32, #tpu.memory_space<vmem>>, vector<1x1x768xf32>
    %get3A_14 = vector.shape_cast %get3A_13 : vector<1x1x768xf32> to vector<1x768xf32>
    %add3A = vector.broadcast %get3A_14 : vector<1x768xf32> to vector<512x768xf32>
    %add3A_15 = arith.addf %dot_general3A_9, %add3A : vector<512x768xf32>
    %max3A = arith.constant 0.000000e+00 : f32
    %max3A_16 = vector.broadcast %max3A : f32 to vector<512x768xf32>
    %max3A_17 = arith.maximumf %add3A_15, %max3A_16 : vector<512x768xf32>
    %get3A_18 = arith.constant 0 : index
    %get3A_19 = arith.constant 0 : index
    %get3A_20 = arith.constant 0 : index
    %get3A_21 = vector.load %arg5[%get3A_18, %get3A_19, %get3A_20] : memref<1x768x128xf32, #tpu.memory_space<vmem>>, vector<1x768x128xf32>
    %get3A_22 = vector.shape_cast %get3A_21 : vector<1x768x128xf32> to vector<768x128xf32>
    %dot_general3A_23 = arith.constant dense<0.000000e+00> : vector<512x128xf32>
    %dot_general3A_24 = tpu.matmul %max3A_17, %get3A_22, %dot_general3A_23 {dimension_numbers = #tpu.dot_dimension_numbers<[1], [0], [0], [1], [0, 0, 1, 1], [], []>, transpose_lhs_hint = false} : vector<512x768xf32>, vector<768x128xf32>, vector<512x128xf32> -> vector<512x128xf32>
    %get3A_25 = arith.constant 0 : index
    %get3A_26 = arith.constant 0 : index
    %get3A_27 = arith.constant 0 : index
    %get3A_28 = vector.load %arg6[%get3A_25, %get3A_26, %get3A_27] : memref<1x8x128xf32, #tpu.memory_space<vmem>>, vector<1x1x128xf32>
    %get3A_29 = vector.shape_cast %get3A_28 : vector<1x1x128xf32> to vector<1x128xf32>
    %add3A_30 = vector.broadcast %get3A_29 : vector<1x128xf32> to vector<512x128xf32>
    %add3A_31 = arith.addf %dot_general3A_24, %add3A_30 : vector<512x128xf32>
    %get3A_32 = arith.constant 0 : index
    %get3A_33 = arith.constant 0 : index
    %get3A_34 = arith.constant 0 : index
    %get3A_35 = vector.load %arg8[%get3A_32, %get3A_33, %get3A_34] : memref<1x16x128xf32, #tpu.memory_space<vmem>>, vector<1x16x128xf32>
    %get3A_36 = vector.shape_cast %get3A_35 : vector<1x16x128xf32> to vector<16x128xf32>
    %get3A_37 = arith.constant 0 : index
    %get3A_38 = arith.constant 0 : index
    %get3A_39 = vector.load %arg7[%get3A_37, %get3A_38] : memref<512x1xi32, #tpu.memory_space<vmem>>, vector<512x1xi32>
    %eq3A_40 = arith.constant 0 : i32
    %eq3A_41 = vector.broadcast %eq3A_40 : i32 to vector<512x1xi32>
    %eq3A_42 = arith.cmpi eq, %get3A_39, %eq3A_41 : vector<512x1xi32>
    %slice3A = vector.extract_strided_slice %get3A_36 {offsets = [0, 0], sizes = [1, 128], strides = [1, 1]} : vector<16x128xf32> to vector<1x128xf32>
    %squeeze3A = vector.shape_cast %slice3A : vector<1x128xf32> to vector<128xf32>
    %jit3A = arith.constant 0xFF800000 : f32
    %broadcast_in_dim3A = vector.shape_cast %eq3A_42 : vector<512x1xi1> to vector<512x1xi1>
    %broadcast_in_dim3A_43 = vector.broadcast %broadcast_in_dim3A : vector<512x1xi1> to vector<512x128xi1>
    %broadcast_in_dim3A_44 = vector.broadcast %jit3A : f32 to vector<512x128xf32>
    %select_n3A = arith.select %broadcast_in_dim3A_43, %add3A_31, %broadcast_in_dim3A_44 : vector<512x128xi1>, vector<512x128xf32>
    %reduce_max3A = arith.constant dense<0xFF800000> : vector<128xf32>
    %reduce_max3A_45 = vector.multi_reduction <maximumf>, %select_n3A, %reduce_max3A [0] : vector<512x128xf32> to vector<128xf32>
    %max3A_46 = arith.maximumf %squeeze3A, %reduce_max3A_45 : vector<128xf32>
    %eq3A_47 = arith.constant 1 : i32
    %eq3A_48 = vector.broadcast %eq3A_47 : i32 to vector<512x1xi32>
    %eq3A_49 = arith.cmpi eq, %get3A_39, %eq3A_48 : vector<512x1xi32>
    %slice3A_50 = vector.extract_strided_slice %get3A_36 {offsets = [1, 0], sizes = [1, 128], strides = [1, 1]} : vector<16x128xf32> to vector<1x128xf32>
    %squeeze3A_51 = vector.shape_cast %slice3A_50 : vector<1x128xf32> to vector<128xf32>
    %jit3A_52 = arith.constant 0xFF800000 : f32
    %broadcast_in_dim3A_53 = vector.shape_cast %eq3A_49 : vector<512x1xi1> to vector<512x1xi1>
    %broadcast_in_dim3A_54 = vector.broadcast %broadcast_in_dim3A_53 : vector<512x1xi1> to vector<512x128xi1>
    %broadcast_in_dim3A_55 = vector.broadcast %jit3A_52 : f32 to vector<512x128xf32>
    %select_n3A_56 = arith.select %broadcast_in_dim3A_54, %add3A_31, %broadcast_in_dim3A_55 : vector<512x128xi1>, vector<512x128xf32>
    %reduce_max3A_57 = arith.constant dense<0xFF800000> : vector<128xf32>
    %reduce_max3A_58 = vector.multi_reduction <maximumf>, %select_n3A_56, %reduce_max3A_57 [0] : vector<512x128xf32> to vector<128xf32>
    %max3A_59 = arith.maximumf %squeeze3A_51, %reduce_max3A_58 : vector<128xf32>
    %eq3A_60 = arith.constant 2 : i32
    %eq3A_61 = vector.broadcast %eq3A_60 : i32 to vector<512x1xi32>
    %eq3A_62 = arith.cmpi eq, %get3A_39, %eq3A_61 : vector<512x1xi32>
    %slice3A_63 = vector.extract_strided_slice %get3A_36 {offsets = [2, 0], sizes = [1, 128], strides = [1, 1]} : vector<16x128xf32> to vector<1x128xf32>
    %squeeze3A_64 = vector.shape_cast %slice3A_63 : vector<1x128xf32> to vector<128xf32>
    %jit3A_65 = arith.constant 0xFF800000 : f32
    %broadcast_in_dim3A_66 = vector.shape_cast %eq3A_62 : vector<512x1xi1> to vector<512x1xi1>
    %broadcast_in_dim3A_67 = vector.broadcast %broadcast_in_dim3A_66 : vector<512x1xi1> to vector<512x128xi1>
    %broadcast_in_dim3A_68 = vector.broadcast %jit3A_65 : f32 to vector<512x128xf32>
    %select_n3A_69 = arith.select %broadcast_in_dim3A_67, %add3A_31, %broadcast_in_dim3A_68 : vector<512x128xi1>, vector<512x128xf32>
    %reduce_max3A_70 = arith.constant dense<0xFF800000> : vector<128xf32>
    %reduce_max3A_71 = vector.multi_reduction <maximumf>, %select_n3A_69, %reduce_max3A_70 [0] : vector<512x128xf32> to vector<128xf32>
    %max3A_72 = arith.maximumf %squeeze3A_64, %reduce_max3A_71 : vector<128xf32>
    %eq3A_73 = arith.constant 3 : i32
    %eq3A_74 = vector.broadcast %eq3A_73 : i32 to vector<512x1xi32>
    %eq3A_75 = arith.cmpi eq, %get3A_39, %eq3A_74 : vector<512x1xi32>
    %slice3A_76 = vector.extract_strided_slice %get3A_36 {offsets = [3, 0], sizes = [1, 128], strides = [1, 1]} : vector<16x128xf32> to vector<1x128xf32>
    %squeeze3A_77 = vector.shape_cast %slice3A_76 : vector<1x128xf32> to vector<128xf32>
    %jit3A_78 = arith.constant 0xFF800000 : f32
    %broadcast_in_dim3A_79 = vector.shape_cast %eq3A_75 : vector<512x1xi1> to vector<512x1xi1>
    %broadcast_in_dim3A_80 = vector.broadcast %broadcast_in_dim3A_79 : vector<512x1xi1> to vector<512x128xi1>
    %broadcast_in_dim3A_81 = vector.broadcast %jit3A_78 : f32 to vector<512x128xf32>
    %select_n3A_82 = arith.select %broadcast_in_dim3A_80, %add3A_31, %broadcast_in_dim3A_81 : vector<512x128xi1>, vector<512x128xf32>
    %reduce_max3A_83 = arith.constant dense<0xFF800000> : vector<128xf32>
    %reduce_max3A_84 = vector.multi_reduction <maximumf>, %select_n3A_82, %reduce_max3A_83 [0] : vector<512x128xf32> to vector<128xf32>
    %max3A_85 = arith.maximumf %squeeze3A_77, %reduce_max3A_84 : vector<128xf32>
    %eq3A_86 = arith.constant 4 : i32
    %eq3A_87 = vector.broadcast %eq3A_86 : i32 to vector<512x1xi32>
    %eq3A_88 = arith.cmpi eq, %get3A_39, %eq3A_87 : vector<512x1xi32>
    %slice3A_89 = vector.extract_strided_slice %get3A_36 {offsets = [4, 0], sizes = [1, 128], strides = [1, 1]} : vector<16x128xf32> to vector<1x128xf32>
    %squeeze3A_90 = vector.shape_cast %slice3A_89 : vector<1x128xf32> to vector<128xf32>
    %jit3A_91 = arith.constant 0xFF800000 : f32
    %broadcast_in_dim3A_92 = vector.shape_cast %eq3A_88 : vector<512x1xi1> to vector<512x1xi1>
    %broadcast_in_dim3A_93 = vector.broadcast %broadcast_in_dim3A_92 : vector<512x1xi1> to vector<512x128xi1>
    %broadcast_in_dim3A_94 = vector.broadcast %jit3A_91 : f32 to vector<512x128xf32>
    %select_n3A_95 = arith.select %broadcast_in_dim3A_93, %add3A_31, %broadcast_in_dim3A_94 : vector<512x128xi1>, vector<512x128xf32>
    %reduce_max3A_96 = arith.constant dense<0xFF800000> : vector<128xf32>
    %reduce_max3A_97 = vector.multi_reduction <maximumf>, %select_n3A_95, %reduce_max3A_96 [0] : vector<512x128xf32> to vector<128xf32>
    %max3A_98 = arith.maximumf %squeeze3A_90, %reduce_max3A_97 : vector<128xf32>
    %eq3A_99 = arith.constant 5 : i32
    %eq3A_100 = vector.broadcast %eq3A_99 : i32 to vector<512x1xi32>
    %eq3A_101 = arith.cmpi eq, %get3A_39, %eq3A_100 : vector<512x1xi32>
    %slice3A_102 = vector.extract_strided_slice %get3A_36 {offsets = [5, 0], sizes = [1, 128], strides = [1, 1]} : vector<16x128xf32> to vector<1x128xf32>
    %squeeze3A_103 = vector.shape_cast %slice3A_102 : vector<1x128xf32> to vector<128xf32>
    %jit3A_104 = arith.constant 0xFF800000 : f32
    %broadcast_in_dim3A_105 = vector.shape_cast %eq3A_101 : vector<512x1xi1> to vector<512x1xi1>
    %broadcast_in_dim3A_106 = vector.broadcast %broadcast_in_dim3A_105 : vector<512x1xi1> to vector<512x128xi1>
    %broadcast_in_dim3A_107 = vector.broadcast %jit3A_104 : f32 to vector<512x128xf32>
    %select_n3A_108 = arith.select %broadcast_in_dim3A_106, %add3A_31, %broadcast_in_dim3A_107 : vector<512x128xi1>, vector<512x128xf32>
    %reduce_max3A_109 = arith.constant dense<0xFF800000> : vector<128xf32>
    %reduce_max3A_110 = vector.multi_reduction <maximumf>, %select_n3A_108, %reduce_max3A_109 [0] : vector<512x128xf32> to vector<128xf32>
    %max3A_111 = arith.maximumf %squeeze3A_103, %reduce_max3A_110 : vector<128xf32>
    %eq3A_112 = arith.constant 6 : i32
    %eq3A_113 = vector.broadcast %eq3A_112 : i32 to vector<512x1xi32>
    %eq3A_114 = arith.cmpi eq, %get3A_39, %eq3A_113 : vector<512x1xi32>
    %slice3A_115 = vector.extract_strided_slice %get3A_36 {offsets = [6, 0], sizes = [1, 128], strides = [1, 1]} : vector<16x128xf32> to vector<1x128xf32>
    %squeeze3A_116 = vector.shape_cast %slice3A_115 : vector<1x128xf32> to vector<128xf32>
    %jit3A_117 = arith.constant 0xFF800000 : f32
    %broadcast_in_dim3A_118 = vector.shape_cast %eq3A_114 : vector<512x1xi1> to vector<512x1xi1>
    %broadcast_in_dim3A_119 = vector.broadcast %broadcast_in_dim3A_118 : vector<512x1xi1> to vector<512x128xi1>
    %broadcast_in_dim3A_120 = vector.broadcast %jit3A_117 : f32 to vector<512x128xf32>
    %select_n3A_121 = arith.select %broadcast_in_dim3A_119, %add3A_31, %broadcast_in_dim3A_120 : vector<512x128xi1>, vector<512x128xf32>
    %reduce_max3A_122 = arith.constant dense<0xFF800000> : vector<128xf32>
    %reduce_max3A_123 = vector.multi_reduction <maximumf>, %select_n3A_121, %reduce_max3A_122 [0] : vector<512x128xf32> to vector<128xf32>
    %max3A_124 = arith.maximumf %squeeze3A_116, %reduce_max3A_123 : vector<128xf32>
    %eq3A_125 = arith.constant 7 : i32
    %eq3A_126 = vector.broadcast %eq3A_125 : i32 to vector<512x1xi32>
    %eq3A_127 = arith.cmpi eq, %get3A_39, %eq3A_126 : vector<512x1xi32>
    %slice3A_128 = vector.extract_strided_slice %get3A_36 {offsets = [7, 0], sizes = [1, 128], strides = [1, 1]} : vector<16x128xf32> to vector<1x128xf32>
    %squeeze3A_129 = vector.shape_cast %slice3A_128 : vector<1x128xf32> to vector<128xf32>
    %jit3A_130 = arith.constant 0xFF800000 : f32
    %broadcast_in_dim3A_131 = vector.shape_cast %eq3A_127 : vector<512x1xi1> to vector<512x1xi1>
    %broadcast_in_dim3A_132 = vector.broadcast %broadcast_in_dim3A_131 : vector<512x1xi1> to vector<512x128xi1>
    %broadcast_in_dim3A_133 = vector.broadcast %jit3A_130 : f32 to vector<512x128xf32>
    %select_n3A_134 = arith.select %broadcast_in_dim3A_132, %add3A_31, %broadcast_in_dim3A_133 : vector<512x128xi1>, vector<512x128xf32>
    %reduce_max3A_135 = arith.constant dense<0xFF800000> : vector<128xf32>
    %reduce_max3A_136 = vector.multi_reduction <maximumf>, %select_n3A_134, %reduce_max3A_135 [0] : vector<512x128xf32> to vector<128xf32>
    %max3A_137 = arith.maximumf %squeeze3A_129, %reduce_max3A_136 : vector<128xf32>
    %eq3A_138 = arith.constant 8 : i32
    %eq3A_139 = vector.broadcast %eq3A_138 : i32 to vector<512x1xi32>
    %eq3A_140 = arith.cmpi eq, %get3A_39, %eq3A_139 : vector<512x1xi32>
    %slice3A_141 = vector.extract_strided_slice %get3A_36 {offsets = [8, 0], sizes = [1, 128], strides = [1, 1]} : vector<16x128xf32> to vector<1x128xf32>
    %squeeze3A_142 = vector.shape_cast %slice3A_141 : vector<1x128xf32> to vector<128xf32>
    %jit3A_143 = arith.constant 0xFF800000 : f32
    %broadcast_in_dim3A_144 = vector.shape_cast %eq3A_140 : vector<512x1xi1> to vector<512x1xi1>
    %broadcast_in_dim3A_145 = vector.broadcast %broadcast_in_dim3A_144 : vector<512x1xi1> to vector<512x128xi1>
    %broadcast_in_dim3A_146 = vector.broadcast %jit3A_143 : f32 to vector<512x128xf32>
    %select_n3A_147 = arith.select %broadcast_in_dim3A_145, %add3A_31, %broadcast_in_dim3A_146 : vector<512x128xi1>, vector<512x128xf32>
    %reduce_max3A_148 = arith.constant dense<0xFF800000> : vector<128xf32>
    %reduce_max3A_149 = vector.multi_reduction <maximumf>, %select_n3A_147, %reduce_max3A_148 [0] : vector<512x128xf32> to vector<128xf32>
    %max3A_150 = arith.maximumf %squeeze3A_142, %reduce_max3A_149 : vector<128xf32>
    %eq3A_151 = arith.constant 9 : i32
    %eq3A_152 = vector.broadcast %eq3A_151 : i32 to vector<512x1xi32>
    %eq3A_153 = arith.cmpi eq, %get3A_39, %eq3A_152 : vector<512x1xi32>
    %slice3A_154 = vector.extract_strided_slice %get3A_36 {offsets = [9, 0], sizes = [1, 128], strides = [1, 1]} : vector<16x128xf32> to vector<1x128xf32>
    %squeeze3A_155 = vector.shape_cast %slice3A_154 : vector<1x128xf32> to vector<128xf32>
    %jit3A_156 = arith.constant 0xFF800000 : f32
    %broadcast_in_dim3A_157 = vector.shape_cast %eq3A_153 : vector<512x1xi1> to vector<512x1xi1>
    %broadcast_in_dim3A_158 = vector.broadcast %broadcast_in_dim3A_157 : vector<512x1xi1> to vector<512x128xi1>
    %broadcast_in_dim3A_159 = vector.broadcast %jit3A_156 : f32 to vector<512x128xf32>
    %select_n3A_160 = arith.select %broadcast_in_dim3A_158, %add3A_31, %broadcast_in_dim3A_159 : vector<512x128xi1>, vector<512x128xf32>
    %reduce_max3A_161 = arith.constant dense<0xFF800000> : vector<128xf32>
    %reduce_max3A_162 = vector.multi_reduction <maximumf>, %select_n3A_160, %reduce_max3A_161 [0] : vector<512x128xf32> to vector<128xf32>
    %max3A_163 = arith.maximumf %squeeze3A_155, %reduce_max3A_162 : vector<128xf32>
    %eq3A_164 = arith.constant 10 : i32
    %eq3A_165 = vector.broadcast %eq3A_164 : i32 to vector<512x1xi32>
    %eq3A_166 = arith.cmpi eq, %get3A_39, %eq3A_165 : vector<512x1xi32>
    %slice3A_167 = vector.extract_strided_slice %get3A_36 {offsets = [10, 0], sizes = [1, 128], strides = [1, 1]} : vector<16x128xf32> to vector<1x128xf32>
    %squeeze3A_168 = vector.shape_cast %slice3A_167 : vector<1x128xf32> to vector<128xf32>
    %jit3A_169 = arith.constant 0xFF800000 : f32
    %broadcast_in_dim3A_170 = vector.shape_cast %eq3A_166 : vector<512x1xi1> to vector<512x1xi1>
    %broadcast_in_dim3A_171 = vector.broadcast %broadcast_in_dim3A_170 : vector<512x1xi1> to vector<512x128xi1>
    %broadcast_in_dim3A_172 = vector.broadcast %jit3A_169 : f32 to vector<512x128xf32>
    %select_n3A_173 = arith.select %broadcast_in_dim3A_171, %add3A_31, %broadcast_in_dim3A_172 : vector<512x128xi1>, vector<512x128xf32>
    %reduce_max3A_174 = arith.constant dense<0xFF800000> : vector<128xf32>
    %reduce_max3A_175 = vector.multi_reduction <maximumf>, %select_n3A_173, %reduce_max3A_174 [0] : vector<512x128xf32> to vector<128xf32>
    %max3A_176 = arith.maximumf %squeeze3A_168, %reduce_max3A_175 : vector<128xf32>
    %eq3A_177 = arith.constant 11 : i32
    %eq3A_178 = vector.broadcast %eq3A_177 : i32 to vector<512x1xi32>
    %eq3A_179 = arith.cmpi eq, %get3A_39, %eq3A_178 : vector<512x1xi32>
    %slice3A_180 = vector.extract_strided_slice %get3A_36 {offsets = [11, 0], sizes = [1, 128], strides = [1, 1]} : vector<16x128xf32> to vector<1x128xf32>
    %squeeze3A_181 = vector.shape_cast %slice3A_180 : vector<1x128xf32> to vector<128xf32>
    %jit3A_182 = arith.constant 0xFF800000 : f32
    %broadcast_in_dim3A_183 = vector.shape_cast %eq3A_179 : vector<512x1xi1> to vector<512x1xi1>
    %broadcast_in_dim3A_184 = vector.broadcast %broadcast_in_dim3A_183 : vector<512x1xi1> to vector<512x128xi1>
    %broadcast_in_dim3A_185 = vector.broadcast %jit3A_182 : f32 to vector<512x128xf32>
    %select_n3A_186 = arith.select %broadcast_in_dim3A_184, %add3A_31, %broadcast_in_dim3A_185 : vector<512x128xi1>, vector<512x128xf32>
    %reduce_max3A_187 = arith.constant dense<0xFF800000> : vector<128xf32>
    %reduce_max3A_188 = vector.multi_reduction <maximumf>, %select_n3A_186, %reduce_max3A_187 [0] : vector<512x128xf32> to vector<128xf32>
    %max3A_189 = arith.maximumf %squeeze3A_181, %reduce_max3A_188 : vector<128xf32>
    %eq3A_190 = arith.constant 12 : i32
    %eq3A_191 = vector.broadcast %eq3A_190 : i32 to vector<512x1xi32>
    %eq3A_192 = arith.cmpi eq, %get3A_39, %eq3A_191 : vector<512x1xi32>
    %slice3A_193 = vector.extract_strided_slice %get3A_36 {offsets = [12, 0], sizes = [1, 128], strides = [1, 1]} : vector<16x128xf32> to vector<1x128xf32>
    %squeeze3A_194 = vector.shape_cast %slice3A_193 : vector<1x128xf32> to vector<128xf32>
    %jit3A_195 = arith.constant 0xFF800000 : f32
    %broadcast_in_dim3A_196 = vector.shape_cast %eq3A_192 : vector<512x1xi1> to vector<512x1xi1>
    %broadcast_in_dim3A_197 = vector.broadcast %broadcast_in_dim3A_196 : vector<512x1xi1> to vector<512x128xi1>
    %broadcast_in_dim3A_198 = vector.broadcast %jit3A_195 : f32 to vector<512x128xf32>
    %select_n3A_199 = arith.select %broadcast_in_dim3A_197, %add3A_31, %broadcast_in_dim3A_198 : vector<512x128xi1>, vector<512x128xf32>
    %reduce_max3A_200 = arith.constant dense<0xFF800000> : vector<128xf32>
    %reduce_max3A_201 = vector.multi_reduction <maximumf>, %select_n3A_199, %reduce_max3A_200 [0] : vector<512x128xf32> to vector<128xf32>
    %max3A_202 = arith.maximumf %squeeze3A_194, %reduce_max3A_201 : vector<128xf32>
    %eq3A_203 = arith.constant 13 : i32
    %eq3A_204 = vector.broadcast %eq3A_203 : i32 to vector<512x1xi32>
    %eq3A_205 = arith.cmpi eq, %get3A_39, %eq3A_204 : vector<512x1xi32>
    %slice3A_206 = vector.extract_strided_slice %get3A_36 {offsets = [13, 0], sizes = [1, 128], strides = [1, 1]} : vector<16x128xf32> to vector<1x128xf32>
    %squeeze3A_207 = vector.shape_cast %slice3A_206 : vector<1x128xf32> to vector<128xf32>
    %jit3A_208 = arith.constant 0xFF800000 : f32
    %broadcast_in_dim3A_209 = vector.shape_cast %eq3A_205 : vector<512x1xi1> to vector<512x1xi1>
    %broadcast_in_dim3A_210 = vector.broadcast %broadcast_in_dim3A_209 : vector<512x1xi1> to vector<512x128xi1>
    %broadcast_in_dim3A_211 = vector.broadcast %jit3A_208 : f32 to vector<512x128xf32>
    %select_n3A_212 = arith.select %broadcast_in_dim3A_210, %add3A_31, %broadcast_in_dim3A_211 : vector<512x128xi1>, vector<512x128xf32>
    %reduce_max3A_213 = arith.constant dense<0xFF800000> : vector<128xf32>
    %reduce_max3A_214 = vector.multi_reduction <maximumf>, %select_n3A_212, %reduce_max3A_213 [0] : vector<512x128xf32> to vector<128xf32>
    %max3A_215 = arith.maximumf %squeeze3A_207, %reduce_max3A_214 : vector<128xf32>
    %eq3A_216 = arith.constant 14 : i32
    %eq3A_217 = vector.broadcast %eq3A_216 : i32 to vector<512x1xi32>
    %eq3A_218 = arith.cmpi eq, %get3A_39, %eq3A_217 : vector<512x1xi32>
    %slice3A_219 = vector.extract_strided_slice %get3A_36 {offsets = [14, 0], sizes = [1, 128], strides = [1, 1]} : vector<16x128xf32> to vector<1x128xf32>
    %squeeze3A_220 = vector.shape_cast %slice3A_219 : vector<1x128xf32> to vector<128xf32>
    %jit3A_221 = arith.constant 0xFF800000 : f32
    %broadcast_in_dim3A_222 = vector.shape_cast %eq3A_218 : vector<512x1xi1> to vector<512x1xi1>
    %broadcast_in_dim3A_223 = vector.broadcast %broadcast_in_dim3A_222 : vector<512x1xi1> to vector<512x128xi1>
    %broadcast_in_dim3A_224 = vector.broadcast %jit3A_221 : f32 to vector<512x128xf32>
    %select_n3A_225 = arith.select %broadcast_in_dim3A_223, %add3A_31, %broadcast_in_dim3A_224 : vector<512x128xi1>, vector<512x128xf32>
    %reduce_max3A_226 = arith.constant dense<0xFF800000> : vector<128xf32>
    %reduce_max3A_227 = vector.multi_reduction <maximumf>, %select_n3A_225, %reduce_max3A_226 [0] : vector<512x128xf32> to vector<128xf32>
    %max3A_228 = arith.maximumf %squeeze3A_220, %reduce_max3A_227 : vector<128xf32>
    %eq3A_229 = arith.constant 15 : i32
    %eq3A_230 = vector.broadcast %eq3A_229 : i32 to vector<512x1xi32>
    %eq3A_231 = arith.cmpi eq, %get3A_39, %eq3A_230 : vector<512x1xi32>
    %slice3A_232 = vector.extract_strided_slice %get3A_36 {offsets = [15, 0], sizes = [1, 128], strides = [1, 1]} : vector<16x128xf32> to vector<1x128xf32>
    %squeeze3A_233 = vector.shape_cast %slice3A_232 : vector<1x128xf32> to vector<128xf32>
    %jit3A_234 = arith.constant 0xFF800000 : f32
    %broadcast_in_dim3A_235 = vector.shape_cast %eq3A_231 : vector<512x1xi1> to vector<512x1xi1>
    %broadcast_in_dim3A_236 = vector.broadcast %broadcast_in_dim3A_235 : vector<512x1xi1> to vector<512x128xi1>
    %broadcast_in_dim3A_237 = vector.broadcast %jit3A_234 : f32 to vector<512x128xf32>
    %select_n3A_238 = arith.select %broadcast_in_dim3A_236, %add3A_31, %broadcast_in_dim3A_237 : vector<512x128xi1>, vector<512x128xf32>
    %reduce_max3A_239 = arith.constant dense<0xFF800000> : vector<128xf32>
    %reduce_max3A_240 = vector.multi_reduction <maximumf>, %select_n3A_238, %reduce_max3A_239 [0] : vector<512x128xf32> to vector<128xf32>
    %max3A_241 = arith.maximumf %squeeze3A_233, %reduce_max3A_240 : vector<128xf32>
    %stack3A = vector.shape_cast %max3A_46 : vector<128xf32> to vector<1x128xf32>
    %stack3A_242 = vector.shape_cast %max3A_59 : vector<128xf32> to vector<1x128xf32>
    %stack3A_243 = vector.shape_cast %max3A_72 : vector<128xf32> to vector<1x128xf32>
    %stack3A_244 = vector.shape_cast %max3A_85 : vector<128xf32> to vector<1x128xf32>
    %stack3A_245 = vector.shape_cast %max3A_98 : vector<128xf32> to vector<1x128xf32>
    %stack3A_246 = vector.shape_cast %max3A_111 : vector<128xf32> to vector<1x128xf32>
    %stack3A_247 = vector.shape_cast %max3A_124 : vector<128xf32> to vector<1x128xf32>
    %stack3A_248 = vector.shape_cast %max3A_137 : vector<128xf32> to vector<1x128xf32>
    %stack3A_249 = vector.shape_cast %max3A_150 : vector<128xf32> to vector<1x128xf32>
    %stack3A_250 = vector.shape_cast %max3A_163 : vector<128xf32> to vector<1x128xf32>
    %stack3A_251 = vector.shape_cast %max3A_176 : vector<128xf32> to vector<1x128xf32>
    %stack3A_252 = vector.shape_cast %max3A_189 : vector<128xf32> to vector<1x128xf32>
    %stack3A_253 = vector.shape_cast %max3A_202 : vector<128xf32> to vector<1x128xf32>
    %stack3A_254 = vector.shape_cast %max3A_215 : vector<128xf32> to vector<1x128xf32>
    %stack3A_255 = vector.shape_cast %max3A_228 : vector<128xf32> to vector<1x128xf32>
    %stack3A_256 = vector.shape_cast %max3A_241 : vector<128xf32> to vector<1x128xf32>
    %stack3A_257 = tpu.concatenate %stack3A, %stack3A_242, %stack3A_243, %stack3A_244, %stack3A_245, %stack3A_246, %stack3A_247, %stack3A_248, %stack3A_249, %stack3A_250, %stack3A_251, %stack3A_252, %stack3A_253, %stack3A_254, %stack3A_255, %stack3A_256 in 0 : vector<1x128xf32>, vector<1x128xf32>, vector<1x128xf32>, vector<1x128xf32>, vector<1x128xf32>, vector<1x128xf32>, vector<1x128xf32>, vector<1x128xf32>, vector<1x128xf32>, vector<1x128xf32>, vector<1x128xf32>, vector<1x128xf32>, vector<1x128xf32>, vector<1x128xf32>, vector<1x128xf32>, vector<1x128xf32> -> vector<16x128xf32>
    %swap3A = arith.constant 0 : index
    %swap3A_258 = arith.constant 0 : index
    %swap3A_259 = arith.constant 0 : index
    %swap3A_260 = vector.load %arg8[%swap3A, %swap3A_258, %swap3A_259] : memref<1x16x128xf32, #tpu.memory_space<vmem>>, vector<1x16x128xf32>
    %swap3A_261 = vector.shape_cast %swap3A_260 : vector<1x16x128xf32> to vector<16x128xf32>
    %swap3A_262 = vector.shape_cast %stack3A_257 : vector<16x128xf32> to vector<1x16x128xf32>
    tpu.vector_store %arg8[%swap3A, %swap3A_258, %swap3A_259], %swap3A_262 {strides = array<i32>} : memref<1x16x128xf32, #tpu.memory_space<vmem>>, vector<1x16x128xf32>,
    return
  }
  func.func @transform_0(%arg0: i32, %arg1: i32) -> (i32, i32) {
    %c0_i32 = arith.constant 0 : i32
    %c0_i32_0 = arith.constant 0 : i32
    return %arg1, %c0_i32 : i32, i32
  }
  func.func @transform_1(%arg0: i32, %arg1: i32) -> (i32, i32, i32) {
    %c0_i32 = arith.constant 0 : i32
    %c0_i32_0 = arith.constant 0 : i32
    %c0_i32_1 = arith.constant 0 : i32
    return %arg0, %c0_i32, %c0_i32_0 : i32, i32, i32
  }
  func.func @transform_2(%arg0: i32, %arg1: i32) -> (i32, i32, i32) {
    %c0_i32 = arith.constant 0 : i32
    %c0_i32_0 = arith.constant 0 : i32
    %c0_i32_1 = arith.constant 0 : i32
    return %arg0, %c0_i32, %c0_i32_0 : i32, i32, i32
  }
  func.func @transform_3(%arg0: i32, %arg1: i32) -> (i32, i32, i32) {
    %c0_i32 = arith.constant 0 : i32
    %c0_i32_0 = arith.constant 0 : i32
    %c0_i32_1 = arith.constant 0 : i32
    return %arg0, %c0_i32, %c0_i32_0 : i32, i32, i32
  }
  func.func @transform_4(%arg0: i32, %arg1: i32) -> (i32, i32, i32) {
    %c0_i32 = arith.constant 0 : i32
    %c0_i32_0 = arith.constant 0 : i32
    %c0_i32_1 = arith.constant 0 : i32
    return %arg0, %c0_i32, %c0_i32_0 : i32, i32, i32
  }
  func.func @transform_5(%arg0: i32, %arg1: i32) -> (i32, i32) {
    %c0_i32 = arith.constant 0 : i32
    %c0_i32_0 = arith.constant 0 : i32
    return %arg1, %c0_i32 : i32, i32
  }
  func.func @transform_6(%arg0: i32, %arg1: i32) -> (i32, i32, i32) {
    %c0_i32 = arith.constant 0 : i32
    %c0_i32_0 = arith.constant 0 : i32
    %c0_i32_1 = arith.constant 0 : i32
    return %arg0, %c0_i32, %c0_i32_0 : i32, i32, i32
  }
}

module attributes {stable_mosaic.version = 14 : i64} {
  func.func @_dompool_body(%arg0: i32, %arg1: memref<400x128xf32, #tpu.memory_space<vmem>>, %arg2: memref<400x128xf32, #tpu.memory_space<vmem>>, %arg3: memref<400x128xf32, #tpu.memory_space<vmem>>, %arg4: memref<400x128xf32, #tpu.memory_space<vmem>>, %arg5: memref<400x128xf32, #tpu.memory_space<vmem>>, %arg6: memref<1x128xf32, #tpu.memory_space<vmem>>, %arg7: memref<1x128xf32, #tpu.memory_space<vmem>>, %arg8: memref<400x1xi32, #tpu.memory_space<vmem>>, %arg9: memref<2x16x128xf32, #tpu.memory_space<vmem>>, %arg10: memref<2x16x128xf32, #tpu.memory_space<vmem>>, %arg11: memref<1x16xf32, #tpu.memory_space<vmem>>) attributes {dimension_semantics = [#tpu.dimension_semantics<arbitrary>], iteration_bounds = array<i64: 25>, scalar_prefetch = 0 : i64, scratch_operands = 0 : i64, tpu.core_type = #tpu.core_type<tc>, window_params = [{transform_indices = @transform_0, window_bounds = array<i64: 400, 128>}, {transform_indices = @transform_1, window_bounds = array<i64: 400, 128>}, {transform_indices = @transform_2, window_bounds = array<i64: 400, 128>}, {transform_indices = @transform_3, window_bounds = array<i64: 400, 128>}, {transform_indices = @transform_4, window_bounds = array<i64: 400, 128>}, {pipeline_mode = #tpu.pipeline_mode<synchronous>, transform_indices = @transform_5, window_bounds = array<i64: 1, 128>}, {pipeline_mode = #tpu.pipeline_mode<synchronous>, transform_indices = @transform_6, window_bounds = array<i64: 1, 128>}, {transform_indices = @transform_7, window_bounds = array<i64: 400, 1>}, {pipeline_mode = #tpu.pipeline_mode<synchronous>, transform_indices = @transform_8, window_bounds = array<i64: 2, 16, 128>}, {pipeline_mode = #tpu.pipeline_mode<synchronous>, transform_indices = @transform_9, window_bounds = array<i64: 2, 16, 128>}, {pipeline_mode = #tpu.pipeline_mode<synchronous>, transform_indices = @transform_10, window_bounds = array<i64: 1, 16>}]} {
    %eq3A = arith.constant 0 : i32
    %eq3A_0 = arith.cmpi eq, %arg0, %eq3A : i32
    %convert_element_type3A = arith.extui %eq3A_0 : i1 to i32
    %cond3A = arith.constant 0 : i32
    %cond3A_1 = arith.cmpi ne, %convert_element_type3A, %cond3A : i32
    scf.if %cond3A_1 {
      %broadcast_in_dim3A_499 = arith.constant 0xFF800000 : f32
      %broadcast_in_dim3A_500 = vector.broadcast %broadcast_in_dim3A_499 : f32 to vector<2x16x128xf32>
      %swap3A_501 = arith.constant 0 : index
      %swap3A_502 = arith.constant 0 : index
      %swap3A_503 = arith.constant 0 : index
      %swap3A_504 = vector.load %arg10[%swap3A_501, %swap3A_502, %swap3A_503] : memref<2x16x128xf32, #tpu.memory_space<vmem>>, vector<2x16x128xf32>
      tpu.vector_store %arg10[%swap3A_501, %swap3A_502, %swap3A_503], %broadcast_in_dim3A_500 {strides = array<i32>} : memref<2x16x128xf32, #tpu.memory_space<vmem>>, vector<2x16x128xf32>,
    } else {
    }
    %get3A = arith.constant 0 : index
    %get3A_2 = arith.constant 0 : index
    %get3A_3 = vector.load %arg5[%get3A, %get3A_2] : memref<400x128xf32, #tpu.memory_space<vmem>>, vector<400x128xf32>
    %get3A_4 = arith.constant 0 : index
    %get3A_5 = arith.constant 0 : index
    %get3A_6 = vector.load %arg1[%get3A_4, %get3A_5] : memref<400x128xf32, #tpu.memory_space<vmem>>, vector<400x128xf32>
    %get3A_7 = arith.constant 0 : index
    %get3A_8 = arith.constant 0 : index
    %get3A_9 = vector.load %arg3[%get3A_7, %get3A_8] : memref<400x128xf32, #tpu.memory_space<vmem>>, vector<400x128xf32>
    %add3A = arith.addf %get3A_6, %get3A_9 : vector<400x128xf32>
    %mul3A = arith.mulf %get3A_3, %add3A : vector<400x128xf32>
    %get3A_10 = arith.constant 0 : index
    %get3A_11 = arith.constant 0 : index
    %get3A_12 = vector.load %arg6[%get3A_10, %get3A_11] : memref<1x128xf32, #tpu.memory_space<vmem>>, vector<1x128xf32>
    %add3A_13 = vector.broadcast %get3A_12 : vector<1x128xf32> to vector<400x128xf32>
    %add3A_14 = arith.addf %mul3A, %add3A_13 : vector<400x128xf32>
    %get3A_15 = arith.constant 0 : index
    %get3A_16 = arith.constant 0 : index
    %get3A_17 = vector.load %arg2[%get3A_15, %get3A_16] : memref<400x128xf32, #tpu.memory_space<vmem>>, vector<400x128xf32>
    %get3A_18 = arith.constant 0 : index
    %get3A_19 = arith.constant 0 : index
    %get3A_20 = vector.load %arg4[%get3A_18, %get3A_19] : memref<400x128xf32, #tpu.memory_space<vmem>>, vector<400x128xf32>
    %add3A_21 = arith.addf %get3A_17, %get3A_20 : vector<400x128xf32>
    %mul3A_22 = arith.mulf %get3A_3, %add3A_21 : vector<400x128xf32>
    %get3A_23 = arith.constant 0 : index
    %get3A_24 = arith.constant 0 : index
    %get3A_25 = vector.load %arg7[%get3A_23, %get3A_24] : memref<1x128xf32, #tpu.memory_space<vmem>>, vector<1x128xf32>
    %add3A_26 = vector.broadcast %get3A_25 : vector<1x128xf32> to vector<400x128xf32>
    %add3A_27 = arith.addf %mul3A_22, %add3A_26 : vector<400x128xf32>
    %get3A_28 = arith.constant 0 : index
    %get3A_29 = arith.constant 0 : index
    %get3A_30 = vector.load %arg8[%get3A_28, %get3A_29] : memref<400x1xi32, #tpu.memory_space<vmem>>, vector<400x1xi32>
    %get3A_31 = arith.constant 0 : index
    %get3A_32 = arith.constant 0 : index
    %get3A_33 = arith.constant 0 : index
    %get3A_34 = vector.load %arg10[%get3A_31, %get3A_32, %get3A_33] : memref<2x16x128xf32, #tpu.memory_space<vmem>>, vector<1x16x128xf32>
    %get3A_35 = vector.shape_cast %get3A_34 : vector<1x16x128xf32> to vector<16x128xf32>
    %eq3A_36 = arith.constant 0 : i32
    %eq3A_37 = vector.broadcast %eq3A_36 : i32 to vector<400x1xi32>
    %eq3A_38 = arith.cmpi eq, %get3A_30, %eq3A_37 : vector<400x1xi32>
    %slice3A = vector.extract_strided_slice %get3A_35 {offsets = [0, 0], sizes = [1, 128], strides = [1, 1]} : vector<16x128xf32> to vector<1x128xf32>
    %squeeze3A = vector.shape_cast %slice3A : vector<1x128xf32> to vector<128xf32>
    %jit3A = arith.constant 0xFF800000 : f32
    %broadcast_in_dim3A = vector.shape_cast %eq3A_38 : vector<400x1xi1> to vector<400x1xi1>
    %broadcast_in_dim3A_39 = vector.broadcast %broadcast_in_dim3A : vector<400x1xi1> to vector<400x128xi1>
    %broadcast_in_dim3A_40 = vector.broadcast %jit3A : f32 to vector<400x128xf32>
    %select_n3A = arith.select %broadcast_in_dim3A_39, %add3A_14, %broadcast_in_dim3A_40 : vector<400x128xi1>, vector<400x128xf32>
    %reduce_max3A = arith.constant dense<0xFF800000> : vector<128xf32>
    %reduce_max3A_41 = vector.multi_reduction <maximumf>, %select_n3A, %reduce_max3A [0] : vector<400x128xf32> to vector<128xf32>
    %max3A = arith.maximumf %squeeze3A, %reduce_max3A_41 : vector<128xf32>
    %eq3A_42 = arith.constant 1 : i32
    %eq3A_43 = vector.broadcast %eq3A_42 : i32 to vector<400x1xi32>
    %eq3A_44 = arith.cmpi eq, %get3A_30, %eq3A_43 : vector<400x1xi32>
    %slice3A_45 = vector.extract_strided_slice %get3A_35 {offsets = [1, 0], sizes = [1, 128], strides = [1, 1]} : vector<16x128xf32> to vector<1x128xf32>
    %squeeze3A_46 = vector.shape_cast %slice3A_45 : vector<1x128xf32> to vector<128xf32>
    %jit3A_47 = arith.constant 0xFF800000 : f32
    %broadcast_in_dim3A_48 = vector.shape_cast %eq3A_44 : vector<400x1xi1> to vector<400x1xi1>
    %broadcast_in_dim3A_49 = vector.broadcast %broadcast_in_dim3A_48 : vector<400x1xi1> to vector<400x128xi1>
    %broadcast_in_dim3A_50 = vector.broadcast %jit3A_47 : f32 to vector<400x128xf32>
    %select_n3A_51 = arith.select %broadcast_in_dim3A_49, %add3A_14, %broadcast_in_dim3A_50 : vector<400x128xi1>, vector<400x128xf32>
    %reduce_max3A_52 = arith.constant dense<0xFF800000> : vector<128xf32>
    %reduce_max3A_53 = vector.multi_reduction <maximumf>, %select_n3A_51, %reduce_max3A_52 [0] : vector<400x128xf32> to vector<128xf32>
    %max3A_54 = arith.maximumf %squeeze3A_46, %reduce_max3A_53 : vector<128xf32>
    %eq3A_55 = arith.constant 2 : i32
    %eq3A_56 = vector.broadcast %eq3A_55 : i32 to vector<400x1xi32>
    %eq3A_57 = arith.cmpi eq, %get3A_30, %eq3A_56 : vector<400x1xi32>
    %slice3A_58 = vector.extract_strided_slice %get3A_35 {offsets = [2, 0], sizes = [1, 128], strides = [1, 1]} : vector<16x128xf32> to vector<1x128xf32>
    %squeeze3A_59 = vector.shape_cast %slice3A_58 : vector<1x128xf32> to vector<128xf32>
    %jit3A_60 = arith.constant 0xFF800000 : f32
    %broadcast_in_dim3A_61 = vector.shape_cast %eq3A_57 : vector<400x1xi1> to vector<400x1xi1>
    %broadcast_in_dim3A_62 = vector.broadcast %broadcast_in_dim3A_61 : vector<400x1xi1> to vector<400x128xi1>
    %broadcast_in_dim3A_63 = vector.broadcast %jit3A_60 : f32 to vector<400x128xf32>
    %select_n3A_64 = arith.select %broadcast_in_dim3A_62, %add3A_14, %broadcast_in_dim3A_63 : vector<400x128xi1>, vector<400x128xf32>
    %reduce_max3A_65 = arith.constant dense<0xFF800000> : vector<128xf32>
    %reduce_max3A_66 = vector.multi_reduction <maximumf>, %select_n3A_64, %reduce_max3A_65 [0] : vector<400x128xf32> to vector<128xf32>
    %max3A_67 = arith.maximumf %squeeze3A_59, %reduce_max3A_66 : vector<128xf32>
    %eq3A_68 = arith.constant 3 : i32
    %eq3A_69 = vector.broadcast %eq3A_68 : i32 to vector<400x1xi32>
    %eq3A_70 = arith.cmpi eq, %get3A_30, %eq3A_69 : vector<400x1xi32>
    %slice3A_71 = vector.extract_strided_slice %get3A_35 {offsets = [3, 0], sizes = [1, 128], strides = [1, 1]} : vector<16x128xf32> to vector<1x128xf32>
    %squeeze3A_72 = vector.shape_cast %slice3A_71 : vector<1x128xf32> to vector<128xf32>
    %jit3A_73 = arith.constant 0xFF800000 : f32
    %broadcast_in_dim3A_74 = vector.shape_cast %eq3A_70 : vector<400x1xi1> to vector<400x1xi1>
    %broadcast_in_dim3A_75 = vector.broadcast %broadcast_in_dim3A_74 : vector<400x1xi1> to vector<400x128xi1>
    %broadcast_in_dim3A_76 = vector.broadcast %jit3A_73 : f32 to vector<400x128xf32>
    %select_n3A_77 = arith.select %broadcast_in_dim3A_75, %add3A_14, %broadcast_in_dim3A_76 : vector<400x128xi1>, vector<400x128xf32>
    %reduce_max3A_78 = arith.constant dense<0xFF800000> : vector<128xf32>
    %reduce_max3A_79 = vector.multi_reduction <maximumf>, %select_n3A_77, %reduce_max3A_78 [0] : vector<400x128xf32> to vector<128xf32>
    %max3A_80 = arith.maximumf %squeeze3A_72, %reduce_max3A_79 : vector<128xf32>
    %eq3A_81 = arith.constant 4 : i32
    %eq3A_82 = vector.broadcast %eq3A_81 : i32 to vector<400x1xi32>
    %eq3A_83 = arith.cmpi eq, %get3A_30, %eq3A_82 : vector<400x1xi32>
    %slice3A_84 = vector.extract_strided_slice %get3A_35 {offsets = [4, 0], sizes = [1, 128], strides = [1, 1]} : vector<16x128xf32> to vector<1x128xf32>
    %squeeze3A_85 = vector.shape_cast %slice3A_84 : vector<1x128xf32> to vector<128xf32>
    %jit3A_86 = arith.constant 0xFF800000 : f32
    %broadcast_in_dim3A_87 = vector.shape_cast %eq3A_83 : vector<400x1xi1> to vector<400x1xi1>
    %broadcast_in_dim3A_88 = vector.broadcast %broadcast_in_dim3A_87 : vector<400x1xi1> to vector<400x128xi1>
    %broadcast_in_dim3A_89 = vector.broadcast %jit3A_86 : f32 to vector<400x128xf32>
    %select_n3A_90 = arith.select %broadcast_in_dim3A_88, %add3A_14, %broadcast_in_dim3A_89 : vector<400x128xi1>, vector<400x128xf32>
    %reduce_max3A_91 = arith.constant dense<0xFF800000> : vector<128xf32>
    %reduce_max3A_92 = vector.multi_reduction <maximumf>, %select_n3A_90, %reduce_max3A_91 [0] : vector<400x128xf32> to vector<128xf32>
    %max3A_93 = arith.maximumf %squeeze3A_85, %reduce_max3A_92 : vector<128xf32>
    %eq3A_94 = arith.constant 5 : i32
    %eq3A_95 = vector.broadcast %eq3A_94 : i32 to vector<400x1xi32>
    %eq3A_96 = arith.cmpi eq, %get3A_30, %eq3A_95 : vector<400x1xi32>
    %slice3A_97 = vector.extract_strided_slice %get3A_35 {offsets = [5, 0], sizes = [1, 128], strides = [1, 1]} : vector<16x128xf32> to vector<1x128xf32>
    %squeeze3A_98 = vector.shape_cast %slice3A_97 : vector<1x128xf32> to vector<128xf32>
    %jit3A_99 = arith.constant 0xFF800000 : f32
    %broadcast_in_dim3A_100 = vector.shape_cast %eq3A_96 : vector<400x1xi1> to vector<400x1xi1>
    %broadcast_in_dim3A_101 = vector.broadcast %broadcast_in_dim3A_100 : vector<400x1xi1> to vector<400x128xi1>
    %broadcast_in_dim3A_102 = vector.broadcast %jit3A_99 : f32 to vector<400x128xf32>
    %select_n3A_103 = arith.select %broadcast_in_dim3A_101, %add3A_14, %broadcast_in_dim3A_102 : vector<400x128xi1>, vector<400x128xf32>
    %reduce_max3A_104 = arith.constant dense<0xFF800000> : vector<128xf32>
    %reduce_max3A_105 = vector.multi_reduction <maximumf>, %select_n3A_103, %reduce_max3A_104 [0] : vector<400x128xf32> to vector<128xf32>
    %max3A_106 = arith.maximumf %squeeze3A_98, %reduce_max3A_105 : vector<128xf32>
    %eq3A_107 = arith.constant 6 : i32
    %eq3A_108 = vector.broadcast %eq3A_107 : i32 to vector<400x1xi32>
    %eq3A_109 = arith.cmpi eq, %get3A_30, %eq3A_108 : vector<400x1xi32>
    %slice3A_110 = vector.extract_strided_slice %get3A_35 {offsets = [6, 0], sizes = [1, 128], strides = [1, 1]} : vector<16x128xf32> to vector<1x128xf32>
    %squeeze3A_111 = vector.shape_cast %slice3A_110 : vector<1x128xf32> to vector<128xf32>
    %jit3A_112 = arith.constant 0xFF800000 : f32
    %broadcast_in_dim3A_113 = vector.shape_cast %eq3A_109 : vector<400x1xi1> to vector<400x1xi1>
    %broadcast_in_dim3A_114 = vector.broadcast %broadcast_in_dim3A_113 : vector<400x1xi1> to vector<400x128xi1>
    %broadcast_in_dim3A_115 = vector.broadcast %jit3A_112 : f32 to vector<400x128xf32>
    %select_n3A_116 = arith.select %broadcast_in_dim3A_114, %add3A_14, %broadcast_in_dim3A_115 : vector<400x128xi1>, vector<400x128xf32>
    %reduce_max3A_117 = arith.constant dense<0xFF800000> : vector<128xf32>
    %reduce_max3A_118 = vector.multi_reduction <maximumf>, %select_n3A_116, %reduce_max3A_117 [0] : vector<400x128xf32> to vector<128xf32>
    %max3A_119 = arith.maximumf %squeeze3A_111, %reduce_max3A_118 : vector<128xf32>
    %eq3A_120 = arith.constant 7 : i32
    %eq3A_121 = vector.broadcast %eq3A_120 : i32 to vector<400x1xi32>
    %eq3A_122 = arith.cmpi eq, %get3A_30, %eq3A_121 : vector<400x1xi32>
    %slice3A_123 = vector.extract_strided_slice %get3A_35 {offsets = [7, 0], sizes = [1, 128], strides = [1, 1]} : vector<16x128xf32> to vector<1x128xf32>
    %squeeze3A_124 = vector.shape_cast %slice3A_123 : vector<1x128xf32> to vector<128xf32>
    %jit3A_125 = arith.constant 0xFF800000 : f32
    %broadcast_in_dim3A_126 = vector.shape_cast %eq3A_122 : vector<400x1xi1> to vector<400x1xi1>
    %broadcast_in_dim3A_127 = vector.broadcast %broadcast_in_dim3A_126 : vector<400x1xi1> to vector<400x128xi1>
    %broadcast_in_dim3A_128 = vector.broadcast %jit3A_125 : f32 to vector<400x128xf32>
    %select_n3A_129 = arith.select %broadcast_in_dim3A_127, %add3A_14, %broadcast_in_dim3A_128 : vector<400x128xi1>, vector<400x128xf32>
    %reduce_max3A_130 = arith.constant dense<0xFF800000> : vector<128xf32>
    %reduce_max3A_131 = vector.multi_reduction <maximumf>, %select_n3A_129, %reduce_max3A_130 [0] : vector<400x128xf32> to vector<128xf32>
    %max3A_132 = arith.maximumf %squeeze3A_124, %reduce_max3A_131 : vector<128xf32>
    %eq3A_133 = arith.constant 8 : i32
    %eq3A_134 = vector.broadcast %eq3A_133 : i32 to vector<400x1xi32>
    %eq3A_135 = arith.cmpi eq, %get3A_30, %eq3A_134 : vector<400x1xi32>
    %slice3A_136 = vector.extract_strided_slice %get3A_35 {offsets = [8, 0], sizes = [1, 128], strides = [1, 1]} : vector<16x128xf32> to vector<1x128xf32>
    %squeeze3A_137 = vector.shape_cast %slice3A_136 : vector<1x128xf32> to vector<128xf32>
    %jit3A_138 = arith.constant 0xFF800000 : f32
    %broadcast_in_dim3A_139 = vector.shape_cast %eq3A_135 : vector<400x1xi1> to vector<400x1xi1>
    %broadcast_in_dim3A_140 = vector.broadcast %broadcast_in_dim3A_139 : vector<400x1xi1> to vector<400x128xi1>
    %broadcast_in_dim3A_141 = vector.broadcast %jit3A_138 : f32 to vector<400x128xf32>
    %select_n3A_142 = arith.select %broadcast_in_dim3A_140, %add3A_14, %broadcast_in_dim3A_141 : vector<400x128xi1>, vector<400x128xf32>
    %reduce_max3A_143 = arith.constant dense<0xFF800000> : vector<128xf32>
    %reduce_max3A_144 = vector.multi_reduction <maximumf>, %select_n3A_142, %reduce_max3A_143 [0] : vector<400x128xf32> to vector<128xf32>
    %max3A_145 = arith.maximumf %squeeze3A_137, %reduce_max3A_144 : vector<128xf32>
    %eq3A_146 = arith.constant 9 : i32
    %eq3A_147 = vector.broadcast %eq3A_146 : i32 to vector<400x1xi32>
    %eq3A_148 = arith.cmpi eq, %get3A_30, %eq3A_147 : vector<400x1xi32>
    %slice3A_149 = vector.extract_strided_slice %get3A_35 {offsets = [9, 0], sizes = [1, 128], strides = [1, 1]} : vector<16x128xf32> to vector<1x128xf32>
    %squeeze3A_150 = vector.shape_cast %slice3A_149 : vector<1x128xf32> to vector<128xf32>
    %jit3A_151 = arith.constant 0xFF800000 : f32
    %broadcast_in_dim3A_152 = vector.shape_cast %eq3A_148 : vector<400x1xi1> to vector<400x1xi1>
    %broadcast_in_dim3A_153 = vector.broadcast %broadcast_in_dim3A_152 : vector<400x1xi1> to vector<400x128xi1>
    %broadcast_in_dim3A_154 = vector.broadcast %jit3A_151 : f32 to vector<400x128xf32>
    %select_n3A_155 = arith.select %broadcast_in_dim3A_153, %add3A_14, %broadcast_in_dim3A_154 : vector<400x128xi1>, vector<400x128xf32>
    %reduce_max3A_156 = arith.constant dense<0xFF800000> : vector<128xf32>
    %reduce_max3A_157 = vector.multi_reduction <maximumf>, %select_n3A_155, %reduce_max3A_156 [0] : vector<400x128xf32> to vector<128xf32>
    %max3A_158 = arith.maximumf %squeeze3A_150, %reduce_max3A_157 : vector<128xf32>
    %eq3A_159 = arith.constant 10 : i32
    %eq3A_160 = vector.broadcast %eq3A_159 : i32 to vector<400x1xi32>
    %eq3A_161 = arith.cmpi eq, %get3A_30, %eq3A_160 : vector<400x1xi32>
    %slice3A_162 = vector.extract_strided_slice %get3A_35 {offsets = [10, 0], sizes = [1, 128], strides = [1, 1]} : vector<16x128xf32> to vector<1x128xf32>
    %squeeze3A_163 = vector.shape_cast %slice3A_162 : vector<1x128xf32> to vector<128xf32>
    %jit3A_164 = arith.constant 0xFF800000 : f32
    %broadcast_in_dim3A_165 = vector.shape_cast %eq3A_161 : vector<400x1xi1> to vector<400x1xi1>
    %broadcast_in_dim3A_166 = vector.broadcast %broadcast_in_dim3A_165 : vector<400x1xi1> to vector<400x128xi1>
    %broadcast_in_dim3A_167 = vector.broadcast %jit3A_164 : f32 to vector<400x128xf32>
    %select_n3A_168 = arith.select %broadcast_in_dim3A_166, %add3A_14, %broadcast_in_dim3A_167 : vector<400x128xi1>, vector<400x128xf32>
    %reduce_max3A_169 = arith.constant dense<0xFF800000> : vector<128xf32>
    %reduce_max3A_170 = vector.multi_reduction <maximumf>, %select_n3A_168, %reduce_max3A_169 [0] : vector<400x128xf32> to vector<128xf32>
    %max3A_171 = arith.maximumf %squeeze3A_163, %reduce_max3A_170 : vector<128xf32>
    %eq3A_172 = arith.constant 11 : i32
    %eq3A_173 = vector.broadcast %eq3A_172 : i32 to vector<400x1xi32>
    %eq3A_174 = arith.cmpi eq, %get3A_30, %eq3A_173 : vector<400x1xi32>
    %slice3A_175 = vector.extract_strided_slice %get3A_35 {offsets = [11, 0], sizes = [1, 128], strides = [1, 1]} : vector<16x128xf32> to vector<1x128xf32>
    %squeeze3A_176 = vector.shape_cast %slice3A_175 : vector<1x128xf32> to vector<128xf32>
    %jit3A_177 = arith.constant 0xFF800000 : f32
    %broadcast_in_dim3A_178 = vector.shape_cast %eq3A_174 : vector<400x1xi1> to vector<400x1xi1>
    %broadcast_in_dim3A_179 = vector.broadcast %broadcast_in_dim3A_178 : vector<400x1xi1> to vector<400x128xi1>
    %broadcast_in_dim3A_180 = vector.broadcast %jit3A_177 : f32 to vector<400x128xf32>
    %select_n3A_181 = arith.select %broadcast_in_dim3A_179, %add3A_14, %broadcast_in_dim3A_180 : vector<400x128xi1>, vector<400x128xf32>
    %reduce_max3A_182 = arith.constant dense<0xFF800000> : vector<128xf32>
    %reduce_max3A_183 = vector.multi_reduction <maximumf>, %select_n3A_181, %reduce_max3A_182 [0] : vector<400x128xf32> to vector<128xf32>
    %max3A_184 = arith.maximumf %squeeze3A_176, %reduce_max3A_183 : vector<128xf32>
    %eq3A_185 = arith.constant 12 : i32
    %eq3A_186 = vector.broadcast %eq3A_185 : i32 to vector<400x1xi32>
    %eq3A_187 = arith.cmpi eq, %get3A_30, %eq3A_186 : vector<400x1xi32>
    %slice3A_188 = vector.extract_strided_slice %get3A_35 {offsets = [12, 0], sizes = [1, 128], strides = [1, 1]} : vector<16x128xf32> to vector<1x128xf32>
    %squeeze3A_189 = vector.shape_cast %slice3A_188 : vector<1x128xf32> to vector<128xf32>
    %jit3A_190 = arith.constant 0xFF800000 : f32
    %broadcast_in_dim3A_191 = vector.shape_cast %eq3A_187 : vector<400x1xi1> to vector<400x1xi1>
    %broadcast_in_dim3A_192 = vector.broadcast %broadcast_in_dim3A_191 : vector<400x1xi1> to vector<400x128xi1>
    %broadcast_in_dim3A_193 = vector.broadcast %jit3A_190 : f32 to vector<400x128xf32>
    %select_n3A_194 = arith.select %broadcast_in_dim3A_192, %add3A_14, %broadcast_in_dim3A_193 : vector<400x128xi1>, vector<400x128xf32>
    %reduce_max3A_195 = arith.constant dense<0xFF800000> : vector<128xf32>
    %reduce_max3A_196 = vector.multi_reduction <maximumf>, %select_n3A_194, %reduce_max3A_195 [0] : vector<400x128xf32> to vector<128xf32>
    %max3A_197 = arith.maximumf %squeeze3A_189, %reduce_max3A_196 : vector<128xf32>
    %eq3A_198 = arith.constant 13 : i32
    %eq3A_199 = vector.broadcast %eq3A_198 : i32 to vector<400x1xi32>
    %eq3A_200 = arith.cmpi eq, %get3A_30, %eq3A_199 : vector<400x1xi32>
    %slice3A_201 = vector.extract_strided_slice %get3A_35 {offsets = [13, 0], sizes = [1, 128], strides = [1, 1]} : vector<16x128xf32> to vector<1x128xf32>
    %squeeze3A_202 = vector.shape_cast %slice3A_201 : vector<1x128xf32> to vector<128xf32>
    %jit3A_203 = arith.constant 0xFF800000 : f32
    %broadcast_in_dim3A_204 = vector.shape_cast %eq3A_200 : vector<400x1xi1> to vector<400x1xi1>
    %broadcast_in_dim3A_205 = vector.broadcast %broadcast_in_dim3A_204 : vector<400x1xi1> to vector<400x128xi1>
    %broadcast_in_dim3A_206 = vector.broadcast %jit3A_203 : f32 to vector<400x128xf32>
    %select_n3A_207 = arith.select %broadcast_in_dim3A_205, %add3A_14, %broadcast_in_dim3A_206 : vector<400x128xi1>, vector<400x128xf32>
    %reduce_max3A_208 = arith.constant dense<0xFF800000> : vector<128xf32>
    %reduce_max3A_209 = vector.multi_reduction <maximumf>, %select_n3A_207, %reduce_max3A_208 [0] : vector<400x128xf32> to vector<128xf32>
    %max3A_210 = arith.maximumf %squeeze3A_202, %reduce_max3A_209 : vector<128xf32>
    %eq3A_211 = arith.constant 14 : i32
    %eq3A_212 = vector.broadcast %eq3A_211 : i32 to vector<400x1xi32>
    %eq3A_213 = arith.cmpi eq, %get3A_30, %eq3A_212 : vector<400x1xi32>
    %slice3A_214 = vector.extract_strided_slice %get3A_35 {offsets = [14, 0], sizes = [1, 128], strides = [1, 1]} : vector<16x128xf32> to vector<1x128xf32>
    %squeeze3A_215 = vector.shape_cast %slice3A_214 : vector<1x128xf32> to vector<128xf32>
    %jit3A_216 = arith.constant 0xFF800000 : f32
    %broadcast_in_dim3A_217 = vector.shape_cast %eq3A_213 : vector<400x1xi1> to vector<400x1xi1>
    %broadcast_in_dim3A_218 = vector.broadcast %broadcast_in_dim3A_217 : vector<400x1xi1> to vector<400x128xi1>
    %broadcast_in_dim3A_219 = vector.broadcast %jit3A_216 : f32 to vector<400x128xf32>
    %select_n3A_220 = arith.select %broadcast_in_dim3A_218, %add3A_14, %broadcast_in_dim3A_219 : vector<400x128xi1>, vector<400x128xf32>
    %reduce_max3A_221 = arith.constant dense<0xFF800000> : vector<128xf32>
    %reduce_max3A_222 = vector.multi_reduction <maximumf>, %select_n3A_220, %reduce_max3A_221 [0] : vector<400x128xf32> to vector<128xf32>
    %max3A_223 = arith.maximumf %squeeze3A_215, %reduce_max3A_222 : vector<128xf32>
    %eq3A_224 = arith.constant 15 : i32
    %eq3A_225 = vector.broadcast %eq3A_224 : i32 to vector<400x1xi32>
    %eq3A_226 = arith.cmpi eq, %get3A_30, %eq3A_225 : vector<400x1xi32>
    %slice3A_227 = vector.extract_strided_slice %get3A_35 {offsets = [15, 0], sizes = [1, 128], strides = [1, 1]} : vector<16x128xf32> to vector<1x128xf32>
    %squeeze3A_228 = vector.shape_cast %slice3A_227 : vector<1x128xf32> to vector<128xf32>
    %jit3A_229 = arith.constant 0xFF800000 : f32
    %broadcast_in_dim3A_230 = vector.shape_cast %eq3A_226 : vector<400x1xi1> to vector<400x1xi1>
    %broadcast_in_dim3A_231 = vector.broadcast %broadcast_in_dim3A_230 : vector<400x1xi1> to vector<400x128xi1>
    %broadcast_in_dim3A_232 = vector.broadcast %jit3A_229 : f32 to vector<400x128xf32>
    %select_n3A_233 = arith.select %broadcast_in_dim3A_231, %add3A_14, %broadcast_in_dim3A_232 : vector<400x128xi1>, vector<400x128xf32>
    %reduce_max3A_234 = arith.constant dense<0xFF800000> : vector<128xf32>
    %reduce_max3A_235 = vector.multi_reduction <maximumf>, %select_n3A_233, %reduce_max3A_234 [0] : vector<400x128xf32> to vector<128xf32>
    %max3A_236 = arith.maximumf %squeeze3A_228, %reduce_max3A_235 : vector<128xf32>
    %stack3A = vector.shape_cast %max3A : vector<128xf32> to vector<1x128xf32>
    %stack3A_237 = vector.shape_cast %max3A_54 : vector<128xf32> to vector<1x128xf32>
    %stack3A_238 = vector.shape_cast %max3A_67 : vector<128xf32> to vector<1x128xf32>
    %stack3A_239 = vector.shape_cast %max3A_80 : vector<128xf32> to vector<1x128xf32>
    %stack3A_240 = vector.shape_cast %max3A_93 : vector<128xf32> to vector<1x128xf32>
    %stack3A_241 = vector.shape_cast %max3A_106 : vector<128xf32> to vector<1x128xf32>
    %stack3A_242 = vector.shape_cast %max3A_119 : vector<128xf32> to vector<1x128xf32>
    %stack3A_243 = vector.shape_cast %max3A_132 : vector<128xf32> to vector<1x128xf32>
    %stack3A_244 = vector.shape_cast %max3A_145 : vector<128xf32> to vector<1x128xf32>
    %stack3A_245 = vector.shape_cast %max3A_158 : vector<128xf32> to vector<1x128xf32>
    %stack3A_246 = vector.shape_cast %max3A_171 : vector<128xf32> to vector<1x128xf32>
    %stack3A_247 = vector.shape_cast %max3A_184 : vector<128xf32> to vector<1x128xf32>
    %stack3A_248 = vector.shape_cast %max3A_197 : vector<128xf32> to vector<1x128xf32>
    %stack3A_249 = vector.shape_cast %max3A_210 : vector<128xf32> to vector<1x128xf32>
    %stack3A_250 = vector.shape_cast %max3A_223 : vector<128xf32> to vector<1x128xf32>
    %stack3A_251 = vector.shape_cast %max3A_236 : vector<128xf32> to vector<1x128xf32>
    %stack3A_252 = tpu.concatenate %stack3A, %stack3A_237, %stack3A_238, %stack3A_239, %stack3A_240, %stack3A_241, %stack3A_242, %stack3A_243, %stack3A_244, %stack3A_245, %stack3A_246, %stack3A_247, %stack3A_248, %stack3A_249, %stack3A_250, %stack3A_251 in 0 : vector<1x128xf32>, vector<1x128xf32>, vector<1x128xf32>, vector<1x128xf32>, vector<1x128xf32>, vector<1x128xf32>, vector<1x128xf32>, vector<1x128xf32>, vector<1x128xf32>, vector<1x128xf32>, vector<1x128xf32>, vector<1x128xf32>, vector<1x128xf32>, vector<1x128xf32>, vector<1x128xf32>, vector<1x128xf32> -> vector<16x128xf32>
    %swap3A = arith.constant 0 : index
    %swap3A_253 = arith.constant 0 : index
    %swap3A_254 = arith.constant 0 : index
    %swap3A_255 = vector.load %arg10[%swap3A, %swap3A_253, %swap3A_254] : memref<2x16x128xf32, #tpu.memory_space<vmem>>, vector<1x16x128xf32>
    %swap3A_256 = vector.shape_cast %swap3A_255 : vector<1x16x128xf32> to vector<16x128xf32>
    %swap3A_257 = vector.shape_cast %stack3A_252 : vector<16x128xf32> to vector<1x16x128xf32>
    tpu.vector_store %arg10[%swap3A, %swap3A_253, %swap3A_254], %swap3A_257 {strides = array<i32>} : memref<2x16x128xf32, #tpu.memory_space<vmem>>, vector<1x16x128xf32>,
    %get3A_258 = arith.constant 1 : index
    %get3A_259 = arith.constant 0 : index
    %get3A_260 = arith.constant 0 : index
    %get3A_261 = vector.load %arg10[%get3A_258, %get3A_259, %get3A_260] : memref<2x16x128xf32, #tpu.memory_space<vmem>>, vector<1x16x128xf32>
    %get3A_262 = vector.shape_cast %get3A_261 : vector<1x16x128xf32> to vector<16x128xf32>
    %eq3A_263 = arith.constant 0 : i32
    %eq3A_264 = vector.broadcast %eq3A_263 : i32 to vector<400x1xi32>
    %eq3A_265 = arith.cmpi eq, %get3A_30, %eq3A_264 : vector<400x1xi32>
    %slice3A_266 = vector.extract_strided_slice %get3A_262 {offsets = [0, 0], sizes = [1, 128], strides = [1, 1]} : vector<16x128xf32> to vector<1x128xf32>
    %squeeze3A_267 = vector.shape_cast %slice3A_266 : vector<1x128xf32> to vector<128xf32>
    %jit3A_268 = arith.constant 0xFF800000 : f32
    %broadcast_in_dim3A_269 = vector.shape_cast %eq3A_265 : vector<400x1xi1> to vector<400x1xi1>
    %broadcast_in_dim3A_270 = vector.broadcast %broadcast_in_dim3A_269 : vector<400x1xi1> to vector<400x128xi1>
    %broadcast_in_dim3A_271 = vector.broadcast %jit3A_268 : f32 to vector<400x128xf32>
    %select_n3A_272 = arith.select %broadcast_in_dim3A_270, %add3A_27, %broadcast_in_dim3A_271 : vector<400x128xi1>, vector<400x128xf32>
    %reduce_max3A_273 = arith.constant dense<0xFF800000> : vector<128xf32>
    %reduce_max3A_274 = vector.multi_reduction <maximumf>, %select_n3A_272, %reduce_max3A_273 [0] : vector<400x128xf32> to vector<128xf32>
    %max3A_275 = arith.maximumf %squeeze3A_267, %reduce_max3A_274 : vector<128xf32>
    %eq3A_276 = arith.constant 1 : i32
    %eq3A_277 = vector.broadcast %eq3A_276 : i32 to vector<400x1xi32>
    %eq3A_278 = arith.cmpi eq, %get3A_30, %eq3A_277 : vector<400x1xi32>
    %slice3A_279 = vector.extract_strided_slice %get3A_262 {offsets = [1, 0], sizes = [1, 128], strides = [1, 1]} : vector<16x128xf32> to vector<1x128xf32>
    %squeeze3A_280 = vector.shape_cast %slice3A_279 : vector<1x128xf32> to vector<128xf32>
    %jit3A_281 = arith.constant 0xFF800000 : f32
    %broadcast_in_dim3A_282 = vector.shape_cast %eq3A_278 : vector<400x1xi1> to vector<400x1xi1>
    %broadcast_in_dim3A_283 = vector.broadcast %broadcast_in_dim3A_282 : vector<400x1xi1> to vector<400x128xi1>
    %broadcast_in_dim3A_284 = vector.broadcast %jit3A_281 : f32 to vector<400x128xf32>
    %select_n3A_285 = arith.select %broadcast_in_dim3A_283, %add3A_27, %broadcast_in_dim3A_284 : vector<400x128xi1>, vector<400x128xf32>
    %reduce_max3A_286 = arith.constant dense<0xFF800000> : vector<128xf32>
    %reduce_max3A_287 = vector.multi_reduction <maximumf>, %select_n3A_285, %reduce_max3A_286 [0] : vector<400x128xf32> to vector<128xf32>
    %max3A_288 = arith.maximumf %squeeze3A_280, %reduce_max3A_287 : vector<128xf32>
    %eq3A_289 = arith.constant 2 : i32
    %eq3A_290 = vector.broadcast %eq3A_289 : i32 to vector<400x1xi32>
    %eq3A_291 = arith.cmpi eq, %get3A_30, %eq3A_290 : vector<400x1xi32>
    %slice3A_292 = vector.extract_strided_slice %get3A_262 {offsets = [2, 0], sizes = [1, 128], strides = [1, 1]} : vector<16x128xf32> to vector<1x128xf32>
    %squeeze3A_293 = vector.shape_cast %slice3A_292 : vector<1x128xf32> to vector<128xf32>
    %jit3A_294 = arith.constant 0xFF800000 : f32
    %broadcast_in_dim3A_295 = vector.shape_cast %eq3A_291 : vector<400x1xi1> to vector<400x1xi1>
    %broadcast_in_dim3A_296 = vector.broadcast %broadcast_in_dim3A_295 : vector<400x1xi1> to vector<400x128xi1>
    %broadcast_in_dim3A_297 = vector.broadcast %jit3A_294 : f32 to vector<400x128xf32>
    %select_n3A_298 = arith.select %broadcast_in_dim3A_296, %add3A_27, %broadcast_in_dim3A_297 : vector<400x128xi1>, vector<400x128xf32>
    %reduce_max3A_299 = arith.constant dense<0xFF800000> : vector<128xf32>
    %reduce_max3A_300 = vector.multi_reduction <maximumf>, %select_n3A_298, %reduce_max3A_299 [0] : vector<400x128xf32> to vector<128xf32>
    %max3A_301 = arith.maximumf %squeeze3A_293, %reduce_max3A_300 : vector<128xf32>
    %eq3A_302 = arith.constant 3 : i32
    %eq3A_303 = vector.broadcast %eq3A_302 : i32 to vector<400x1xi32>
    %eq3A_304 = arith.cmpi eq, %get3A_30, %eq3A_303 : vector<400x1xi32>
    %slice3A_305 = vector.extract_strided_slice %get3A_262 {offsets = [3, 0], sizes = [1, 128], strides = [1, 1]} : vector<16x128xf32> to vector<1x128xf32>
    %squeeze3A_306 = vector.shape_cast %slice3A_305 : vector<1x128xf32> to vector<128xf32>
    %jit3A_307 = arith.constant 0xFF800000 : f32
    %broadcast_in_dim3A_308 = vector.shape_cast %eq3A_304 : vector<400x1xi1> to vector<400x1xi1>
    %broadcast_in_dim3A_309 = vector.broadcast %broadcast_in_dim3A_308 : vector<400x1xi1> to vector<400x128xi1>
    %broadcast_in_dim3A_310 = vector.broadcast %jit3A_307 : f32 to vector<400x128xf32>
    %select_n3A_311 = arith.select %broadcast_in_dim3A_309, %add3A_27, %broadcast_in_dim3A_310 : vector<400x128xi1>, vector<400x128xf32>
    %reduce_max3A_312 = arith.constant dense<0xFF800000> : vector<128xf32>
    %reduce_max3A_313 = vector.multi_reduction <maximumf>, %select_n3A_311, %reduce_max3A_312 [0] : vector<400x128xf32> to vector<128xf32>
    %max3A_314 = arith.maximumf %squeeze3A_306, %reduce_max3A_313 : vector<128xf32>
    %eq3A_315 = arith.constant 4 : i32
    %eq3A_316 = vector.broadcast %eq3A_315 : i32 to vector<400x1xi32>
    %eq3A_317 = arith.cmpi eq, %get3A_30, %eq3A_316 : vector<400x1xi32>
    %slice3A_318 = vector.extract_strided_slice %get3A_262 {offsets = [4, 0], sizes = [1, 128], strides = [1, 1]} : vector<16x128xf32> to vector<1x128xf32>
    %squeeze3A_319 = vector.shape_cast %slice3A_318 : vector<1x128xf32> to vector<128xf32>
    %jit3A_320 = arith.constant 0xFF800000 : f32
    %broadcast_in_dim3A_321 = vector.shape_cast %eq3A_317 : vector<400x1xi1> to vector<400x1xi1>
    %broadcast_in_dim3A_322 = vector.broadcast %broadcast_in_dim3A_321 : vector<400x1xi1> to vector<400x128xi1>
    %broadcast_in_dim3A_323 = vector.broadcast %jit3A_320 : f32 to vector<400x128xf32>
    %select_n3A_324 = arith.select %broadcast_in_dim3A_322, %add3A_27, %broadcast_in_dim3A_323 : vector<400x128xi1>, vector<400x128xf32>
    %reduce_max3A_325 = arith.constant dense<0xFF800000> : vector<128xf32>
    %reduce_max3A_326 = vector.multi_reduction <maximumf>, %select_n3A_324, %reduce_max3A_325 [0] : vector<400x128xf32> to vector<128xf32>
    %max3A_327 = arith.maximumf %squeeze3A_319, %reduce_max3A_326 : vector<128xf32>
    %eq3A_328 = arith.constant 5 : i32
    %eq3A_329 = vector.broadcast %eq3A_328 : i32 to vector<400x1xi32>
    %eq3A_330 = arith.cmpi eq, %get3A_30, %eq3A_329 : vector<400x1xi32>
    %slice3A_331 = vector.extract_strided_slice %get3A_262 {offsets = [5, 0], sizes = [1, 128], strides = [1, 1]} : vector<16x128xf32> to vector<1x128xf32>
    %squeeze3A_332 = vector.shape_cast %slice3A_331 : vector<1x128xf32> to vector<128xf32>
    %jit3A_333 = arith.constant 0xFF800000 : f32
    %broadcast_in_dim3A_334 = vector.shape_cast %eq3A_330 : vector<400x1xi1> to vector<400x1xi1>
    %broadcast_in_dim3A_335 = vector.broadcast %broadcast_in_dim3A_334 : vector<400x1xi1> to vector<400x128xi1>
    %broadcast_in_dim3A_336 = vector.broadcast %jit3A_333 : f32 to vector<400x128xf32>
    %select_n3A_337 = arith.select %broadcast_in_dim3A_335, %add3A_27, %broadcast_in_dim3A_336 : vector<400x128xi1>, vector<400x128xf32>
    %reduce_max3A_338 = arith.constant dense<0xFF800000> : vector<128xf32>
    %reduce_max3A_339 = vector.multi_reduction <maximumf>, %select_n3A_337, %reduce_max3A_338 [0] : vector<400x128xf32> to vector<128xf32>
    %max3A_340 = arith.maximumf %squeeze3A_332, %reduce_max3A_339 : vector<128xf32>
    %eq3A_341 = arith.constant 6 : i32
    %eq3A_342 = vector.broadcast %eq3A_341 : i32 to vector<400x1xi32>
    %eq3A_343 = arith.cmpi eq, %get3A_30, %eq3A_342 : vector<400x1xi32>
    %slice3A_344 = vector.extract_strided_slice %get3A_262 {offsets = [6, 0], sizes = [1, 128], strides = [1, 1]} : vector<16x128xf32> to vector<1x128xf32>
    %squeeze3A_345 = vector.shape_cast %slice3A_344 : vector<1x128xf32> to vector<128xf32>
    %jit3A_346 = arith.constant 0xFF800000 : f32
    %broadcast_in_dim3A_347 = vector.shape_cast %eq3A_343 : vector<400x1xi1> to vector<400x1xi1>
    %broadcast_in_dim3A_348 = vector.broadcast %broadcast_in_dim3A_347 : vector<400x1xi1> to vector<400x128xi1>
    %broadcast_in_dim3A_349 = vector.broadcast %jit3A_346 : f32 to vector<400x128xf32>
    %select_n3A_350 = arith.select %broadcast_in_dim3A_348, %add3A_27, %broadcast_in_dim3A_349 : vector<400x128xi1>, vector<400x128xf32>
    %reduce_max3A_351 = arith.constant dense<0xFF800000> : vector<128xf32>
    %reduce_max3A_352 = vector.multi_reduction <maximumf>, %select_n3A_350, %reduce_max3A_351 [0] : vector<400x128xf32> to vector<128xf32>
    %max3A_353 = arith.maximumf %squeeze3A_345, %reduce_max3A_352 : vector<128xf32>
    %eq3A_354 = arith.constant 7 : i32
    %eq3A_355 = vector.broadcast %eq3A_354 : i32 to vector<400x1xi32>
    %eq3A_356 = arith.cmpi eq, %get3A_30, %eq3A_355 : vector<400x1xi32>
    %slice3A_357 = vector.extract_strided_slice %get3A_262 {offsets = [7, 0], sizes = [1, 128], strides = [1, 1]} : vector<16x128xf32> to vector<1x128xf32>
    %squeeze3A_358 = vector.shape_cast %slice3A_357 : vector<1x128xf32> to vector<128xf32>
    %jit3A_359 = arith.constant 0xFF800000 : f32
    %broadcast_in_dim3A_360 = vector.shape_cast %eq3A_356 : vector<400x1xi1> to vector<400x1xi1>
    %broadcast_in_dim3A_361 = vector.broadcast %broadcast_in_dim3A_360 : vector<400x1xi1> to vector<400x128xi1>
    %broadcast_in_dim3A_362 = vector.broadcast %jit3A_359 : f32 to vector<400x128xf32>
    %select_n3A_363 = arith.select %broadcast_in_dim3A_361, %add3A_27, %broadcast_in_dim3A_362 : vector<400x128xi1>, vector<400x128xf32>
    %reduce_max3A_364 = arith.constant dense<0xFF800000> : vector<128xf32>
    %reduce_max3A_365 = vector.multi_reduction <maximumf>, %select_n3A_363, %reduce_max3A_364 [0] : vector<400x128xf32> to vector<128xf32>
    %max3A_366 = arith.maximumf %squeeze3A_358, %reduce_max3A_365 : vector<128xf32>
    %eq3A_367 = arith.constant 8 : i32
    %eq3A_368 = vector.broadcast %eq3A_367 : i32 to vector<400x1xi32>
    %eq3A_369 = arith.cmpi eq, %get3A_30, %eq3A_368 : vector<400x1xi32>
    %slice3A_370 = vector.extract_strided_slice %get3A_262 {offsets = [8, 0], sizes = [1, 128], strides = [1, 1]} : vector<16x128xf32> to vector<1x128xf32>
    %squeeze3A_371 = vector.shape_cast %slice3A_370 : vector<1x128xf32> to vector<128xf32>
    %jit3A_372 = arith.constant 0xFF800000 : f32
    %broadcast_in_dim3A_373 = vector.shape_cast %eq3A_369 : vector<400x1xi1> to vector<400x1xi1>
    %broadcast_in_dim3A_374 = vector.broadcast %broadcast_in_dim3A_373 : vector<400x1xi1> to vector<400x128xi1>
    %broadcast_in_dim3A_375 = vector.broadcast %jit3A_372 : f32 to vector<400x128xf32>
    %select_n3A_376 = arith.select %broadcast_in_dim3A_374, %add3A_27, %broadcast_in_dim3A_375 : vector<400x128xi1>, vector<400x128xf32>
    %reduce_max3A_377 = arith.constant dense<0xFF800000> : vector<128xf32>
    %reduce_max3A_378 = vector.multi_reduction <maximumf>, %select_n3A_376, %reduce_max3A_377 [0] : vector<400x128xf32> to vector<128xf32>
    %max3A_379 = arith.maximumf %squeeze3A_371, %reduce_max3A_378 : vector<128xf32>
    %eq3A_380 = arith.constant 9 : i32
    %eq3A_381 = vector.broadcast %eq3A_380 : i32 to vector<400x1xi32>
    %eq3A_382 = arith.cmpi eq, %get3A_30, %eq3A_381 : vector<400x1xi32>
    %slice3A_383 = vector.extract_strided_slice %get3A_262 {offsets = [9, 0], sizes = [1, 128], strides = [1, 1]} : vector<16x128xf32> to vector<1x128xf32>
    %squeeze3A_384 = vector.shape_cast %slice3A_383 : vector<1x128xf32> to vector<128xf32>
    %jit3A_385 = arith.constant 0xFF800000 : f32
    %broadcast_in_dim3A_386 = vector.shape_cast %eq3A_382 : vector<400x1xi1> to vector<400x1xi1>
    %broadcast_in_dim3A_387 = vector.broadcast %broadcast_in_dim3A_386 : vector<400x1xi1> to vector<400x128xi1>
    %broadcast_in_dim3A_388 = vector.broadcast %jit3A_385 : f32 to vector<400x128xf32>
    %select_n3A_389 = arith.select %broadcast_in_dim3A_387, %add3A_27, %broadcast_in_dim3A_388 : vector<400x128xi1>, vector<400x128xf32>
    %reduce_max3A_390 = arith.constant dense<0xFF800000> : vector<128xf32>
    %reduce_max3A_391 = vector.multi_reduction <maximumf>, %select_n3A_389, %reduce_max3A_390 [0] : vector<400x128xf32> to vector<128xf32>
    %max3A_392 = arith.maximumf %squeeze3A_384, %reduce_max3A_391 : vector<128xf32>
    %eq3A_393 = arith.constant 10 : i32
    %eq3A_394 = vector.broadcast %eq3A_393 : i32 to vector<400x1xi32>
    %eq3A_395 = arith.cmpi eq, %get3A_30, %eq3A_394 : vector<400x1xi32>
    %slice3A_396 = vector.extract_strided_slice %get3A_262 {offsets = [10, 0], sizes = [1, 128], strides = [1, 1]} : vector<16x128xf32> to vector<1x128xf32>
    %squeeze3A_397 = vector.shape_cast %slice3A_396 : vector<1x128xf32> to vector<128xf32>
    %jit3A_398 = arith.constant 0xFF800000 : f32
    %broadcast_in_dim3A_399 = vector.shape_cast %eq3A_395 : vector<400x1xi1> to vector<400x1xi1>
    %broadcast_in_dim3A_400 = vector.broadcast %broadcast_in_dim3A_399 : vector<400x1xi1> to vector<400x128xi1>
    %broadcast_in_dim3A_401 = vector.broadcast %jit3A_398 : f32 to vector<400x128xf32>
    %select_n3A_402 = arith.select %broadcast_in_dim3A_400, %add3A_27, %broadcast_in_dim3A_401 : vector<400x128xi1>, vector<400x128xf32>
    %reduce_max3A_403 = arith.constant dense<0xFF800000> : vector<128xf32>
    %reduce_max3A_404 = vector.multi_reduction <maximumf>, %select_n3A_402, %reduce_max3A_403 [0] : vector<400x128xf32> to vector<128xf32>
    %max3A_405 = arith.maximumf %squeeze3A_397, %reduce_max3A_404 : vector<128xf32>
    %eq3A_406 = arith.constant 11 : i32
    %eq3A_407 = vector.broadcast %eq3A_406 : i32 to vector<400x1xi32>
    %eq3A_408 = arith.cmpi eq, %get3A_30, %eq3A_407 : vector<400x1xi32>
    %slice3A_409 = vector.extract_strided_slice %get3A_262 {offsets = [11, 0], sizes = [1, 128], strides = [1, 1]} : vector<16x128xf32> to vector<1x128xf32>
    %squeeze3A_410 = vector.shape_cast %slice3A_409 : vector<1x128xf32> to vector<128xf32>
    %jit3A_411 = arith.constant 0xFF800000 : f32
    %broadcast_in_dim3A_412 = vector.shape_cast %eq3A_408 : vector<400x1xi1> to vector<400x1xi1>
    %broadcast_in_dim3A_413 = vector.broadcast %broadcast_in_dim3A_412 : vector<400x1xi1> to vector<400x128xi1>
    %broadcast_in_dim3A_414 = vector.broadcast %jit3A_411 : f32 to vector<400x128xf32>
    %select_n3A_415 = arith.select %broadcast_in_dim3A_413, %add3A_27, %broadcast_in_dim3A_414 : vector<400x128xi1>, vector<400x128xf32>
    %reduce_max3A_416 = arith.constant dense<0xFF800000> : vector<128xf32>
    %reduce_max3A_417 = vector.multi_reduction <maximumf>, %select_n3A_415, %reduce_max3A_416 [0] : vector<400x128xf32> to vector<128xf32>
    %max3A_418 = arith.maximumf %squeeze3A_410, %reduce_max3A_417 : vector<128xf32>
    %eq3A_419 = arith.constant 12 : i32
    %eq3A_420 = vector.broadcast %eq3A_419 : i32 to vector<400x1xi32>
    %eq3A_421 = arith.cmpi eq, %get3A_30, %eq3A_420 : vector<400x1xi32>
    %slice3A_422 = vector.extract_strided_slice %get3A_262 {offsets = [12, 0], sizes = [1, 128], strides = [1, 1]} : vector<16x128xf32> to vector<1x128xf32>
    %squeeze3A_423 = vector.shape_cast %slice3A_422 : vector<1x128xf32> to vector<128xf32>
    %jit3A_424 = arith.constant 0xFF800000 : f32
    %broadcast_in_dim3A_425 = vector.shape_cast %eq3A_421 : vector<400x1xi1> to vector<400x1xi1>
    %broadcast_in_dim3A_426 = vector.broadcast %broadcast_in_dim3A_425 : vector<400x1xi1> to vector<400x128xi1>
    %broadcast_in_dim3A_427 = vector.broadcast %jit3A_424 : f32 to vector<400x128xf32>
    %select_n3A_428 = arith.select %broadcast_in_dim3A_426, %add3A_27, %broadcast_in_dim3A_427 : vector<400x128xi1>, vector<400x128xf32>
    %reduce_max3A_429 = arith.constant dense<0xFF800000> : vector<128xf32>
    %reduce_max3A_430 = vector.multi_reduction <maximumf>, %select_n3A_428, %reduce_max3A_429 [0] : vector<400x128xf32> to vector<128xf32>
    %max3A_431 = arith.maximumf %squeeze3A_423, %reduce_max3A_430 : vector<128xf32>
    %eq3A_432 = arith.constant 13 : i32
    %eq3A_433 = vector.broadcast %eq3A_432 : i32 to vector<400x1xi32>
    %eq3A_434 = arith.cmpi eq, %get3A_30, %eq3A_433 : vector<400x1xi32>
    %slice3A_435 = vector.extract_strided_slice %get3A_262 {offsets = [13, 0], sizes = [1, 128], strides = [1, 1]} : vector<16x128xf32> to vector<1x128xf32>
    %squeeze3A_436 = vector.shape_cast %slice3A_435 : vector<1x128xf32> to vector<128xf32>
    %jit3A_437 = arith.constant 0xFF800000 : f32
    %broadcast_in_dim3A_438 = vector.shape_cast %eq3A_434 : vector<400x1xi1> to vector<400x1xi1>
    %broadcast_in_dim3A_439 = vector.broadcast %broadcast_in_dim3A_438 : vector<400x1xi1> to vector<400x128xi1>
    %broadcast_in_dim3A_440 = vector.broadcast %jit3A_437 : f32 to vector<400x128xf32>
    %select_n3A_441 = arith.select %broadcast_in_dim3A_439, %add3A_27, %broadcast_in_dim3A_440 : vector<400x128xi1>, vector<400x128xf32>
    %reduce_max3A_442 = arith.constant dense<0xFF800000> : vector<128xf32>
    %reduce_max3A_443 = vector.multi_reduction <maximumf>, %select_n3A_441, %reduce_max3A_442 [0] : vector<400x128xf32> to vector<128xf32>
    %max3A_444 = arith.maximumf %squeeze3A_436, %reduce_max3A_443 : vector<128xf32>
    %eq3A_445 = arith.constant 14 : i32
    %eq3A_446 = vector.broadcast %eq3A_445 : i32 to vector<400x1xi32>
    %eq3A_447 = arith.cmpi eq, %get3A_30, %eq3A_446 : vector<400x1xi32>
    %slice3A_448 = vector.extract_strided_slice %get3A_262 {offsets = [14, 0], sizes = [1, 128], strides = [1, 1]} : vector<16x128xf32> to vector<1x128xf32>
    %squeeze3A_449 = vector.shape_cast %slice3A_448 : vector<1x128xf32> to vector<128xf32>
    %jit3A_450 = arith.constant 0xFF800000 : f32
    %broadcast_in_dim3A_451 = vector.shape_cast %eq3A_447 : vector<400x1xi1> to vector<400x1xi1>
    %broadcast_in_dim3A_452 = vector.broadcast %broadcast_in_dim3A_451 : vector<400x1xi1> to vector<400x128xi1>
    %broadcast_in_dim3A_453 = vector.broadcast %jit3A_450 : f32 to vector<400x128xf32>
    %select_n3A_454 = arith.select %broadcast_in_dim3A_452, %add3A_27, %broadcast_in_dim3A_453 : vector<400x128xi1>, vector<400x128xf32>
    %reduce_max3A_455 = arith.constant dense<0xFF800000> : vector<128xf32>
    %reduce_max3A_456 = vector.multi_reduction <maximumf>, %select_n3A_454, %reduce_max3A_455 [0] : vector<400x128xf32> to vector<128xf32>
    %max3A_457 = arith.maximumf %squeeze3A_449, %reduce_max3A_456 : vector<128xf32>
    %eq3A_458 = arith.constant 15 : i32
    %eq3A_459 = vector.broadcast %eq3A_458 : i32 to vector<400x1xi32>
    %eq3A_460 = arith.cmpi eq, %get3A_30, %eq3A_459 : vector<400x1xi32>
    %slice3A_461 = vector.extract_strided_slice %get3A_262 {offsets = [15, 0], sizes = [1, 128], strides = [1, 1]} : vector<16x128xf32> to vector<1x128xf32>
    %squeeze3A_462 = vector.shape_cast %slice3A_461 : vector<1x128xf32> to vector<128xf32>
    %jit3A_463 = arith.constant 0xFF800000 : f32
    %broadcast_in_dim3A_464 = vector.shape_cast %eq3A_460 : vector<400x1xi1> to vector<400x1xi1>
    %broadcast_in_dim3A_465 = vector.broadcast %broadcast_in_dim3A_464 : vector<400x1xi1> to vector<400x128xi1>
    %broadcast_in_dim3A_466 = vector.broadcast %jit3A_463 : f32 to vector<400x128xf32>
    %select_n3A_467 = arith.select %broadcast_in_dim3A_465, %add3A_27, %broadcast_in_dim3A_466 : vector<400x128xi1>, vector<400x128xf32>
    %reduce_max3A_468 = arith.constant dense<0xFF800000> : vector<128xf32>
    %reduce_max3A_469 = vector.multi_reduction <maximumf>, %select_n3A_467, %reduce_max3A_468 [0] : vector<400x128xf32> to vector<128xf32>
    %max3A_470 = arith.maximumf %squeeze3A_462, %reduce_max3A_469 : vector<128xf32>
    %stack3A_471 = vector.shape_cast %max3A_275 : vector<128xf32> to vector<1x128xf32>
    %stack3A_472 = vector.shape_cast %max3A_288 : vector<128xf32> to vector<1x128xf32>
    %stack3A_473 = vector.shape_cast %max3A_301 : vector<128xf32> to vector<1x128xf32>
    %stack3A_474 = vector.shape_cast %max3A_314 : vector<128xf32> to vector<1x128xf32>
    %stack3A_475 = vector.shape_cast %max3A_327 : vector<128xf32> to vector<1x128xf32>
    %stack3A_476 = vector.shape_cast %max3A_340 : vector<128xf32> to vector<1x128xf32>
    %stack3A_477 = vector.shape_cast %max3A_353 : vector<128xf32> to vector<1x128xf32>
    %stack3A_478 = vector.shape_cast %max3A_366 : vector<128xf32> to vector<1x128xf32>
    %stack3A_479 = vector.shape_cast %max3A_379 : vector<128xf32> to vector<1x128xf32>
    %stack3A_480 = vector.shape_cast %max3A_392 : vector<128xf32> to vector<1x128xf32>
    %stack3A_481 = vector.shape_cast %max3A_405 : vector<128xf32> to vector<1x128xf32>
    %stack3A_482 = vector.shape_cast %max3A_418 : vector<128xf32> to vector<1x128xf32>
    %stack3A_483 = vector.shape_cast %max3A_431 : vector<128xf32> to vector<1x128xf32>
    %stack3A_484 = vector.shape_cast %max3A_444 : vector<128xf32> to vector<1x128xf32>
    %stack3A_485 = vector.shape_cast %max3A_457 : vector<128xf32> to vector<1x128xf32>
    %stack3A_486 = vector.shape_cast %max3A_470 : vector<128xf32> to vector<1x128xf32>
    %stack3A_487 = tpu.concatenate %stack3A_471, %stack3A_472, %stack3A_473, %stack3A_474, %stack3A_475, %stack3A_476, %stack3A_477, %stack3A_478, %stack3A_479, %stack3A_480, %stack3A_481, %stack3A_482, %stack3A_483, %stack3A_484, %stack3A_485, %stack3A_486 in 0 : vector<1x128xf32>, vector<1x128xf32>, vector<1x128xf32>, vector<1x128xf32>, vector<1x128xf32>, vector<1x128xf32>, vector<1x128xf32>, vector<1x128xf32>, vector<1x128xf32>, vector<1x128xf32>, vector<1x128xf32>, vector<1x128xf32>, vector<1x128xf32>, vector<1x128xf32>, vector<1x128xf32>, vector<1x128xf32> -> vector<16x128xf32>
    %swap3A_488 = arith.constant 1 : index
    %swap3A_489 = arith.constant 0 : index
    %swap3A_490 = arith.constant 0 : index
    %swap3A_491 = vector.load %arg10[%swap3A_488, %swap3A_489, %swap3A_490] : memref<2x16x128xf32, #tpu.memory_space<vmem>>, vector<1x16x128xf32>
    %swap3A_492 = vector.shape_cast %swap3A_491 : vector<1x16x128xf32> to vector<16x128xf32>
    %swap3A_493 = vector.shape_cast %stack3A_487 : vector<16x128xf32> to vector<1x16x128xf32>
    tpu.vector_store %arg10[%swap3A_488, %swap3A_489, %swap3A_490], %swap3A_493 {strides = array<i32>} : memref<2x16x128xf32, #tpu.memory_space<vmem>>, vector<1x16x128xf32>,
    %eq3A_494 = arith.constant 24 : i32
    %eq3A_495 = arith.cmpi eq, %arg0, %eq3A_494 : i32
    %convert_element_type3A_496 = arith.extui %eq3A_495 : i1 to i32
    %cond3A_497 = arith.constant 0 : i32
    %cond3A_498 = arith.cmpi ne, %convert_element_type3A_496, %cond3A_497 : i32
    scf.if %cond3A_498 {
      %get3A_499 = arith.constant 1 : index
      %get3A_500 = arith.constant 0 : index
      %get3A_501 = arith.constant 0 : index
      %get3A_502 = vector.load %arg10[%get3A_499, %get3A_500, %get3A_501] : memref<2x16x128xf32, #tpu.memory_space<vmem>>, vector<1x16x128xf32>
      %get3A_503 = vector.shape_cast %get3A_502 : vector<1x16x128xf32> to vector<16x128xf32>
      %get3A_504 = arith.constant 0 : index
      %get3A_505 = arith.constant 0 : index
      %get3A_506 = arith.constant 0 : index
      %get3A_507 = vector.load %arg10[%get3A_504, %get3A_505, %get3A_506] : memref<2x16x128xf32, #tpu.memory_space<vmem>>, vector<1x16x128xf32>
      %get3A_508 = vector.shape_cast %get3A_507 : vector<1x16x128xf32> to vector<16x128xf32>
      %sub3A = arith.subf %get3A_503, %get3A_508 : vector<16x128xf32>
      %add3A_509 = arith.constant 9.99999997E-7 : f32
      %add3A_510 = vector.broadcast %add3A_509 : f32 to vector<16x128xf32>
      %add3A_511 = arith.addf %sub3A, %add3A_510 : vector<16x128xf32>
      %get3A_512 = arith.constant 1 : index
      %get3A_513 = arith.constant 0 : index
      %get3A_514 = arith.constant 0 : index
      %get3A_515 = vector.load %arg9[%get3A_512, %get3A_513, %get3A_514] : memref<2x16x128xf32, #tpu.memory_space<vmem>>, vector<1x16x128xf32>
      %get3A_516 = vector.shape_cast %get3A_515 : vector<1x16x128xf32> to vector<16x128xf32>
      %get3A_517 = arith.constant 0 : index
      %get3A_518 = arith.constant 0 : index
      %get3A_519 = arith.constant 0 : index
      %get3A_520 = vector.load %arg9[%get3A_517, %get3A_518, %get3A_519] : memref<2x16x128xf32, #tpu.memory_space<vmem>>, vector<1x16x128xf32>
      %get3A_521 = vector.shape_cast %get3A_520 : vector<1x16x128xf32> to vector<16x128xf32>
      %sub3A_522 = arith.subf %get3A_516, %get3A_521 : vector<16x128xf32>
      %add3A_523 = arith.constant 9.99999997E-7 : f32
      %add3A_524 = vector.broadcast %add3A_523 : f32 to vector<16x128xf32>
      %add3A_525 = arith.addf %sub3A_522, %add3A_524 : vector<16x128xf32>
      %mul3A_526 = arith.mulf %add3A_511, %add3A_511 : vector<16x128xf32>
      %reduce_sum3A = arith.constant dense<0.000000e+00> : vector<16xf32>
      %reduce_sum3A_527 = vector.multi_reduction <add>, %mul3A_526, %reduce_sum3A [1] : vector<16x128xf32> to vector<16xf32>
      %sqrt3A = math.sqrt %reduce_sum3A_527 : vector<16xf32>
      %mul3A_528 = arith.mulf %add3A_525, %add3A_525 : vector<16x128xf32>
      %reduce_sum3A_529 = arith.constant dense<0.000000e+00> : vector<16xf32>
      %reduce_sum3A_530 = vector.multi_reduction <add>, %mul3A_528, %reduce_sum3A_529 [1] : vector<16x128xf32> to vector<16xf32>
      %sqrt3A_531 = math.sqrt %reduce_sum3A_530 : vector<16xf32>
      %add3A_532 = arith.addf %sqrt3A, %sqrt3A_531 : vector<16xf32>
      %broadcast_in_dim3A_533 = vector.shape_cast %add3A_532 : vector<16xf32> to vector<1x16xf32>
      %swap3A_534 = arith.constant 0 : index
      %swap3A_535 = arith.constant 0 : index
      %swap3A_536 = vector.load %arg11[%swap3A_534, %swap3A_535] : memref<1x16xf32, #tpu.memory_space<vmem>>, vector<1x16xf32>
      tpu.vector_store %arg11[%swap3A_534, %swap3A_535], %broadcast_in_dim3A_533 {strides = array<i32>} : memref<1x16xf32, #tpu.memory_space<vmem>>, vector<1x16xf32>,
    } else {
    }
    return
  }
  func.func @transform_0(%arg0: i32) -> (i32, i32) {
    %c0_i32 = arith.constant 0 : i32
    %c0_i32_0 = arith.constant 0 : i32
    return %arg0, %c0_i32 : i32, i32
  }
  func.func @transform_1(%arg0: i32) -> (i32, i32) {
    %c0_i32 = arith.constant 0 : i32
    %c0_i32_0 = arith.constant 0 : i32
    return %arg0, %c0_i32 : i32, i32
  }
  func.func @transform_2(%arg0: i32) -> (i32, i32) {
    %c0_i32 = arith.constant 0 : i32
    %c0_i32_0 = arith.constant 0 : i32
    return %arg0, %c0_i32 : i32, i32
  }
  func.func @transform_3(%arg0: i32) -> (i32, i32) {
    %c0_i32 = arith.constant 0 : i32
    %c0_i32_0 = arith.constant 0 : i32
    return %arg0, %c0_i32 : i32, i32
  }
  func.func @transform_4(%arg0: i32) -> (i32, i32) {
    %c0_i32 = arith.constant 0 : i32
    %c0_i32_0 = arith.constant 0 : i32
    return %arg0, %c0_i32 : i32, i32
  }
  func.func @transform_5(%arg0: i32) -> (i32, i32) {
    %c0_i32 = arith.constant 0 : i32
    %c0_i32_0 = arith.constant 0 : i32
    %c0_i32_1 = arith.constant 0 : i32
    return %c0_i32, %c0_i32_0 : i32, i32
  }
  func.func @transform_6(%arg0: i32) -> (i32, i32) {
    %c0_i32 = arith.constant 0 : i32
    %c0_i32_0 = arith.constant 0 : i32
    %c0_i32_1 = arith.constant 0 : i32
    return %c0_i32, %c0_i32_0 : i32, i32
  }
  func.func @transform_7(%arg0: i32) -> (i32, i32) {
    %c0_i32 = arith.constant 0 : i32
    %c0_i32_0 = arith.constant 0 : i32
    return %arg0, %c0_i32 : i32, i32
  }
  func.func @transform_8(%arg0: i32) -> (i32, i32, i32) {
    %c0_i32 = arith.constant 0 : i32
    %c0_i32_0 = arith.constant 0 : i32
    %c0_i32_1 = arith.constant 0 : i32
    %c0_i32_2 = arith.constant 0 : i32
    return %c0_i32, %c0_i32_0, %c0_i32_1 : i32, i32, i32
  }
  func.func @transform_9(%arg0: i32) -> (i32, i32, i32) {
    %c0_i32 = arith.constant 0 : i32
    %c0_i32_0 = arith.constant 0 : i32
    %c0_i32_1 = arith.constant 0 : i32
    %c0_i32_2 = arith.constant 0 : i32
    return %c0_i32, %c0_i32_0, %c0_i32_1 : i32, i32, i32
  }
  func.func @transform_10(%arg0: i32) -> (i32, i32) {
    %c0_i32 = arith.constant 0 : i32
    %c0_i32_0 = arith.constant 0 : i32
    %c0_i32_1 = arith.constant 0 : i32
    return %c0_i32, %c0_i32_0 : i32, i32
  }
}

</mosaic_0001>

<sc_bundles>
// kernel: kernel.12.cloned.1.call-start
scs
__scs_entry_jumppad:
0x0: {  	(pc) =	sbr.rel $0x88, $3  }
0x1: {  	(tag) =	ssettag $0x0;
	lr =	simm.s32 $0x1  }
0x2: {  	[smem:$0x3F8C] =	sst lr;
	_ =	strace $0xD0000000  }
0x3: {  	_ = 	snop  }
0x4: {  	_ = 	snop  }
0x5: {  	_ = 	snop  }
0x6: {  	_ = 	snop  }
0x7: {  	_ = 	snop  }
__scs_overlays_trampoline_lowered:
0x8: {  	[smem:$0x3F9B] =	sst s0  }
0x9: {  	[smem:$0x3F9C] =	sst s1  }
0xa: {  	[smem:$0x3F9D] =	sst s2  }
0xb: {  	[smem:$0x3F9E] =	sst s3  }
0xc: {  	[smem:$0x3F9F] =	sst s4  }
0xd: {  	[smem:$0x3FA0] =	sst s5  }
0xe: {  	[smem:$0x3FA1] =	sst s6  }
0xf: {  	[smem:$0x3FA2] =	sst s7  }
0x10: {  	[smem:$0x3FA3] =	sst s8  }
0x11: {  	[smem:$0x3FA4] =	sst s9;
	s0 =	simm.s32 @!p0 $0x0  }
0x12: {  	s1 =	sld [smem:$0x3F8A];
	s0 =	simm.s32 @p0 $0x1  }
0x13: {  	[smem:$0x3FA5] =	sst s0;
	s0 =	simm.s32 @!p1 $0x0  }
0x14: {  	s2 =	sld [smem:$0x3F89];
	s0 =	simm.s32 @p1 $0x1  }
0x15: {  	[smem:$0x3FA6] =	sst s0;
	s0 =	simm.s32 @!p2 $0x0  }
0x16: {  	s3 =	sld [smem:$0x3FDB];
	s0 =	simm.s32 @p2 $0x1  }
0x17: {  	s4 =	simm.s32 $0x1BF5;
	[smem:$0x3FA8] =	sst s0  }
0x18: {  	s0 =	sld [smem:$0x3F8B];
	_ =	swait.ge [sflag:s4], $0x0  }
0x19: {  	s7 =	sld [smem:$0x3F8C]  }
0x1a: {  	s8 =	sadd.s32 $0xFFFFE003, lr  }
0x1b: {  	s9 =	sadd.s32 $0xFFFFFEF7, lr;
	s5 =	simm.s32 $0xFFFFFFFF;
	p2 =	slt.u32 s8, $0xFFFFF086  }
0x1c: {  	p1 =	slt.u32 s9, $0xF7A;
	s5 =	simm.s32 @!p2 $0x0  }
0x1d: {  	s5 =	simm.s32 @p1 $0x1;
	p0 =	seq.s32 s7, s2  }
0x1e: {  	s7 =	smul.u32 @!p0 $0xF7A, s2;
	p2 =	seq.s32 @!p0 s5, $0x0  }
0x1f: {  	s9 =	smul.u32 $0xF7A, s1;
	s8 =	simm.s32 @!p0 $0x1BF5;
	p2 =	por !p2, p0  }
0x20: {  	[sflag:s8] =	ssyncset.s32 @!p0 $0xFFFFF086;
	s6 =	sadd.s32 @!p0 s3, s7;
	s7 =	simm.s32 @!p0 $0x108  }
0x21: {  	s3 =	sadd.s32 s3, s9;
	s6 =	sadd.s32 @!p0 $0x88, s6;
	s7 =	simm.s32 @p2 $0x1082  }
0x22: {  	[simem:s7], [sflag:s8] =	dma.local @!p0 [hbm:s6], $0xF7A  }
0x23: {  	s9 =	sor.u32 $0xD0000000, s2;
	s6 =	simm.s32 $0x108;
	_ =	swait.ge @!p0 [sflag:s8], $0x0  }
0x24: {  	s3 =	sadd.s32 $0x88, s3;
	s6 =	simm.s32 @!p1 $0x1082;
	[sflag:s4] =	ssyncset.s32 $0xFFFFF086  }
0x25: {  	[simem:s6], [sflag:s4] =	dma.local [hbm:s3], $0xF7A  }
0x26: {  	[smem:$0x3F8C] =	sst s1;
	(tag) =	ssettag s2;
	_ =	strace s9  }
0x27: {  	s1 =	sld [smem:$0x3F9C]  }
0x28: {  	s2 =	sld [smem:$0x3F9D]  }
0x29: {  	s4 =	sld [smem:$0x3F9F]  }
0x2a: {  	p0 =	seq.s32 s5, $0x0;
	s5 =	sld [smem:$0x3FA0]  }
0x2b: {  	s6 =	sld [smem:$0x3FA1]  }
0x2c: {  	s7 =	sld [smem:$0x3FA2]  }
0x2d: {  	s3 =	simm.s32 $0x108;
	s8 =	sld [smem:$0x3FA3]  }
0x2e: {  	s3 =	simm.s32 @!p0 $0x1082;
	s9 =	sld [smem:$0x3FA4]  }
0x2f: {  	lr =	sadd.s32 s0, s3;
	s0 =	sld [smem:$0x3F9B]  }
0x30: {  	s3 =	sld [smem:$0x3F9E]  }
0x31: {  	[smem:$0x3FA7] =	sst s10  }
0x32: {  	s10 =	sld [smem:$0x3FA5];
	_ =	sdelay $0x3  }
0x33: {  	p0 =	seq.s32 s10, $0x1;
	s10 =	sld [smem:$0x3FA7];
	_ =	sdelay $0x3  }
0x34: {  	[smem:$0x3FA7] =	sst s10  }
0x35: {  	s10 =	sld [smem:$0x3FA6];
	_ =	sdelay $0x3  }
0x36: {  	p1 =	seq.s32 s10, $0x1;
	s10 =	sld [smem:$0x3FA7];
	_ =	sdelay $0x3  }
0x37: {  	[smem:$0x3FA7] =	sst s10  }
0x38: {  	s10 =	sld [smem:$0x3FA8]  }
0x39: {  	_ = 	snop;
	(pc) =	sbr.ind lr, $3  }
0x3a: {  	_ = 	snop  }
0x3b: {  	_ = 	snop  }
0x3c: {  	p2 =	seq.s32 s10, $0x1;
	s10 =	sld [smem:$0x3FA7]  }
0x3d: {  	_ =	shalt  }
0x3e: {  	_ =	shalt  }
0x3f: {  	_ =	shalt  }
0x40: {  	_ =	shalt  }
0x41: {  	_ =	shalt  }
0x42: {  	_ =	shalt  }
0x43: {  	_ =	shalt  }
0x44: {  	_ =	shalt  }
0x45: {  	_ =	shalt  }
0x46: {  	_ =	shalt  }
0x47: {  	_ =	shalt  }
0x48: {  	_ =	shalt  }
0x49: {  	_ =	shalt  }
0x4a: {  	_ =	shalt  }
0x4b: {  	_ =	shalt  }
0x4c: {  	_ =	shalt  }
0x4d: {  	_ =	shalt  }
0x4e: {  	_ =	shalt  }
0x4f: {  	_ =	shalt  }
0x50: {  	_ =	shalt  }
0x51: {  	_ =	shalt  }
0x52: {  	_ =	shalt  }
0x53: {  	_ =	shalt  }
0x54: {  	_ =	shalt  }
0x55: {  	_ =	shalt  }
0x56: {  	_ =	shalt  }
0x57: {  	_ =	shalt  }
0x58: {  	_ =	shalt  }
0x59: {  	_ =	shalt  }
0x5a: {  	_ =	shalt  }
0x5b: {  	_ =	shalt  }
0x5c: {  	_ =	shalt  }
0x5d: {  	_ =	shalt  }
0x5e: {  	_ =	shalt  }
0x5f: {  	_ =	shalt  }
0x60: {  	_ =	shalt  }
0x61: {  	_ =	shalt  }
0x62: {  	_ =	shalt  }
0x63: {  	_ =	shalt  }
0x64: {  	_ =	shalt  }
0x65: {  	_ =	shalt  }
0x66: {  	_ =	shalt  }
0x67: {  	_ =	shalt  }
0x68: {  	_ =	shalt  }
0x69: {  	_ =	shalt  }
0x6a: {  	_ =	shalt  }
0x6b: {  	_ =	shalt  }
0x6c: {  	_ =	shalt  }
0x6d: {  	_ =	shalt  }
0x6e: {  	_ =	shalt  }
0x6f: {  	_ =	shalt  }
0x70: {  	_ =	shalt  }
0x71: {  	_ =	shalt  }
0x72: {  	_ =	shalt  }
0x73: {  	_ =	shalt  }
0x74: {  	_ =	shalt  }
0x75: {  	_ =	shalt  }
0x76: {  	_ =	shalt  }
0x77: {  	_ =	shalt  }
0x78: {  	_ =	shalt  }
0x79: {  	_ =	shalt  }
0x7a: {  	_ =	shalt  }
0x7b: {  	_ =	shalt  }
0x7c: {  	_ =	shalt  }
0x7d: {  	_ =	shalt  }
0x7e: {  	_ =	shalt  }
0x7f: {  	_ =	shalt  }
0x80: {  	_ =	shalt  }
0x81: {  	_ =	shalt  }
0x82: {  	_ =	shalt  }
0x83: {  	_ =	shalt  }
0x84: {  	_ =	shalt  }
0x85: {  	_ =	shalt  }
0x86: {  	_ =	shalt  }
0x87: {  	_ =	shalt  }
.Lfunc_end0:
.L_simem_size_0:
called_computation.1_lowered:
.L_overlay_start_0:
0x88: {  	s2 =	sld [smem:$0x3FD9]  }
0x89: {  	s3 =	sld [smem:$0x3FFE];
	_ =	sdelay $0x1  }
0x8a: {  	s1 =	srdreg.scid  }
0x8b: {  	s0 =	sand.u32 $0x1, s1  }
0x8c: {  	s16 =	sshll.u32 s0, $0xA;
	s2 =	sadd.s32 s3, s2  }
0x8d: {  	s2 =	sadd.s32 s2, s16  }
0x8e: {  	[smem:$0x3FB3] =	sst s2  }
0x8f: {  	_ = 	snop  }
0x90: {  	(tm) =	ssettm $0x1  }
0x91: {  	s17 =	sld [smem:$0x3FFB];
	_ =	sdelay $0x3  }
0x92: {  	_ =	strace s17  }
0x93: {  	s2 =	sld [smem:$0x3FFC];
	_ =	sdelay $0x3  }
0x94: {  	_ =	strace s2  }
0x95: {  	s2 =	sld [smem:$0x3FFD];
	_ =	sdelay $0x3  }
0x96: {  	_ =	strace s2  }
0x97: {  	_ =	strace $0x8FFFFFFF  }
0x98: {  	s18 =	sld [smem:$0x3FDB];
	_ =	sdelay $0x1  }
0x99: {  	s19 =	simm.s32 $_scs_section_size  }
0x9a: {  	s4 =	simm.s32 $_size__tile_overlayer_lowered;
	s5 =	simm.s32 $_tile_overlayer_lowered  }
0x9b: {  	s22 =	simm.s32 $0x1BFF;
	s21 =	sshll.u32 s5, $0x1;
	s2 =	sadd.s32 s19, s18  }
0x9c: {  	s6 =	simm.s32 $0x0;
	s20 =	sshll.u32 s4, $0x1;
	s4 =	sadd.s32 s21, s2  }
0x9d: {  	[timem:s6], [sflag:s22] =	dma.local [hbm:s4], s20  }
0x9e: {  	_ =	swait.ge [sflag:s22], s20  }
0x9f: {  	s3 =	ssub.s32 $0x0, s20;
	[sflag:s22] =	ssyncset.done $0x0  }
0xa0: {  	[sflag:s22] =	ssyncadd.s32 s3;
	_ =	sdelay $0x1  }
0xa1: {  	s23 =	simm.s32 $0x1B8B  }
0xa2: {  	_ =	swait.ge [sflag:s23], $0x1  }
0xa3: {  	[sflag:s23] =	ssyncset.done $0x0  }
0xa4: {  	s25 =	simm.s32 $0x1B8E;
	s24 =	sld [smem:$0x3FFE];
	[sflag:s23] =	ssyncadd.s32 $0xFFFFFFFF  }
0xa5: {  	s26 =	simm.s32 $execute0_lowered;
	[smem:$0x3FD2] =	sst s25  }
0xa6: {  	s4 =	sshll.u32 s26, $0x1;
	_ =	strace $0x80000049;
	[dreg:$0x1] =	wrdreg $0xFFFFFFFF  }
0xa7: {  	s28 =	simm.s32 $_size_execute0_lowered;
	s2 =	sadd.s32 s2, s4;
	[dreg:$0x0] =	wrdreg $0x0  }
0xa8: {  	s4 =	sshll.u32 s28, $0x1;
	[dreg:$0x2] =	wrdreg s2  }
0xa9: {  	[dreg:$0x3] =	wrdreg s4  }
0xaa: {  	[dreg:$0x4] =	wrdreg $0xC0  }
0xab: {  	_ =	task [dreg:s6], $0x5FFFF  }
0xac: {  	[dreg:$0x1] =	wrdreg $0xFFFFFFFF  }
0xad: {  	[dreg:$0x0] =	wrdreg $0x60  }
0xae: {  	[dreg:$0x2] =	wrdreg s24  }
0xaf: {  	[dreg:$0x3] =	wrdreg $0xA8000  }
0xb0: {  	[dreg:$0x4] =	wrdreg $0x9  }
0xb1: {  	_ =	task.clear_ibuf [dreg:s6], $0x5FFFF;
	_ =	strace $0x90000049  }
0xb2: {  	s29 =	simm.s32 $0x9;
	_ =	strace $0x8000004B  }
0xb3: {  	_ =	swait.ge [sflag:s29], $0x1  }
0xb4: {  	[sflag:s29] =	ssyncadd.s32 $0xFFFFFFFF  }
0xb5: {  	_ =	strace $0x9000004B  }
0xb6: {  	_ =	sfence  }
0xb7: {  	s30 =	sld [smem:$0x0];
	_ =	sdelay $0x2  }
0xb8: {  	s31 =	sshll.u32 s1, $0xD;
	s1 =	sshrl.u32 s1, $0x2  }
0xb9: {  	s3 =	sand.u32 $0x4000, s31;
	s1 =	sadd.s32 s1, s30  }
0xba: {  	s0 =	sor.u32 s3, s0;
	s1 =	sshll.u32 s1, $0x11  }
0xbb: {  	s0 =	sor.u32 s1, s0  }
0xbc: {  	s0 =	sadd.s32 $0x8F2B, s0  }
0xbd: {  	[sflag:s0] =	ssyncadd.remote.s32 $0x1  }
0xbe: {  	_ =	sfence.sel $0xFFFF  }
0xbf: {  	[dreg:$0x0] =	wrdreg $0xFFFFFFFF;
	(pc) =	sbr.abs _section_cstart, $3  }
0xc0: {  	[dreg:$0x1] =	wrdreg $0xFFFFFFFF  }
0xc1: {  	_ =	task.clear_ibuf [dreg:s6], $0x2FFFF;
	_ =	strace $0x9FFFFFFF  }
0xc2: {  	(tm) =	ssettm $0x7FFFFFFF  }
0xc3: {  	_ =	shalt  }
tec
execute0_lowered:
.L_overlay_start_1:
0x0: {  	(tag) =	ssettag $0x1  }
0x1: {  	s5 =	rddreg [dreg:$0x0]  }
0x2: {  	s1 =	rddreg [dreg:$0x1]  }
0x3: {  	s0 =	rddreg [dreg:$0x2];
	s3 =	simm.s32 $0x0;
	s2 =	stileid.u32  }
0x4: {  	s4 =	srdreg.scid;
	s17 =	simm.s32 $0x2800;
	s18 =	simm.s32 $0x6800  }
0x5: {  	s19 =	simm.s32 $0x1;
	s20 =	simm.s32 $0x2;
	s21 =	simm.s32 $0x1380  }
0x6: {  	s22 =	simm.s32 $0x2700;
	s23 =	simm.s32 $0x2780;
	s24 =	simm.s32 $0x0  }
0x7: {  	[smem:$0x7FF] =	sst s3;
	s9 =	sadd.s32 $0x86E00, s5;
	s6 =	smul.u32 $0x2800, s2  }
0x8: {  	s7 =	sand.u32 $0x1, s4;
	s10 =	sadd.s32 $0x4E00, s5;
	s4 =	sadd.s32 $0x36E00, s5  }
0x9: {  	s12 =	smul.u32 $0x50000, s2;
	s29 =	sshll.u32 s2, $0x6;
	_ =	strace $0x8000004A  }
0xa: {  	s8 =	smul.u32 $0x28000, s7;
	s13 =	sshll.u32 s7, $0x4;
	s7 =	ssub.s32 $0x2, s7  }
0xb: {  	s11 =	sadd.s32 s6, s5;
	s26 =	sor.u32 s2, s13;
	s28 =	sshrl.u32 s7, $0x1  }
0xc: {  	s12 =	sshrl.u32 s12, $0x2;
	s6 =	sadd.s32 s6, s8;
	s14 =	smul.u32 $0x2800, s26  }
0xd: {  	s13 =	ssub.s32 s7, s28;
	s16 =	sadd.s32 s12, s1;
	s8 =	smul.u32 $0x500, s26  }
0xe: {  	s15 =	sadd.s32 s6, s5;
	s5 =	sadd.s32 $0xEE00, s11;
	s6 =	sor.u32 $0x1C03, s29  }
0xf: {  	s12 =	smax.u32 s13, $0x1;
	s13 =	sshrl.u32 s16, $0x3;
	s16 =	simm.s32 $0x7D  }
0x10: {  	s30 =	sshrl.u32 s14, $0x3;
	s7 =	sadd.s32 s9, s8;
	s8 =	sadd.s32 s10, s8  }
0x11: {  	s11 =	sadd.s32 $0x90E00, s15;
	s14 =	simm.s32 $0x3;
	s31 =	sadd.s32 $0x280, s30  }
0x12: {  	s15 =	simm.s32 $0x1400;
	s9 =	sadd.s32 s9, s31;
	s10 =	sadd.s32 s10, s31  }
.LBB2_1:
0x13: {  	[spmem:s13], [sflag:s6] =	dma.local [hbm:s5], $0x2800  }
0x14: {  	_ =	swait.ge [sflag:s14], $0x2800  }
0x15: {  	[sflag:s14] =	ssyncset.done $0x0  }
0x16: {  	[sflag:s14] =	ssyncadd.s32 $0xFFFFD800  }
0x17: {  	[bflag:$0x0] =	sbarrier.arrive $0xFFFF  }
0x18: {  	[tilespmem:s3], [sflag:$0x3] =	stream.linear.gather [hbm4b:s7+s3], $0x1400, $0x38;
	[tilespmem:$0x1E800] =	vst v63  }
0x19: {  	_ =	swait.ge [sflag:s14], $0x1400  }
0x1a: {  	[sflag:s14] =	ssyncset.done $0x0  }
0x1b: {  	[sflag:s14] =	ssyncadd.s32 $0xFFFFEC00  }
0x1c: {  	[tilespmem:s15], [sflag:$0x3] =	stream.linear.gather [hbm4b:s8+s3], $0x1400, $0x38;
	[tilespmem:$0x1E800] =	vst v63  }
0x1d: {  	_ =	swait.ge [sflag:s14], $0x1400  }
0x1e: {  	[sflag:s14] =	ssyncset.done $0x0  }
0x1f: {  	[sflag:s14] =	ssyncadd.s32 $0xFFFFEC00  }
0x20: {  	[tilespmem:s17], [sflag:$0x1] =	stream.indirect.gather [hbm4b:s4+s16], $0x80, s3, s16, $0xb8;
	[tilespmem:$0x1E800] =	vst v63  }
0x21: {  	s25 =	simm.s32 $0x80  }
0x22: {  	[tilespmem:s18], [sflag:$0x2] =	stream.indirect.gather [hbm4b:s4+s16], $0x80, s25, s16, $0xb8;
	[tilespmem:$0x1E800] =	vst v63  }
0x23: {  	_ =	swait.ge [sflag:s19], $0x3E80  }
0x24: {  	[sflag:s19] =	ssyncset.done $0x0  }
0x25: {  	s29 =	simm.s32 $0x1400;
	[sflag:s19] =	ssyncadd.s32 $0xFFFFC180  }
0x26: {  	[spmem:s1] =	stream.indirect.scatter.add.f32 [tilespmem:s17], [sflag:$0x3], $0x80, s29, s16, $0xb8;
	[tilespmem:$0x1E800] =	vst v63  }
0x27: {  	_ =	swait.ge [sflag:s14], $0x3E80  }
0x28: {  	[sflag:s14] =	ssyncset.done $0x0  }
0x29: {  	s30 =	simm.s32 $0x100;
	[sflag:s14] =	ssyncadd.s32 $0xFFFFC180  }
0x2a: {  	[tilespmem:s17], [sflag:$0x1] =	stream.indirect.gather [hbm4b:s4+s16], $0x80, s30, s16, $0xb8;
	[tilespmem:$0x1E800] =	vst v63  }
0x2b: {  	_ =	swait.ge [sflag:s20], $0x3E80  }
0x2c: {  	[sflag:s20] =	ssyncset.done $0x0  }
0x2d: {  	s31 =	simm.s32 $0x1480;
	[sflag:s20] =	ssyncadd.s32 $0xFFFFC180  }
0x2e: {  	[spmem:s1] =	stream.indirect.scatter.add.f32 [tilespmem:s18], [sflag:$0x3], $0x80, s31, s16, $0xb8;
	[tilespmem:$0x1E800] =	vst v63  }
0x2f: {  	_ =	swait.ge [sflag:s14], $0x3E80  }
0x30: {  	s26 =	simm.s32 $0x800;
	s25 =	simm.s32 $0x100;
	[sflag:s14] =	ssyncset.done $0x0  }
.LBB2_2:
0x31: {  	s28 =	sadd.s32 $0x80, s25  }
0x32: {  	[sflag:s14] =	ssyncadd.s32 $0xFFFFC180;
	s29 =	smov.u32 s26;
	s30 =	sadd.s32 $0x400, s26  }
0x33: {  	[tilespmem:s18], [sflag:$0x2] =	stream.indirect.gather [hbm4b:s4+s16], $0x80, s28, s16, $0xb8;
	[tilespmem:$0x1E800] =	vst v63  }
0x34: {  	p0 =	sne.s32 s26, $0x4800;
	_ =	swait.ge [sflag:s19], $0x3E80  }
0x35: {  	[sflag:s19] =	ssyncset.done $0x0  }
0x36: {  	s26 =	sadd.s32 $0x1400, s25;
	[sflag:s19] =	ssyncadd.s32 $0xFFFFC180  }
0x37: {  	[spmem:s1] =	stream.indirect.scatter.add.f32 [tilespmem:s17], [sflag:$0x3], $0x80, s26, s16, $0xb8;
	[tilespmem:$0x1E800] =	vst v63  }
0x38: {  	_ =	swait.ge [sflag:s14], $0x3E80  }
0x39: {  	[sflag:s14] =	ssyncset.done $0x0  }
0x3a: {  	s26 =	sadd.s32 $0x100, s25;
	[sflag:s14] =	ssyncadd.s32 $0xFFFFC180  }
0x3b: {  	[tilespmem:s17], [sflag:$0x1] =	stream.indirect.gather [hbm4b:s4+s16], $0x80, s26, s16, $0xb8;
	[tilespmem:$0x1E800] =	vst v63  }
0x3c: {  	_ =	swait.ge [sflag:s20], $0x3E80  }
.Ltmp0:
0x3d: {  	[sflag:s20] =	ssyncset.done $0x0;
	(pc) =	sbr.rel @p0 .LBB2_2-.Ltmp0, $4  }
0x3e: {  	s25 =	sadd.s32 $0x1480, s25;
	[sflag:s20] =	ssyncadd.s32 $0xFFFFC180  }
0x3f: {  	[spmem:s1] =	stream.indirect.scatter.add.f32 [tilespmem:s18], [sflag:$0x3], $0x80, s25, s16, $0xb8;
	[tilespmem:$0x1E800] =	vst v63  }
0x40: {  	_ =	swait.ge [sflag:s14], $0x3E80  }
0x41: {  	s26 =	smov.u32 s30;
	s25 =	sshra.s32 s29, $0x2;
	[sflag:s14] =	ssyncset.done $0x0  }
0x42: {  	s26 =	sadd.s32 $0x80, s25;
	[sflag:s14] =	ssyncadd.s32 $0xFFFFC180  }
0x43: {  	[tilespmem:s18], [sflag:$0x2] =	stream.indirect.gather [hbm4b:s4+s16], $0x80, s26, s16, $0xb8;
	[tilespmem:$0x1E800] =	vst v63  }
0x44: {  	_ =	swait.ge [sflag:s19], $0x3E80  }
0x45: {  	[sflag:s19] =	ssyncset.done $0x0  }
0x46: {  	s29 =	sadd.s32 $0x1400, s25;
	[sflag:s19] =	ssyncadd.s32 $0xFFFFC180  }
0x47: {  	[spmem:s1] =	stream.indirect.scatter.add.f32 [tilespmem:s17], [sflag:$0x3], $0x80, s29, s16, $0xb8;
	[tilespmem:$0x1E800] =	vst v63  }
0x48: {  	_ =	swait.ge [sflag:s14], $0x3E80  }
0x49: {  	[sflag:s14] =	ssyncset.done $0x0  }
0x4a: {  	s30 =	sadd.s32 $0x100, s25;
	[sflag:s14] =	ssyncadd.s32 $0xFFFFC180  }
0x4b: {  	[tilespmem:s17], [sflag:$0x1] =	stream.indirect.gather [hbm4b:s4+s16], $0x80, s30, s16, $0xb8;
	[tilespmem:$0x1E800] =	vst v63  }
0x4c: {  	_ =	swait.ge [sflag:s20], $0x3E80  }
0x4d: {  	[sflag:s20] =	ssyncset.done $0x0  }
0x4e: {  	s31 =	sadd.s32 $0x1480, s25;
	[sflag:s20] =	ssyncadd.s32 $0xFFFFC180  }
0x4f: {  	[spmem:s1] =	stream.indirect.scatter.add.f32 [tilespmem:s18], [sflag:$0x3], $0x80, s31, s16, $0xb8;
	[tilespmem:$0x1E800] =	vst v63  }
0x50: {  	_ =	swait.ge [sflag:s14], $0x3E80  }
0x51: {  	[sflag:s14] =	ssyncset.done $0x0  }
0x52: {  	[sflag:s14] =	ssyncadd.s32 $0xFFFFC180  }
0x53: {  	[tilespmem:s18], [sflag:$0x2] =	stream.indirect.gather [hbm4b:s4+s16], $0x80, s21, s16, $0xb8;
	[tilespmem:$0x1E800] =	vst v63  }
0x54: {  	_ =	swait.ge [sflag:s19], $0x3E80  }
0x55: {  	[sflag:s19] =	ssyncset.done $0x0  }
0x56: {  	[sflag:s19] =	ssyncadd.s32 $0xFFFFC180  }
0x57: {  	[spmem:s1] =	stream.indirect.scatter.add.f32 [tilespmem:s17], [sflag:$0x3], $0x80, s22, s16, $0xb8;
	[tilespmem:$0x1E800] =	vst v63  }
0x58: {  	_ =	swait.ge [sflag:s14], $0x3E80  }
0x59: {  	[sflag:s14] =	ssyncset.done $0x0  }
0x5a: {  	[sflag:s14] =	ssyncadd.s32 $0xFFFFC180  }
0x5b: {  	_ =	swait.ge [sflag:s20], $0x3E80  }
0x5c: {  	[sflag:s20] =	ssyncset.done $0x0  }
0x5d: {  	[sflag:s20] =	ssyncadd.s32 $0xFFFFC180  }
0x5e: {  	[spmem:s1] =	stream.indirect.scatter.add.f32 [tilespmem:s18], [sflag:$0x3], $0x80, s23, s16, $0xb8;
	[tilespmem:$0x1E800] =	vst v63  }
0x5f: {  	_ =	swait.ge [sflag:s14], $0x3E80  }
0x60: {  	[sflag:s14] =	ssyncset.done $0x0  }
0x61: {  	s26 =	simm.s32 $0x0;
	[sflag:s14] =	ssyncadd.s32 $0xFFFFC180  }
0x62: {  	[tilespmem:s26], [sflag:$0x3] =	stream.linear.gather [hbm4b:s9+s26], $0x1400, $0x38;
	[tilespmem:$0x1E800] =	vst v63  }
0x63: {  	_ =	swait.ge [sflag:s14], $0x1400  }
0x64: {  	[sflag:s14] =	ssyncset.done $0x0  }
0x65: {  	[sflag:s14] =	ssyncadd.s32 $0xFFFFEC00  }
0x66: {  	[tilespmem:s15], [sflag:$0x3] =	stream.linear.gather [hbm4b:s10+s26], $0x1400, $0x38;
	[tilespmem:$0x1E800] =	vst v63  }
0x67: {  	_ =	swait.ge [sflag:s14], $0x1400  }
0x68: {  	[sflag:s14] =	ssyncset.done $0x0  }
0x69: {  	[sflag:s14] =	ssyncadd.s32 $0xFFFFEC00  }
0x6a: {  	[tilespmem:s17], [sflag:$0x1] =	stream.indirect.gather [hbm4b:s4+s16], $0x80, s26, s16, $0xb8;
	[tilespmem:$0x1E800] =	vst v63  }
0x6b: {  	s28 =	simm.s32 $0x80  }
0x6c: {  	[tilespmem:s18], [sflag:$0x2] =	stream.indirect.gather [hbm4b:s4+s16], $0x80, s28, s16, $0xb8;
	[tilespmem:$0x1E800] =	vst v63  }
0x6d: {  	_ =	swait.ge [sflag:s19], $0x3E80  }
0x6e: {  	[sflag:s19] =	ssyncset.done $0x0  }
0x6f: {  	s29 =	simm.s32 $0x1400;
	[sflag:s19] =	ssyncadd.s32 $0xFFFFC180  }
0x70: {  	[spmem:s1] =	stream.indirect.scatter.add.f32 [tilespmem:s17], [sflag:$0x3], $0x80, s29, s16, $0xb8;
	[tilespmem:$0x1E800] =	vst v63  }
0x71: {  	_ =	swait.ge [sflag:s14], $0x3E80  }
0x72: {  	[sflag:s14] =	ssyncset.done $0x0  }
0x73: {  	s30 =	simm.s32 $0x100;
	[sflag:s14] =	ssyncadd.s32 $0xFFFFC180  }
0x74: {  	[tilespmem:s17], [sflag:$0x1] =	stream.indirect.gather [hbm4b:s4+s16], $0x80, s30, s16, $0xb8;
	[tilespmem:$0x1E800] =	vst v63  }
0x75: {  	_ =	swait.ge [sflag:s20], $0x3E80  }
0x76: {  	[sflag:s20] =	ssyncset.done $0x0  }
0x77: {  	s31 =	simm.s32 $0x1480;
	[sflag:s20] =	ssyncadd.s32 $0xFFFFC180  }
0x78: {  	[spmem:s1] =	stream.indirect.scatter.add.f32 [tilespmem:s18], [sflag:$0x3], $0x80, s31, s16, $0xb8;
	[tilespmem:$0x1E800] =	vst v63  }
0x79: {  	_ =	swait.ge [sflag:s14], $0x3E80  }
0x7a: {  	s25 =	simm.s32 $0x100;
	s26 =	simm.s32 $0x800;
	[sflag:s14] =	ssyncset.done $0x0  }
.LBB2_4:
0x7b: {  	s28 =	sadd.s32 $0x80, s25  }
0x7c: {  	[sflag:s14] =	ssyncadd.s32 $0xFFFFC180;
	s29 =	smov.u32 s26;
	s30 =	sadd.s32 $0x400, s26  }
0x7d: {  	[tilespmem:s18], [sflag:$0x2] =	stream.indirect.gather [hbm4b:s4+s16], $0x80, s28, s16, $0xb8;
	[tilespmem:$0x1E800] =	vst v63  }
0x7e: {  	p0 =	sne.s32 s26, $0x4800;
	_ =	swait.ge [sflag:s19], $0x3E80  }
0x7f: {  	[sflag:s19] =	ssyncset.done $0x0  }
0x80: {  	s26 =	sadd.s32 $0x1400, s25;
	[sflag:s19] =	ssyncadd.s32 $0xFFFFC180  }
0x81: {  	[spmem:s1] =	stream.indirect.scatter.add.f32 [tilespmem:s17], [sflag:$0x3], $0x80, s26, s16, $0xb8;
	[tilespmem:$0x1E800] =	vst v63  }
0x82: {  	_ =	swait.ge [sflag:s14], $0x3E80  }
0x83: {  	[sflag:s14] =	ssyncset.done $0x0  }
0x84: {  	s26 =	sadd.s32 $0x100, s25;
	[sflag:s14] =	ssyncadd.s32 $0xFFFFC180  }
0x85: {  	[tilespmem:s17], [sflag:$0x1] =	stream.indirect.gather [hbm4b:s4+s16], $0x80, s26, s16, $0xb8;
	[tilespmem:$0x1E800] =	vst v63  }
0x86: {  	_ =	swait.ge [sflag:s20], $0x3E80  }
.Ltmp1:
0x87: {  	[sflag:s20] =	ssyncset.done $0x0;
	(pc) =	sbr.rel @p0 .LBB2_4-.Ltmp1, $4  }
0x88: {  	s25 =	sadd.s32 $0x1480, s25;
	[sflag:s20] =	ssyncadd.s32 $0xFFFFC180  }
0x89: {  	[spmem:s1] =	stream.indirect.scatter.add.f32 [tilespmem:s18], [sflag:$0x3], $0x80, s25, s16, $0xb8;
	[tilespmem:$0x1E800] =	vst v63  }
0x8a: {  	_ =	swait.ge [sflag:s14], $0x3E80  }
0x8b: {  	s26 =	smov.u32 s30;
	s25 =	sshra.s32 s29, $0x2;
	[sflag:s14] =	ssyncset.done $0x0  }
0x8c: {  	s26 =	sadd.s32 $0x80, s25;
	[sflag:s14] =	ssyncadd.s32 $0xFFFFC180  }
0x8d: {  	[tilespmem:s18], [sflag:$0x2] =	stream.indirect.gather [hbm4b:s4+s16], $0x80, s26, s16, $0xb8;
	[tilespmem:$0x1E800] =	vst v63  }
0x8e: {  	_ =	swait.ge [sflag:s19], $0x3E80  }
0x8f: {  	[sflag:s19] =	ssyncset.done $0x0  }
0x90: {  	s29 =	sadd.s32 $0x1400, s25;
	[sflag:s19] =	ssyncadd.s32 $0xFFFFC180  }
0x91: {  	[spmem:s1] =	stream.indirect.scatter.add.f32 [tilespmem:s17], [sflag:$0x3], $0x80, s29, s16, $0xb8;
	[tilespmem:$0x1E800] =	vst v63  }
0x92: {  	_ =	swait.ge [sflag:s14], $0x3E80  }
0x93: {  	[sflag:s14] =	ssyncset.done $0x0  }
0x94: {  	s30 =	sadd.s32 $0x100, s25;
	[sflag:s14] =	ssyncadd.s32 $0xFFFFC180  }
0x95: {  	[tilespmem:s17], [sflag:$0x1] =	stream.indirect.gather [hbm4b:s4+s16], $0x80, s30, s16, $0xb8;
	[tilespmem:$0x1E800] =	vst v63  }
0x96: {  	_ =	swait.ge [sflag:s20], $0x3E80  }
0x97: {  	[sflag:s20] =	ssyncset.done $0x0  }
0x98: {  	s31 =	sadd.s32 $0x1480, s25;
	[sflag:s20] =	ssyncadd.s32 $0xFFFFC180  }
0x99: {  	[spmem:s1] =	stream.indirect.scatter.add.f32 [tilespmem:s18], [sflag:$0x3], $0x80, s31, s16, $0xb8;
	[tilespmem:$0x1E800] =	vst v63  }
0x9a: {  	_ =	swait.ge [sflag:s14], $0x3E80  }
0x9b: {  	[sflag:s14] =	ssyncset.done $0x0  }
0x9c: {  	[sflag:s14] =	ssyncadd.s32 $0xFFFFC180  }
0x9d: {  	[tilespmem:s18], [sflag:$0x2] =	stream.indirect.gather [hbm4b:s4+s16], $0x80, s21, s16, $0xb8;
	[tilespmem:$0x1E800] =	vst v63  }
0x9e: {  	_ =	swait.ge [sflag:s19], $0x3E80  }
0x9f: {  	[sflag:s19] =	ssyncset.done $0x0  }
0xa0: {  	[sflag:s19] =	ssyncadd.s32 $0xFFFFC180  }
0xa1: {  	[spmem:s1] =	stream.indirect.scatter.add.f32 [tilespmem:s17], [sflag:$0x3], $0x80, s22, s16, $0xb8;
	[tilespmem:$0x1E800] =	vst v63  }
0xa2: {  	_ =	swait.ge [sflag:s14], $0x3E80  }
0xa3: {  	[sflag:s14] =	ssyncset.done $0x0  }
0xa4: {  	[sflag:s14] =	ssyncadd.s32 $0xFFFFC180  }
0xa5: {  	_ =	swait.ge [sflag:s20], $0x3E80  }
0xa6: {  	[sflag:s20] =	ssyncset.done $0x0  }
0xa7: {  	[sflag:s20] =	ssyncadd.s32 $0xFFFFC180  }
0xa8: {  	[spmem:s1] =	stream.indirect.scatter.add.f32 [tilespmem:s18], [sflag:$0x3], $0x80, s23, s16, $0xb8;
	[tilespmem:$0x1E800] =	vst v63  }
0xa9: {  	_ =	swait.ge [sflag:s14], $0x3E80  }
0xaa: {  	s24 =	sadd.s32 $0x1, s24;
	[sflag:s14] =	ssyncset.done $0x0  }
0xab: {  	p0 =	sne.s32 s24, s12;
	[sflag:s14] =	ssyncadd.s32 $0xFFFFC180  }
.Ltmp2:
0xac: {  	[bflag:$0x0] =	sbarrier.arrive $0xFFFF;
	(pc) =	sbr.rel @p0 .LBB2_1-.Ltmp2, $4  }
0xad: {  	[hbm:s11], [sflag:s6] =	dma.local [spmem:s13], $0x2800  }
0xae: {  	_ =	swait.ge [sflag:s14], $0x2800  }
0xaf: {  	[sflag:s14] =	ssyncset.done $0x0  }
0xb0: {  	[sflag:s14] =	ssyncadd.s32 $0xFFFFD800  }
0xb1: {  	_ =	sfence.sel $0x180000  }
0xb2: {  	[bflag:$0x0] =	sbarrier.arrive $0xFFFF  }
0xb3: {  	p0 =	sne.s32 s2, $0x0;
	_ =	strace $0x9000004A  }
0xb4: {  	s0 =	sadd.s32 @!p0 $0x100000, s0;
	[bflag:$0x2] =	sbarrier.arrive $0xFFFF  }
0xb5: {  	[sflag:s0] =	ssyncadd.tile.s32 @!p0 $0x1;
	_ =	shalt  }
.Lfunc_end2:
_tile_overlayer_lowered:
.L_overlay_start_2:
0xb6: {  	(tag) =	ssettag $0x2  }
0xb7: {  	s0 =	rddreg [dreg:$0x0];
	s2 =	stileid.u32  }
0xb8: {  	s1 =	rddreg [dreg:$0x1];
	p0 =	sne.s32 s2, $0x0  }
0xb9: {  	s3 =	rddreg [dreg:$0x2];
	[bflag:$0x3] =	sbarrier.arrive $0xFFFF;
	s2 =	simm.s32 @!p0 $0x1C03  }
0xba: {  	[timem:s3], [sflag:s2] =	dma.local @!p0 [hbm:s0], s1  }
0xbb: {  	s0 =	simm.s32 @!p0 $0x3  }
0xbc: {  	_ =	swait.ge @!p0 [sflag:s0], s1  }
0xbd: {  	s1 =	ssub.s32 @!p0 $0x0, s1;
	[sflag:s0] =	ssyncset.done @!p0 $0x0  }
0xbe: {  	[sflag:s0] =	ssyncadd.s32 @!p0 s1  }
0xbf: {  	[bflag:$0x3] =	sbarrier.arrive $0xFFFF  }
0xc0: {  	_ =	shalt  }

// kernel: kernel.15.cloned.1.call-start
scs
__scs_entry_jumppad:
0x0: {  	(pc) =	sbr.rel $0x88, $3  }
0x1: {  	(tag) =	ssettag $0x0;
	lr =	simm.s32 $0x1  }
0x2: {  	[smem:$0x3F8C] =	sst lr;
	_ =	strace $0xD0000000  }
0x3: {  	_ = 	snop  }
0x4: {  	_ = 	snop  }
0x5: {  	_ = 	snop  }
0x6: {  	_ = 	snop  }
0x7: {  	_ = 	snop  }
__scs_overlays_trampoline_lowered:
0x8: {  	[smem:$0x3F9B] =	sst s0  }
0x9: {  	[smem:$0x3F9C] =	sst s1  }
0xa: {  	[smem:$0x3F9D] =	sst s2  }
0xb: {  	[smem:$0x3F9E] =	sst s3  }
0xc: {  	[smem:$0x3F9F] =	sst s4  }
0xd: {  	[smem:$0x3FA0] =	sst s5  }
0xe: {  	[smem:$0x3FA1] =	sst s6  }
0xf: {  	[smem:$0x3FA2] =	sst s7  }
0x10: {  	[smem:$0x3FA3] =	sst s8  }
0x11: {  	[smem:$0x3FA4] =	sst s9;
	s0 =	simm.s32 @!p0 $0x0  }
0x12: {  	s1 =	sld [smem:$0x3F8A];
	s0 =	simm.s32 @p0 $0x1  }
0x13: {  	[smem:$0x3FA5] =	sst s0;
	s0 =	simm.s32 @!p1 $0x0  }
0x14: {  	s2 =	sld [smem:$0x3F89];
	s0 =	simm.s32 @p1 $0x1  }
0x15: {  	[smem:$0x3FA6] =	sst s0;
	s0 =	simm.s32 @!p2 $0x0  }
0x16: {  	s3 =	sld [smem:$0x3FDB];
	s0 =	simm.s32 @p2 $0x1  }
0x17: {  	s4 =	simm.s32 $0x1BF5;
	[smem:$0x3FA8] =	sst s0  }
0x18: {  	s0 =	sld [smem:$0x3F8B];
	_ =	swait.ge [sflag:s4], $0x0  }
0x19: {  	s7 =	sld [smem:$0x3F8C]  }
0x1a: {  	s8 =	sadd.s32 $0xFFFFE003, lr  }
0x1b: {  	s9 =	sadd.s32 $0xFFFFFEF7, lr;
	s5 =	simm.s32 $0xFFFFFFFF;
	p2 =	slt.u32 s8, $0xFFFFF086  }
0x1c: {  	p1 =	slt.u32 s9, $0xF7A;
	s5 =	simm.s32 @!p2 $0x0  }
0x1d: {  	s5 =	simm.s32 @p1 $0x1;
	p0 =	seq.s32 s7, s2  }
0x1e: {  	s7 =	smul.u32 @!p0 $0xF7A, s2;
	p2 =	seq.s32 @!p0 s5, $0x0  }
0x1f: {  	s9 =	smul.u32 $0xF7A, s1;
	s8 =	simm.s32 @!p0 $0x1BF5;
	p2 =	por !p2, p0  }
0x20: {  	[sflag:s8] =	ssyncset.s32 @!p0 $0xFFFFF086;
	s6 =	sadd.s32 @!p0 s3, s7;
	s7 =	simm.s32 @!p0 $0x108  }
0x21: {  	s3 =	sadd.s32 s3, s9;
	s6 =	sadd.s32 @!p0 $0x88, s6;
	s7 =	simm.s32 @p2 $0x1082  }
0x22: {  	[simem:s7], [sflag:s8] =	dma.local @!p0 [hbm:s6], $0xF7A  }
0x23: {  	s9 =	sor.u32 $0xD0000000, s2;
	s6 =	simm.s32 $0x108;
	_ =	swait.ge @!p0 [sflag:s8], $0x0  }
0x24: {  	s3 =	sadd.s32 $0x88, s3;
	s6 =	simm.s32 @!p1 $0x1082;
	[sflag:s4] =	ssyncset.s32 $0xFFFFF086  }
0x25: {  	[simem:s6], [sflag:s4] =	dma.local [hbm:s3], $0xF7A  }
0x26: {  	[smem:$0x3F8C] =	sst s1;
	(tag) =	ssettag s2;
	_ =	strace s9  }
0x27: {  	s1 =	sld [smem:$0x3F9C]  }
0x28: {  	s2 =	sld [smem:$0x3F9D]  }
0x29: {  	s4 =	sld [smem:$0x3F9F]  }
0x2a: {  	p0 =	seq.s32 s5, $0x0;
	s5 =	sld [smem:$0x3FA0]  }
0x2b: {  	s6 =	sld [smem:$0x3FA1]  }
0x2c: {  	s7 =	sld [smem:$0x3FA2]  }
0x2d: {  	s3 =	simm.s32 $0x108;
	s8 =	sld [smem:$0x3FA3]  }
0x2e: {  	s3 =	simm.s32 @!p0 $0x1082;
	s9 =	sld [smem:$0x3FA4]  }
0x2f: {  	lr =	sadd.s32 s0, s3;
	s0 =	sld [smem:$0x3F9B]  }
0x30: {  	s3 =	sld [smem:$0x3F9E]  }
0x31: {  	[smem:$0x3FA7] =	sst s10  }
0x32: {  	s10 =	sld [smem:$0x3FA5];
	_ =	sdelay $0x3  }
0x33: {  	p0 =	seq.s32 s10, $0x1;
	s10 =	sld [smem:$0x3FA7];
	_ =	sdelay $0x3  }
0x34: {  	[smem:$0x3FA7] =	sst s10  }
0x35: {  	s10 =	sld [smem:$0x3FA6];
	_ =	sdelay $0x3  }
0x36: {  	p1 =	seq.s32 s10, $0x1;
	s10 =	sld [smem:$0x3FA7];
	_ =	sdelay $0x3  }
0x37: {  	[smem:$0x3FA7] =	sst s10  }
0x38: {  	s10 =	sld [smem:$0x3FA8]  }
0x39: {  	_ = 	snop;
	(pc) =	sbr.ind lr, $3  }
0x3a: {  	_ = 	snop  }
0x3b: {  	_ = 	snop  }
0x3c: {  	p2 =	seq.s32 s10, $0x1;
	s10 =	sld [smem:$0x3FA7]  }
0x3d: {  	_ =	shalt  }
0x3e: {  	_ =	shalt  }
0x3f: {  	_ =	shalt  }
0x40: {  	_ =	shalt  }
0x41: {  	_ =	shalt  }
0x42: {  	_ =	shalt  }
0x43: {  	_ =	shalt  }
0x44: {  	_ =	shalt  }
0x45: {  	_ =	shalt  }
0x46: {  	_ =	shalt  }
0x47: {  	_ =	shalt  }
0x48: {  	_ =	shalt  }
0x49: {  	_ =	shalt  }
0x4a: {  	_ =	shalt  }
0x4b: {  	_ =	shalt  }
0x4c: {  	_ =	shalt  }
0x4d: {  	_ =	shalt  }
0x4e: {  	_ =	shalt  }
0x4f: {  	_ =	shalt  }
0x50: {  	_ =	shalt  }
0x51: {  	_ =	shalt  }
0x52: {  	_ =	shalt  }
0x53: {  	_ =	shalt  }
0x54: {  	_ =	shalt  }
0x55: {  	_ =	shalt  }
0x56: {  	_ =	shalt  }
0x57: {  	_ =	shalt  }
0x58: {  	_ =	shalt  }
0x59: {  	_ =	shalt  }
0x5a: {  	_ =	shalt  }
0x5b: {  	_ =	shalt  }
0x5c: {  	_ =	shalt  }
0x5d: {  	_ =	shalt  }
0x5e: {  	_ =	shalt  }
0x5f: {  	_ =	shalt  }
0x60: {  	_ =	shalt  }
0x61: {  	_ =	shalt  }
0x62: {  	_ =	shalt  }
0x63: {  	_ =	shalt  }
0x64: {  	_ =	shalt  }
0x65: {  	_ =	shalt  }
0x66: {  	_ =	shalt  }
0x67: {  	_ =	shalt  }
0x68: {  	_ =	shalt  }
0x69: {  	_ =	shalt  }
0x6a: {  	_ =	shalt  }
0x6b: {  	_ =	shalt  }
0x6c: {  	_ =	shalt  }
0x6d: {  	_ =	shalt  }
0x6e: {  	_ =	shalt  }
0x6f: {  	_ =	shalt  }
0x70: {  	_ =	shalt  }
0x71: {  	_ =	shalt  }
0x72: {  	_ =	shalt  }
0x73: {  	_ =	shalt  }
0x74: {  	_ =	shalt  }
0x75: {  	_ =	shalt  }
0x76: {  	_ =	shalt  }
0x77: {  	_ =	shalt  }
0x78: {  	_ =	shalt  }
0x79: {  	_ =	shalt  }
0x7a: {  	_ =	shalt  }
0x7b: {  	_ =	shalt  }
0x7c: {  	_ =	shalt  }
0x7d: {  	_ =	shalt  }
0x7e: {  	_ =	shalt  }
0x7f: {  	_ =	shalt  }
0x80: {  	_ =	shalt  }
0x81: {  	_ =	shalt  }
0x82: {  	_ =	shalt  }
0x83: {  	_ =	shalt  }
0x84: {  	_ =	shalt  }
0x85: {  	_ =	shalt  }
0x86: {  	_ =	shalt  }
0x87: {  	_ =	shalt  }
.Lfunc_end0:
.L_simem_size_0:
called_computation.2_lowered:
.L_overlay_start_0:
0x88: {  	s2 =	sld [smem:$0x3FD9]  }
0x89: {  	s3 =	sld [smem:$0x3FFE];
	_ =	sdelay $0x1  }
0x8a: {  	s1 =	srdreg.scid  }
0x8b: {  	s0 =	sand.u32 $0x1, s1  }
0x8c: {  	s16 =	sshll.u32 s0, $0xA;
	s2 =	sadd.s32 s3, s2  }
0x8d: {  	s2 =	sadd.s32 s2, s16  }
0x8e: {  	[smem:$0x3FB3] =	sst s2  }
0x8f: {  	_ = 	snop  }
0x90: {  	(tm) =	ssettm $0x1  }
0x91: {  	s17 =	sld [smem:$0x3FFB];
	_ =	sdelay $0x3  }
0x92: {  	_ =	strace s17  }
0x93: {  	s2 =	sld [smem:$0x3FFC];
	_ =	sdelay $0x3  }
0x94: {  	_ =	strace s2  }
0x95: {  	s2 =	sld [smem:$0x3FFD];
	_ =	sdelay $0x3  }
0x96: {  	_ =	strace s2  }
0x97: {  	_ =	strace $0x8FFFFFFF  }
0x98: {  	s18 =	sld [smem:$0x3FDB];
	_ =	sdelay $0x1  }
0x99: {  	s19 =	simm.s32 $_scs_section_size  }
0x9a: {  	s4 =	simm.s32 $_size__tile_overlayer_lowered;
	s5 =	simm.s32 $_tile_overlayer_lowered  }
0x9b: {  	s22 =	simm.s32 $0x1BFF;
	s21 =	sshll.u32 s5, $0x1;
	s2 =	sadd.s32 s19, s18  }
0x9c: {  	s6 =	simm.s32 $0x0;
	s20 =	sshll.u32 s4, $0x1;
	s4 =	sadd.s32 s21, s2  }
0x9d: {  	[timem:s6], [sflag:s22] =	dma.local [hbm:s4], s20  }
0x9e: {  	_ =	swait.ge [sflag:s22], s20  }
0x9f: {  	s3 =	ssub.s32 $0x0, s20;
	[sflag:s22] =	ssyncset.done $0x0  }
0xa0: {  	[sflag:s22] =	ssyncadd.s32 s3;
	_ =	sdelay $0x1  }
0xa1: {  	s23 =	simm.s32 $0x1B8B  }
0xa2: {  	_ =	swait.ge [sflag:s23], $0x1  }
0xa3: {  	[sflag:s23] =	ssyncset.done $0x0  }
0xa4: {  	s25 =	simm.s32 $0x1B8E;
	s24 =	sld [smem:$0x3FFE];
	[sflag:s23] =	ssyncadd.s32 $0xFFFFFFFF  }
0xa5: {  	s26 =	simm.s32 $execute0_lowered;
	[smem:$0x3FD2] =	sst s25  }
0xa6: {  	s4 =	sshll.u32 s26, $0x1;
	_ =	strace $0x8000004C;
	[dreg:$0x1] =	wrdreg $0xFFFFFFFF  }
0xa7: {  	s28 =	simm.s32 $_size_execute0_lowered;
	s2 =	sadd.s32 s2, s4;
	[dreg:$0x0] =	wrdreg $0x0  }
0xa8: {  	s4 =	sshll.u32 s28, $0x1;
	[dreg:$0x2] =	wrdreg s2  }
0xa9: {  	[dreg:$0x3] =	wrdreg s4  }
0xaa: {  	[dreg:$0x4] =	wrdreg $0xC0  }
0xab: {  	_ =	task [dreg:s6], $0x5FFFF  }
0xac: {  	[dreg:$0x1] =	wrdreg $0xFFFFFFFF  }
0xad: {  	[dreg:$0x0] =	wrdreg $0x60  }
0xae: {  	[dreg:$0x2] =	wrdreg s24  }
0xaf: {  	[dreg:$0x3] =	wrdreg $0xA8000  }
0xb0: {  	[dreg:$0x4] =	wrdreg $0x9  }
0xb1: {  	_ =	task.clear_ibuf [dreg:s6], $0x5FFFF;
	_ =	strace $0x9000004C  }
0xb2: {  	s29 =	simm.s32 $0x9;
	_ =	strace $0x8000004E  }
0xb3: {  	_ =	swait.ge [sflag:s29], $0x1  }
0xb4: {  	[sflag:s29] =	ssyncadd.s32 $0xFFFFFFFF  }
0xb5: {  	_ =	strace $0x9000004E  }
0xb6: {  	_ =	sfence  }
0xb7: {  	s30 =	sld [smem:$0x0];
	_ =	sdelay $0x2  }
0xb8: {  	s31 =	sshll.u32 s1, $0xD;
	s1 =	sshrl.u32 s1, $0x2  }
0xb9: {  	s3 =	sand.u32 $0x4000, s31;
	s1 =	sadd.s32 s1, s30  }
0xba: {  	s0 =	sor.u32 s3, s0;
	s1 =	sshll.u32 s1, $0x11  }
0xbb: {  	s0 =	sor.u32 s1, s0  }
0xbc: {  	s0 =	sadd.s32 $0x8F2B, s0  }
0xbd: {  	[sflag:s0] =	ssyncadd.remote.s32 $0x1  }
0xbe: {  	_ =	sfence.sel $0xFFFF  }
0xbf: {  	[dreg:$0x0] =	wrdreg $0xFFFFFFFF;
	(pc) =	sbr.abs _section_cstart, $3  }
0xc0: {  	[dreg:$0x1] =	wrdreg $0xFFFFFFFF  }
0xc1: {  	_ =	task.clear_ibuf [dreg:s6], $0x2FFFF;
	_ =	strace $0x9FFFFFFF  }
0xc2: {  	(tm) =	ssettm $0x7FFFFFFF  }
0xc3: {  	_ =	shalt  }
tec
execute0_lowered:
.L_overlay_start_1:
0x0: {  	(tag) =	ssettag $0x1  }
0x1: {  	s0 =	rddreg [dreg:$0x0]  }
0x2: {  	s2 =	rddreg [dreg:$0x1];
	s1 =	simm.s32 $0x0  }
0x3: {  	s3 =	stileid.u32;
	s21 =	srdreg.scid;
	s19 =	simm.s32 $0x3  }
0x4: {  	s20 =	simm.s32 $0x1400;
	s28 =	simm.s32 $0x2700;
	s29 =	simm.s32 $0x2780  }
0x5: {  	s30 =	simm.s32 $0x0;
	[smem:$0x7FF] =	sst s1;
	s6 =	smul.u32 $0x2800, s3  }
0x6: {  	s1 =	sand.u32 $0x1, s21;
	s15 =	sadd.s32 $0x86E00, s0;
	s8 =	smul.u32 $0x50000, s3  }
0x7: {  	s16 =	sadd.s32 $0x4E00, s0;
	s4 =	sadd.s32 $0x36E00, s0;
	s10 =	smul.u32 $0x5000, s3  }
0x8: {  	s5 =	sadd.s32 $0x90E00, s0;
	s26 =	sshll.u32 s3, $0x6;
	s11 =	smul.u32 $0xA00, s3  }
0x9: {  	s21 =	simm.s32 $0x7D;
	_ =	strace $0x8000004D;
	s7 =	smul.u32 $0x28000, s1  }
0xa: {  	s22 =	ssub.s32 $0x2, s1;
	p0 =	seq.s32 s1, $0x1;
	s9 =	sadd.s32 s6, s0  }
0xb: {  	s23 =	sshrl.u32 s22, $0x1;
	s8 =	sshrl.u32 s8, $0x2;
	s31 =	sshrl.u32 s10, $0x3  }
0xc: {  	s10 =	sadd.s32 s16, s11;
	s6 =	sadd.s32 s6, s7;
	s18 =	ssub.s32 s22, s23  }
0xd: {  	s24 =	sadd.s32 s8, s2;
	s25 =	sadd.s32 $0xEE00, s9;
	s8 =	sor.u32 $0x1C03, s26  }
0xe: {  	s9 =	sadd.s32 s15, s11;
	s12 =	sadd.s32 $0x280, s31;
	s14 =	sadd.s32 $0x500, s31  }
0xf: {  	s1 =	sadd.s32 $0x780, s31;
	s22 =	simm.s32 $0x2800;
	s23 =	simm.s32 $0x6800  }
.Ltmp0:
0x10: {  	s26 =	simm.s32 $0x1380;
	[dreg:$0x3] =	wrdreg s24;
	(pc) =	sbr.rel .LBB2_1-.Ltmp0, $4  }
0x11: {  	s0 =	sadd.s32 s6, s0;
	[dreg:$0x4] =	wrdreg s25;
	s11 =	sadd.s32 s15, s12  }
0x12: {  	s12 =	sadd.s32 s16, s12;
	s13 =	sadd.s32 s15, s14;
	s14 =	sadd.s32 s16, s14  }
0x13: {  	s15 =	sadd.s32 s15, s1;
	s16 =	sadd.s32 s16, s1;
	s18 =	smax.u32 s18, $0x1  }
0x14: {  	s24 =	simm.s32 $0x1;
	s25 =	simm.s32 $0x2;
	s17 =	sadd.s32 $0xB8E00, s0  }
.LBB2_19:
0x15: {  	s1 =	sadd.s32 $0x80, s0;
	[sflag:s19] =	ssyncadd.s32 $0xFFFFC180  }
0x16: {  	[tilespmem:s23], [sflag:$0x2] =	stream.indirect.gather [hbm4b:s5+s21], $0x80, s1, s21, $0xb8;
	[tilespmem:$0x1E800] =	vst v63  }
0x17: {  	_ =	swait.ge [sflag:s24], $0x3E80  }
0x18: {  	[sflag:s24] =	ssyncset.done $0x0  }
0x19: {  	s3 =	sadd.s32 $0x1400, s0;
	[sflag:s24] =	ssyncadd.s32 $0xFFFFC180  }
0x1a: {  	[spmem:s2] =	stream.indirect.scatter.add.f32 [tilespmem:s22], [sflag:$0x3], $0x80, s3, s21, $0xb8;
	[tilespmem:$0x1E800] =	vst v63  }
0x1b: {  	_ =	swait.ge [sflag:s19], $0x3E80  }
0x1c: {  	[sflag:s19] =	ssyncset.done $0x0  }
0x1d: {  	s6 =	sadd.s32 $0x100, s0;
	[sflag:s19] =	ssyncadd.s32 $0xFFFFC180  }
0x1e: {  	[tilespmem:s22], [sflag:$0x1] =	stream.indirect.gather [hbm4b:s5+s21], $0x80, s6, s21, $0xb8;
	[tilespmem:$0x1E800] =	vst v63  }
0x1f: {  	_ =	swait.ge [sflag:s25], $0x3E80  }
0x20: {  	[sflag:s25] =	ssyncset.done $0x0  }
0x21: {  	s7 =	sadd.s32 $0x1480, s0;
	[sflag:s25] =	ssyncadd.s32 $0xFFFFC180  }
0x22: {  	[spmem:s2] =	stream.indirect.scatter.add.f32 [tilespmem:s23], [sflag:$0x3], $0x80, s7, s21, $0xb8;
	[tilespmem:$0x1E800] =	vst v63  }
0x23: {  	_ =	swait.ge [sflag:s19], $0x3E80  }
0x24: {  	[sflag:s19] =	ssyncset.done $0x0  }
0x25: {  	[sflag:s19] =	ssyncadd.s32 $0xFFFFC180  }
0x26: {  	[tilespmem:s23], [sflag:$0x2] =	stream.indirect.gather [hbm4b:s5+s21], $0x80, s26, s21, $0xb8;
	[tilespmem:$0x1E800] =	vst v63  }
.LBB2_20:
0x27: {  	_ =	swait.ge [sflag:s24], $0x3E80  }
0x28: {  	[sflag:s24] =	ssyncset.done $0x0  }
0x29: {  	[sflag:s24] =	ssyncadd.s32 $0xFFFFC180  }
0x2a: {  	[spmem:s2] =	stream.indirect.scatter.add.f32 [tilespmem:s22], [sflag:$0x3], $0x80, s28, s21, $0xb8;
	[tilespmem:$0x1E800] =	vst v63  }
0x2b: {  	_ =	swait.ge [sflag:s19], $0x3E80  }
0x2c: {  	[sflag:s19] =	ssyncset.done $0x0  }
0x2d: {  	[sflag:s19] =	ssyncadd.s32 $0xFFFFC180  }
0x2e: {  	_ =	swait.ge [sflag:s25], $0x3E80  }
0x2f: {  	[sflag:s25] =	ssyncset.done $0x0  }
0x30: {  	[sflag:s25] =	ssyncadd.s32 $0xFFFFC180  }
0x31: {  	[spmem:s2] =	stream.indirect.scatter.add.f32 [tilespmem:s23], [sflag:$0x3], $0x80, s29, s21, $0xb8;
	[tilespmem:$0x1E800] =	vst v63  }
0x32: {  	_ =	swait.ge [sflag:s19], $0x3E80  }
0x33: {  	s30 =	sadd.s32 $0x1, s30;
	[sflag:s19] =	ssyncset.done $0x0  }
0x34: {  	p1 =	sne.s32 s30, s18;
	[sflag:s19] =	ssyncadd.s32 $0xFFFFC180  }
.Ltmp1:
0x35: {  	[bflag:$0x0] =	sbarrier.arrive $0xFFFF;
	(pc) =	sbr.rel @!p1 .LBB2_21-.Ltmp1, $4  }
0x36: {  	[hbm:s17], [sflag:s8] =	dma.local [spmem:s31], $0x2800  }
0x37: {  	_ =	swait.ge [sflag:s19], $0x2800  }
0x38: {  	[sflag:s19] =	ssyncset.done $0x0  }
0x39: {  	[sflag:s19] =	ssyncadd.s32 $0xFFFFD800  }
.LBB2_1:
0x3a: {  	s0 =	rddreg [dreg:$0x3]  }
0x3b: {  	s6 =	rddreg [dreg:$0x4];
	s31 =	sshrl.u32 s0, $0x3  }
0x3c: {  	[spmem:s31], [sflag:s8] =	dma.local [hbm:s6], $0x2800  }
0x3d: {  	_ =	swait.ge [sflag:s19], $0x2800  }
0x3e: {  	[sflag:s19] =	ssyncset.done $0x0  }
0x3f: {  	[sflag:s19] =	ssyncadd.s32 $0xFFFFD800  }
0x40: {  	s7 =	simm.s32 $0x0;
	[bflag:$0x0] =	sbarrier.arrive $0xFFFF  }
0x41: {  	[tilespmem:s7], [sflag:$0x3] =	stream.linear.gather [hbm4b:s9+s7], $0x1400, $0x38;
	[tilespmem:$0x1E800] =	vst v63  }
0x42: {  	_ =	swait.ge [sflag:s19], $0x1400  }
0x43: {  	[sflag:s19] =	ssyncset.done $0x0  }
.Ltmp2:
0x44: {  	[sflag:s19] =	ssyncadd.s32 $0xFFFFEC00;
	(pc) =	sbr.rel @!p0 .LBB2_2-.Ltmp2, $4  }
0x45: {  	[tilespmem:s20], [sflag:$0x3] =	stream.linear.gather [hbm4b:s10+s7], $0x1400, $0x38;
	[tilespmem:$0x1E800] =	vst v63  }
0x46: {  	_ =	swait.ge [sflag:s19], $0x1400  }
0x47: {  	[sflag:s19] =	ssyncset.done $0x0  }
0x48: {  	s0 =	simm.s32 $0x0;
	[sflag:s19] =	ssyncadd.s32 $0xFFFFEC00  }
0x49: {  	[tilespmem:s22], [sflag:$0x1] =	stream.indirect.gather [hbm4b:s5+s21], $0x80, s0, s21, $0xb8;
	[tilespmem:$0x1E800] =	vst v63  }
0x4a: {  	s1 =	simm.s32 $0x80  }
0x4b: {  	[tilespmem:s23], [sflag:$0x2] =	stream.indirect.gather [hbm4b:s5+s21], $0x80, s1, s21, $0xb8;
	[tilespmem:$0x1E800] =	vst v63  }
0x4c: {  	_ =	swait.ge [sflag:s24], $0x3E80  }
0x4d: {  	[sflag:s24] =	ssyncset.done $0x0  }
0x4e: {  	s3 =	simm.s32 $0x1400;
	[sflag:s24] =	ssyncadd.s32 $0xFFFFC180  }
0x4f: {  	[spmem:s2] =	stream.indirect.scatter.add.f32 [tilespmem:s22], [sflag:$0x3], $0x80, s3, s21, $0xb8;
	[tilespmem:$0x1E800] =	vst v63  }
0x50: {  	_ =	swait.ge [sflag:s19], $0x3E80  }
0x51: {  	[sflag:s19] =	ssyncset.done $0x0  }
0x52: {  	s6 =	simm.s32 $0x100;
	[sflag:s19] =	ssyncadd.s32 $0xFFFFC180  }
0x53: {  	[tilespmem:s22], [sflag:$0x1] =	stream.indirect.gather [hbm4b:s5+s21], $0x80, s6, s21, $0xb8;
	[tilespmem:$0x1E800] =	vst v63  }
0x54: {  	_ =	swait.ge [sflag:s25], $0x3E80  }
0x55: {  	[sflag:s25] =	ssyncset.done $0x0  }
0x56: {  	s7 =	simm.s32 $0x1480;
	[sflag:s25] =	ssyncadd.s32 $0xFFFFC180  }
0x57: {  	[spmem:s2] =	stream.indirect.scatter.add.f32 [tilespmem:s23], [sflag:$0x3], $0x80, s7, s21, $0xb8;
	[tilespmem:$0x1E800] =	vst v63  }
0x58: {  	_ =	swait.ge [sflag:s19], $0x3E80  }
0x59: {  	s0 =	simm.s32 $0x100;
	s1 =	simm.s32 $0x800;
	[sflag:s19] =	ssyncset.done $0x0  }
.LBB2_12:
0x5a: {  	s3 =	sadd.s32 $0x80, s0  }
0x5b: {  	[sflag:s19] =	ssyncadd.s32 $0xFFFFC180;
	s6 =	smov.u32 s1;
	s7 =	sadd.s32 $0x400, s1  }
0x5c: {  	[tilespmem:s23], [sflag:$0x2] =	stream.indirect.gather [hbm4b:s5+s21], $0x80, s3, s21, $0xb8;
	[tilespmem:$0x1E800] =	vst v63  }
0x5d: {  	p1 =	sne.s32 s1, $0x4800;
	_ =	swait.ge [sflag:s24], $0x3E80  }
0x5e: {  	[sflag:s24] =	ssyncset.done $0x0  }
0x5f: {  	s1 =	sadd.s32 $0x1400, s0;
	[sflag:s24] =	ssyncadd.s32 $0xFFFFC180  }
0x60: {  	[spmem:s2] =	stream.indirect.scatter.add.f32 [tilespmem:s22], [sflag:$0x3], $0x80, s1, s21, $0xb8;
	[tilespmem:$0x1E800] =	vst v63  }
0x61: {  	_ =	swait.ge [sflag:s19], $0x3E80  }
0x62: {  	[sflag:s19] =	ssyncset.done $0x0  }
0x63: {  	s1 =	sadd.s32 $0x100, s0;
	[sflag:s19] =	ssyncadd.s32 $0xFFFFC180  }
0x64: {  	[tilespmem:s22], [sflag:$0x1] =	stream.indirect.gather [hbm4b:s5+s21], $0x80, s1, s21, $0xb8;
	[tilespmem:$0x1E800] =	vst v63  }
0x65: {  	_ =	swait.ge [sflag:s25], $0x3E80  }
.Ltmp3:
0x66: {  	[sflag:s25] =	ssyncset.done $0x0;
	(pc) =	sbr.rel @p1 .LBB2_12-.Ltmp3, $4  }
0x67: {  	s0 =	sadd.s32 $0x1480, s0;
	[sflag:s25] =	ssyncadd.s32 $0xFFFFC180  }
0x68: {  	[spmem:s2] =	stream.indirect.scatter.add.f32 [tilespmem:s23], [sflag:$0x3], $0x80, s0, s21, $0xb8;
	[tilespmem:$0x1E800] =	vst v63  }
0x69: {  	_ =	swait.ge [sflag:s19], $0x3E80  }
0x6a: {  	s1 =	smov.u32 s7;
	s0 =	sshra.s32 s6, $0x2;
	[sflag:s19] =	ssyncset.done $0x0  }
0x6b: {  	s1 =	sadd.s32 $0x80, s0;
	[sflag:s19] =	ssyncadd.s32 $0xFFFFC180  }
0x6c: {  	[tilespmem:s23], [sflag:$0x2] =	stream.indirect.gather [hbm4b:s5+s21], $0x80, s1, s21, $0xb8;
	[tilespmem:$0x1E800] =	vst v63  }
0x6d: {  	_ =	swait.ge [sflag:s24], $0x3E80  }
0x6e: {  	[sflag:s24] =	ssyncset.done $0x0  }
0x6f: {  	s7 =	sadd.s32 $0x1400, s0;
	[sflag:s24] =	ssyncadd.s32 $0xFFFFC180  }
0x70: {  	[spmem:s2] =	stream.indirect.scatter.add.f32 [tilespmem:s22], [sflag:$0x3], $0x80, s7, s21, $0xb8;
	[tilespmem:$0x1E800] =	vst v63  }
0x71: {  	_ =	swait.ge [sflag:s19], $0x3E80  }
0x72: {  	[sflag:s19] =	ssyncset.done $0x0  }
0x73: {  	s3 =	sadd.s32 $0x100, s0;
	[sflag:s19] =	ssyncadd.s32 $0xFFFFC180  }
0x74: {  	[tilespmem:s22], [sflag:$0x1] =	stream.indirect.gather [hbm4b:s5+s21], $0x80, s3, s21, $0xb8;
	[tilespmem:$0x1E800] =	vst v63  }
0x75: {  	_ =	swait.ge [sflag:s25], $0x3E80  }
0x76: {  	[sflag:s25] =	ssyncset.done $0x0  }
0x77: {  	s6 =	sadd.s32 $0x1480, s0;
	[sflag:s25] =	ssyncadd.s32 $0xFFFFC180  }
0x78: {  	[spmem:s2] =	stream.indirect.scatter.add.f32 [tilespmem:s23], [sflag:$0x3], $0x80, s6, s21, $0xb8;
	[tilespmem:$0x1E800] =	vst v63  }
0x79: {  	_ =	swait.ge [sflag:s19], $0x3E80  }
0x7a: {  	[sflag:s19] =	ssyncset.done $0x0  }
0x7b: {  	[sflag:s19] =	ssyncadd.s32 $0xFFFFC180  }
0x7c: {  	[tilespmem:s23], [sflag:$0x2] =	stream.indirect.gather [hbm4b:s5+s21], $0x80, s26, s21, $0xb8;
	[tilespmem:$0x1E800] =	vst v63  }
0x7d: {  	_ =	swait.ge [sflag:s24], $0x3E80  }
0x7e: {  	[sflag:s24] =	ssyncset.done $0x0  }
0x7f: {  	[sflag:s24] =	ssyncadd.s32 $0xFFFFC180  }
0x80: {  	[spmem:s2] =	stream.indirect.scatter.add.f32 [tilespmem:s22], [sflag:$0x3], $0x80, s28, s21, $0xb8;
	[tilespmem:$0x1E800] =	vst v63  }
0x81: {  	_ =	swait.ge [sflag:s19], $0x3E80  }
0x82: {  	[sflag:s19] =	ssyncset.done $0x0  }
0x83: {  	[sflag:s19] =	ssyncadd.s32 $0xFFFFC180  }
0x84: {  	_ =	swait.ge [sflag:s25], $0x3E80  }
0x85: {  	[sflag:s25] =	ssyncset.done $0x0  }
0x86: {  	[sflag:s25] =	ssyncadd.s32 $0xFFFFC180  }
0x87: {  	[spmem:s2] =	stream.indirect.scatter.add.f32 [tilespmem:s23], [sflag:$0x3], $0x80, s29, s21, $0xb8;
	[tilespmem:$0x1E800] =	vst v63  }
0x88: {  	_ =	swait.ge [sflag:s19], $0x3E80  }
0x89: {  	[sflag:s19] =	ssyncset.done $0x0  }
0x8a: {  	s7 =	simm.s32 $0x0;
	[sflag:s19] =	ssyncadd.s32 $0xFFFFC180  }
0x8b: {  	[tilespmem:s7], [sflag:$0x3] =	stream.linear.gather [hbm4b:s11+s7], $0x1400, $0x38;
	[tilespmem:$0x1E800] =	vst v63  }
0x8c: {  	_ =	swait.ge [sflag:s19], $0x1400  }
0x8d: {  	[sflag:s19] =	ssyncset.done $0x0  }
0x8e: {  	[sflag:s19] =	ssyncadd.s32 $0xFFFFEC00  }
0x8f: {  	[tilespmem:s20], [sflag:$0x3] =	stream.linear.gather [hbm4b:s12+s7], $0x1400, $0x38;
	[tilespmem:$0x1E800] =	vst v63  }
0x90: {  	_ =	swait.ge [sflag:s19], $0x1400  }
0x91: {  	[sflag:s19] =	ssyncset.done $0x0  }
0x92: {  	[sflag:s19] =	ssyncadd.s32 $0xFFFFEC00  }
0x93: {  	[tilespmem:s22], [sflag:$0x1] =	stream.indirect.gather [hbm4b:s5+s21], $0x80, s7, s21, $0xb8;
	[tilespmem:$0x1E800] =	vst v63  }
0x94: {  	s1 =	simm.s32 $0x80  }
0x95: {  	[tilespmem:s23], [sflag:$0x2] =	stream.indirect.gather [hbm4b:s5+s21], $0x80, s1, s21, $0xb8;
	[tilespmem:$0x1E800] =	vst v63  }
0x96: {  	_ =	swait.ge [sflag:s24], $0x3E80  }
0x97: {  	[sflag:s24] =	ssyncset.done $0x0  }
0x98: {  	s3 =	simm.s32 $0x1400;
	[sflag:s24] =	ssyncadd.s32 $0xFFFFC180  }
0x99: {  	[spmem:s2] =	stream.indirect.scatter.add.f32 [tilespmem:s22], [sflag:$0x3], $0x80, s3, s21, $0xb8;
	[tilespmem:$0x1E800] =	vst v63  }
0x9a: {  	_ =	swait.ge [sflag:s19], $0x3E80  }
0x9b: {  	[sflag:s19] =	ssyncset.done $0x0  }
0x9c: {  	s6 =	simm.s32 $0x100;
	[sflag:s19] =	ssyncadd.s32 $0xFFFFC180  }
0x9d: {  	[tilespmem:s22], [sflag:$0x1] =	stream.indirect.gather [hbm4b:s5+s21], $0x80, s6, s21, $0xb8;
	[tilespmem:$0x1E800] =	vst v63  }
0x9e: {  	_ =	swait.ge [sflag:s25], $0x3E80  }
0x9f: {  	[sflag:s25] =	ssyncset.done $0x0  }
0xa0: {  	s7 =	simm.s32 $0x1480;
	[sflag:s25] =	ssyncadd.s32 $0xFFFFC180  }
0xa1: {  	[spmem:s2] =	stream.indirect.scatter.add.f32 [tilespmem:s23], [sflag:$0x3], $0x80, s7, s21, $0xb8;
	[tilespmem:$0x1E800] =	vst v63  }
0xa2: {  	_ =	swait.ge [sflag:s19], $0x3E80  }
0xa3: {  	s0 =	simm.s32 $0x100;
	s1 =	simm.s32 $0x800;
	[sflag:s19] =	ssyncset.done $0x0  }
.LBB2_14:
0xa4: {  	s3 =	sadd.s32 $0x80, s0  }
0xa5: {  	[sflag:s19] =	ssyncadd.s32 $0xFFFFC180;
	s6 =	smov.u32 s1;
	s7 =	sadd.s32 $0x400, s1  }
0xa6: {  	[tilespmem:s23], [sflag:$0x2] =	stream.indirect.gather [hbm4b:s5+s21], $0x80, s3, s21, $0xb8;
	[tilespmem:$0x1E800] =	vst v63  }
0xa7: {  	p1 =	sne.s32 s1, $0x4800;
	_ =	swait.ge [sflag:s24], $0x3E80  }
0xa8: {  	[sflag:s24] =	ssyncset.done $0x0  }
0xa9: {  	s1 =	sadd.s32 $0x1400, s0;
	[sflag:s24] =	ssyncadd.s32 $0xFFFFC180  }
0xaa: {  	[spmem:s2] =	stream.indirect.scatter.add.f32 [tilespmem:s22], [sflag:$0x3], $0x80, s1, s21, $0xb8;
	[tilespmem:$0x1E800] =	vst v63  }
0xab: {  	_ =	swait.ge [sflag:s19], $0x3E80  }
0xac: {  	[sflag:s19] =	ssyncset.done $0x0  }
0xad: {  	s1 =	sadd.s32 $0x100, s0;
	[sflag:s19] =	ssyncadd.s32 $0xFFFFC180  }
0xae: {  	[tilespmem:s22], [sflag:$0x1] =	stream.indirect.gather [hbm4b:s5+s21], $0x80, s1, s21, $0xb8;
	[tilespmem:$0x1E800] =	vst v63  }
0xaf: {  	_ =	swait.ge [sflag:s25], $0x3E80  }
.Ltmp4:
0xb0: {  	[sflag:s25] =	ssyncset.done $0x0;
	(pc) =	sbr.rel @p1 .LBB2_14-.Ltmp4, $4  }
0xb1: {  	s0 =	sadd.s32 $0x1480, s0;
	[sflag:s25] =	ssyncadd.s32 $0xFFFFC180  }
0xb2: {  	[spmem:s2] =	stream.indirect.scatter.add.f32 [tilespmem:s23], [sflag:$0x3], $0x80, s0, s21, $0xb8;
	[tilespmem:$0x1E800] =	vst v63  }
0xb3: {  	_ =	swait.ge [sflag:s19], $0x3E80  }
0xb4: {  	s1 =	smov.u32 s7;
	s0 =	sshra.s32 s6, $0x2;
	[sflag:s19] =	ssyncset.done $0x0  }
0xb5: {  	s1 =	sadd.s32 $0x80, s0;
	[sflag:s19] =	ssyncadd.s32 $0xFFFFC180  }
0xb6: {  	[tilespmem:s23], [sflag:$0x2] =	stream.indirect.gather [hbm4b:s5+s21], $0x80, s1, s21, $0xb8;
	[tilespmem:$0x1E800] =	vst v63  }
0xb7: {  	_ =	swait.ge [sflag:s24], $0x3E80  }
0xb8: {  	[sflag:s24] =	ssyncset.done $0x0  }
0xb9: {  	s7 =	sadd.s32 $0x1400, s0;
	[sflag:s24] =	ssyncadd.s32 $0xFFFFC180  }
0xba: {  	[spmem:s2] =	stream.indirect.scatter.add.f32 [tilespmem:s22], [sflag:$0x3], $0x80, s7, s21, $0xb8;
	[tilespmem:$0x1E800] =	vst v63  }
0xbb: {  	_ =	swait.ge [sflag:s19], $0x3E80  }
0xbc: {  	[sflag:s19] =	ssyncset.done $0x0  }
0xbd: {  	s3 =	sadd.s32 $0x100, s0;
	[sflag:s19] =	ssyncadd.s32 $0xFFFFC180  }
0xbe: {  	[tilespmem:s22], [sflag:$0x1] =	stream.indirect.gather [hbm4b:s5+s21], $0x80, s3, s21, $0xb8;
	[tilespmem:$0x1E800] =	vst v63  }
0xbf: {  	_ =	swait.ge [sflag:s25], $0x3E80  }
0xc0: {  	[sflag:s25] =	ssyncset.done $0x0  }
0xc1: {  	s6 =	sadd.s32 $0x1480, s0;
	[sflag:s25] =	ssyncadd.s32 $0xFFFFC180  }
0xc2: {  	[spmem:s2] =	stream.indirect.scatter.add.f32 [tilespmem:s23], [sflag:$0x3], $0x80, s6, s21, $0xb8;
	[tilespmem:$0x1E800] =	vst v63  }
0xc3: {  	_ =	swait.ge [sflag:s19], $0x3E80  }
0xc4: {  	[sflag:s19] =	ssyncset.done $0x0  }
0xc5: {  	[sflag:s19] =	ssyncadd.s32 $0xFFFFC180  }
0xc6: {  	[tilespmem:s23], [sflag:$0x2] =	stream.indirect.gather [hbm4b:s5+s21], $0x80, s26, s21, $0xb8;
	[tilespmem:$0x1E800] =	vst v63  }
0xc7: {  	_ =	swait.ge [sflag:s24], $0x3E80  }
0xc8: {  	[sflag:s24] =	ssyncset.done $0x0  }
0xc9: {  	[sflag:s24] =	ssyncadd.s32 $0xFFFFC180  }
0xca: {  	[spmem:s2] =	stream.indirect.scatter.add.f32 [tilespmem:s22], [sflag:$0x3], $0x80, s28, s21, $0xb8;
	[tilespmem:$0x1E800] =	vst v63  }
0xcb: {  	_ =	swait.ge [sflag:s19], $0x3E80  }
0xcc: {  	[sflag:s19] =	ssyncset.done $0x0  }
0xcd: {  	[sflag:s19] =	ssyncadd.s32 $0xFFFFC180  }
0xce: {  	_ =	swait.ge [sflag:s25], $0x3E80  }
0xcf: {  	[sflag:s25] =	ssyncset.done $0x0  }
0xd0: {  	[sflag:s25] =	ssyncadd.s32 $0xFFFFC180  }
0xd1: {  	[spmem:s2] =	stream.indirect.scatter.add.f32 [tilespmem:s23], [sflag:$0x3], $0x80, s29, s21, $0xb8;
	[tilespmem:$0x1E800] =	vst v63  }
0xd2: {  	_ =	swait.ge [sflag:s19], $0x3E80  }
0xd3: {  	[sflag:s19] =	ssyncset.done $0x0  }
0xd4: {  	s7 =	simm.s32 $0x0;
	[sflag:s19] =	ssyncadd.s32 $0xFFFFC180  }
0xd5: {  	[tilespmem:s7], [sflag:$0x3] =	stream.linear.gather [hbm4b:s13+s7], $0x1400, $0x38;
	[tilespmem:$0x1E800] =	vst v63  }
0xd6: {  	_ =	swait.ge [sflag:s19], $0x1400  }
0xd7: {  	[sflag:s19] =	ssyncset.done $0x0  }
0xd8: {  	[sflag:s19] =	ssyncadd.s32 $0xFFFFEC00  }
0xd9: {  	[tilespmem:s20], [sflag:$0x3] =	stream.linear.gather [hbm4b:s14+s7], $0x1400, $0x38;
	[tilespmem:$0x1E800] =	vst v63  }
0xda: {  	_ =	swait.ge [sflag:s19], $0x1400  }
0xdb: {  	[sflag:s19] =	ssyncset.done $0x0  }
0xdc: {  	[sflag:s19] =	ssyncadd.s32 $0xFFFFEC00  }
0xdd: {  	[tilespmem:s22], [sflag:$0x1] =	stream.indirect.gather [hbm4b:s5+s21], $0x80, s7, s21, $0xb8;
	[tilespmem:$0x1E800] =	vst v63  }
0xde: {  	s1 =	simm.s32 $0x80  }
0xdf: {  	[tilespmem:s23], [sflag:$0x2] =	stream.indirect.gather [hbm4b:s5+s21], $0x80, s1, s21, $0xb8;
	[tilespmem:$0x1E800] =	vst v63  }
0xe0: {  	_ =	swait.ge [sflag:s24], $0x3E80  }
0xe1: {  	[sflag:s24] =	ssyncset.done $0x0  }
0xe2: {  	s3 =	simm.s32 $0x1400;
	[sflag:s24] =	ssyncadd.s32 $0xFFFFC180  }
0xe3: {  	[spmem:s2] =	stream.indirect.scatter.add.f32 [tilespmem:s22], [sflag:$0x3], $0x80, s3, s21, $0xb8;
	[tilespmem:$0x1E800] =	vst v63  }
0xe4: {  	_ =	swait.ge [sflag:s19], $0x3E80  }
0xe5: {  	[sflag:s19] =	ssyncset.done $0x0  }
0xe6: {  	s6 =	simm.s32 $0x100;
	[sflag:s19] =	ssyncadd.s32 $0xFFFFC180  }
0xe7: {  	[tilespmem:s22], [sflag:$0x1] =	stream.indirect.gather [hbm4b:s5+s21], $0x80, s6, s21, $0xb8;
	[tilespmem:$0x1E800] =	vst v63  }
0xe8: {  	_ =	swait.ge [sflag:s25], $0x3E80  }
0xe9: {  	[sflag:s25] =	ssyncset.done $0x0  }
0xea: {  	s7 =	simm.s32 $0x1480;
	[sflag:s25] =	ssyncadd.s32 $0xFFFFC180  }
0xeb: {  	[spmem:s2] =	stream.indirect.scatter.add.f32 [tilespmem:s23], [sflag:$0x3], $0x80, s7, s21, $0xb8;
	[tilespmem:$0x1E800] =	vst v63  }
0xec: {  	_ =	swait.ge [sflag:s19], $0x3E80  }
0xed: {  	s0 =	simm.s32 $0x100;
	s1 =	simm.s32 $0x800;
	[sflag:s19] =	ssyncset.done $0x0  }
.LBB2_16:
0xee: {  	s3 =	sadd.s32 $0x80, s0  }
0xef: {  	[sflag:s19] =	ssyncadd.s32 $0xFFFFC180;
	s6 =	smov.u32 s1;
	s7 =	sadd.s32 $0x400, s1  }
0xf0: {  	[tilespmem:s23], [sflag:$0x2] =	stream.indirect.gather [hbm4b:s5+s21], $0x80, s3, s21, $0xb8;
	[tilespmem:$0x1E800] =	vst v63  }
0xf1: {  	p1 =	sne.s32 s1, $0x4800;
	_ =	swait.ge [sflag:s24], $0x3E80  }
0xf2: {  	[sflag:s24] =	ssyncset.done $0x0  }
0xf3: {  	s1 =	sadd.s32 $0x1400, s0;
	[sflag:s24] =	ssyncadd.s32 $0xFFFFC180  }
0xf4: {  	[spmem:s2] =	stream.indirect.scatter.add.f32 [tilespmem:s22], [sflag:$0x3], $0x80, s1, s21, $0xb8;
	[tilespmem:$0x1E800] =	vst v63  }
0xf5: {  	_ =	swait.ge [sflag:s19], $0x3E80  }
0xf6: {  	[sflag:s19] =	ssyncset.done $0x0  }
0xf7: {  	s1 =	sadd.s32 $0x100, s0;
	[sflag:s19] =	ssyncadd.s32 $0xFFFFC180  }
0xf8: {  	[tilespmem:s22], [sflag:$0x1] =	stream.indirect.gather [hbm4b:s5+s21], $0x80, s1, s21, $0xb8;
	[tilespmem:$0x1E800] =	vst v63  }
0xf9: {  	_ =	swait.ge [sflag:s25], $0x3E80  }
.Ltmp5:
0xfa: {  	[sflag:s25] =	ssyncset.done $0x0;
	(pc) =	sbr.rel @p1 .LBB2_16-.Ltmp5, $4  }
0xfb: {  	s0 =	sadd.s32 $0x1480, s0;
	[sflag:s25] =	ssyncadd.s32 $0xFFFFC180  }
0xfc: {  	[spmem:s2] =	stream.indirect.scatter.add.f32 [tilespmem:s23], [sflag:$0x3], $0x80, s0, s21, $0xb8;
	[tilespmem:$0x1E800] =	vst v63  }
0xfd: {  	_ =	swait.ge [sflag:s19], $0x3E80  }
0xfe: {  	s1 =	smov.u32 s7;
	s0 =	sshra.s32 s6, $0x2;
	[sflag:s19] =	ssyncset.done $0x0  }
0xff: {  	s1 =	sadd.s32 $0x80, s0;
	[sflag:s19] =	ssyncadd.s32 $0xFFFFC180  }
0x100: {  	[tilespmem:s23], [sflag:$0x2] =	stream.indirect.gather [hbm4b:s5+s21], $0x80, s1, s21, $0xb8;
	[tilespmem:$0x1E800] =	vst v63  }
0x101: {  	_ =	swait.ge [sflag:s24], $0x3E80  }
0x102: {  	[sflag:s24] =	ssyncset.done $0x0  }
0x103: {  	s7 =	sadd.s32 $0x1400, s0;
	[sflag:s24] =	ssyncadd.s32 $0xFFFFC180  }
0x104: {  	[spmem:s2] =	stream.indirect.scatter.add.f32 [tilespmem:s22], [sflag:$0x3], $0x80, s7, s21, $0xb8;
	[tilespmem:$0x1E800] =	vst v63  }
0x105: {  	_ =	swait.ge [sflag:s19], $0x3E80  }
0x106: {  	[sflag:s19] =	ssyncset.done $0x0  }
0x107: {  	s3 =	sadd.s32 $0x100, s0;
	[sflag:s19] =	ssyncadd.s32 $0xFFFFC180  }
0x108: {  	[tilespmem:s22], [sflag:$0x1] =	stream.indirect.gather [hbm4b:s5+s21], $0x80, s3, s21, $0xb8;
	[tilespmem:$0x1E800] =	vst v63  }
0x109: {  	_ =	swait.ge [sflag:s25], $0x3E80  }
0x10a: {  	[sflag:s25] =	ssyncset.done $0x0  }
0x10b: {  	s6 =	sadd.s32 $0x1480, s0;
	[sflag:s25] =	ssyncadd.s32 $0xFFFFC180  }
0x10c: {  	[spmem:s2] =	stream.indirect.scatter.add.f32 [tilespmem:s23], [sflag:$0x3], $0x80, s6, s21, $0xb8;
	[tilespmem:$0x1E800] =	vst v63  }
0x10d: {  	_ =	swait.ge [sflag:s19], $0x3E80  }
0x10e: {  	[sflag:s19] =	ssyncset.done $0x0  }
0x10f: {  	[sflag:s19] =	ssyncadd.s32 $0xFFFFC180  }
0x110: {  	[tilespmem:s23], [sflag:$0x2] =	stream.indirect.gather [hbm4b:s5+s21], $0x80, s26, s21, $0xb8;
	[tilespmem:$0x1E800] =	vst v63  }
0x111: {  	_ =	swait.ge [sflag:s24], $0x3E80  }
0x112: {  	[sflag:s24] =	ssyncset.done $0x0  }
0x113: {  	[sflag:s24] =	ssyncadd.s32 $0xFFFFC180  }
0x114: {  	[spmem:s2] =	stream.indirect.scatter.add.f32 [tilespmem:s22], [sflag:$0x3], $0x80, s28, s21, $0xb8;
	[tilespmem:$0x1E800] =	vst v63  }
0x115: {  	_ =	swait.ge [sflag:s19], $0x3E80  }
0x116: {  	[sflag:s19] =	ssyncset.done $0x0  }
0x117: {  	[sflag:s19] =	ssyncadd.s32 $0xFFFFC180  }
0x118: {  	_ =	swait.ge [sflag:s25], $0x3E80  }
0x119: {  	[sflag:s25] =	ssyncset.done $0x0  }
0x11a: {  	[sflag:s25] =	ssyncadd.s32 $0xFFFFC180  }
0x11b: {  	[spmem:s2] =	stream.indirect.scatter.add.f32 [tilespmem:s23], [sflag:$0x3], $0x80, s29, s21, $0xb8;
	[tilespmem:$0x1E800] =	vst v63  }
0x11c: {  	_ =	swait.ge [sflag:s19], $0x3E80  }
0x11d: {  	[sflag:s19] =	ssyncset.done $0x0  }
0x11e: {  	s7 =	simm.s32 $0x0;
	[sflag:s19] =	ssyncadd.s32 $0xFFFFC180  }
0x11f: {  	[tilespmem:s7], [sflag:$0x3] =	stream.linear.gather [hbm4b:s15+s7], $0x1400, $0x38;
	[tilespmem:$0x1E800] =	vst v63  }
0x120: {  	_ =	swait.ge [sflag:s19], $0x1400  }
0x121: {  	[sflag:s19] =	ssyncset.done $0x0  }
0x122: {  	[sflag:s19] =	ssyncadd.s32 $0xFFFFEC00  }
0x123: {  	[tilespmem:s20], [sflag:$0x3] =	stream.linear.gather [hbm4b:s16+s7], $0x1400, $0x38;
	[tilespmem:$0x1E800] =	vst v63  }
0x124: {  	_ =	swait.ge [sflag:s19], $0x1400  }
0x125: {  	[sflag:s19] =	ssyncset.done $0x0  }
0x126: {  	[sflag:s19] =	ssyncadd.s32 $0xFFFFEC00  }
0x127: {  	[tilespmem:s22], [sflag:$0x1] =	stream.indirect.gather [hbm4b:s5+s21], $0x80, s7, s21, $0xb8;
	[tilespmem:$0x1E800] =	vst v63  }
0x128: {  	s1 =	simm.s32 $0x80  }
0x129: {  	[tilespmem:s23], [sflag:$0x2] =	stream.indirect.gather [hbm4b:s5+s21], $0x80, s1, s21, $0xb8;
	[tilespmem:$0x1E800] =	vst v63  }
0x12a: {  	_ =	swait.ge [sflag:s24], $0x3E80  }
0x12b: {  	[sflag:s24] =	ssyncset.done $0x0  }
0x12c: {  	s3 =	simm.s32 $0x1400;
	[sflag:s24] =	ssyncadd.s32 $0xFFFFC180  }
0x12d: {  	[spmem:s2] =	stream.indirect.scatter.add.f32 [tilespmem:s22], [sflag:$0x3], $0x80, s3, s21, $0xb8;
	[tilespmem:$0x1E800] =	vst v63  }
0x12e: {  	_ =	swait.ge [sflag:s19], $0x3E80  }
0x12f: {  	[sflag:s19] =	ssyncset.done $0x0  }
0x130: {  	s6 =	simm.s32 $0x100;
	[sflag:s19] =	ssyncadd.s32 $0xFFFFC180  }
0x131: {  	[tilespmem:s22], [sflag:$0x1] =	stream.indirect.gather [hbm4b:s5+s21], $0x80, s6, s21, $0xb8;
	[tilespmem:$0x1E800] =	vst v63  }
0x132: {  	_ =	swait.ge [sflag:s25], $0x3E80  }
0x133: {  	[sflag:s25] =	ssyncset.done $0x0  }
0x134: {  	s7 =	simm.s32 $0x1480;
	[sflag:s25] =	ssyncadd.s32 $0xFFFFC180  }
0x135: {  	[spmem:s2] =	stream.indirect.scatter.add.f32 [tilespmem:s23], [sflag:$0x3], $0x80, s7, s21, $0xb8;
	[tilespmem:$0x1E800] =	vst v63  }
0x136: {  	_ =	swait.ge [sflag:s19], $0x3E80  }
0x137: {  	s0 =	simm.s32 $0x100;
	s1 =	simm.s32 $0x800;
	[sflag:s19] =	ssyncset.done $0x0  }
.LBB2_18:
0x138: {  	s3 =	sadd.s32 $0x80, s0  }
0x139: {  	[sflag:s19] =	ssyncadd.s32 $0xFFFFC180;
	s6 =	smov.u32 s1;
	s7 =	sadd.s32 $0x400, s1  }
0x13a: {  	[tilespmem:s23], [sflag:$0x2] =	stream.indirect.gather [hbm4b:s5+s21], $0x80, s3, s21, $0xb8;
	[tilespmem:$0x1E800] =	vst v63  }
0x13b: {  	p1 =	sne.s32 s1, $0x4800;
	_ =	swait.ge [sflag:s24], $0x3E80  }
0x13c: {  	[sflag:s24] =	ssyncset.done $0x0  }
0x13d: {  	s1 =	sadd.s32 $0x1400, s0;
	[sflag:s24] =	ssyncadd.s32 $0xFFFFC180  }
0x13e: {  	[spmem:s2] =	stream.indirect.scatter.add.f32 [tilespmem:s22], [sflag:$0x3], $0x80, s1, s21, $0xb8;
	[tilespmem:$0x1E800] =	vst v63  }
0x13f: {  	_ =	swait.ge [sflag:s19], $0x3E80  }
0x140: {  	[sflag:s19] =	ssyncset.done $0x0  }
0x141: {  	s1 =	sadd.s32 $0x100, s0;
	[sflag:s19] =	ssyncadd.s32 $0xFFFFC180  }
0x142: {  	[tilespmem:s22], [sflag:$0x1] =	stream.indirect.gather [hbm4b:s5+s21], $0x80, s1, s21, $0xb8;
	[tilespmem:$0x1E800] =	vst v63  }
0x143: {  	_ =	swait.ge [sflag:s25], $0x3E80  }
.Ltmp6:
0x144: {  	[sflag:s25] =	ssyncset.done $0x0;
	(pc) =	sbr.rel @p1 .LBB2_18-.Ltmp6, $4  }
0x145: {  	s0 =	sadd.s32 $0x1480, s0;
	[sflag:s25] =	ssyncadd.s32 $0xFFFFC180  }
0x146: {  	[spmem:s2] =	stream.indirect.scatter.add.f32 [tilespmem:s23], [sflag:$0x3], $0x80, s0, s21, $0xb8;
	[tilespmem:$0x1E800] =	vst v63  }
0x147: {  	_ =	swait.ge [sflag:s19], $0x3E80  }
0x148: {  	s1 =	smov.u32 s7;
	s0 =	sshra.s32 s6, $0x2;
	[sflag:s19] =	ssyncset.done $0x0  }
.Ltmp7:
0x149: {  	_ = 	snop;
	(pc) =	sbr.rel .LBB2_19-.Ltmp7, $1  }
0x14a: {  	_ =	sdelay $0x3  }
.LBB2_2:
0x14b: {  	[tilespmem:s22], [sflag:$0x1] =	stream.indirect.gather [hbm4b:s4+s21], $0x80, s0, s21, $0xb8;
	[tilespmem:$0x1E800] =	vst v63  }
0x14c: {  	s1 =	simm.s32 $0x80  }
0x14d: {  	[tilespmem:s23], [sflag:$0x2] =	stream.indirect.gather [hbm4b:s4+s21], $0x80, s1, s21, $0xb8;
	[tilespmem:$0x1E800] =	vst v63  }
0x14e: {  	_ =	swait.ge [sflag:s24], $0x3E80  }
0x14f: {  	[sflag:s24] =	ssyncset.done $0x0  }
0x150: {  	s3 =	simm.s32 $0x1400;
	[sflag:s24] =	ssyncadd.s32 $0xFFFFC180  }
0x151: {  	[spmem:s2] =	stream.indirect.scatter.add.f32 [tilespmem:s22], [sflag:$0x3], $0x80, s3, s21, $0xb8;
	[tilespmem:$0x1E800] =	vst v63  }
0x152: {  	_ =	swait.ge [sflag:s19], $0x3E80  }
0x153: {  	[sflag:s19] =	ssyncset.done $0x0  }
0x154: {  	s6 =	simm.s32 $0x100;
	[sflag:s19] =	ssyncadd.s32 $0xFFFFC180  }
0x155: {  	[tilespmem:s22], [sflag:$0x1] =	stream.indirect.gather [hbm4b:s4+s21], $0x80, s6, s21, $0xb8;
	[tilespmem:$0x1E800] =	vst v63  }
0x156: {  	_ =	swait.ge [sflag:s25], $0x3E80  }
0x157: {  	[sflag:s25] =	ssyncset.done $0x0  }
0x158: {  	s7 =	simm.s32 $0x1480;
	[sflag:s25] =	ssyncadd.s32 $0xFFFFC180  }
0x159: {  	[spmem:s2] =	stream.indirect.scatter.add.f32 [tilespmem:s23], [sflag:$0x3], $0x80, s7, s21, $0xb8;
	[tilespmem:$0x1E800] =	vst v63  }
0x15a: {  	_ =	swait.ge [sflag:s19], $0x3E80  }
0x15b: {  	s0 =	simm.s32 $0x100;
	s1 =	simm.s32 $0x800;
	[sflag:s19] =	ssyncset.done $0x0  }
.LBB2_3:
0x15c: {  	s3 =	sadd.s32 $0x80, s0  }
0x15d: {  	[sflag:s19] =	ssyncadd.s32 $0xFFFFC180;
	s6 =	smov.u32 s1;
	s7 =	sadd.s32 $0x400, s1  }
0x15e: {  	[tilespmem:s23], [sflag:$0x2] =	stream.indirect.gather [hbm4b:s4+s21], $0x80, s3, s21, $0xb8;
	[tilespmem:$0x1E800] =	vst v63  }
0x15f: {  	p1 =	sne.s32 s1, $0x4800;
	_ =	swait.ge [sflag:s24], $0x3E80  }
0x160: {  	[sflag:s24] =	ssyncset.done $0x0  }
0x161: {  	s1 =	sadd.s32 $0x1400, s0;
	[sflag:s24] =	ssyncadd.s32 $0xFFFFC180  }
0x162: {  	[spmem:s2] =	stream.indirect.scatter.add.f32 [tilespmem:s22], [sflag:$0x3], $0x80, s1, s21, $0xb8;
	[tilespmem:$0x1E800] =	vst v63  }
0x163: {  	_ =	swait.ge [sflag:s19], $0x3E80  }
0x164: {  	[sflag:s19] =	ssyncset.done $0x0  }
0x165: {  	s1 =	sadd.s32 $0x100, s0;
	[sflag:s19] =	ssyncadd.s32 $0xFFFFC180  }
0x166: {  	[tilespmem:s22], [sflag:$0x1] =	stream.indirect.gather [hbm4b:s4+s21], $0x80, s1, s21, $0xb8;
	[tilespmem:$0x1E800] =	vst v63  }
0x167: {  	_ =	swait.ge [sflag:s25], $0x3E80  }
.Ltmp8:
0x168: {  	[sflag:s25] =	ssyncset.done $0x0;
	(pc) =	sbr.rel @p1 .LBB2_3-.Ltmp8, $4  }
0x169: {  	s0 =	sadd.s32 $0x1480, s0;
	[sflag:s25] =	ssyncadd.s32 $0xFFFFC180  }
0x16a: {  	[spmem:s2] =	stream.indirect.scatter.add.f32 [tilespmem:s23], [sflag:$0x3], $0x80, s0, s21, $0xb8;
	[tilespmem:$0x1E800] =	vst v63  }
0x16b: {  	_ =	swait.ge [sflag:s19], $0x3E80  }
0x16c: {  	s1 =	smov.u32 s7;
	s0 =	sshra.s32 s6, $0x2;
	[sflag:s19] =	ssyncset.done $0x0  }
0x16d: {  	s1 =	sadd.s32 $0x80, s0;
	[sflag:s19] =	ssyncadd.s32 $0xFFFFC180  }
0x16e: {  	[tilespmem:s23], [sflag:$0x2] =	stream.indirect.gather [hbm4b:s4+s21], $0x80, s1, s21, $0xb8;
	[tilespmem:$0x1E800] =	vst v63  }
0x16f: {  	_ =	swait.ge [sflag:s24], $0x3E80  }
0x170: {  	[sflag:s24] =	ssyncset.done $0x0  }
0x171: {  	s7 =	sadd.s32 $0x1400, s0;
	[sflag:s24] =	ssyncadd.s32 $0xFFFFC180  }
0x172: {  	[spmem:s2] =	stream.indirect.scatter.add.f32 [tilespmem:s22], [sflag:$0x3], $0x80, s7, s21, $0xb8;
	[tilespmem:$0x1E800] =	vst v63  }
0x173: {  	_ =	swait.ge [sflag:s19], $0x3E80  }
0x174: {  	[sflag:s19] =	ssyncset.done $0x0  }
0x175: {  	s3 =	sadd.s32 $0x100, s0;
	[sflag:s19] =	ssyncadd.s32 $0xFFFFC180  }
0x176: {  	[tilespmem:s22], [sflag:$0x1] =	stream.indirect.gather [hbm4b:s4+s21], $0x80, s3, s21, $0xb8;
	[tilespmem:$0x1E800] =	vst v63  }
0x177: {  	_ =	swait.ge [sflag:s25], $0x3E80  }
0x178: {  	[sflag:s25] =	ssyncset.done $0x0  }
0x179: {  	s6 =	sadd.s32 $0x1480, s0;
	[sflag:s25] =	ssyncadd.s32 $0xFFFFC180  }
0x17a: {  	[spmem:s2] =	stream.indirect.scatter.add.f32 [tilespmem:s23], [sflag:$0x3], $0x80, s6, s21, $0xb8;
	[tilespmem:$0x1E800] =	vst v63  }
0x17b: {  	_ =	swait.ge [sflag:s19], $0x3E80  }
0x17c: {  	[sflag:s19] =	ssyncset.done $0x0  }
0x17d: {  	[sflag:s19] =	ssyncadd.s32 $0xFFFFC180  }
0x17e: {  	[tilespmem:s23], [sflag:$0x2] =	stream.indirect.gather [hbm4b:s4+s21], $0x80, s26, s21, $0xb8;
	[tilespmem:$0x1E800] =	vst v63  }
0x17f: {  	_ =	swait.ge [sflag:s24], $0x3E80  }
0x180: {  	[sflag:s24] =	ssyncset.done $0x0  }
0x181: {  	[sflag:s24] =	ssyncadd.s32 $0xFFFFC180  }
0x182: {  	[spmem:s2] =	stream.indirect.scatter.add.f32 [tilespmem:s22], [sflag:$0x3], $0x80, s28, s21, $0xb8;
	[tilespmem:$0x1E800] =	vst v63  }
0x183: {  	_ =	swait.ge [sflag:s19], $0x3E80  }
0x184: {  	[sflag:s19] =	ssyncset.done $0x0  }
0x185: {  	[sflag:s19] =	ssyncadd.s32 $0xFFFFC180  }
0x186: {  	_ =	swait.ge [sflag:s25], $0x3E80  }
0x187: {  	[sflag:s25] =	ssyncset.done $0x0  }
0x188: {  	[sflag:s25] =	ssyncadd.s32 $0xFFFFC180  }
0x189: {  	[spmem:s2] =	stream.indirect.scatter.add.f32 [tilespmem:s23], [sflag:$0x3], $0x80, s29, s21, $0xb8;
	[tilespmem:$0x1E800] =	vst v63  }
0x18a: {  	_ =	swait.ge [sflag:s19], $0x3E80  }
0x18b: {  	[sflag:s19] =	ssyncset.done $0x0  }
0x18c: {  	s7 =	simm.s32 $0x0;
	[sflag:s19] =	ssyncadd.s32 $0xFFFFC180  }
0x18d: {  	[tilespmem:s7], [sflag:$0x3] =	stream.linear.gather [hbm4b:s11+s7], $0x1400, $0x38;
	[tilespmem:$0x1E800] =	vst v63  }
0x18e: {  	_ =	swait.ge [sflag:s19], $0x1400  }
0x18f: {  	[sflag:s19] =	ssyncset.done $0x0  }
0x190: {  	[sflag:s19] =	ssyncadd.s32 $0xFFFFEC00  }
0x191: {  	[tilespmem:s20], [sflag:$0x3] =	stream.linear.gather [hbm4b:s12+s7], $0x1400, $0x38;
	[tilespmem:$0x1E800] =	vst v63  }
0x192: {  	_ =	swait.ge [sflag:s19], $0x1400  }
0x193: {  	[sflag:s19] =	ssyncset.done $0x0  }
0x194: {  	[sflag:s19] =	ssyncadd.s32 $0xFFFFEC00  }
0x195: {  	[tilespmem:s22], [sflag:$0x1] =	stream.indirect.gather [hbm4b:s4+s21], $0x80, s7, s21, $0xb8;
	[tilespmem:$0x1E800] =	vst v63  }
0x196: {  	s1 =	simm.s32 $0x80  }
0x197: {  	[tilespmem:s23], [sflag:$0x2] =	stream.indirect.gather [hbm4b:s4+s21], $0x80, s1, s21, $0xb8;
	[tilespmem:$0x1E800] =	vst v63  }
0x198: {  	_ =	swait.ge [sflag:s24], $0x3E80  }
0x199: {  	[sflag:s24] =	ssyncset.done $0x0  }
0x19a: {  	s3 =	simm.s32 $0x1400;
	[sflag:s24] =	ssyncadd.s32 $0xFFFFC180  }
0x19b: {  	[spmem:s2] =	stream.indirect.scatter.add.f32 [tilespmem:s22], [sflag:$0x3], $0x80, s3, s21, $0xb8;
	[tilespmem:$0x1E800] =	vst v63  }
0x19c: {  	_ =	swait.ge [sflag:s19], $0x3E80  }
0x19d: {  	[sflag:s19] =	ssyncset.done $0x0  }
0x19e: {  	s6 =	simm.s32 $0x100;
	[sflag:s19] =	ssyncadd.s32 $0xFFFFC180  }
0x19f: {  	[tilespmem:s22], [sflag:$0x1] =	stream.indirect.gather [hbm4b:s4+s21], $0x80, s6, s21, $0xb8;
	[tilespmem:$0x1E800] =	vst v63  }
0x1a0: {  	_ =	swait.ge [sflag:s25], $0x3E80  }
0x1a1: {  	[sflag:s25] =	ssyncset.done $0x0  }
0x1a2: {  	s7 =	simm.s32 $0x1480;
	[sflag:s25] =	ssyncadd.s32 $0xFFFFC180  }
0x1a3: {  	[spmem:s2] =	stream.indirect.scatter.add.f32 [tilespmem:s23], [sflag:$0x3], $0x80, s7, s21, $0xb8;
	[tilespmem:$0x1E800] =	vst v63  }
0x1a4: {  	_ =	swait.ge [sflag:s19], $0x3E80  }
0x1a5: {  	s0 =	simm.s32 $0x100;
	s1 =	simm.s32 $0x800;
	[sflag:s19] =	ssyncset.done $0x0  }
.LBB2_5:
0x1a6: {  	s3 =	sadd.s32 $0x80, s0  }
0x1a7: {  	[sflag:s19] =	ssyncadd.s32 $0xFFFFC180;
	s6 =	smov.u32 s1;
	s7 =	sadd.s32 $0x400, s1  }
0x1a8: {  	[tilespmem:s23], [sflag:$0x2] =	stream.indirect.gather [hbm4b:s4+s21], $0x80, s3, s21, $0xb8;
	[tilespmem:$0x1E800] =	vst v63  }
0x1a9: {  	p1 =	sne.s32 s1, $0x4800;
	_ =	swait.ge [sflag:s24], $0x3E80  }
0x1aa: {  	[sflag:s24] =	ssyncset.done $0x0  }
0x1ab: {  	s1 =	sadd.s32 $0x1400, s0;
	[sflag:s24] =	ssyncadd.s32 $0xFFFFC180  }
0x1ac: {  	[spmem:s2] =	stream.indirect.scatter.add.f32 [tilespmem:s22], [sflag:$0x3], $0x80, s1, s21, $0xb8;
	[tilespmem:$0x1E800] =	vst v63  }
0x1ad: {  	_ =	swait.ge [sflag:s19], $0x3E80  }
0x1ae: {  	[sflag:s19] =	ssyncset.done $0x0  }
0x1af: {  	s1 =	sadd.s32 $0x100, s0;
	[sflag:s19] =	ssyncadd.s32 $0xFFFFC180  }
0x1b0: {  	[tilespmem:s22], [sflag:$0x1] =	stream.indirect.gather [hbm4b:s4+s21], $0x80, s1, s21, $0xb8;
	[tilespmem:$0x1E800] =	vst v63  }
0x1b1: {  	_ =	swait.ge [sflag:s25], $0x3E80  }
.Ltmp9:
0x1b2: {  	[sflag:s25] =	ssyncset.done $0x0;
	(pc) =	sbr.rel @p1 .LBB2_5-.Ltmp9, $4  }
0x1b3: {  	s0 =	sadd.s32 $0x1480, s0;
	[sflag:s25] =	ssyncadd.s32 $0xFFFFC180  }
0x1b4: {  	[spmem:s2] =	stream.indirect.scatter.add.f32 [tilespmem:s23], [sflag:$0x3], $0x80, s0, s21, $0xb8;
	[tilespmem:$0x1E800] =	vst v63  }
0x1b5: {  	_ =	swait.ge [sflag:s19], $0x3E80  }
0x1b6: {  	s1 =	smov.u32 s7;
	s0 =	sshra.s32 s6, $0x2;
	[sflag:s19] =	ssyncset.done $0x0  }
0x1b7: {  	s1 =	sadd.s32 $0x80, s0;
	[sflag:s19] =	ssyncadd.s32 $0xFFFFC180  }
0x1b8: {  	[tilespmem:s23], [sflag:$0x2] =	stream.indirect.gather [hbm4b:s4+s21], $0x80, s1, s21, $0xb8;
	[tilespmem:$0x1E800] =	vst v63  }
0x1b9: {  	_ =	swait.ge [sflag:s24], $0x3E80  }
0x1ba: {  	[sflag:s24] =	ssyncset.done $0x0  }
0x1bb: {  	s7 =	sadd.s32 $0x1400, s0;
	[sflag:s24] =	ssyncadd.s32 $0xFFFFC180  }
0x1bc: {  	[spmem:s2] =	stream.indirect.scatter.add.f32 [tilespmem:s22], [sflag:$0x3], $0x80, s7, s21, $0xb8;
	[tilespmem:$0x1E800] =	vst v63  }
0x1bd: {  	_ =	swait.ge [sflag:s19], $0x3E80  }
0x1be: {  	[sflag:s19] =	ssyncset.done $0x0  }
0x1bf: {  	s3 =	sadd.s32 $0x100, s0;
	[sflag:s19] =	ssyncadd.s32 $0xFFFFC180  }
0x1c0: {  	[tilespmem:s22], [sflag:$0x1] =	stream.indirect.gather [hbm4b:s4+s21], $0x80, s3, s21, $0xb8;
	[tilespmem:$0x1E800] =	vst v63  }
0x1c1: {  	_ =	swait.ge [sflag:s25], $0x3E80  }
0x1c2: {  	[sflag:s25] =	ssyncset.done $0x0  }
0x1c3: {  	s6 =	sadd.s32 $0x1480, s0;
	[sflag:s25] =	ssyncadd.s32 $0xFFFFC180  }
0x1c4: {  	[spmem:s2] =	stream.indirect.scatter.add.f32 [tilespmem:s23], [sflag:$0x3], $0x80, s6, s21, $0xb8;
	[tilespmem:$0x1E800] =	vst v63  }
0x1c5: {  	_ =	swait.ge [sflag:s19], $0x3E80  }
0x1c6: {  	[sflag:s19] =	ssyncset.done $0x0  }
0x1c7: {  	[sflag:s19] =	ssyncadd.s32 $0xFFFFC180  }
0x1c8: {  	[tilespmem:s23], [sflag:$0x2] =	stream.indirect.gather [hbm4b:s4+s21], $0x80, s26, s21, $0xb8;
	[tilespmem:$0x1E800] =	vst v63  }
0x1c9: {  	_ =	swait.ge [sflag:s24], $0x3E80  }
0x1ca: {  	[sflag:s24] =	ssyncset.done $0x0  }
0x1cb: {  	[sflag:s24] =	ssyncadd.s32 $0xFFFFC180  }
0x1cc: {  	[spmem:s2] =	stream.indirect.scatter.add.f32 [tilespmem:s22], [sflag:$0x3], $0x80, s28, s21, $0xb8;
	[tilespmem:$0x1E800] =	vst v63  }
0x1cd: {  	_ =	swait.ge [sflag:s19], $0x3E80  }
0x1ce: {  	[sflag:s19] =	ssyncset.done $0x0  }
0x1cf: {  	[sflag:s19] =	ssyncadd.s32 $0xFFFFC180  }
0x1d0: {  	_ =	swait.ge [sflag:s25], $0x3E80  }
0x1d1: {  	[sflag:s25] =	ssyncset.done $0x0  }
0x1d2: {  	[sflag:s25] =	ssyncadd.s32 $0xFFFFC180  }
0x1d3: {  	[spmem:s2] =	stream.indirect.scatter.add.f32 [tilespmem:s23], [sflag:$0x3], $0x80, s29, s21, $0xb8;
	[tilespmem:$0x1E800] =	vst v63  }
0x1d4: {  	_ =	swait.ge [sflag:s19], $0x3E80  }
0x1d5: {  	[sflag:s19] =	ssyncset.done $0x0  }
0x1d6: {  	s7 =	simm.s32 $0x0;
	[sflag:s19] =	ssyncadd.s32 $0xFFFFC180  }
0x1d7: {  	[tilespmem:s7], [sflag:$0x3] =	stream.linear.gather [hbm4b:s13+s7], $0x1400, $0x38;
	[tilespmem:$0x1E800] =	vst v63  }
0x1d8: {  	_ =	swait.ge [sflag:s19], $0x1400  }
0x1d9: {  	[sflag:s19] =	ssyncset.done $0x0  }
0x1da: {  	[sflag:s19] =	ssyncadd.s32 $0xFFFFEC00  }
0x1db: {  	[tilespmem:s20], [sflag:$0x3] =	stream.linear.gather [hbm4b:s14+s7], $0x1400, $0x38;
	[tilespmem:$0x1E800] =	vst v63  }
0x1dc: {  	_ =	swait.ge [sflag:s19], $0x1400  }
0x1dd: {  	[sflag:s19] =	ssyncset.done $0x0  }
0x1de: {  	[sflag:s19] =	ssyncadd.s32 $0xFFFFEC00  }
0x1df: {  	[tilespmem:s22], [sflag:$0x1] =	stream.indirect.gather [hbm4b:s4+s21], $0x80, s7, s21, $0xb8;
	[tilespmem:$0x1E800] =	vst v63  }
0x1e0: {  	s1 =	simm.s32 $0x80  }
0x1e1: {  	[tilespmem:s23], [sflag:$0x2] =	stream.indirect.gather [hbm4b:s4+s21], $0x80, s1, s21, $0xb8;
	[tilespmem:$0x1E800] =	vst v63  }
0x1e2: {  	_ =	swait.ge [sflag:s24], $0x3E80  }
0x1e3: {  	[sflag:s24] =	ssyncset.done $0x0  }
0x1e4: {  	s3 =	simm.s32 $0x1400;
	[sflag:s24] =	ssyncadd.s32 $0xFFFFC180  }
0x1e5: {  	[spmem:s2] =	stream.indirect.scatter.add.f32 [tilespmem:s22], [sflag:$0x3], $0x80, s3, s21, $0xb8;
	[tilespmem:$0x1E800] =	vst v63  }
0x1e6: {  	_ =	swait.ge [sflag:s19], $0x3E80  }
0x1e7: {  	[sflag:s19] =	ssyncset.done $0x0  }
0x1e8: {  	s6 =	simm.s32 $0x100;
	[sflag:s19] =	ssyncadd.s32 $0xFFFFC180  }
0x1e9: {  	[tilespmem:s22], [sflag:$0x1] =	stream.indirect.gather [hbm4b:s4+s21], $0x80, s6, s21, $0xb8;
	[tilespmem:$0x1E800] =	vst v63  }
0x1ea: {  	_ =	swait.ge [sflag:s25], $0x3E80  }
0x1eb: {  	[sflag:s25] =	ssyncset.done $0x0  }
0x1ec: {  	s7 =	simm.s32 $0x1480;
	[sflag:s25] =	ssyncadd.s32 $0xFFFFC180  }
0x1ed: {  	[spmem:s2] =	stream.indirect.scatter.add.f32 [tilespmem:s23], [sflag:$0x3], $0x80, s7, s21, $0xb8;
	[tilespmem:$0x1E800] =	vst v63  }
0x1ee: {  	_ =	swait.ge [sflag:s19], $0x3E80  }
0x1ef: {  	s0 =	simm.s32 $0x100;
	s1 =	simm.s32 $0x800;
	[sflag:s19] =	ssyncset.done $0x0  }
.LBB2_7:
0x1f0: {  	s3 =	sadd.s32 $0x80, s0  }
0x1f1: {  	[sflag:s19] =	ssyncadd.s32 $0xFFFFC180;
	s6 =	smov.u32 s1;
	s7 =	sadd.s32 $0x400, s1  }
0x1f2: {  	[tilespmem:s23], [sflag:$0x2] =	stream.indirect.gather [hbm4b:s4+s21], $0x80, s3, s21, $0xb8;
	[tilespmem:$0x1E800] =	vst v63  }
0x1f3: {  	p1 =	sne.s32 s1, $0x4800;
	_ =	swait.ge [sflag:s24], $0x3E80  }
0x1f4: {  	[sflag:s24] =	ssyncset.done $0x0  }
0x1f5: {  	s1 =	sadd.s32 $0x1400, s0;
	[sflag:s24] =	ssyncadd.s32 $0xFFFFC180  }
0x1f6: {  	[spmem:s2] =	stream.indirect.scatter.add.f32 [tilespmem:s22], [sflag:$0x3], $0x80, s1, s21, $0xb8;
	[tilespmem:$0x1E800] =	vst v63  }
0x1f7: {  	_ =	swait.ge [sflag:s19], $0x3E80  }
0x1f8: {  	[sflag:s19] =	ssyncset.done $0x0  }
0x1f9: {  	s1 =	sadd.s32 $0x100, s0;
	[sflag:s19] =	ssyncadd.s32 $0xFFFFC180  }
0x1fa: {  	[tilespmem:s22], [sflag:$0x1] =	stream.indirect.gather [hbm4b:s4+s21], $0x80, s1, s21, $0xb8;
	[tilespmem:$0x1E800] =	vst v63  }
0x1fb: {  	_ =	swait.ge [sflag:s25], $0x3E80  }
.Ltmp10:
0x1fc: {  	[sflag:s25] =	ssyncset.done $0x0;
	(pc) =	sbr.rel @p1 .LBB2_7-.Ltmp10, $4  }
0x1fd: {  	s0 =	sadd.s32 $0x1480, s0;
	[sflag:s25] =	ssyncadd.s32 $0xFFFFC180  }
0x1fe: {  	[spmem:s2] =	stream.indirect.scatter.add.f32 [tilespmem:s23], [sflag:$0x3], $0x80, s0, s21, $0xb8;
	[tilespmem:$0x1E800] =	vst v63  }
0x1ff: {  	_ =	swait.ge [sflag:s19], $0x3E80  }
0x200: {  	s1 =	smov.u32 s7;
	s0 =	sshra.s32 s6, $0x2;
	[sflag:s19] =	ssyncset.done $0x0  }
0x201: {  	s1 =	sadd.s32 $0x80, s0;
	[sflag:s19] =	ssyncadd.s32 $0xFFFFC180  }
0x202: {  	[tilespmem:s23], [sflag:$0x2] =	stream.indirect.gather [hbm4b:s4+s21], $0x80, s1, s21, $0xb8;
	[tilespmem:$0x1E800] =	vst v63  }
0x203: {  	_ =	swait.ge [sflag:s24], $0x3E80  }
0x204: {  	[sflag:s24] =	ssyncset.done $0x0  }
0x205: {  	s7 =	sadd.s32 $0x1400, s0;
	[sflag:s24] =	ssyncadd.s32 $0xFFFFC180  }
0x206: {  	[spmem:s2] =	stream.indirect.scatter.add.f32 [tilespmem:s22], [sflag:$0x3], $0x80, s7, s21, $0xb8;
	[tilespmem:$0x1E800] =	vst v63  }
0x207: {  	_ =	swait.ge [sflag:s19], $0x3E80  }
0x208: {  	[sflag:s19] =	ssyncset.done $0x0  }
0x209: {  	s3 =	sadd.s32 $0x100, s0;
	[sflag:s19] =	ssyncadd.s32 $0xFFFFC180  }
0x20a: {  	[tilespmem:s22], [sflag:$0x1] =	stream.indirect.gather [hbm4b:s4+s21], $0x80, s3, s21, $0xb8;
	[tilespmem:$0x1E800] =	vst v63  }
0x20b: {  	_ =	swait.ge [sflag:s25], $0x3E80  }
0x20c: {  	[sflag:s25] =	ssyncset.done $0x0  }
0x20d: {  	s6 =	sadd.s32 $0x1480, s0;
	[sflag:s25] =	ssyncadd.s32 $0xFFFFC180  }
0x20e: {  	[spmem:s2] =	stream.indirect.scatter.add.f32 [tilespmem:s23], [sflag:$0x3], $0x80, s6, s21, $0xb8;
	[tilespmem:$0x1E800] =	vst v63  }
0x20f: {  	_ =	swait.ge [sflag:s19], $0x3E80  }
0x210: {  	[sflag:s19] =	ssyncset.done $0x0  }
0x211: {  	[sflag:s19] =	ssyncadd.s32 $0xFFFFC180  }
0x212: {  	[tilespmem:s23], [sflag:$0x2] =	stream.indirect.gather [hbm4b:s4+s21], $0x80, s26, s21, $0xb8;
	[tilespmem:$0x1E800] =	vst v63  }
0x213: {  	_ =	swait.ge [sflag:s24], $0x3E80  }
0x214: {  	[sflag:s24] =	ssyncset.done $0x0  }
0x215: {  	[sflag:s24] =	ssyncadd.s32 $0xFFFFC180  }
0x216: {  	[spmem:s2] =	stream.indirect.scatter.add.f32 [tilespmem:s22], [sflag:$0x3], $0x80, s28, s21, $0xb8;
	[tilespmem:$0x1E800] =	vst v63  }
0x217: {  	_ =	swait.ge [sflag:s19], $0x3E80  }
0x218: {  	[sflag:s19] =	ssyncset.done $0x0  }
0x219: {  	[sflag:s19] =	ssyncadd.s32 $0xFFFFC180  }
0x21a: {  	_ =	swait.ge [sflag:s25], $0x3E80  }
0x21b: {  	[sflag:s25] =	ssyncset.done $0x0  }
0x21c: {  	[sflag:s25] =	ssyncadd.s32 $0xFFFFC180  }
0x21d: {  	[spmem:s2] =	stream.indirect.scatter.add.f32 [tilespmem:s23], [sflag:$0x3], $0x80, s29, s21, $0xb8;
	[tilespmem:$0x1E800] =	vst v63  }
0x21e: {  	_ =	swait.ge [sflag:s19], $0x3E80  }
0x21f: {  	[sflag:s19] =	ssyncset.done $0x0  }
0x220: {  	s7 =	simm.s32 $0x0;
	[sflag:s19] =	ssyncadd.s32 $0xFFFFC180  }
0x221: {  	[tilespmem:s7], [sflag:$0x3] =	stream.linear.gather [hbm4b:s15+s7], $0x1400, $0x38;
	[tilespmem:$0x1E800] =	vst v63  }
0x222: {  	_ =	swait.ge [sflag:s19], $0x1400  }
0x223: {  	[sflag:s19] =	ssyncset.done $0x0  }
0x224: {  	[sflag:s19] =	ssyncadd.s32 $0xFFFFEC00  }
0x225: {  	[tilespmem:s20], [sflag:$0x3] =	stream.linear.gather [hbm4b:s16+s7], $0x1400, $0x38;
	[tilespmem:$0x1E800] =	vst v63  }
0x226: {  	_ =	swait.ge [sflag:s19], $0x1400  }
0x227: {  	[sflag:s19] =	ssyncset.done $0x0  }
0x228: {  	[sflag:s19] =	ssyncadd.s32 $0xFFFFEC00  }
0x229: {  	[tilespmem:s22], [sflag:$0x1] =	stream.indirect.gather [hbm4b:s4+s21], $0x80, s7, s21, $0xb8;
	[tilespmem:$0x1E800] =	vst v63  }
0x22a: {  	s1 =	simm.s32 $0x80  }
0x22b: {  	[tilespmem:s23], [sflag:$0x2] =	stream.indirect.gather [hbm4b:s4+s21], $0x80, s1, s21, $0xb8;
	[tilespmem:$0x1E800] =	vst v63  }
0x22c: {  	_ =	swait.ge [sflag:s24], $0x3E80  }
0x22d: {  	[sflag:s24] =	ssyncset.done $0x0  }
0x22e: {  	s3 =	simm.s32 $0x1400;
	[sflag:s24] =	ssyncadd.s32 $0xFFFFC180  }
0x22f: {  	[spmem:s2] =	stream.indirect.scatter.add.f32 [tilespmem:s22], [sflag:$0x3], $0x80, s3, s21, $0xb8;
	[tilespmem:$0x1E800] =	vst v63  }
0x230: {  	_ =	swait.ge [sflag:s19], $0x3E80  }
0x231: {  	[sflag:s19] =	ssyncset.done $0x0  }
0x232: {  	s6 =	simm.s32 $0x100;
	[sflag:s19] =	ssyncadd.s32 $0xFFFFC180  }
0x233: {  	[tilespmem:s22], [sflag:$0x1] =	stream.indirect.gather [hbm4b:s4+s21], $0x80, s6, s21, $0xb8;
	[tilespmem:$0x1E800] =	vst v63  }
0x234: {  	_ =	swait.ge [sflag:s25], $0x3E80  }
0x235: {  	[sflag:s25] =	ssyncset.done $0x0  }
0x236: {  	s7 =	simm.s32 $0x1480;
	[sflag:s25] =	ssyncadd.s32 $0xFFFFC180  }
0x237: {  	[spmem:s2] =	stream.indirect.scatter.add.f32 [tilespmem:s23], [sflag:$0x3], $0x80, s7, s21, $0xb8;
	[tilespmem:$0x1E800] =	vst v63  }
0x238: {  	_ =	swait.ge [sflag:s19], $0x3E80  }
0x239: {  	s0 =	simm.s32 $0x100;
	s1 =	simm.s32 $0x800;
	[sflag:s19] =	ssyncset.done $0x0  }
.LBB2_9:
0x23a: {  	s3 =	sadd.s32 $0x80, s0  }
0x23b: {  	[sflag:s19] =	ssyncadd.s32 $0xFFFFC180;
	s6 =	smov.u32 s1;
	s7 =	sadd.s32 $0x400, s1  }
0x23c: {  	[tilespmem:s23], [sflag:$0x2] =	stream.indirect.gather [hbm4b:s4+s21], $0x80, s3, s21, $0xb8;
	[tilespmem:$0x1E800] =	vst v63  }
0x23d: {  	p1 =	seq.s32 s1, $0x4800;
	_ =	swait.ge [sflag:s24], $0x3E80  }
0x23e: {  	[sflag:s24] =	ssyncset.done $0x0  }
0x23f: {  	s1 =	sadd.s32 $0x1400, s0;
	[sflag:s24] =	ssyncadd.s32 $0xFFFFC180  }
0x240: {  	[spmem:s2] =	stream.indirect.scatter.add.f32 [tilespmem:s22], [sflag:$0x3], $0x80, s1, s21, $0xb8;
	[tilespmem:$0x1E800] =	vst v63  }
0x241: {  	_ =	swait.ge [sflag:s19], $0x3E80  }
0x242: {  	[sflag:s19] =	ssyncset.done $0x0  }
0x243: {  	s1 =	sadd.s32 $0x100, s0;
	[sflag:s19] =	ssyncadd.s32 $0xFFFFC180  }
0x244: {  	[tilespmem:s22], [sflag:$0x1] =	stream.indirect.gather [hbm4b:s4+s21], $0x80, s1, s21, $0xb8;
	[tilespmem:$0x1E800] =	vst v63  }
0x245: {  	_ =	swait.ge [sflag:s25], $0x3E80  }
.Ltmp11:
0x246: {  	[sflag:s25] =	ssyncset.done $0x0;
	(pc) =	sbr.rel @!p1 .LBB2_9-.Ltmp11, $4  }
0x247: {  	s0 =	sadd.s32 $0x1480, s0;
	[sflag:s25] =	ssyncadd.s32 $0xFFFFC180  }
0x248: {  	[spmem:s2] =	stream.indirect.scatter.add.f32 [tilespmem:s23], [sflag:$0x3], $0x80, s0, s21, $0xb8;
	[tilespmem:$0x1E800] =	vst v63  }
0x249: {  	_ =	swait.ge [sflag:s19], $0x3E80  }
0x24a: {  	s1 =	smov.u32 s7;
	s0 =	sshra.s32 s6, $0x2;
	[sflag:s19] =	ssyncset.done $0x0  }
0x24b: {  	s1 =	sadd.s32 $0x80, s0;
	[sflag:s19] =	ssyncadd.s32 $0xFFFFC180  }
0x24c: {  	[tilespmem:s23], [sflag:$0x2] =	stream.indirect.gather [hbm4b:s4+s21], $0x80, s1, s21, $0xb8;
	[tilespmem:$0x1E800] =	vst v63  }
0x24d: {  	_ =	swait.ge [sflag:s24], $0x3E80  }
0x24e: {  	[sflag:s24] =	ssyncset.done $0x0  }
0x24f: {  	s3 =	sadd.s32 $0x1400, s0;
	[sflag:s24] =	ssyncadd.s32 $0xFFFFC180  }
0x250: {  	[spmem:s2] =	stream.indirect.scatter.add.f32 [tilespmem:s22], [sflag:$0x3], $0x80, s3, s21, $0xb8;
	[tilespmem:$0x1E800] =	vst v63  }
0x251: {  	_ =	swait.ge [sflag:s19], $0x3E80  }
0x252: {  	[sflag:s19] =	ssyncset.done $0x0  }
0x253: {  	s6 =	sadd.s32 $0x100, s0;
	[sflag:s19] =	ssyncadd.s32 $0xFFFFC180  }
0x254: {  	[tilespmem:s22], [sflag:$0x1] =	stream.indirect.gather [hbm4b:s4+s21], $0x80, s6, s21, $0xb8;
	[tilespmem:$0x1E800] =	vst v63  }
0x255: {  	_ =	swait.ge [sflag:s25], $0x3E80  }
0x256: {  	[sflag:s25] =	ssyncset.done $0x0  }
0x257: {  	s7 =	sadd.s32 $0x1480, s0;
	[sflag:s25] =	ssyncadd.s32 $0xFFFFC180  }
0x258: {  	[spmem:s2] =	stream.indirect.scatter.add.f32 [tilespmem:s23], [sflag:$0x3], $0x80, s7, s21, $0xb8;
	[tilespmem:$0x1E800] =	vst v63  }
.Ltmp12:
0x259: {  	_ = 	snop;
	(pc) =	sbr.rel .LBB2_20-.Ltmp12, $4  }
0x25a: {  	_ =	swait.ge [sflag:s19], $0x3E80  }
0x25b: {  	[sflag:s19] =	ssyncset.done $0x0  }
0x25c: {  	[sflag:s19] =	ssyncadd.s32 $0xFFFFC180  }
0x25d: {  	[tilespmem:s23], [sflag:$0x2] =	stream.indirect.gather [hbm4b:s4+s21], $0x80, s26, s21, $0xb8;
	[tilespmem:$0x1E800] =	vst v63  }
.LBB2_21:
0x25e: {  	_ =	sfence.sel $0x180000  }
0x25f: {  	[bflag:$0x0] =	sbarrier.arrive $0xFFFF  }
0x260: {  	_ =	strace $0x9000004D  }
0x261: {  	s0 =	stileid.u32;
	[bflag:$0x2] =	sbarrier.arrive $0xFFFF  }
0x262: {  	p0 =	sne.s32 s0, $0x0;
	s0 =	rddreg [dreg:$0x2]  }
0x263: {  	s0 =	sadd.s32 @!p0 $0x100000, s0  }
0x264: {  	[sflag:s0] =	ssyncadd.tile.s32 @!p0 $0x1;
	_ =	shalt  }
.Lfunc_end2:
_tile_overlayer_lowered:
.L_overlay_start_2:
0x265: {  	(tag) =	ssettag $0x2  }
0x266: {  	s0 =	rddreg [dreg:$0x0];
	s2 =	stileid.u32  }
0x267: {  	s1 =	rddreg [dreg:$0x1];
	p0 =	sne.s32 s2, $0x0  }
0x268: {  	s3 =	rddreg [dreg:$0x2];
	[bflag:$0x3] =	sbarrier.arrive $0xFFFF;
	s2 =	simm.s32 @!p0 $0x1C03  }
0x269: {  	[timem:s3], [sflag:s2] =	dma.local @!p0 [hbm:s0], s1  }
0x26a: {  	s0 =	simm.s32 @!p0 $0x3  }
0x26b: {  	_ =	swait.ge @!p0 [sflag:s0], s1  }
0x26c: {  	s1 =	ssub.s32 @!p0 $0x0, s1;
	[sflag:s0] =	ssyncset.done @!p0 $0x0  }
0x26d: {  	[sflag:s0] =	ssyncadd.s32 @!p0 s1  }
0x26e: {  	[bflag:$0x3] =	sbarrier.arrive $0xFFFF  }
0x26f: {  	_ =	shalt  }

// kernel: kernel.9.cloned.1.call-start
scs
__scs_entry_jumppad:
0x0: {  	(pc) =	sbr.rel $0x88, $3  }
0x1: {  	(tag) =	ssettag $0x0;
	lr =	simm.s32 $0x1  }
0x2: {  	[smem:$0x3F8C] =	sst lr;
	_ =	strace $0xD0000000  }
0x3: {  	_ = 	snop  }
0x4: {  	_ = 	snop  }
0x5: {  	_ = 	snop  }
0x6: {  	_ = 	snop  }
0x7: {  	_ = 	snop  }
__scs_overlays_trampoline_lowered:
0x8: {  	[smem:$0x3F9B] =	sst s0  }
0x9: {  	[smem:$0x3F9C] =	sst s1  }
0xa: {  	[smem:$0x3F9D] =	sst s2  }
0xb: {  	[smem:$0x3F9E] =	sst s3  }
0xc: {  	[smem:$0x3F9F] =	sst s4  }
0xd: {  	[smem:$0x3FA0] =	sst s5  }
0xe: {  	[smem:$0x3FA1] =	sst s6  }
0xf: {  	[smem:$0x3FA2] =	sst s7  }
0x10: {  	[smem:$0x3FA3] =	sst s8  }
0x11: {  	[smem:$0x3FA4] =	sst s9;
	s0 =	simm.s32 @!p0 $0x0  }
0x12: {  	s1 =	sld [smem:$0x3F8A];
	s0 =	simm.s32 @p0 $0x1  }
0x13: {  	[smem:$0x3FA5] =	sst s0;
	s0 =	simm.s32 @!p1 $0x0  }
0x14: {  	s2 =	sld [smem:$0x3F89];
	s0 =	simm.s32 @p1 $0x1  }
0x15: {  	[smem:$0x3FA6] =	sst s0;
	s0 =	simm.s32 @!p2 $0x0  }
0x16: {  	s3 =	sld [smem:$0x3FDB];
	s0 =	simm.s32 @p2 $0x1  }
0x17: {  	s4 =	simm.s32 $0x1BF5;
	[smem:$0x3FA8] =	sst s0  }
0x18: {  	s0 =	sld [smem:$0x3F8B];
	_ =	swait.ge [sflag:s4], $0x0  }
0x19: {  	s7 =	sld [smem:$0x3F8C]  }
0x1a: {  	s8 =	sadd.s32 $0xFFFFE003, lr  }
0x1b: {  	s9 =	sadd.s32 $0xFFFFFEF7, lr;
	s5 =	simm.s32 $0xFFFFFFFF;
	p2 =	slt.u32 s8, $0xFFFFF086  }
0x1c: {  	p1 =	slt.u32 s9, $0xF7A;
	s5 =	simm.s32 @!p2 $0x0  }
0x1d: {  	s5 =	simm.s32 @p1 $0x1;
	p0 =	seq.s32 s7, s2  }
0x1e: {  	s7 =	smul.u32 @!p0 $0xF7A, s2;
	p2 =	seq.s32 @!p0 s5, $0x0  }
0x1f: {  	s9 =	smul.u32 $0xF7A, s1;
	s8 =	simm.s32 @!p0 $0x1BF5;
	p2 =	por !p2, p0  }
0x20: {  	[sflag:s8] =	ssyncset.s32 @!p0 $0xFFFFF086;
	s6 =	sadd.s32 @!p0 s3, s7;
	s7 =	simm.s32 @!p0 $0x108  }
0x21: {  	s3 =	sadd.s32 s3, s9;
	s6 =	sadd.s32 @!p0 $0x88, s6;
	s7 =	simm.s32 @p2 $0x1082  }
0x22: {  	[simem:s7], [sflag:s8] =	dma.local @!p0 [hbm:s6], $0xF7A  }
0x23: {  	s9 =	sor.u32 $0xD0000000, s2;
	s6 =	simm.s32 $0x108;
	_ =	swait.ge @!p0 [sflag:s8], $0x0  }
0x24: {  	s3 =	sadd.s32 $0x88, s3;
	s6 =	simm.s32 @!p1 $0x1082;
	[sflag:s4] =	ssyncset.s32 $0xFFFFF086  }
0x25: {  	[simem:s6], [sflag:s4] =	dma.local [hbm:s3], $0xF7A  }
0x26: {  	[smem:$0x3F8C] =	sst s1;
	(tag) =	ssettag s2;
	_ =	strace s9  }
0x27: {  	s1 =	sld [smem:$0x3F9C]  }
0x28: {  	s2 =	sld [smem:$0x3F9D]  }
0x29: {  	s4 =	sld [smem:$0x3F9F]  }
0x2a: {  	p0 =	seq.s32 s5, $0x0;
	s5 =	sld [smem:$0x3FA0]  }
0x2b: {  	s6 =	sld [smem:$0x3FA1]  }
0x2c: {  	s7 =	sld [smem:$0x3FA2]  }
0x2d: {  	s3 =	simm.s32 $0x108;
	s8 =	sld [smem:$0x3FA3]  }
0x2e: {  	s3 =	simm.s32 @!p0 $0x1082;
	s9 =	sld [smem:$0x3FA4]  }
0x2f: {  	lr =	sadd.s32 s0, s3;
	s0 =	sld [smem:$0x3F9B]  }
0x30: {  	s3 =	sld [smem:$0x3F9E]  }
0x31: {  	[smem:$0x3FA7] =	sst s10  }
0x32: {  	s10 =	sld [smem:$0x3FA5];
	_ =	sdelay $0x3  }
0x33: {  	p0 =	seq.s32 s10, $0x1;
	s10 =	sld [smem:$0x3FA7];
	_ =	sdelay $0x3  }
0x34: {  	[smem:$0x3FA7] =	sst s10  }
0x35: {  	s10 =	sld [smem:$0x3FA6];
	_ =	sdelay $0x3  }
0x36: {  	p1 =	seq.s32 s10, $0x1;
	s10 =	sld [smem:$0x3FA7];
	_ =	sdelay $0x3  }
0x37: {  	[smem:$0x3FA7] =	sst s10  }
0x38: {  	s10 =	sld [smem:$0x3FA8]  }
0x39: {  	_ = 	snop;
	(pc) =	sbr.ind lr, $3  }
0x3a: {  	_ = 	snop  }
0x3b: {  	_ = 	snop  }
0x3c: {  	p2 =	seq.s32 s10, $0x1;
	s10 =	sld [smem:$0x3FA7]  }
0x3d: {  	_ =	shalt  }
0x3e: {  	_ =	shalt  }
0x3f: {  	_ =	shalt  }
0x40: {  	_ =	shalt  }
0x41: {  	_ =	shalt  }
0x42: {  	_ =	shalt  }
0x43: {  	_ =	shalt  }
0x44: {  	_ =	shalt  }
0x45: {  	_ =	shalt  }
0x46: {  	_ =	shalt  }
0x47: {  	_ =	shalt  }
0x48: {  	_ =	shalt  }
0x49: {  	_ =	shalt  }
0x4a: {  	_ =	shalt  }
0x4b: {  	_ =	shalt  }
0x4c: {  	_ =	shalt  }
0x4d: {  	_ =	shalt  }
0x4e: {  	_ =	shalt  }
0x4f: {  	_ =	shalt  }
0x50: {  	_ =	shalt  }
0x51: {  	_ =	shalt  }
0x52: {  	_ =	shalt  }
0x53: {  	_ =	shalt  }
0x54: {  	_ =	shalt  }
0x55: {  	_ =	shalt  }
0x56: {  	_ =	shalt  }
0x57: {  	_ =	shalt  }
0x58: {  	_ =	shalt  }
0x59: {  	_ =	shalt  }
0x5a: {  	_ =	shalt  }
0x5b: {  	_ =	shalt  }
0x5c: {  	_ =	shalt  }
0x5d: {  	_ =	shalt  }
0x5e: {  	_ =	shalt  }
0x5f: {  	_ =	shalt  }
0x60: {  	_ =	shalt  }
0x61: {  	_ =	shalt  }
0x62: {  	_ =	shalt  }
0x63: {  	_ =	shalt  }
0x64: {  	_ =	shalt  }
0x65: {  	_ =	shalt  }
0x66: {  	_ =	shalt  }
0x67: {  	_ =	shalt  }
0x68: {  	_ =	shalt  }
0x69: {  	_ =	shalt  }
0x6a: {  	_ =	shalt  }
0x6b: {  	_ =	shalt  }
0x6c: {  	_ =	shalt  }
0x6d: {  	_ =	shalt  }
0x6e: {  	_ =	shalt  }
0x6f: {  	_ =	shalt  }
0x70: {  	_ =	shalt  }
0x71: {  	_ =	shalt  }
0x72: {  	_ =	shalt  }
0x73: {  	_ =	shalt  }
0x74: {  	_ =	shalt  }
0x75: {  	_ =	shalt  }
0x76: {  	_ =	shalt  }
0x77: {  	_ =	shalt  }
0x78: {  	_ =	shalt  }
0x79: {  	_ =	shalt  }
0x7a: {  	_ =	shalt  }
0x7b: {  	_ =	shalt  }
0x7c: {  	_ =	shalt  }
0x7d: {  	_ =	shalt  }
0x7e: {  	_ =	shalt  }
0x7f: {  	_ =	shalt  }
0x80: {  	_ =	shalt  }
0x81: {  	_ =	shalt  }
0x82: {  	_ =	shalt  }
0x83: {  	_ =	shalt  }
0x84: {  	_ =	shalt  }
0x85: {  	_ =	shalt  }
0x86: {  	_ =	shalt  }
0x87: {  	_ =	shalt  }
.Lfunc_end0:
.L_simem_size_0:
called_computation_lowered:
.L_overlay_start_0:
0x88: {  	s2 =	sld [smem:$0x3FD9]  }
0x89: {  	s3 =	sld [smem:$0x3FFE];
	_ =	sdelay $0x1  }
0x8a: {  	s1 =	srdreg.scid  }
0x8b: {  	s0 =	sand.u32 $0x1, s1  }
0x8c: {  	s16 =	sshll.u32 s0, $0xA;
	s2 =	sadd.s32 s3, s2  }
0x8d: {  	s2 =	sadd.s32 s2, s16  }
0x8e: {  	[smem:$0x3FB3] =	sst s2  }
0x8f: {  	_ = 	snop  }
0x90: {  	(tm) =	ssettm $0x1  }
0x91: {  	s17 =	sld [smem:$0x3FFB];
	_ =	sdelay $0x3  }
0x92: {  	_ =	strace s17  }
0x93: {  	s2 =	sld [smem:$0x3FFC];
	_ =	sdelay $0x3  }
0x94: {  	_ =	strace s2  }
0x95: {  	s2 =	sld [smem:$0x3FFD];
	_ =	sdelay $0x3  }
0x96: {  	_ =	strace s2  }
0x97: {  	_ =	strace $0x8FFFFFFF  }
0x98: {  	s18 =	sld [smem:$0x3FDB];
	_ =	sdelay $0x1  }
0x99: {  	s19 =	simm.s32 $_scs_section_size  }
0x9a: {  	s4 =	simm.s32 $_size__tile_overlayer_lowered;
	s5 =	simm.s32 $_tile_overlayer_lowered  }
0x9b: {  	s22 =	simm.s32 $0x1BFF;
	s21 =	sshll.u32 s5, $0x1;
	s2 =	sadd.s32 s19, s18  }
0x9c: {  	s6 =	simm.s32 $0x0;
	s20 =	sshll.u32 s4, $0x1;
	s4 =	sadd.s32 s21, s2  }
0x9d: {  	[timem:s6], [sflag:s22] =	dma.local [hbm:s4], s20  }
0x9e: {  	_ =	swait.ge [sflag:s22], s20  }
0x9f: {  	s3 =	ssub.s32 $0x0, s20;
	[sflag:s22] =	ssyncset.done $0x0  }
0xa0: {  	[sflag:s22] =	ssyncadd.s32 s3;
	_ =	sdelay $0x1  }
0xa1: {  	s23 =	simm.s32 $0x1B8B  }
0xa2: {  	_ =	swait.ge [sflag:s23], $0x1  }
0xa3: {  	[sflag:s23] =	ssyncset.done $0x0  }
0xa4: {  	s25 =	simm.s32 $0x1B8E;
	s24 =	sld [smem:$0x3FFE];
	[sflag:s23] =	ssyncadd.s32 $0xFFFFFFFF  }
0xa5: {  	s26 =	simm.s32 $execute0_lowered;
	[smem:$0x3FD2] =	sst s25  }
0xa6: {  	s4 =	sshll.u32 s26, $0x1;
	_ =	strace $0x80000046;
	[dreg:$0x1] =	wrdreg $0xFFFFFFFF  }
0xa7: {  	s28 =	simm.s32 $_size_execute0_lowered;
	s2 =	sadd.s32 s2, s4;
	[dreg:$0x0] =	wrdreg $0x0  }
0xa8: {  	s4 =	sshll.u32 s28, $0x1;
	[dreg:$0x2] =	wrdreg s2  }
0xa9: {  	[dreg:$0x3] =	wrdreg s4  }
0xaa: {  	[dreg:$0x4] =	wrdreg $0xC0  }
0xab: {  	_ =	task [dreg:s6], $0x5FFFF  }
0xac: {  	[dreg:$0x1] =	wrdreg $0xFFFFFFFF  }
0xad: {  	[dreg:$0x0] =	wrdreg $0x60  }
0xae: {  	[dreg:$0x2] =	wrdreg s24  }
0xaf: {  	[dreg:$0x3] =	wrdreg $0x54000  }
0xb0: {  	[dreg:$0x4] =	wrdreg $0x9  }
0xb1: {  	_ =	task.clear_ibuf [dreg:s6], $0x5FFFF;
	_ =	strace $0x90000046  }
0xb2: {  	s29 =	simm.s32 $0x9;
	_ =	strace $0x80000048  }
0xb3: {  	_ =	swait.ge [sflag:s29], $0x1  }
0xb4: {  	[sflag:s29] =	ssyncadd.s32 $0xFFFFFFFF  }
0xb5: {  	_ =	strace $0x90000048  }
0xb6: {  	_ =	sfence  }
0xb7: {  	s30 =	sld [smem:$0x0];
	_ =	sdelay $0x2  }
0xb8: {  	s31 =	sshll.u32 s1, $0xD;
	s1 =	sshrl.u32 s1, $0x2  }
0xb9: {  	s3 =	sand.u32 $0x4000, s31;
	s1 =	sadd.s32 s1, s30  }
0xba: {  	s0 =	sor.u32 s3, s0;
	s1 =	sshll.u32 s1, $0x11  }
0xbb: {  	s0 =	sor.u32 s1, s0  }
0xbc: {  	s0 =	sadd.s32 $0x8F2B, s0  }
0xbd: {  	[sflag:s0] =	ssyncadd.remote.s32 $0x1  }
0xbe: {  	_ =	sfence.sel $0xFFFF  }
0xbf: {  	[dreg:$0x0] =	wrdreg $0xFFFFFFFF;
	(pc) =	sbr.abs _section_cstart, $3  }
0xc0: {  	[dreg:$0x1] =	wrdreg $0xFFFFFFFF  }
0xc1: {  	_ =	task.clear_ibuf [dreg:s6], $0x2FFFF;
	_ =	strace $0x9FFFFFFF  }
0xc2: {  	(tm) =	ssettm $0x7FFFFFFF  }
0xc3: {  	_ =	shalt  }
tec
execute0_lowered:
.L_overlay_start_1:
0x0: {  	(tag) =	ssettag $0x1  }
0x1: {  	s0 =	rddreg [dreg:$0x0]  }
0x2: {  	s2 =	rddreg [dreg:$0x1]  }
0x3: {  	s10 =	stileid.u32;
	s1 =	srdreg.scid;
	s3 =	simm.s32 $0x0  }
0x4: {  	s11 =	simm.s32 $0x2;
	s12 =	simm.s32 $0x7D;
	s13 =	simm.s32 $0x1400  }
0x5: {  	s14 =	simm.s32 $0x200;
	s15 =	simm.s32 $0x300;
	s16 =	simm.s32 $0x400  }
0x6: {  	s17 =	simm.s32 $0x480;
	s28 =	simm.s32 $0x900;
	s29 =	simm.s32 $0x980  }
0x7: {  	s30 =	simm.s32 $0xA00;
	s31 =	simm.s32 $0xA80;
	s4 =	smul.u32 $0x2800, s10  }
0x8: {  	s1 =	sand.u32 $0x1, s1;
	[smem:$0x7FF] =	sst s3;
	s18 =	smul.u32 $0x50000, s10  }
0x9: {  	s6 =	sadd.s32 $0x4E00, s0;
	s23 =	sshll.u32 s10, $0x6;
	s5 =	smul.u32 $0x28000, s1  }
0xa: {  	_ =	strace $0x80000047;
	s8 =	sshll.u32 s1, $0x4;
	s1 =	ssub.s32 $0x2, s1  }
0xb: {  	s7 =	sadd.s32 s4, s0;
	s19 =	sor.u32 s10, s8;
	s20 =	sshrl.u32 s1, $0x1  }
0xc: {  	s8 =	simm.s32 $0x280;
	s10 =	simm.s32 $0xB80;
	s4 =	sadd.s32 s4, s5  }
0xd: {  	s5 =	sshrl.u32 s18, $0x2;
	s9 =	smul.u32 $0x2800, s19;
	s1 =	ssub.s32 s1, s20  }
0xe: {  	s22 =	sadd.s32 $0xEE00, s7;
	s18 =	simm.s32 $0x500;
	s20 =	simm.s32 $0x600  }
0xf: {  	s0 =	sadd.s32 s4, s0;
	s21 =	sadd.s32 s5, s2;
	s4 =	smul.u32 $0x500, s19  }
0x10: {  	[dreg:$0x3] =	wrdreg s22;
	s5 =	sor.u32 $0x1C02, s23;
	s26 =	smax.u32 s1, $0x1  }
0x11: {  	s19 =	simm.s32 $0x580;
	s22 =	simm.s32 $0x680;
	s23 =	simm.s32 $0x700  }
0x12: {  	s24 =	sshrl.u32 s9, $0x3;
	s0 =	sadd.s32 $0x36E00, s0;
	[dreg:$0x7] =	wrdreg s26  }
0x13: {  	[dreg:$0x9] =	wrdreg s5;
	s9 =	simm.s32 $0x380;
	s26 =	simm.s32 $0x880  }
0x14: {  	s4 =	sadd.s32 s6, s4;
	s25 =	sadd.s32 s6, s24;
	[dreg:$0x6] =	wrdreg s0  }
0x15: {  	s0 =	simm.s32 $0x0;
	[dreg:$0x4] =	wrdreg s4;
	s4 =	sadd.s32 $0x280, s25  }
0x16: {  	s24 =	simm.s32 $0x780;
	[dreg:$0x5] =	wrdreg s4;
	s4 =	sshrl.u32 s21, $0x3  }
0x17: {  	v0 =	vimm.f32 $1.000000000e+00;
	s25 =	simm.s32 $0x800;
	s21 =	simm.s32 $0x1;
	[dreg:$0x8] =	wrdreg s4  }
.LBB2_1:
0x18: {  	s1 =	rddreg [dreg:$0x3]  }
0x19: {  	[spmem:s4], [sflag:s5] =	dma.local [hbm:s1], $0x2800  }
0x1a: {  	s6 =	sand.u32 $0xFE00, s3;
	s7 =	sand.u32 $0x70, s3;
	_ =	swait.ge [sflag:s11], $0x2800  }
0x1b: {  	s6 =	sshrl.u32 s6, $0x2;
	s1 =	simm.s32 $0x40;
	[sflag:s11] =	ssyncset.done $0x0  }
0x1c: {  	s4 =	simm.s32 $0x0;
	s6 =	sor.u32 s7, s6;
	[sflag:s11] =	ssyncadd.s32 $0xFFFFD800  }
.LBB2_2:
0x1d: {  	p0 =	sne.s32 s1, $0xF9C0  }
0x1e: {  	[tilespmem:s6+$0x1400] =	vst v0;
	s4 =	sadd.s32 $0x10, s4;
	s6 =	smov.u32 s1;
	s1 =	sadd.s32 $0x40, s1  }
.Ltmp0:
0x1f: {  	(pc) =	sbr.rel @p0 .LBB2_2-.Ltmp0, $4  }
0x20: {  	_ = 	snop  }
0x21: {  	s6 =	sand.u32 $0xFE00, s6  }
0x22: {  	s7 =	sand.u32 $0x70, s4;
	s6 =	sshrl.u32 s6, $0x2  }
0x23: {  	s6 =	sor.u32 s7, s6  }
0x24: {  	[tilespmem:s6+$0x1400] =	vst v0  }
0x25: {  	[bflag:$0x0] =	sbarrier.arrive $0xFFFF  }
0x26: {  	s1 =	rddreg [dreg:$0x4]  }
0x27: {  	[tilespmem:s3], [sflag:$0x2] =	stream.linear.gather [hbm4b:s1+s3], $0x1400, $0x38;
	[tilespmem:$0x19400] =	vst v63  }
0x28: {  	_ =	swait.ge [sflag:s11], $0x1400  }
0x29: {  	[sflag:s11] =	ssyncset.done $0x0  }
0x2a: {  	[sflag:s11] =	ssyncadd.s32 $0xFFFFEC00  }
0x2b: {  	[spmem:s2] =	stream.indirect.scatter.add.f32 [tilespmem:s13], [sflag:$0x1], $0x80, s3, s12, $0xb8;
	[tilespmem:$0x19400] =	vst v63  }
0x2c: {  	s4 =	simm.s32 $0x80  }
0x2d: {  	[spmem:s2] =	stream.indirect.scatter.add.f32 [tilespmem:s13], [sflag:$0x1], $0x80, s4, s12, $0xb8;
	[tilespmem:$0x19400] =	vst v63  }
0x2e: {  	s6 =	simm.s32 $0x100  }
0x2f: {  	[spmem:s2] =	stream.indirect.scatter.add.f32 [tilespmem:s13], [sflag:$0x1], $0x80, s6, s12, $0xb8;
	[tilespmem:$0x19400] =	vst v63  }
0x30: {  	s7 =	simm.s32 $0x180  }
0x31: {  	[spmem:s2] =	stream.indirect.scatter.add.f32 [tilespmem:s13], [sflag:$0x1], $0x80, s7, s12, $0xb8;
	[tilespmem:$0x19400] =	vst v63  }
0x32: {  	_ = 	snop  }
0x33: {  	[spmem:s2] =	stream.indirect.scatter.add.f32 [tilespmem:s13], [sflag:$0x1], $0x80, s14, s12, $0xb8;
	[tilespmem:$0x19400] =	vst v63  }
0x34: {  	_ = 	snop  }
0x35: {  	[spmem:s2] =	stream.indirect.scatter.add.f32 [tilespmem:s13], [sflag:$0x1], $0x80, s8, s12, $0xb8;
	[tilespmem:$0x19400] =	vst v63  }
0x36: {  	_ = 	snop  }
0x37: {  	[spmem:s2] =	stream.indirect.scatter.add.f32 [tilespmem:s13], [sflag:$0x1], $0x80, s15, s12, $0xb8;
	[tilespmem:$0x19400] =	vst v63  }
0x38: {  	_ = 	snop  }
0x39: {  	[spmem:s2] =	stream.indirect.scatter.add.f32 [tilespmem:s13], [sflag:$0x1], $0x80, s9, s12, $0xb8;
	[tilespmem:$0x19400] =	vst v63  }
0x3a: {  	_ =	swait.ge [sflag:s21], $0x3E80  }
0x3b: {  	[sflag:s21] =	ssyncset.done $0x0  }
0x3c: {  	[sflag:s21] =	ssyncadd.s32 $0xFFFFC180  }
0x3d: {  	_ =	swait.ge [sflag:s21], $0x3E80  }
0x3e: {  	[sflag:s21] =	ssyncset.done $0x0  }
0x3f: {  	[sflag:s21] =	ssyncadd.s32 $0xFFFFC180  }
0x40: {  	_ =	swait.ge [sflag:s21], $0x3E80  }
0x41: {  	[sflag:s21] =	ssyncset.done $0x0  }
0x42: {  	[sflag:s21] =	ssyncadd.s32 $0xFFFFC180  }
0x43: {  	_ =	swait.ge [sflag:s21], $0x3E80  }
0x44: {  	[sflag:s21] =	ssyncset.done $0x0  }
0x45: {  	[sflag:s21] =	ssyncadd.s32 $0xFFFFC180  }
0x46: {  	_ =	swait.ge [sflag:s21], $0x3E80  }
0x47: {  	[sflag:s21] =	ssyncset.done $0x0  }
0x48: {  	[sflag:s21] =	ssyncadd.s32 $0xFFFFC180  }
0x49: {  	_ =	swait.ge [sflag:s21], $0x3E80  }
0x4a: {  	[sflag:s21] =	ssyncset.done $0x0  }
0x4b: {  	[sflag:s21] =	ssyncadd.s32 $0xFFFFC180  }
0x4c: {  	_ =	swait.ge [sflag:s21], $0x3E80  }
0x4d: {  	[sflag:s21] =	ssyncset.done $0x0  }
0x4e: {  	[sflag:s21] =	ssyncadd.s32 $0xFFFFC180  }
0x4f: {  	_ =	swait.ge [sflag:s21], $0x3E80  }
0x50: {  	[sflag:s21] =	ssyncset.done $0x0  }
0x51: {  	[sflag:s21] =	ssyncadd.s32 $0xFFFFC180  }
0x52: {  	[spmem:s2] =	stream.indirect.scatter.add.f32 [tilespmem:s13], [sflag:$0x1], $0x80, s16, s12, $0xb8;
	[tilespmem:$0x19400] =	vst v63  }
0x53: {  	_ = 	snop  }
0x54: {  	[spmem:s2] =	stream.indirect.scatter.add.f32 [tilespmem:s13], [sflag:$0x1], $0x80, s17, s12, $0xb8;
	[tilespmem:$0x19400] =	vst v63  }
0x55: {  	_ = 	snop  }
0x56: {  	[spmem:s2] =	stream.indirect.scatter.add.f32 [tilespmem:s13], [sflag:$0x1], $0x80, s18, s12, $0xb8;
	[tilespmem:$0x19400] =	vst v63  }
0x57: {  	_ = 	snop  }
0x58: {  	[spmem:s2] =	stream.indirect.scatter.add.f32 [tilespmem:s13], [sflag:$0x1], $0x80, s19, s12, $0xb8;
	[tilespmem:$0x19400] =	vst v63  }
0x59: {  	_ = 	snop  }
0x5a: {  	[spmem:s2] =	stream.indirect.scatter.add.f32 [tilespmem:s13], [sflag:$0x1], $0x80, s20, s12, $0xb8;
	[tilespmem:$0x19400] =	vst v63  }
0x5b: {  	_ = 	snop  }
0x5c: {  	[spmem:s2] =	stream.indirect.scatter.add.f32 [tilespmem:s13], [sflag:$0x1], $0x80, s22, s12, $0xb8;
	[tilespmem:$0x19400] =	vst v63  }
0x5d: {  	_ = 	snop  }
0x5e: {  	[spmem:s2] =	stream.indirect.scatter.add.f32 [tilespmem:s13], [sflag:$0x1], $0x80, s23, s12, $0xb8;
	[tilespmem:$0x19400] =	vst v63  }
0x5f: {  	_ = 	snop  }
0x60: {  	[spmem:s2] =	stream.indirect.scatter.add.f32 [tilespmem:s13], [sflag:$0x1], $0x80, s24, s12, $0xb8;
	[tilespmem:$0x19400] =	vst v63  }
0x61: {  	_ =	swait.ge [sflag:s21], $0x3E80  }
0x62: {  	[sflag:s21] =	ssyncset.done $0x0  }
0x63: {  	[sflag:s21] =	ssyncadd.s32 $0xFFFFC180  }
0x64: {  	_ =	swait.ge [sflag:s21], $0x3E80  }
0x65: {  	[sflag:s21] =	ssyncset.done $0x0  }
0x66: {  	[sflag:s21] =	ssyncadd.s32 $0xFFFFC180  }
0x67: {  	_ =	swait.ge [sflag:s21], $0x3E80  }
0x68: {  	[sflag:s21] =	ssyncset.done $0x0  }
0x69: {  	[sflag:s21] =	ssyncadd.s32 $0xFFFFC180  }
0x6a: {  	_ =	swait.ge [sflag:s21], $0x3E80  }
0x6b: {  	[sflag:s21] =	ssyncset.done $0x0  }
0x6c: {  	[sflag:s21] =	ssyncadd.s32 $0xFFFFC180  }
0x6d: {  	_ =	swait.ge [sflag:s21], $0x3E80  }
0x6e: {  	[sflag:s21] =	ssyncset.done $0x0  }
0x6f: {  	[sflag:s21] =	ssyncadd.s32 $0xFFFFC180  }
0x70: {  	_ =	swait.ge [sflag:s21], $0x3E80  }
0x71: {  	[sflag:s21] =	ssyncset.done $0x0  }
0x72: {  	[sflag:s21] =	ssyncadd.s32 $0xFFFFC180  }
0x73: {  	_ =	swait.ge [sflag:s21], $0x3E80  }
0x74: {  	[sflag:s21] =	ssyncset.done $0x0  }
0x75: {  	[sflag:s21] =	ssyncadd.s32 $0xFFFFC180  }
0x76: {  	_ =	swait.ge [sflag:s21], $0x3E80  }
0x77: {  	[sflag:s21] =	ssyncset.done $0x0  }
0x78: {  	[sflag:s21] =	ssyncadd.s32 $0xFFFFC180  }
0x79: {  	[spmem:s2] =	stream.indirect.scatter.add.f32 [tilespmem:s13], [sflag:$0x1], $0x80, s25, s12, $0xb8;
	[tilespmem:$0x19400] =	vst v63  }
0x7a: {  	_ = 	snop  }
0x7b: {  	[spmem:s2] =	stream.indirect.scatter.add.f32 [tilespmem:s13], [sflag:$0x1], $0x80, s26, s12, $0xb8;
	[tilespmem:$0x19400] =	vst v63  }
0x7c: {  	_ = 	snop  }
0x7d: {  	[spmem:s2] =	stream.indirect.scatter.add.f32 [tilespmem:s13], [sflag:$0x1], $0x80, s28, s12, $0xb8;
	[tilespmem:$0x19400] =	vst v63  }
0x7e: {  	_ = 	snop  }
0x7f: {  	[spmem:s2] =	stream.indirect.scatter.add.f32 [tilespmem:s13], [sflag:$0x1], $0x80, s29, s12, $0xb8;
	[tilespmem:$0x19400] =	vst v63  }
0x80: {  	_ = 	snop  }
0x81: {  	[spmem:s2] =	stream.indirect.scatter.add.f32 [tilespmem:s13], [sflag:$0x1], $0x80, s30, s12, $0xb8;
	[tilespmem:$0x19400] =	vst v63  }
0x82: {  	_ = 	snop  }
0x83: {  	[spmem:s2] =	stream.indirect.scatter.add.f32 [tilespmem:s13], [sflag:$0x1], $0x80, s31, s12, $0xb8;
	[tilespmem:$0x19400] =	vst v63  }
0x84: {  	s5 =	simm.s32 $0xB00  }
0x85: {  	[spmem:s2] =	stream.indirect.scatter.add.f32 [tilespmem:s13], [sflag:$0x1], $0x80, s5, s12, $0xb8;
	[tilespmem:$0x19400] =	vst v63  }
0x86: {  	_ = 	snop  }
0x87: {  	[spmem:s2] =	stream.indirect.scatter.add.f32 [tilespmem:s13], [sflag:$0x1], $0x80, s10, s12, $0xb8;
	[tilespmem:$0x19400] =	vst v63  }
0x88: {  	_ =	swait.ge [sflag:s21], $0x3E80  }
0x89: {  	[sflag:s21] =	ssyncset.done $0x0  }
0x8a: {  	[sflag:s21] =	ssyncadd.s32 $0xFFFFC180  }
0x8b: {  	_ =	swait.ge [sflag:s21], $0x3E80  }
0x8c: {  	[sflag:s21] =	ssyncset.done $0x0  }
0x8d: {  	[sflag:s21] =	ssyncadd.s32 $0xFFFFC180  }
0x8e: {  	_ =	swait.ge [sflag:s21], $0x3E80  }
0x8f: {  	[sflag:s21] =	ssyncset.done $0x0  }
0x90: {  	[sflag:s21] =	ssyncadd.s32 $0xFFFFC180  }
0x91: {  	_ =	swait.ge [sflag:s21], $0x3E80  }
0x92: {  	[sflag:s21] =	ssyncset.done $0x0  }
0x93: {  	[sflag:s21] =	ssyncadd.s32 $0xFFFFC180  }
0x94: {  	_ =	swait.ge [sflag:s21], $0x3E80  }
0x95: {  	[sflag:s21] =	ssyncset.done $0x0  }
0x96: {  	[sflag:s21] =	ssyncadd.s32 $0xFFFFC180  }
0x97: {  	_ =	swait.ge [sflag:s21], $0x3E80  }
0x98: {  	[sflag:s21] =	ssyncset.done $0x0  }
0x99: {  	[sflag:s21] =	ssyncadd.s32 $0xFFFFC180  }
0x9a: {  	_ =	swait.ge [sflag:s21], $0x3E80  }
0x9b: {  	[sflag:s21] =	ssyncset.done $0x0  }
0x9c: {  	[sflag:s21] =	ssyncadd.s32 $0xFFFFC180  }
0x9d: {  	_ =	swait.ge [sflag:s21], $0x3E80  }
0x9e: {  	[sflag:s21] =	ssyncset.done $0x0  }
0x9f: {  	s1 =	simm.s32 $0xC00;
	[sflag:s21] =	ssyncadd.s32 $0xFFFFC180  }
0xa0: {  	[spmem:s2] =	stream.indirect.scatter.add.f32 [tilespmem:s13], [sflag:$0x1], $0x80, s1, s12, $0xb8;
	[tilespmem:$0x19400] =	vst v63  }
0xa1: {  	s1 =	simm.s32 $0xC80  }
0xa2: {  	[spmem:s2] =	stream.indirect.scatter.add.f32 [tilespmem:s13], [sflag:$0x1], $0x80, s1, s12, $0xb8;
	[tilespmem:$0x19400] =	vst v63  }
0xa3: {  	s1 =	simm.s32 $0xD00  }
0xa4: {  	[spmem:s2] =	stream.indirect.scatter.add.f32 [tilespmem:s13], [sflag:$0x1], $0x80, s1, s12, $0xb8;
	[tilespmem:$0x19400] =	vst v63  }
0xa5: {  	s1 =	simm.s32 $0xD80  }
0xa6: {  	[spmem:s2] =	stream.indirect.scatter.add.f32 [tilespmem:s13], [sflag:$0x1], $0x80, s1, s12, $0xb8;
	[tilespmem:$0x19400] =	vst v63  }
0xa7: {  	s1 =	simm.s32 $0xE00  }
0xa8: {  	[spmem:s2] =	stream.indirect.scatter.add.f32 [tilespmem:s13], [sflag:$0x1], $0x80, s1, s12, $0xb8;
	[tilespmem:$0x19400] =	vst v63  }
0xa9: {  	s1 =	simm.s32 $0xE80  }
0xaa: {  	[spmem:s2] =	stream.indirect.scatter.add.f32 [tilespmem:s13], [sflag:$0x1], $0x80, s1, s12, $0xb8;
	[tilespmem:$0x19400] =	vst v63  }
0xab: {  	s1 =	simm.s32 $0xF00  }
0xac: {  	[spmem:s2] =	stream.indirect.scatter.add.f32 [tilespmem:s13], [sflag:$0x1], $0x80, s1, s12, $0xb8;
	[tilespmem:$0x19400] =	vst v63  }
0xad: {  	s1 =	simm.s32 $0xF80  }
0xae: {  	[spmem:s2] =	stream.indirect.scatter.add.f32 [tilespmem:s13], [sflag:$0x1], $0x80, s1, s12, $0xb8;
	[tilespmem:$0x19400] =	vst v63  }
0xaf: {  	_ =	swait.ge [sflag:s21], $0x3E80  }
0xb0: {  	[sflag:s21] =	ssyncset.done $0x0  }
0xb1: {  	[sflag:s21] =	ssyncadd.s32 $0xFFFFC180  }
0xb2: {  	_ =	swait.ge [sflag:s21], $0x3E80  }
0xb3: {  	[sflag:s21] =	ssyncset.done $0x0  }
0xb4: {  	[sflag:s21] =	ssyncadd.s32 $0xFFFFC180  }
0xb5: {  	_ =	swait.ge [sflag:s21], $0x3E80  }
0xb6: {  	[sflag:s21] =	ssyncset.done $0x0  }
0xb7: {  	[sflag:s21] =	ssyncadd.s32 $0xFFFFC180  }
0xb8: {  	_ =	swait.ge [sflag:s21], $0x3E80  }
0xb9: {  	[sflag:s21] =	ssyncset.done $0x0  }
0xba: {  	[sflag:s21] =	ssyncadd.s32 $0xFFFFC180  }
0xbb: {  	_ =	swait.ge [sflag:s21], $0x3E80  }
0xbc: {  	[sflag:s21] =	ssyncset.done $0x0  }
0xbd: {  	[sflag:s21] =	ssyncadd.s32 $0xFFFFC180  }
0xbe: {  	_ =	swait.ge [sflag:s21], $0x3E80  }
0xbf: {  	[sflag:s21] =	ssyncset.done $0x0  }
0xc0: {  	[sflag:s21] =	ssyncadd.s32 $0xFFFFC180  }
0xc1: {  	_ =	swait.ge [sflag:s21], $0x3E80  }
0xc2: {  	[sflag:s21] =	ssyncset.done $0x0  }
0xc3: {  	[sflag:s21] =	ssyncadd.s32 $0xFFFFC180  }
0xc4: {  	_ =	swait.ge [sflag:s21], $0x3E80  }
0xc5: {  	[sflag:s21] =	ssyncset.done $0x0  }
0xc6: {  	s1 =	simm.s32 $0x1000;
	[sflag:s21] =	ssyncadd.s32 $0xFFFFC180  }
0xc7: {  	[spmem:s2] =	stream.indirect.scatter.add.f32 [tilespmem:s13], [sflag:$0x1], $0x80, s1, s12, $0xb8;
	[tilespmem:$0x19400] =	vst v63  }
0xc8: {  	s1 =	simm.s32 $0x1080  }
0xc9: {  	[spmem:s2] =	stream.indirect.scatter.add.f32 [tilespmem:s13], [sflag:$0x1], $0x80, s1, s12, $0xb8;
	[tilespmem:$0x19400] =	vst v63  }
0xca: {  	s1 =	simm.s32 $0x1100  }
0xcb: {  	[spmem:s2] =	stream.indirect.scatter.add.f32 [tilespmem:s13], [sflag:$0x1], $0x80, s1, s12, $0xb8;
	[tilespmem:$0x19400] =	vst v63  }
0xcc: {  	s1 =	simm.s32 $0x1180  }
0xcd: {  	[spmem:s2] =	stream.indirect.scatter.add.f32 [tilespmem:s13], [sflag:$0x1], $0x80, s1, s12, $0xb8;
	[tilespmem:$0x19400] =	vst v63  }
0xce: {  	s1 =	simm.s32 $0x1200  }
0xcf: {  	[spmem:s2] =	stream.indirect.scatter.add.f32 [tilespmem:s13], [sflag:$0x1], $0x80, s1, s12, $0xb8;
	[tilespmem:$0x19400] =	vst v63  }
0xd0: {  	s1 =	simm.s32 $0x1280  }
0xd1: {  	[spmem:s2] =	stream.indirect.scatter.add.f32 [tilespmem:s13], [sflag:$0x1], $0x80, s1, s12, $0xb8;
	[tilespmem:$0x19400] =	vst v63  }
0xd2: {  	s1 =	simm.s32 $0x1300  }
0xd3: {  	[spmem:s2] =	stream.indirect.scatter.add.f32 [tilespmem:s13], [sflag:$0x1], $0x80, s1, s12, $0xb8;
	[tilespmem:$0x19400] =	vst v63  }
0xd4: {  	s1 =	simm.s32 $0x1380  }
0xd5: {  	[spmem:s2] =	stream.indirect.scatter.add.f32 [tilespmem:s13], [sflag:$0x1], $0x80, s1, s12, $0xb8;
	[tilespmem:$0x19400] =	vst v63  }
0xd6: {  	_ =	swait.ge [sflag:s21], $0x3E80  }
0xd7: {  	[sflag:s21] =	ssyncset.done $0x0  }
0xd8: {  	[sflag:s21] =	ssyncadd.s32 $0xFFFFC180  }
0xd9: {  	_ =	swait.ge [sflag:s21], $0x3E80  }
0xda: {  	[sflag:s21] =	ssyncset.done $0x0  }
0xdb: {  	[sflag:s21] =	ssyncadd.s32 $0xFFFFC180  }
0xdc: {  	_ =	swait.ge [sflag:s21], $0x3E80  }
0xdd: {  	[sflag:s21] =	ssyncset.done $0x0  }
0xde: {  	[sflag:s21] =	ssyncadd.s32 $0xFFFFC180  }
0xdf: {  	_ =	swait.ge [sflag:s21], $0x3E80  }
0xe0: {  	[sflag:s21] =	ssyncset.done $0x0  }
0xe1: {  	[sflag:s21] =	ssyncadd.s32 $0xFFFFC180  }
0xe2: {  	_ =	swait.ge [sflag:s21], $0x3E80  }
0xe3: {  	[sflag:s21] =	ssyncset.done $0x0  }
0xe4: {  	[sflag:s21] =	ssyncadd.s32 $0xFFFFC180  }
0xe5: {  	_ =	swait.ge [sflag:s21], $0x3E80  }
0xe6: {  	[sflag:s21] =	ssyncset.done $0x0  }
0xe7: {  	[sflag:s21] =	ssyncadd.s32 $0xFFFFC180  }
0xe8: {  	_ =	swait.ge [sflag:s21], $0x3E80  }
0xe9: {  	[sflag:s21] =	ssyncset.done $0x0  }
0xea: {  	[sflag:s21] =	ssyncadd.s32 $0xFFFFC180  }
0xeb: {  	_ =	swait.ge [sflag:s21], $0x3E80  }
0xec: {  	[sflag:s21] =	ssyncset.done $0x0  }
0xed: {  	s3 =	simm.s32 $0x0;
	s1 =	rddreg [dreg:$0x5];
	[sflag:s21] =	ssyncadd.s32 $0xFFFFC180  }
0xee: {  	[tilespmem:s3], [sflag:$0x2] =	stream.linear.gather [hbm4b:s1+s3], $0x1400, $0x38;
	[tilespmem:$0x19400] =	vst v63  }
0xef: {  	_ =	swait.ge [sflag:s11], $0x1400  }
0xf0: {  	[sflag:s11] =	ssyncset.done $0x0  }
0xf1: {  	[sflag:s11] =	ssyncadd.s32 $0xFFFFEC00  }
0xf2: {  	[spmem:s2] =	stream.indirect.scatter.add.f32 [tilespmem:s13], [sflag:$0x1], $0x80, s3, s12, $0xb8;
	[tilespmem:$0x19400] =	vst v63  }
0xf3: {  	_ = 	snop  }
0xf4: {  	[spmem:s2] =	stream.indirect.scatter.add.f32 [tilespmem:s13], [sflag:$0x1], $0x80, s4, s12, $0xb8;
	[tilespmem:$0x19400] =	vst v63  }
0xf5: {  	_ = 	snop  }
0xf6: {  	[spmem:s2] =	stream.indirect.scatter.add.f32 [tilespmem:s13], [sflag:$0x1], $0x80, s6, s12, $0xb8;
	[tilespmem:$0x19400] =	vst v63  }
0xf7: {  	_ = 	snop  }
0xf8: {  	[spmem:s2] =	stream.indirect.scatter.add.f32 [tilespmem:s13], [sflag:$0x1], $0x80, s7, s12, $0xb8;
	[tilespmem:$0x19400] =	vst v63  }
0xf9: {  	_ = 	snop  }
0xfa: {  	[spmem:s2] =	stream.indirect.scatter.add.f32 [tilespmem:s13], [sflag:$0x1], $0x80, s14, s12, $0xb8;
	[tilespmem:$0x19400] =	vst v63  }
0xfb: {  	_ = 	snop  }
0xfc: {  	[spmem:s2] =	stream.indirect.scatter.add.f32 [tilespmem:s13], [sflag:$0x1], $0x80, s8, s12, $0xb8;
	[tilespmem:$0x19400] =	vst v63  }
0xfd: {  	_ = 	snop  }
0xfe: {  	[spmem:s2] =	stream.indirect.scatter.add.f32 [tilespmem:s13], [sflag:$0x1], $0x80, s15, s12, $0xb8;
	[tilespmem:$0x19400] =	vst v63  }
0xff: {  	_ = 	snop  }
0x100: {  	[spmem:s2] =	stream.indirect.scatter.add.f32 [tilespmem:s13], [sflag:$0x1], $0x80, s9, s12, $0xb8;
	[tilespmem:$0x19400] =	vst v63  }
0x101: {  	_ =	swait.ge [sflag:s21], $0x3E80  }
0x102: {  	[sflag:s21] =	ssyncset.done $0x0  }
0x103: {  	[sflag:s21] =	ssyncadd.s32 $0xFFFFC180  }
0x104: {  	_ =	swait.ge [sflag:s21], $0x3E80  }
0x105: {  	[sflag:s21] =	ssyncset.done $0x0  }
0x106: {  	[sflag:s21] =	ssyncadd.s32 $0xFFFFC180  }
0x107: {  	_ =	swait.ge [sflag:s21], $0x3E80  }
0x108: {  	[sflag:s21] =	ssyncset.done $0x0  }
0x109: {  	[sflag:s21] =	ssyncadd.s32 $0xFFFFC180  }
0x10a: {  	_ =	swait.ge [sflag:s21], $0x3E80  }
0x10b: {  	[sflag:s21] =	ssyncset.done $0x0  }
0x10c: {  	[sflag:s21] =	ssyncadd.s32 $0xFFFFC180  }
0x10d: {  	_ =	swait.ge [sflag:s21], $0x3E80  }
0x10e: {  	[sflag:s21] =	ssyncset.done $0x0  }
0x10f: {  	[sflag:s21] =	ssyncadd.s32 $0xFFFFC180  }
0x110: {  	_ =	swait.ge [sflag:s21], $0x3E80  }
0x111: {  	[sflag:s21] =	ssyncset.done $0x0  }
0x112: {  	[sflag:s21] =	ssyncadd.s32 $0xFFFFC180  }
0x113: {  	_ =	swait.ge [sflag:s21], $0x3E80  }
0x114: {  	[sflag:s21] =	ssyncset.done $0x0  }
0x115: {  	[sflag:s21] =	ssyncadd.s32 $0xFFFFC180  }
0x116: {  	_ =	swait.ge [sflag:s21], $0x3E80  }
0x117: {  	[sflag:s21] =	ssyncset.done $0x0  }
0x118: {  	[sflag:s21] =	ssyncadd.s32 $0xFFFFC180  }
0x119: {  	[spmem:s2] =	stream.indirect.scatter.add.f32 [tilespmem:s13], [sflag:$0x1], $0x80, s16, s12, $0xb8;
	[tilespmem:$0x19400] =	vst v63  }
0x11a: {  	_ = 	snop  }
0x11b: {  	[spmem:s2] =	stream.indirect.scatter.add.f32 [tilespmem:s13], [sflag:$0x1], $0x80, s17, s12, $0xb8;
	[tilespmem:$0x19400] =	vst v63  }
0x11c: {  	_ = 	snop  }
0x11d: {  	[spmem:s2] =	stream.indirect.scatter.add.f32 [tilespmem:s13], [sflag:$0x1], $0x80, s18, s12, $0xb8;
	[tilespmem:$0x19400] =	vst v63  }
0x11e: {  	_ = 	snop  }
0x11f: {  	[spmem:s2] =	stream.indirect.scatter.add.f32 [tilespmem:s13], [sflag:$0x1], $0x80, s19, s12, $0xb8;
	[tilespmem:$0x19400] =	vst v63  }
0x120: {  	_ = 	snop  }
0x121: {  	[spmem:s2] =	stream.indirect.scatter.add.f32 [tilespmem:s13], [sflag:$0x1], $0x80, s20, s12, $0xb8;
	[tilespmem:$0x19400] =	vst v63  }
0x122: {  	_ = 	snop  }
0x123: {  	[spmem:s2] =	stream.indirect.scatter.add.f32 [tilespmem:s13], [sflag:$0x1], $0x80, s22, s12, $0xb8;
	[tilespmem:$0x19400] =	vst v63  }
0x124: {  	_ = 	snop  }
0x125: {  	[spmem:s2] =	stream.indirect.scatter.add.f32 [tilespmem:s13], [sflag:$0x1], $0x80, s23, s12, $0xb8;
	[tilespmem:$0x19400] =	vst v63  }
0x126: {  	_ = 	snop  }
0x127: {  	[spmem:s2] =	stream.indirect.scatter.add.f32 [tilespmem:s13], [sflag:$0x1], $0x80, s24, s12, $0xb8;
	[tilespmem:$0x19400] =	vst v63  }
0x128: {  	_ =	swait.ge [sflag:s21], $0x3E80  }
0x129: {  	[sflag:s21] =	ssyncset.done $0x0  }
0x12a: {  	[sflag:s21] =	ssyncadd.s32 $0xFFFFC180  }
0x12b: {  	_ =	swait.ge [sflag:s21], $0x3E80  }
0x12c: {  	[sflag:s21] =	ssyncset.done $0x0  }
0x12d: {  	[sflag:s21] =	ssyncadd.s32 $0xFFFFC180  }
0x12e: {  	_ =	swait.ge [sflag:s21], $0x3E80  }
0x12f: {  	[sflag:s21] =	ssyncset.done $0x0  }
0x130: {  	[sflag:s21] =	ssyncadd.s32 $0xFFFFC180  }
0x131: {  	_ =	swait.ge [sflag:s21], $0x3E80  }
0x132: {  	[sflag:s21] =	ssyncset.done $0x0  }
0x133: {  	[sflag:s21] =	ssyncadd.s32 $0xFFFFC180  }
0x134: {  	_ =	swait.ge [sflag:s21], $0x3E80  }
0x135: {  	[sflag:s21] =	ssyncset.done $0x0  }
0x136: {  	[sflag:s21] =	ssyncadd.s32 $0xFFFFC180  }
0x137: {  	_ =	swait.ge [sflag:s21], $0x3E80  }
0x138: {  	[sflag:s21] =	ssyncset.done $0x0  }
0x139: {  	[sflag:s21] =	ssyncadd.s32 $0xFFFFC180  }
0x13a: {  	_ =	swait.ge [sflag:s21], $0x3E80  }
0x13b: {  	[sflag:s21] =	ssyncset.done $0x0  }
0x13c: {  	[sflag:s21] =	ssyncadd.s32 $0xFFFFC180  }
0x13d: {  	_ =	swait.ge [sflag:s21], $0x3E80  }
0x13e: {  	[sflag:s21] =	ssyncset.done $0x0  }
0x13f: {  	[sflag:s21] =	ssyncadd.s32 $0xFFFFC180  }
0x140: {  	[spmem:s2] =	stream.indirect.scatter.add.f32 [tilespmem:s13], [sflag:$0x1], $0x80, s25, s12, $0xb8;
	[tilespmem:$0x19400] =	vst v63  }
0x141: {  	_ = 	snop  }
0x142: {  	[spmem:s2] =	stream.indirect.scatter.add.f32 [tilespmem:s13], [sflag:$0x1], $0x80, s26, s12, $0xb8;
	[tilespmem:$0x19400] =	vst v63  }
0x143: {  	_ = 	snop  }
0x144: {  	[spmem:s2] =	stream.indirect.scatter.add.f32 [tilespmem:s13], [sflag:$0x1], $0x80, s28, s12, $0xb8;
	[tilespmem:$0x19400] =	vst v63  }
0x145: {  	_ = 	snop  }
0x146: {  	[spmem:s2] =	stream.indirect.scatter.add.f32 [tilespmem:s13], [sflag:$0x1], $0x80, s29, s12, $0xb8;
	[tilespmem:$0x19400] =	vst v63  }
0x147: {  	_ = 	snop  }
0x148: {  	[spmem:s2] =	stream.indirect.scatter.add.f32 [tilespmem:s13], [sflag:$0x1], $0x80, s30, s12, $0xb8;
	[tilespmem:$0x19400] =	vst v63  }
0x149: {  	_ = 	snop  }
0x14a: {  	[spmem:s2] =	stream.indirect.scatter.add.f32 [tilespmem:s13], [sflag:$0x1], $0x80, s31, s12, $0xb8;
	[tilespmem:$0x19400] =	vst v63  }
0x14b: {  	_ = 	snop  }
0x14c: {  	[spmem:s2] =	stream.indirect.scatter.add.f32 [tilespmem:s13], [sflag:$0x1], $0x80, s5, s12, $0xb8;
	[tilespmem:$0x19400] =	vst v63  }
0x14d: {  	_ = 	snop  }
0x14e: {  	[spmem:s2] =	stream.indirect.scatter.add.f32 [tilespmem:s13], [sflag:$0x1], $0x80, s10, s12, $0xb8;
	[tilespmem:$0x19400] =	vst v63  }
0x14f: {  	_ =	swait.ge [sflag:s21], $0x3E80  }
0x150: {  	[sflag:s21] =	ssyncset.done $0x0  }
0x151: {  	[sflag:s21] =	ssyncadd.s32 $0xFFFFC180  }
0x152: {  	_ =	swait.ge [sflag:s21], $0x3E80  }
0x153: {  	[sflag:s21] =	ssyncset.done $0x0  }
0x154: {  	[sflag:s21] =	ssyncadd.s32 $0xFFFFC180  }
0x155: {  	_ =	swait.ge [sflag:s21], $0x3E80  }
0x156: {  	[sflag:s21] =	ssyncset.done $0x0  }
0x157: {  	[sflag:s21] =	ssyncadd.s32 $0xFFFFC180  }
0x158: {  	_ =	swait.ge [sflag:s21], $0x3E80  }
0x159: {  	[sflag:s21] =	ssyncset.done $0x0  }
0x15a: {  	[sflag:s21] =	ssyncadd.s32 $0xFFFFC180  }
0x15b: {  	_ =	swait.ge [sflag:s21], $0x3E80  }
0x15c: {  	[sflag:s21] =	ssyncset.done $0x0  }
0x15d: {  	[sflag:s21] =	ssyncadd.s32 $0xFFFFC180  }
0x15e: {  	_ =	swait.ge [sflag:s21], $0x3E80  }
0x15f: {  	[sflag:s21] =	ssyncset.done $0x0  }
0x160: {  	[sflag:s21] =	ssyncadd.s32 $0xFFFFC180  }
0x161: {  	_ =	swait.ge [sflag:s21], $0x3E80  }
0x162: {  	[sflag:s21] =	ssyncset.done $0x0  }
0x163: {  	[sflag:s21] =	ssyncadd.s32 $0xFFFFC180  }
0x164: {  	_ =	swait.ge [sflag:s21], $0x3E80  }
0x165: {  	[sflag:s21] =	ssyncset.done $0x0  }
0x166: {  	s6 =	simm.s32 $0xC00;
	[sflag:s21] =	ssyncadd.s32 $0xFFFFC180  }
0x167: {  	[spmem:s2] =	stream.indirect.scatter.add.f32 [tilespmem:s13], [sflag:$0x1], $0x80, s6, s12, $0xb8;
	[tilespmem:$0x19400] =	vst v63  }
0x168: {  	s7 =	simm.s32 $0xC80  }
0x169: {  	[spmem:s2] =	stream.indirect.scatter.add.f32 [tilespmem:s13], [sflag:$0x1], $0x80, s7, s12, $0xb8;
	[tilespmem:$0x19400] =	vst v63  }
0x16a: {  	s4 =	simm.s32 $0xD00  }
0x16b: {  	[spmem:s2] =	stream.indirect.scatter.add.f32 [tilespmem:s13], [sflag:$0x1], $0x80, s4, s12, $0xb8;
	[tilespmem:$0x19400] =	vst v63  }
0x16c: {  	s5 =	simm.s32 $0xD80  }
0x16d: {  	[spmem:s2] =	stream.indirect.scatter.add.f32 [tilespmem:s13], [sflag:$0x1], $0x80, s5, s12, $0xb8;
	[tilespmem:$0x19400] =	vst v63  }
0x16e: {  	s6 =	simm.s32 $0xE00  }
0x16f: {  	[spmem:s2] =	stream.indirect.scatter.add.f32 [tilespmem:s13], [sflag:$0x1], $0x80, s6, s12, $0xb8;
	[tilespmem:$0x19400] =	vst v63  }
0x170: {  	s7 =	simm.s32 $0xE80  }
0x171: {  	[spmem:s2] =	stream.indirect.scatter.add.f32 [tilespmem:s13], [sflag:$0x1], $0x80, s7, s12, $0xb8;
	[tilespmem:$0x19400] =	vst v63  }
0x172: {  	s4 =	simm.s32 $0xF00  }
0x173: {  	[spmem:s2] =	stream.indirect.scatter.add.f32 [tilespmem:s13], [sflag:$0x1], $0x80, s4, s12, $0xb8;
	[tilespmem:$0x19400] =	vst v63  }
0x174: {  	s5 =	simm.s32 $0xF80  }
0x175: {  	[spmem:s2] =	stream.indirect.scatter.add.f32 [tilespmem:s13], [sflag:$0x1], $0x80, s5, s12, $0xb8;
	[tilespmem:$0x19400] =	vst v63  }
0x176: {  	_ =	swait.ge [sflag:s21], $0x3E80  }
0x177: {  	[sflag:s21] =	ssyncset.done $0x0  }
0x178: {  	[sflag:s21] =	ssyncadd.s32 $0xFFFFC180  }
0x179: {  	_ =	swait.ge [sflag:s21], $0x3E80  }
0x17a: {  	[sflag:s21] =	ssyncset.done $0x0  }
0x17b: {  	[sflag:s21] =	ssyncadd.s32 $0xFFFFC180  }
0x17c: {  	_ =	swait.ge [sflag:s21], $0x3E80  }
0x17d: {  	[sflag:s21] =	ssyncset.done $0x0  }
0x17e: {  	[sflag:s21] =	ssyncadd.s32 $0xFFFFC180  }
0x17f: {  	_ =	swait.ge [sflag:s21], $0x3E80  }
0x180: {  	[sflag:s21] =	ssyncset.done $0x0  }
0x181: {  	[sflag:s21] =	ssyncadd.s32 $0xFFFFC180  }
0x182: {  	_ =	swait.ge [sflag:s21], $0x3E80  }
0x183: {  	[sflag:s21] =	ssyncset.done $0x0  }
0x184: {  	[sflag:s21] =	ssyncadd.s32 $0xFFFFC180  }
0x185: {  	_ =	swait.ge [sflag:s21], $0x3E80  }
0x186: {  	[sflag:s21] =	ssyncset.done $0x0  }
0x187: {  	[sflag:s21] =	ssyncadd.s32 $0xFFFFC180  }
0x188: {  	_ =	swait.ge [sflag:s21], $0x3E80  }
0x189: {  	[sflag:s21] =	ssyncset.done $0x0  }
0x18a: {  	[sflag:s21] =	ssyncadd.s32 $0xFFFFC180  }
0x18b: {  	_ =	swait.ge [sflag:s21], $0x3E80  }
0x18c: {  	[sflag:s21] =	ssyncset.done $0x0  }
0x18d: {  	s6 =	simm.s32 $0x1000;
	[sflag:s21] =	ssyncadd.s32 $0xFFFFC180  }
0x18e: {  	[spmem:s2] =	stream.indirect.scatter.add.f32 [tilespmem:s13], [sflag:$0x1], $0x80, s6, s12, $0xb8;
	[tilespmem:$0x19400] =	vst v63  }
0x18f: {  	s7 =	simm.s32 $0x1080  }
0x190: {  	[spmem:s2] =	stream.indirect.scatter.add.f32 [tilespmem:s13], [sflag:$0x1], $0x80, s7, s12, $0xb8;
	[tilespmem:$0x19400] =	vst v63  }
0x191: {  	s4 =	simm.s32 $0x1100  }
0x192: {  	[spmem:s2] =	stream.indirect.scatter.add.f32 [tilespmem:s13], [sflag:$0x1], $0x80, s4, s12, $0xb8;
	[tilespmem:$0x19400] =	vst v63  }
0x193: {  	s5 =	simm.s32 $0x1180  }
0x194: {  	[spmem:s2] =	stream.indirect.scatter.add.f32 [tilespmem:s13], [sflag:$0x1], $0x80, s5, s12, $0xb8;
	[tilespmem:$0x19400] =	vst v63  }
0x195: {  	s6 =	simm.s32 $0x1200  }
0x196: {  	[spmem:s2] =	stream.indirect.scatter.add.f32 [tilespmem:s13], [sflag:$0x1], $0x80, s6, s12, $0xb8;
	[tilespmem:$0x19400] =	vst v63  }
0x197: {  	s7 =	simm.s32 $0x1280  }
0x198: {  	[spmem:s2] =	stream.indirect.scatter.add.f32 [tilespmem:s13], [sflag:$0x1], $0x80, s7, s12, $0xb8;
	[tilespmem:$0x19400] =	vst v63  }
0x199: {  	s4 =	simm.s32 $0x1300  }
0x19a: {  	[spmem:s2] =	stream.indirect.scatter.add.f32 [tilespmem:s13], [sflag:$0x1], $0x80, s4, s12, $0xb8;
	[tilespmem:$0x19400] =	vst v63  }
0x19b: {  	s5 =	simm.s32 $0x1380  }
0x19c: {  	[spmem:s2] =	stream.indirect.scatter.add.f32 [tilespmem:s13], [sflag:$0x1], $0x80, s5, s12, $0xb8;
	[tilespmem:$0x19400] =	vst v63  }
0x19d: {  	_ =	swait.ge [sflag:s21], $0x3E80  }
0x19e: {  	[sflag:s21] =	ssyncset.done $0x0  }
0x19f: {  	[sflag:s21] =	ssyncadd.s32 $0xFFFFC180  }
0x1a0: {  	_ =	swait.ge [sflag:s21], $0x3E80  }
0x1a1: {  	[sflag:s21] =	ssyncset.done $0x0  }
0x1a2: {  	[sflag:s21] =	ssyncadd.s32 $0xFFFFC180  }
0x1a3: {  	_ =	swait.ge [sflag:s21], $0x3E80  }
0x1a4: {  	[sflag:s21] =	ssyncset.done $0x0  }
0x1a5: {  	[sflag:s21] =	ssyncadd.s32 $0xFFFFC180  }
0x1a6: {  	_ =	swait.ge [sflag:s21], $0x3E80  }
0x1a7: {  	[sflag:s21] =	ssyncset.done $0x0  }
0x1a8: {  	[sflag:s21] =	ssyncadd.s32 $0xFFFFC180  }
0x1a9: {  	_ =	swait.ge [sflag:s21], $0x3E80  }
0x1aa: {  	[sflag:s21] =	ssyncset.done $0x0  }
0x1ab: {  	[sflag:s21] =	ssyncadd.s32 $0xFFFFC180  }
0x1ac: {  	_ =	swait.ge [sflag:s21], $0x3E80  }
0x1ad: {  	[sflag:s21] =	ssyncset.done $0x0  }
0x1ae: {  	[sflag:s21] =	ssyncadd.s32 $0xFFFFC180  }
0x1af: {  	_ =	swait.ge [sflag:s21], $0x3E80  }
0x1b0: {  	[sflag:s21] =	ssyncset.done $0x0  }
0x1b1: {  	[sflag:s21] =	ssyncadd.s32 $0xFFFFC180  }
0x1b2: {  	_ =	swait.ge [sflag:s21], $0x3E80  }
0x1b3: {  	[sflag:s21] =	ssyncset.done $0x0  }
0x1b4: {  	[sflag:s21] =	ssyncadd.s32 $0xFFFFC180  }
0x1b5: {  	[bflag:$0x0] =	sbarrier.arrive $0xFFFF  }
0x1b6: {  	s6 =	rddreg [dreg:$0x6]  }
0x1b7: {  	s5 =	rddreg [dreg:$0x9]  }
0x1b8: {  	s4 =	rddreg [dreg:$0x8]  }
0x1b9: {  	[hbm:s6], [sflag:s5] =	dma.local [spmem:s4], $0x2800  }
0x1ba: {  	_ =	swait.ge [sflag:s11], $0x2800  }
0x1bb: {  	s0 =	sadd.s32 $0x1, s0;
	s7 =	rddreg [dreg:$0x7]  }
0x1bc: {  	p0 =	sne.s32 s0, s7  }
.Ltmp1:
0x1bd: {  	_ = 	snop;
	(pc) =	sbr.rel @p0 .LBB2_1-.Ltmp1, $3  }
0x1be: {  	_ =	sdelay $0x1  }
0x1bf: {  	[sflag:s11] =	ssyncset.done $0x0  }
0x1c0: {  	s3 =	simm.s32 $0x0;
	[sflag:s11] =	ssyncadd.s32 $0xFFFFD800  }
0x1c1: {  	_ =	sfence.sel $0x180000  }
0x1c2: {  	[bflag:$0x0] =	sbarrier.arrive $0xFFFF  }
0x1c3: {  	_ =	strace $0x90000047  }
0x1c4: {  	s0 =	stileid.u32;
	[bflag:$0x2] =	sbarrier.arrive $0xFFFF  }
0x1c5: {  	p0 =	sne.s32 s0, $0x0;
	s0 =	rddreg [dreg:$0x2]  }
0x1c6: {  	s0 =	sadd.s32 @!p0 $0x100000, s0  }
0x1c7: {  	[sflag:s0] =	ssyncadd.tile.s32 @!p0 $0x1;
	_ =	shalt  }
.Lfunc_end2:
_tile_overlayer_lowered:
.L_overlay_start_2:
0x1c8: {  	(tag) =	ssettag $0x2  }
0x1c9: {  	s0 =	rddreg [dreg:$0x0];
	s2 =	stileid.u32  }
0x1ca: {  	s1 =	rddreg [dreg:$0x1];
	p0 =	sne.s32 s2, $0x0  }
0x1cb: {  	s3 =	rddreg [dreg:$0x2];
	[bflag:$0x3] =	sbarrier.arrive $0xFFFF;
	s2 =	simm.s32 @!p0 $0x1C02  }
0x1cc: {  	[timem:s3], [sflag:s2] =	dma.local @!p0 [hbm:s0], s1  }
0x1cd: {  	s0 =	simm.s32 @!p0 $0x2  }
0x1ce: {  	_ =	swait.ge @!p0 [sflag:s0], s1  }
0x1cf: {  	s1 =	ssub.s32 @!p0 $0x0, s1;
	[sflag:s0] =	ssyncset.done @!p0 $0x0  }
0x1d0: {  	[sflag:s0] =	ssyncadd.s32 @!p0 s1  }
0x1d1: {  	[bflag:$0x3] =	sbarrier.arrive $0xFFFF  }
0x1d2: {  	_ =	shalt  }

</sc_bundles>
